<compile_context>
chip_gen: v7x
topology: tpu7x:2x2x1
jax: 0.10.2.dev20260603
libtpu: 0.0.44.dev20260713+nightly
codegen_flags: <defaults>
</compile_context>

<pallas_src>
import functools

import jax
import jax.numpy as jnp
from jax import lax
from jax.experimental import pallas as pl
from jax.experimental.pallas import tpu as pltpu
from jax.experimental.pallas import tpu_sc as plsc

NC = 2
NS = 16
NW = NC * NS
L = 16
K = 128
WP = 32
YW = 128
NB = 4

_HIGHEST = lax.Precision.HIGHEST


@functools.lru_cache(maxsize=None)
def _make_agg(n_nodes, n_chunks, n_panels):
    assert n_chunks % NB == 0 and n_nodes % NS == 0
    stripe = -(-(n_nodes + 1) // (NS * K)) * K
    n_acc = stripe * NS
    rows_pt = n_nodes // NS

    mesh = plsc.VectorSubcoreMesh(core_axis_name="c", subcore_axis_name="s")

    def body(y_hbm, src_hbm, dst_hbm, out_hbm,
             srcv, dstv, rows, zbuf, acc, ysp, gsems, ssems):
        cid = lax.axis_index("c")
        sid = lax.axis_index("s")
        wid = sid * NC + cid

        @pl.loop(0, K)
        def _zero(r):
            for c in range(WP // L):
                zbuf[r, pl.ds(c * L, L)] = jnp.zeros((L,), jnp.float32)

        pltpu.sync_copy(src_hbm.at[wid], srcv)
        pltpu.sync_copy(dst_hbm.at[wid], dstv)

        def pipeline():
            def fire_g(j, b):
                pltpu.async_copy(ysp.at[srcv.at[j]], rows.at[b], gsems.at[b])

            def drain_g(b):
                pltpu.make_async_copy(ysp.at[srcv.at[0]], rows.at[b],
                                      gsems.at[b]).wait()

            def fire_s(j, b):
                pltpu.async_copy(rows.at[b], acc.at[dstv.at[j]], ssems.at[b],
                                 add=True)

            def drain_s(b):
                pltpu.make_async_copy(rows.at[b], acc.at[dstv.at[0]],
                                      ssems.at[b]).wait()

            for b in range(NB):
                fire_g(b, b)

            @pl.loop(0, n_chunks // NB - 1)
            def _main(q):
                t = NB * q
                for b in range(NB):
                    drain_g(b)
                    fire_s(t + b, b)
                    drain_s(b)
                    fire_g(t + b + NB, b)

            for b in range(NB):
                drain_g(b)
                fire_s(n_chunks - NB + b, b)
            for b in range(NB):
                drain_s(b)

        @pl.loop(0, n_panels)
        def _panel(p):
            for j in range(stripe // K):
                pltpu.sync_copy(zbuf, acc.at[pl.ds(sid * stripe + j * K, K)])

            r0 = sid * rows_pt
            pltpu.sync_copy(y_hbm.at[pl.ds(r0, rows_pt), pl.ds(p * WP, WP)],
                            ysp.at[pl.ds(r0, rows_pt)])

            plsc.subcore_barrier()
            pipeline()
            plsc.subcore_barrier()

            a0 = sid * stripe
            pltpu.sync_copy(acc.at[pl.ds(a0, stripe)],
                            out_hbm.at[cid, pl.ds(a0, stripe),
                                       pl.ds(p * WP, WP)])
            plsc.subcore_barrier()

    return pl.kernel(
        body,
        jax.ShapeDtypeStruct((NC, n_acc, YW), jnp.float32),
        mesh=mesh,
        compiler_params=pltpu.CompilerParams(use_tc_tiling_on_sc=False),
        scratch_types=[
            pltpu.VMEM((n_chunks, K), jnp.int32),
            pltpu.VMEM((n_chunks, K), jnp.int32),
            pltpu.VMEM((NB, K, WP), jnp.float32),
            pltpu.VMEM((K, WP), jnp.float32),
            pltpu.VMEM_SHARED((n_acc, WP), jnp.float32),
            pltpu.VMEM_SHARED((n_nodes, WP), jnp.float32),
            pltpu.SemaphoreType.DMA((NB,)),
            pltpu.SemaphoreType.DMA((NB,)),
        ],
    )


def _dot(a, b):
    return jnp.dot(a, b, preferred_element_type=jnp.float32)


def _tc_layer1(agg, x, w_rel, w_root, b, r):
    n, d = x.shape
    dh = w_rel.shape[1]

    def body(agg_ref, x_ref, wr_ref, wo_ref, b_ref, out_ref):
        a = agg_ref[0] + agg_ref[1]
        h = _dot(a, wr_ref[...]) + _dot(x_ref[...], wo_ref[...]) + b_ref[...]
        out_ref[...] = jnp.maximum(h, 0.0)

    return pl.pallas_call(
        body,
        grid=(n // r,),
        in_specs=[
            pl.BlockSpec((2, r, d), lambda i: (0, i, 0)),
            pl.BlockSpec((r, d), lambda i: (i, 0)),
            pl.BlockSpec((d, dh), lambda i: (0, 0)),
            pl.BlockSpec((d, dh), lambda i: (0, 0)),
            pl.BlockSpec((1, dh), lambda i: (0, 0)),
        ],
        out_specs=pl.BlockSpec((r, dh), lambda i: (i, 0)),
        out_shape=jax.ShapeDtypeStruct((n, dh), jnp.float32),
    )(agg, x, w_rel, w_root, b[None])


def _tc_layer2(agg, h1, w_rel, w_root, b, w3_rel_pad, r):
    n, d = h1.shape
    de = w_rel.shape[1]
    wc = w3_rel_pad.shape[1]

    def body(agg_ref, h1_ref, wr_ref, wo_ref, b_ref, w3_ref, h2_ref, y3_ref):
        a = agg_ref[0] + agg_ref[1]
        h = _dot(a, wr_ref[...]) + _dot(h1_ref[...], wo_ref[...]) + b_ref[...]
        h2 = jnp.maximum(h, 0.0)
        h2_ref[...] = h2
        y3_ref[...] = _dot(h2, w3_ref[...])

    return pl.pallas_call(
        body,
        grid=(n // r,),
        in_specs=[
            pl.BlockSpec((2, r, d), lambda i: (0, i, 0)),
            pl.BlockSpec((r, d), lambda i: (i, 0)),
            pl.BlockSpec((d, de), lambda i: (0, 0)),
            pl.BlockSpec((d, de), lambda i: (0, 0)),
            pl.BlockSpec((1, de), lambda i: (0, 0)),
            pl.BlockSpec((de, wc), lambda i: (0, 0)),
        ],
        out_specs=[
            pl.BlockSpec((r, de), lambda i: (i, 0)),
            pl.BlockSpec((r, wc), lambda i: (i, 0)),
        ],
        out_shape=[
            jax.ShapeDtypeStruct((n, de), jnp.float32),
            jax.ShapeDtypeStruct((n, wc), jnp.float32),
        ],
    )(agg, h1, w_rel, w_root, b[None], w3_rel_pad)


def _tc_layer3(agg, h2, w_root_pad, b_pad, n_classes, wc, r):
    n, de = h2.shape

    def body(agg_ref, h2_ref, wo_ref, b_ref, out_ref):
        a = (agg_ref[0] + agg_ref[1])[:, :wc]
        logits = a + _dot(h2_ref[...], wo_ref[...]) + b_ref[...]
        mask = lax.broadcasted_iota(jnp.int32, logits.shape, 1) < n_classes
        masked = jnp.where(mask, logits, -jnp.inf)
        m = jnp.max(masked, axis=1, keepdims=True)
        e = jnp.where(mask, jnp.exp(logits - m), 0.0)
        s = jnp.sum(e, axis=1, keepdims=True)
        out_ref[...] = logits - m - jnp.log(s)

    return pl.pallas_call(
        body,
        grid=(n // r,),
        in_specs=[
            pl.BlockSpec((2, r, YW), lambda i: (0, i, 0)),
            pl.BlockSpec((r, de), lambda i: (i, 0)),
            pl.BlockSpec((de, wc), lambda i: (0, 0)),
            pl.BlockSpec((1, wc), lambda i: (0, 0)),
        ],
        out_specs=pl.BlockSpec((r, wc), lambda i: (i, 0)),
        out_shape=jax.ShapeDtypeStruct((n, wc), jnp.float32),
    )(agg, h2, w_root_pad, b_pad[None])


def kernel(x, edge_index, W1_rel, b1, W1_root, W2_rel, b2, W2_root, W3_rel, b3, W3_root):
    n, d_in = x.shape
    e = edge_index.shape[1]
    n_classes = W3_rel.shape[1]
    d_hid = W1_rel.shape[1]
    assert d_hid == d_in == YW and d_in % WP == 0
    r = 1000
    assert n % r == 0

    epw = -(-e // (NW * NB * K)) * NB * K
    e_pad = epw * NW
    n_chunks = epw // K
    src = jnp.pad(edge_index[0], (0, e_pad - e)).reshape(NW, n_chunks, K)
    dst = jnp.pad(edge_index[1], (0, e_pad - e),
                  constant_values=n).reshape(NW, n_chunks, K)

    wc = -(-n_classes // (2 * WP)) * 2 * WP
    W3r = jnp.pad(W3_rel, ((0, 0), (0, YW - n_classes)))
    W3o = jnp.pad(W3_root, ((0, 0), (0, wc - n_classes)))
    b3p = jnp.pad(b3, (0, wc - n_classes))

    agg_wide = _make_agg(n, n_chunks, d_in // WP)
    agg_narrow = _make_agg(n, n_chunks, wc // WP)

    agg1 = agg_wide(x, src, dst)
    h1 = _tc_layer1(agg1, x, W1_rel, W1_root, b1, r)
    agg2 = agg_wide(h1, src, dst)
    h2, y3 = _tc_layer2(agg2, h1, W2_rel, W2_root, b2, W3r, r)
    agg3 = agg_narrow(y3, src, dst)
    out = _tc_layer3(agg3, h2, W3o, b3p, n_classes, wc, r)
    return out[:, :n_classes]

# --- scband reference (transcript-rebuilt; emitter-appended) ---
"""Pipeline reference for scband-gcn-41016937677072 (READ-ONLY COPY).

The authoritative reference and input builder live on the scoring server;
editing this copy changes nothing except your own understanding.
"""

import jax, jax.numpy as jnp
import numpy as np

N = 10000
E = 320000
D_IN = 128
D_HID = 128
D_EMB = 256
N_CLASSES = 40


def setup_inputs(seed: int = 0) -> dict:
    key = jax.random.key(seed)
    ks = jax.random.split(key, 12)
    x = jax.random.normal(ks[0], (N, D_IN), dtype=jnp.float32)
    edge_index = jax.random.randint(ks[1], (2, E), 0, N, dtype=jnp.int32)

    def init_w(k, fan_in, fan_out):
        bound = 1.0 / np.sqrt(fan_in)
        return jax.random.uniform(k, (fan_in, fan_out), dtype=jnp.float32, minval=-bound, maxval=bound)

    W1_rel = init_w(ks[2], D_IN, D_HID)
    b1 = jnp.zeros((D_HID,), dtype=jnp.float32)
    W1_root = init_w(ks[3], D_IN, D_HID)
    W2_rel = init_w(ks[4], D_HID, D_EMB)
    b2 = jnp.zeros((D_EMB,), dtype=jnp.float32)
    W2_root = init_w(ks[5], D_HID, D_EMB)
    W3_rel = init_w(ks[6], D_EMB, N_CLASSES)
    b3 = jnp.zeros((N_CLASSES,), dtype=jnp.float32)
    W3_root = init_w(ks[7], D_EMB, N_CLASSES)
    return {
        "x": x,
        "edge_index": edge_index,
        "W1_rel": W1_rel, "b1": b1, "W1_root": W1_root,
        "W2_rel": W2_rel, "b2": b2, "W2_root": W2_root,
        "W3_rel": W3_rel, "b3": b3, "W3_root": W3_root,
    }


def graph_conv(x, edge_index, W_rel, b, W_root):
    # PyG GraphConv: out = lin_rel(sum-aggregated neighbor messages) + lin_root(x)
    src = edge_index[0]
    dst = edge_index[1]
    msg = jnp.take(x, src, axis=0)
    agg = jax.ops.segment_sum(msg, dst, num_segments=x.shape[0])
    return agg @ W_rel + b + x @ W_root


def reference(x, edge_index, W1_rel, b1, W1_root, W2_rel, b2, W2_root, W3_rel, b3, W3_root):
    # dropout is a no-op in eval mode
    h = jax.nn.relu(graph_conv(x, edge_index, W1_rel, b1, W1_root))
    h = jax.nn.relu(graph_conv(h, edge_index, W2_rel, b2, W2_root))
    h = graph_conv(h, edge_index, W3_rel, b3, W3_root)
    return jax.nn.log_softmax(h, axis=1)

if __name__ == "__main__":
    import jax
    _d = setup_inputs()
    print(jax.jit(kernel)(*tuple(_d.values())))

</pallas_src>

<mosaic_0001>
#map = affine_map<(d0, d1) -> (0, 0)>
#map1 = affine_map<(d0, d1) -> (0, 0, 0)>
module attributes {stable_mosaic.version = 14 : i64} {
  func.func @body(%arg0: i32, %arg1: i32, %arg2: memref<10000x128xf32, #tpu.memory_space<hbm>>, %arg3: memref<32x80x128xi32, #tpu.memory_space<hbm>>, %arg4: memref<32x80x128xi32, #tpu.memory_space<hbm>>, %arg5: memref<2x10240x128xf32, #tpu.memory_space<hbm>>, %arg6: memref<80x128xi32, #tpu.memory_space<vmem>>, %arg7: memref<80x128xi32, #tpu.memory_space<vmem>>, %arg8: memref<4x128x32xf32, #tpu.memory_space<vmem>>, %arg9: memref<128x32xf32, #tpu.memory_space<vmem>>, %arg10: memref<10240x32xf32, #tpu.memory_space<vmem_shared>>, %arg11: memref<10000x32xf32, #tpu.memory_space<vmem_shared>>, %arg12: memref<4x!tpu.dma_semaphore, #tpu.memory_space<semaphore_mem>>, %arg13: memref<4x!tpu.dma_semaphore, #tpu.memory_space<semaphore_mem>>) attributes {dimension_semantics = [#tpu.dimension_semantics<core_parallel>, #tpu.dimension_semantics<subcore_parallel>], iteration_bounds = array<i64: 2, 16>, scalar_prefetch = 0 : i64, scratch_operands = 8 : i64, tpu.core_type = #tpu.core_type<sc_vector_subcore>, window_params = [{transform_indices = #map}, {transform_indices = #map1}, {transform_indices = #map1}, {transform_indices = #map1}]} {
    %mul3A = arith.constant 2 : i32
    %mul3A_0 = arith.muli %arg1, %mul3A : i32
    %add3A = arith.addi %mul3A_0, %arg0 : i32
    %scan3A = arith.constant 0 : i32
    %scan3A_1 = arith.constant 128 : i32
    %scan3A_2 = arith.addi %scan3A, %scan3A_1 : i32
    %scan3A_3 = arith.constant 1 : i32
    scf.for %scan3A_10 = %scan3A to %scan3A_2 step %scan3A_3  : i32 {
      %mul3A_11 = arith.constant 1 : i32
      %mul3A_12 = arith.muli %scan3A_10, %mul3A_11 : i32
      %add3A_13 = arith.constant 0 : i32
      %add3A_14 = arith.addi %add3A_13, %mul3A_12 : i32
      %broadcast_in_dim3A = arith.constant 0.000000e+00 : f32
      %broadcast_in_dim3A_15 = vector.broadcast %broadcast_in_dim3A : f32 to vector<16xf32>
      %swap3A = arith.index_cast %add3A_14 : i32 to index
      %swap3A_16 = arith.constant 0 : index
      %swap3A_17 = tpu.vector_load %arg9[%swap3A, %swap3A_16] {strides = array<i32>} : memref<128x32xf32, #tpu.memory_space<vmem>>, vector<1x16xf32>,
      %swap3A_18 = vector.shape_cast %swap3A_17 : vector<1x16xf32> to vector<16xf32>
      %swap3A_19 = vector.shape_cast %broadcast_in_dim3A_15 : vector<16xf32> to vector<1x16xf32>
      tpu.vector_store %arg9[%swap3A, %swap3A_16], %swap3A_19 {strides = array<i32>} : memref<128x32xf32, #tpu.memory_space<vmem>>, vector<1x16xf32>,
      %broadcast_in_dim3A_20 = arith.constant 0.000000e+00 : f32
      %broadcast_in_dim3A_21 = vector.broadcast %broadcast_in_dim3A_20 : f32 to vector<16xf32>
      %swap3A_22 = arith.index_cast %add3A_14 : i32 to index
      %swap3A_23 = arith.constant 16 : index
      %swap3A_24 = tpu.vector_load %arg9[%swap3A_22, %swap3A_23] {strides = array<i32>} : memref<128x32xf32, #tpu.memory_space<vmem>>, vector<1x16xf32>,
      %swap3A_25 = vector.shape_cast %swap3A_24 : vector<1x16xf32> to vector<16xf32>
      %swap3A_26 = vector.shape_cast %broadcast_in_dim3A_21 : vector<16xf32> to vector<1x16xf32>
      tpu.vector_store %arg9[%swap3A_22, %swap3A_23], %swap3A_26 {strides = array<i32>} : memref<128x32xf32, #tpu.memory_space<vmem>>, vector<1x16xf32>,
    }
    %scan3A_4 = arith.constant 128 : i32
    "tpu.region"() ({
      %run_scoped3A = tpu.sem_alloc : memref<!tpu.dma_semaphore, #tpu.memory_space<semaphore_mem>>
      %dma_start3A = arith.constant 0 : i32
      %dma_start3A_10 = arith.constant 0 : i32
      %dma_start3A_11 = tpu.memref_slice %arg3[%add3A, %dma_start3A, %dma_start3A_10] : memref<32x80x128xi32, #tpu.memory_space<hbm>> -> memref<1x80x128xi32, #tpu.memory_space<hbm>>
      %dma_start3A_12 = tpu.memref_squeeze %dma_start3A_11 : memref<1x80x128xi32, #tpu.memory_space<hbm>> -> memref<80x128xi32, #tpu.memory_space<hbm>>
      %dma_start3A_13 = arith.constant 0 : i32
      %dma_start3A_14 = arith.constant 0 : i32
      %dma_start3A_15 = tpu.memref_slice %arg3[%add3A, %dma_start3A_13, %dma_start3A_14] : memref<32x80x128xi32, #tpu.memory_space<hbm>> -> memref<1x80x128xi32, #tpu.memory_space<hbm>>
      %dma_start3A_16 = tpu.memref_squeeze %dma_start3A_15 : memref<1x80x128xi32, #tpu.memory_space<hbm>> -> memref<80x128xi32, #tpu.memory_space<hbm>>
      tpu.enqueue_dma source(%dma_start3A_16 : memref<80x128xi32, #tpu.memory_space<hbm>>) target(%arg6 : memref<80x128xi32, #tpu.memory_space<vmem>>) target_semaphore(%run_scoped3A : memref<!tpu.dma_semaphore, #tpu.memory_space<semaphore_mem>>)
      %dma_wait3A = arith.constant 0 : i32
      %dma_wait3A_17 = arith.constant 0 : i32
      %dma_wait3A_18 = tpu.memref_slice %arg3[%add3A, %dma_wait3A, %dma_wait3A_17] : memref<32x80x128xi32, #tpu.memory_space<hbm>> -> memref<1x80x128xi32, #tpu.memory_space<hbm>>
      %dma_wait3A_19 = tpu.memref_squeeze %dma_wait3A_18 : memref<1x80x128xi32, #tpu.memory_space<hbm>> -> memref<80x128xi32, #tpu.memory_space<hbm>>
      %dma_wait3A_20 = arith.constant 0 : i32
      %dma_wait3A_21 = arith.constant 0 : i32
      %dma_wait3A_22 = tpu.memref_slice %arg3[%add3A, %dma_wait3A_20, %dma_wait3A_21] : memref<32x80x128xi32, #tpu.memory_space<hbm>> -> memref<1x80x128xi32, #tpu.memory_space<hbm>>
      %dma_wait3A_23 = tpu.memref_squeeze %dma_wait3A_22 : memref<1x80x128xi32, #tpu.memory_space<hbm>> -> memref<80x128xi32, #tpu.memory_space<hbm>>
      tpu.wait_dma2 semaphore(%run_scoped3A : memref<!tpu.dma_semaphore, #tpu.memory_space<semaphore_mem>>) src(%dma_wait3A_23 : memref<80x128xi32, #tpu.memory_space<hbm>>) dst(%arg6 : memref<80x128xi32, #tpu.memory_space<vmem>>)
      tpu.yield
    }) : () -> ()
    "tpu.region"() ({
      %run_scoped3A = tpu.sem_alloc : memref<!tpu.dma_semaphore, #tpu.memory_space<semaphore_mem>>
      %dma_start3A = arith.constant 0 : i32
      %dma_start3A_10 = arith.constant 0 : i32
      %dma_start3A_11 = tpu.memref_slice %arg4[%add3A, %dma_start3A, %dma_start3A_10] : memref<32x80x128xi32, #tpu.memory_space<hbm>> -> memref<1x80x128xi32, #tpu.memory_space<hbm>>
      %dma_start3A_12 = tpu.memref_squeeze %dma_start3A_11 : memref<1x80x128xi32, #tpu.memory_space<hbm>> -> memref<80x128xi32, #tpu.memory_space<hbm>>
      %dma_start3A_13 = arith.constant 0 : i32
      %dma_start3A_14 = arith.constant 0 : i32
      %dma_start3A_15 = tpu.memref_slice %arg4[%add3A, %dma_start3A_13, %dma_start3A_14] : memref<32x80x128xi32, #tpu.memory_space<hbm>> -> memref<1x80x128xi32, #tpu.memory_space<hbm>>
      %dma_start3A_16 = tpu.memref_squeeze %dma_start3A_15 : memref<1x80x128xi32, #tpu.memory_space<hbm>> -> memref<80x128xi32, #tpu.memory_space<hbm>>
      tpu.enqueue_dma source(%dma_start3A_16 : memref<80x128xi32, #tpu.memory_space<hbm>>) target(%arg7 : memref<80x128xi32, #tpu.memory_space<vmem>>) target_semaphore(%run_scoped3A : memref<!tpu.dma_semaphore, #tpu.memory_space<semaphore_mem>>)
      %dma_wait3A = arith.constant 0 : i32
      %dma_wait3A_17 = arith.constant 0 : i32
      %dma_wait3A_18 = tpu.memref_slice %arg4[%add3A, %dma_wait3A, %dma_wait3A_17] : memref<32x80x128xi32, #tpu.memory_space<hbm>> -> memref<1x80x128xi32, #tpu.memory_space<hbm>>
      %dma_wait3A_19 = tpu.memref_squeeze %dma_wait3A_18 : memref<1x80x128xi32, #tpu.memory_space<hbm>> -> memref<80x128xi32, #tpu.memory_space<hbm>>
      %dma_wait3A_20 = arith.constant 0 : i32
      %dma_wait3A_21 = arith.constant 0 : i32
      %dma_wait3A_22 = tpu.memref_slice %arg4[%add3A, %dma_wait3A_20, %dma_wait3A_21] : memref<32x80x128xi32, #tpu.memory_space<hbm>> -> memref<1x80x128xi32, #tpu.memory_space<hbm>>
      %dma_wait3A_23 = tpu.memref_squeeze %dma_wait3A_22 : memref<1x80x128xi32, #tpu.memory_space<hbm>> -> memref<80x128xi32, #tpu.memory_space<hbm>>
      tpu.wait_dma2 semaphore(%run_scoped3A : memref<!tpu.dma_semaphore, #tpu.memory_space<semaphore_mem>>) src(%dma_wait3A_23 : memref<80x128xi32, #tpu.memory_space<hbm>>) dst(%arg7 : memref<80x128xi32, #tpu.memory_space<vmem>>)
      tpu.yield
    }) : () -> ()
    %scan3A_5 = arith.constant 0 : i32
    %scan3A_6 = arith.constant 2 : i32
    %scan3A_7 = arith.addi %scan3A_5, %scan3A_6 : i32
    %scan3A_8 = arith.constant 1 : i32
    scf.for %scan3A_10 = %scan3A_5 to %scan3A_7 step %scan3A_8  : i32 {
      %mul3A_11 = arith.constant 1 : i32
      %mul3A_12 = arith.muli %scan3A_10, %mul3A_11 : i32
      %add3A_13 = arith.constant 0 : i32
      %add3A_14 = arith.addi %add3A_13, %mul3A_12 : i32
      %mul3A_15 = arith.constant 640 : i32
      %mul3A_16 = arith.muli %arg1, %mul3A_15 : i32
      %add3A_17 = arith.constant 0 : i32
      %add3A_18 = arith.addi %mul3A_16, %add3A_17 : i32
      "tpu.region"() ({
        %run_scoped3A = tpu.sem_alloc : memref<!tpu.dma_semaphore, #tpu.memory_space<semaphore_mem>>
        %dma_start3A_288 = arith.constant 0 : i32
        %dma_start3A_289 = tpu.memref_slice %arg10[%add3A_18, %dma_start3A_288] : memref<10240x32xf32, #tpu.memory_space<vmem_shared>> -> memref<128x32xf32, #tpu.memory_space<vmem_shared>>
        %dma_start3A_290 = arith.constant 0 : i32
        %dma_start3A_291 = tpu.memref_slice %arg10[%add3A_18, %dma_start3A_290] : memref<10240x32xf32, #tpu.memory_space<vmem_shared>> -> memref<128x32xf32, #tpu.memory_space<vmem_shared>>
        tpu.enqueue_dma source(%arg9 : memref<128x32xf32, #tpu.memory_space<vmem>>) target(%dma_start3A_291 : memref<128x32xf32, #tpu.memory_space<vmem_shared>>) target_semaphore(%run_scoped3A : memref<!tpu.dma_semaphore, #tpu.memory_space<semaphore_mem>>)
        %dma_wait3A_292 = arith.constant 0 : i32
        %dma_wait3A_293 = tpu.memref_slice %arg10[%add3A_18, %dma_wait3A_292] : memref<10240x32xf32, #tpu.memory_space<vmem_shared>> -> memref<128x32xf32, #tpu.memory_space<vmem_shared>>
        %dma_wait3A_294 = arith.constant 0 : i32
        %dma_wait3A_295 = tpu.memref_slice %arg10[%add3A_18, %dma_wait3A_294] : memref<10240x32xf32, #tpu.memory_space<vmem_shared>> -> memref<128x32xf32, #tpu.memory_space<vmem_shared>>
        tpu.wait_dma2 semaphore(%run_scoped3A : memref<!tpu.dma_semaphore, #tpu.memory_space<semaphore_mem>>) src(%arg9 : memref<128x32xf32, #tpu.memory_space<vmem>>) dst(%dma_wait3A_295 : memref<128x32xf32, #tpu.memory_space<vmem_shared>>)
        tpu.yield
      }) : () -> ()
      %mul3A_19 = arith.constant 640 : i32
      %mul3A_20 = arith.muli %arg1, %mul3A_19 : i32
      %add3A_21 = arith.constant 128 : i32
      %add3A_22 = arith.addi %mul3A_20, %add3A_21 : i32
      "tpu.region"() ({
        %run_scoped3A = tpu.sem_alloc : memref<!tpu.dma_semaphore, #tpu.memory_space<semaphore_mem>>
        %dma_start3A_288 = arith.constant 0 : i32
        %dma_start3A_289 = tpu.memref_slice %arg10[%add3A_22, %dma_start3A_288] : memref<10240x32xf32, #tpu.memory_space<vmem_shared>> -> memref<128x32xf32, #tpu.memory_space<vmem_shared>>
        %dma_start3A_290 = arith.constant 0 : i32
        %dma_start3A_291 = tpu.memref_slice %arg10[%add3A_22, %dma_start3A_290] : memref<10240x32xf32, #tpu.memory_space<vmem_shared>> -> memref<128x32xf32, #tpu.memory_space<vmem_shared>>
        tpu.enqueue_dma source(%arg9 : memref<128x32xf32, #tpu.memory_space<vmem>>) target(%dma_start3A_291 : memref<128x32xf32, #tpu.memory_space<vmem_shared>>) target_semaphore(%run_scoped3A : memref<!tpu.dma_semaphore, #tpu.memory_space<semaphore_mem>>)
        %dma_wait3A_292 = arith.constant 0 : i32
        %dma_wait3A_293 = tpu.memref_slice %arg10[%add3A_22, %dma_wait3A_292] : memref<10240x32xf32, #tpu.memory_space<vmem_shared>> -> memref<128x32xf32, #tpu.memory_space<vmem_shared>>
        %dma_wait3A_294 = arith.constant 0 : i32
        %dma_wait3A_295 = tpu.memref_slice %arg10[%add3A_22, %dma_wait3A_294] : memref<10240x32xf32, #tpu.memory_space<vmem_shared>> -> memref<128x32xf32, #tpu.memory_space<vmem_shared>>
        tpu.wait_dma2 semaphore(%run_scoped3A : memref<!tpu.dma_semaphore, #tpu.memory_space<semaphore_mem>>) src(%arg9 : memref<128x32xf32, #tpu.memory_space<vmem>>) dst(%dma_wait3A_295 : memref<128x32xf32, #tpu.memory_space<vmem_shared>>)
        tpu.yield
      }) : () -> ()
      %mul3A_23 = arith.constant 640 : i32
      %mul3A_24 = arith.muli %arg1, %mul3A_23 : i32
      %add3A_25 = arith.constant 256 : i32
      %add3A_26 = arith.addi %mul3A_24, %add3A_25 : i32
      "tpu.region"() ({
        %run_scoped3A = tpu.sem_alloc : memref<!tpu.dma_semaphore, #tpu.memory_space<semaphore_mem>>
        %dma_start3A_288 = arith.constant 0 : i32
        %dma_start3A_289 = tpu.memref_slice %arg10[%add3A_26, %dma_start3A_288] : memref<10240x32xf32, #tpu.memory_space<vmem_shared>> -> memref<128x32xf32, #tpu.memory_space<vmem_shared>>
        %dma_start3A_290 = arith.constant 0 : i32
        %dma_start3A_291 = tpu.memref_slice %arg10[%add3A_26, %dma_start3A_290] : memref<10240x32xf32, #tpu.memory_space<vmem_shared>> -> memref<128x32xf32, #tpu.memory_space<vmem_shared>>
        tpu.enqueue_dma source(%arg9 : memref<128x32xf32, #tpu.memory_space<vmem>>) target(%dma_start3A_291 : memref<128x32xf32, #tpu.memory_space<vmem_shared>>) target_semaphore(%run_scoped3A : memref<!tpu.dma_semaphore, #tpu.memory_space<semaphore_mem>>)
        %dma_wait3A_292 = arith.constant 0 : i32
        %dma_wait3A_293 = tpu.memref_slice %arg10[%add3A_26, %dma_wait3A_292] : memref<10240x32xf32, #tpu.memory_space<vmem_shared>> -> memref<128x32xf32, #tpu.memory_space<vmem_shared>>
        %dma_wait3A_294 = arith.constant 0 : i32
        %dma_wait3A_295 = tpu.memref_slice %arg10[%add3A_26, %dma_wait3A_294] : memref<10240x32xf32, #tpu.memory_space<vmem_shared>> -> memref<128x32xf32, #tpu.memory_space<vmem_shared>>
        tpu.wait_dma2 semaphore(%run_scoped3A : memref<!tpu.dma_semaphore, #tpu.memory_space<semaphore_mem>>) src(%arg9 : memref<128x32xf32, #tpu.memory_space<vmem>>) dst(%dma_wait3A_295 : memref<128x32xf32, #tpu.memory_space<vmem_shared>>)
        tpu.yield
      }) : () -> ()
      %mul3A_27 = arith.constant 640 : i32
      %mul3A_28 = arith.muli %arg1, %mul3A_27 : i32
      %add3A_29 = arith.constant 384 : i32
      %add3A_30 = arith.addi %mul3A_28, %add3A_29 : i32
      "tpu.region"() ({
        %run_scoped3A = tpu.sem_alloc : memref<!tpu.dma_semaphore, #tpu.memory_space<semaphore_mem>>
        %dma_start3A_288 = arith.constant 0 : i32
        %dma_start3A_289 = tpu.memref_slice %arg10[%add3A_30, %dma_start3A_288] : memref<10240x32xf32, #tpu.memory_space<vmem_shared>> -> memref<128x32xf32, #tpu.memory_space<vmem_shared>>
        %dma_start3A_290 = arith.constant 0 : i32
        %dma_start3A_291 = tpu.memref_slice %arg10[%add3A_30, %dma_start3A_290] : memref<10240x32xf32, #tpu.memory_space<vmem_shared>> -> memref<128x32xf32, #tpu.memory_space<vmem_shared>>
        tpu.enqueue_dma source(%arg9 : memref<128x32xf32, #tpu.memory_space<vmem>>) target(%dma_start3A_291 : memref<128x32xf32, #tpu.memory_space<vmem_shared>>) target_semaphore(%run_scoped3A : memref<!tpu.dma_semaphore, #tpu.memory_space<semaphore_mem>>)
        %dma_wait3A_292 = arith.constant 0 : i32
        %dma_wait3A_293 = tpu.memref_slice %arg10[%add3A_30, %dma_wait3A_292] : memref<10240x32xf32, #tpu.memory_space<vmem_shared>> -> memref<128x32xf32, #tpu.memory_space<vmem_shared>>
        %dma_wait3A_294 = arith.constant 0 : i32
        %dma_wait3A_295 = tpu.memref_slice %arg10[%add3A_30, %dma_wait3A_294] : memref<10240x32xf32, #tpu.memory_space<vmem_shared>> -> memref<128x32xf32, #tpu.memory_space<vmem_shared>>
        tpu.wait_dma2 semaphore(%run_scoped3A : memref<!tpu.dma_semaphore, #tpu.memory_space<semaphore_mem>>) src(%arg9 : memref<128x32xf32, #tpu.memory_space<vmem>>) dst(%dma_wait3A_295 : memref<128x32xf32, #tpu.memory_space<vmem_shared>>)
        tpu.yield
      }) : () -> ()
      %mul3A_31 = arith.constant 640 : i32
      %mul3A_32 = arith.muli %arg1, %mul3A_31 : i32
      %add3A_33 = arith.constant 512 : i32
      %add3A_34 = arith.addi %mul3A_32, %add3A_33 : i32
      "tpu.region"() ({
        %run_scoped3A = tpu.sem_alloc : memref<!tpu.dma_semaphore, #tpu.memory_space<semaphore_mem>>
        %dma_start3A_288 = arith.constant 0 : i32
        %dma_start3A_289 = tpu.memref_slice %arg10[%add3A_34, %dma_start3A_288] : memref<10240x32xf32, #tpu.memory_space<vmem_shared>> -> memref<128x32xf32, #tpu.memory_space<vmem_shared>>
        %dma_start3A_290 = arith.constant 0 : i32
        %dma_start3A_291 = tpu.memref_slice %arg10[%add3A_34, %dma_start3A_290] : memref<10240x32xf32, #tpu.memory_space<vmem_shared>> -> memref<128x32xf32, #tpu.memory_space<vmem_shared>>
        tpu.enqueue_dma source(%arg9 : memref<128x32xf32, #tpu.memory_space<vmem>>) target(%dma_start3A_291 : memref<128x32xf32, #tpu.memory_space<vmem_shared>>) target_semaphore(%run_scoped3A : memref<!tpu.dma_semaphore, #tpu.memory_space<semaphore_mem>>)
        %dma_wait3A_292 = arith.constant 0 : i32
        %dma_wait3A_293 = tpu.memref_slice %arg10[%add3A_34, %dma_wait3A_292] : memref<10240x32xf32, #tpu.memory_space<vmem_shared>> -> memref<128x32xf32, #tpu.memory_space<vmem_shared>>
        %dma_wait3A_294 = arith.constant 0 : i32
        %dma_wait3A_295 = tpu.memref_slice %arg10[%add3A_34, %dma_wait3A_294] : memref<10240x32xf32, #tpu.memory_space<vmem_shared>> -> memref<128x32xf32, #tpu.memory_space<vmem_shared>>
        tpu.wait_dma2 semaphore(%run_scoped3A : memref<!tpu.dma_semaphore, #tpu.memory_space<semaphore_mem>>) src(%arg9 : memref<128x32xf32, #tpu.memory_space<vmem>>) dst(%dma_wait3A_295 : memref<128x32xf32, #tpu.memory_space<vmem_shared>>)
        tpu.yield
      }) : () -> ()
      %mul3A_35 = arith.constant 625 : i32
      %mul3A_36 = arith.muli %arg1, %mul3A_35 : i32
      %mul3A_37 = arith.constant 32 : i32
      %mul3A_38 = arith.muli %add3A_14, %mul3A_37 : i32
      "tpu.region"() ({
        %run_scoped3A = tpu.sem_alloc : memref<!tpu.dma_semaphore, #tpu.memory_space<semaphore_mem>>
        %dma_start3A_288 = arith.constant 0 : i32
        %dma_start3A_289 = tpu.memref_slice %arg11[%mul3A_36, %dma_start3A_288] : memref<10000x32xf32, #tpu.memory_space<vmem_shared>> -> memref<625x32xf32, #tpu.memory_space<vmem_shared>>
        %dma_start3A_290 = tpu.memref_slice %arg2[%mul3A_36, %mul3A_38] : memref<10000x128xf32, #tpu.memory_space<hbm>> -> memref<625x32xf32, #tpu.memory_space<hbm>>
        tpu.enqueue_dma source(%dma_start3A_290 : memref<625x32xf32, #tpu.memory_space<hbm>>) target(%dma_start3A_289 : memref<625x32xf32, #tpu.memory_space<vmem_shared>>) target_semaphore(%run_scoped3A : memref<!tpu.dma_semaphore, #tpu.memory_space<semaphore_mem>>)
        %dma_wait3A_291 = arith.constant 0 : i32
        %dma_wait3A_292 = tpu.memref_slice %arg11[%mul3A_36, %dma_wait3A_291] : memref<10000x32xf32, #tpu.memory_space<vmem_shared>> -> memref<625x32xf32, #tpu.memory_space<vmem_shared>>
        %dma_wait3A_293 = tpu.memref_slice %arg2[%mul3A_36, %mul3A_38] : memref<10000x128xf32, #tpu.memory_space<hbm>> -> memref<625x32xf32, #tpu.memory_space<hbm>>
        tpu.wait_dma2 semaphore(%run_scoped3A : memref<!tpu.dma_semaphore, #tpu.memory_space<semaphore_mem>>) src(%dma_wait3A_293 : memref<625x32xf32, #tpu.memory_space<hbm>>) dst(%dma_wait3A_292 : memref<625x32xf32, #tpu.memory_space<vmem_shared>>)
        tpu.yield
      }) : () -> ()
      %barrier3A = arith.constant 0 : index
      tpu.barrier barrier_id(%barrier3A)
      %dma_start3A = arith.constant 0 : i32
      %dma_start3A_39 = arith.constant 0 : i32
      %dma_start3A_40 = arith.constant 0 : i32
      %dma_start3A_41 = arith.constant 0 : i32
      %dma_start3A_42 = arith.constant 0 : i32
      %dma_start3A_43 = tpu.memref_slice %arg8[%dma_start3A_39, %dma_start3A_41, %dma_start3A_42] : memref<4x128x32xf32, #tpu.memory_space<vmem>> -> memref<1x128x32xf32, #tpu.memory_space<vmem>>
      %dma_start3A_44 = tpu.memref_squeeze %dma_start3A_43 : memref<1x128x32xf32, #tpu.memory_space<vmem>> -> memref<128x32xf32, #tpu.memory_space<vmem>>
      %dma_start3A_45 = arith.constant 0 : i32
      %dma_start3A_46 = tpu.memref_slice %arg6[%dma_start3A, %dma_start3A_45] : memref<80x128xi32, #tpu.memory_space<vmem>> -> memref<1x128xi32, #tpu.memory_space<vmem>>
      %dma_start3A_47 = tpu.memref_squeeze %dma_start3A_46 : memref<1x128xi32, #tpu.memory_space<vmem>> -> memref<128xi32, #tpu.memory_space<vmem>>
      %dma_start3A_48 = arith.constant 0 : i32
      %dma_start3A_49 = arith.constant 0 : i32
      %dma_start3A_50 = tpu.memref_slice %arg11[%dma_start3A_48, %dma_start3A_49] : memref<10000x32xf32, #tpu.memory_space<vmem_shared>> -> memref<10000x32xf32, #tpu.memory_space<vmem_shared>>
      %dma_start3A_51 = tpu.memref_slice %arg12[%dma_start3A_40] : memref<4x!tpu.dma_semaphore, #tpu.memory_space<semaphore_mem>> -> memref<1x!tpu.dma_semaphore, #tpu.memory_space<semaphore_mem>>
      %dma_start3A_52 = tpu.memref_squeeze %dma_start3A_51 : memref<1x!tpu.dma_semaphore, #tpu.memory_space<semaphore_mem>> -> memref<!tpu.dma_semaphore, #tpu.memory_space<semaphore_mem>>
      tpu.enqueue_indirect_dma source(%dma_start3A_50 : memref<10000x32xf32, #tpu.memory_space<vmem_shared>>) target(%dma_start3A_44 : memref<128x32xf32, #tpu.memory_space<vmem>>) offsets(%dma_start3A_47 : memref<128xi32, #tpu.memory_space<vmem>>) semaphore(%dma_start3A_52 : memref<!tpu.dma_semaphore, #tpu.memory_space<semaphore_mem>>)
      %dma_start3A_53 = arith.constant 1 : i32
      %dma_start3A_54 = arith.constant 1 : i32
      %dma_start3A_55 = arith.constant 1 : i32
      %dma_start3A_56 = arith.constant 0 : i32
      %dma_start3A_57 = arith.constant 0 : i32
      %dma_start3A_58 = tpu.memref_slice %arg8[%dma_start3A_54, %dma_start3A_56, %dma_start3A_57] : memref<4x128x32xf32, #tpu.memory_space<vmem>> -> memref<1x128x32xf32, #tpu.memory_space<vmem>>
      %dma_start3A_59 = tpu.memref_squeeze %dma_start3A_58 : memref<1x128x32xf32, #tpu.memory_space<vmem>> -> memref<128x32xf32, #tpu.memory_space<vmem>>
      %dma_start3A_60 = arith.constant 0 : i32
      %dma_start3A_61 = tpu.memref_slice %arg6[%dma_start3A_53, %dma_start3A_60] : memref<80x128xi32, #tpu.memory_space<vmem>> -> memref<1x128xi32, #tpu.memory_space<vmem>>
      %dma_start3A_62 = tpu.memref_squeeze %dma_start3A_61 : memref<1x128xi32, #tpu.memory_space<vmem>> -> memref<128xi32, #tpu.memory_space<vmem>>
      %dma_start3A_63 = arith.constant 0 : i32
      %dma_start3A_64 = arith.constant 0 : i32
      %dma_start3A_65 = tpu.memref_slice %arg11[%dma_start3A_63, %dma_start3A_64] : memref<10000x32xf32, #tpu.memory_space<vmem_shared>> -> memref<10000x32xf32, #tpu.memory_space<vmem_shared>>
      %dma_start3A_66 = tpu.memref_slice %arg12[%dma_start3A_55] : memref<4x!tpu.dma_semaphore, #tpu.memory_space<semaphore_mem>> -> memref<1x!tpu.dma_semaphore, #tpu.memory_space<semaphore_mem>>
      %dma_start3A_67 = tpu.memref_squeeze %dma_start3A_66 : memref<1x!tpu.dma_semaphore, #tpu.memory_space<semaphore_mem>> -> memref<!tpu.dma_semaphore, #tpu.memory_space<semaphore_mem>>
      tpu.enqueue_indirect_dma source(%dma_start3A_65 : memref<10000x32xf32, #tpu.memory_space<vmem_shared>>) target(%dma_start3A_59 : memref<128x32xf32, #tpu.memory_space<vmem>>) offsets(%dma_start3A_62 : memref<128xi32, #tpu.memory_space<vmem>>) semaphore(%dma_start3A_67 : memref<!tpu.dma_semaphore, #tpu.memory_space<semaphore_mem>>)
      %dma_start3A_68 = arith.constant 2 : i32
      %dma_start3A_69 = arith.constant 2 : i32
      %dma_start3A_70 = arith.constant 2 : i32
      %dma_start3A_71 = arith.constant 0 : i32
      %dma_start3A_72 = arith.constant 0 : i32
      %dma_start3A_73 = tpu.memref_slice %arg8[%dma_start3A_69, %dma_start3A_71, %dma_start3A_72] : memref<4x128x32xf32, #tpu.memory_space<vmem>> -> memref<1x128x32xf32, #tpu.memory_space<vmem>>
      %dma_start3A_74 = tpu.memref_squeeze %dma_start3A_73 : memref<1x128x32xf32, #tpu.memory_space<vmem>> -> memref<128x32xf32, #tpu.memory_space<vmem>>
      %dma_start3A_75 = arith.constant 0 : i32
      %dma_start3A_76 = tpu.memref_slice %arg6[%dma_start3A_68, %dma_start3A_75] : memref<80x128xi32, #tpu.memory_space<vmem>> -> memref<1x128xi32, #tpu.memory_space<vmem>>
      %dma_start3A_77 = tpu.memref_squeeze %dma_start3A_76 : memref<1x128xi32, #tpu.memory_space<vmem>> -> memref<128xi32, #tpu.memory_space<vmem>>
      %dma_start3A_78 = arith.constant 0 : i32
      %dma_start3A_79 = arith.constant 0 : i32
      %dma_start3A_80 = tpu.memref_slice %arg11[%dma_start3A_78, %dma_start3A_79] : memref<10000x32xf32, #tpu.memory_space<vmem_shared>> -> memref<10000x32xf32, #tpu.memory_space<vmem_shared>>
      %dma_start3A_81 = tpu.memref_slice %arg12[%dma_start3A_70] : memref<4x!tpu.dma_semaphore, #tpu.memory_space<semaphore_mem>> -> memref<1x!tpu.dma_semaphore, #tpu.memory_space<semaphore_mem>>
      %dma_start3A_82 = tpu.memref_squeeze %dma_start3A_81 : memref<1x!tpu.dma_semaphore, #tpu.memory_space<semaphore_mem>> -> memref<!tpu.dma_semaphore, #tpu.memory_space<semaphore_mem>>
      tpu.enqueue_indirect_dma source(%dma_start3A_80 : memref<10000x32xf32, #tpu.memory_space<vmem_shared>>) target(%dma_start3A_74 : memref<128x32xf32, #tpu.memory_space<vmem>>) offsets(%dma_start3A_77 : memref<128xi32, #tpu.memory_space<vmem>>) semaphore(%dma_start3A_82 : memref<!tpu.dma_semaphore, #tpu.memory_space<semaphore_mem>>)
      %dma_start3A_83 = arith.constant 3 : i32
      %dma_start3A_84 = arith.constant 3 : i32
      %dma_start3A_85 = arith.constant 3 : i32
      %dma_start3A_86 = arith.constant 0 : i32
      %dma_start3A_87 = arith.constant 0 : i32
      %dma_start3A_88 = tpu.memref_slice %arg8[%dma_start3A_84, %dma_start3A_86, %dma_start3A_87] : memref<4x128x32xf32, #tpu.memory_space<vmem>> -> memref<1x128x32xf32, #tpu.memory_space<vmem>>
      %dma_start3A_89 = tpu.memref_squeeze %dma_start3A_88 : memref<1x128x32xf32, #tpu.memory_space<vmem>> -> memref<128x32xf32, #tpu.memory_space<vmem>>
      %dma_start3A_90 = arith.constant 0 : i32
      %dma_start3A_91 = tpu.memref_slice %arg6[%dma_start3A_83, %dma_start3A_90] : memref<80x128xi32, #tpu.memory_space<vmem>> -> memref<1x128xi32, #tpu.memory_space<vmem>>
      %dma_start3A_92 = tpu.memref_squeeze %dma_start3A_91 : memref<1x128xi32, #tpu.memory_space<vmem>> -> memref<128xi32, #tpu.memory_space<vmem>>
      %dma_start3A_93 = arith.constant 0 : i32
      %dma_start3A_94 = arith.constant 0 : i32
      %dma_start3A_95 = tpu.memref_slice %arg11[%dma_start3A_93, %dma_start3A_94] : memref<10000x32xf32, #tpu.memory_space<vmem_shared>> -> memref<10000x32xf32, #tpu.memory_space<vmem_shared>>
      %dma_start3A_96 = tpu.memref_slice %arg12[%dma_start3A_85] : memref<4x!tpu.dma_semaphore, #tpu.memory_space<semaphore_mem>> -> memref<1x!tpu.dma_semaphore, #tpu.memory_space<semaphore_mem>>
      %dma_start3A_97 = tpu.memref_squeeze %dma_start3A_96 : memref<1x!tpu.dma_semaphore, #tpu.memory_space<semaphore_mem>> -> memref<!tpu.dma_semaphore, #tpu.memory_space<semaphore_mem>>
      tpu.enqueue_indirect_dma source(%dma_start3A_95 : memref<10000x32xf32, #tpu.memory_space<vmem_shared>>) target(%dma_start3A_89 : memref<128x32xf32, #tpu.memory_space<vmem>>) offsets(%dma_start3A_92 : memref<128xi32, #tpu.memory_space<vmem>>) semaphore(%dma_start3A_97 : memref<!tpu.dma_semaphore, #tpu.memory_space<semaphore_mem>>)
      %scan3A_98 = arith.constant 0 : i32
      %scan3A_99 = arith.constant 19 : i32
      %scan3A_100 = arith.addi %scan3A_98, %scan3A_99 : i32
      %scan3A_101 = arith.constant 1 : i32
      scf.for %scan3A_288 = %scan3A_98 to %scan3A_100 step %scan3A_101  : i32 {
        %mul3A_289 = arith.constant 1 : i32
        %mul3A_290 = arith.muli %scan3A_288, %mul3A_289 : i32
        %add3A_291 = arith.constant 0 : i32
        %add3A_292 = arith.addi %add3A_291, %mul3A_290 : i32
        %mul3A_293 = arith.constant 4 : i32
        %mul3A_294 = arith.muli %mul3A_293, %add3A_292 : i32
        %dma_wait3A_295 = arith.constant 0 : i32
        %dma_wait3A_296 = arith.constant 0 : i32
        %dma_wait3A_297 = arith.constant 0 : i32
        %dma_wait3A_298 = arith.constant 0 : i32
        %dma_wait3A_299 = arith.constant 0 : i32
        %dma_wait3A_300 = tpu.memref_slice %arg8[%dma_wait3A_296, %dma_wait3A_298, %dma_wait3A_299] : memref<4x128x32xf32, #tpu.memory_space<vmem>> -> memref<1x128x32xf32, #tpu.memory_space<vmem>>
        %dma_wait3A_301 = tpu.memref_squeeze %dma_wait3A_300 : memref<1x128x32xf32, #tpu.memory_space<vmem>> -> memref<128x32xf32, #tpu.memory_space<vmem>>
        %dma_wait3A_302 = arith.constant 0 : i32
        %dma_wait3A_303 = tpu.memref_slice %arg6[%dma_wait3A_295, %dma_wait3A_302] : memref<80x128xi32, #tpu.memory_space<vmem>> -> memref<1x128xi32, #tpu.memory_space<vmem>>
        %dma_wait3A_304 = tpu.memref_squeeze %dma_wait3A_303 : memref<1x128xi32, #tpu.memory_space<vmem>> -> memref<128xi32, #tpu.memory_space<vmem>>
        %dma_wait3A_305 = arith.constant 0 : i32
        %dma_wait3A_306 = arith.constant 0 : i32
        %dma_wait3A_307 = tpu.memref_slice %arg11[%dma_wait3A_305, %dma_wait3A_306] : memref<10000x32xf32, #tpu.memory_space<vmem_shared>> -> memref<10000x32xf32, #tpu.memory_space<vmem_shared>>
        %dma_wait3A_308 = tpu.memref_slice %arg12[%dma_wait3A_297] : memref<4x!tpu.dma_semaphore, #tpu.memory_space<semaphore_mem>> -> memref<1x!tpu.dma_semaphore, #tpu.memory_space<semaphore_mem>>
        %dma_wait3A_309 = tpu.memref_squeeze %dma_wait3A_308 : memref<1x!tpu.dma_semaphore, #tpu.memory_space<semaphore_mem>> -> memref<!tpu.dma_semaphore, #tpu.memory_space<semaphore_mem>>
        tpu.wait_indirect_dma semaphore(%dma_wait3A_309 : memref<!tpu.dma_semaphore, #tpu.memory_space<semaphore_mem>>) src(%dma_wait3A_307 : memref<10000x32xf32, #tpu.memory_space<vmem_shared>>) dst(%dma_wait3A_301 : memref<128x32xf32, #tpu.memory_space<vmem>>)
        %add3A_310 = arith.constant 0 : i32
        %add3A_311 = arith.addi %mul3A_294, %add3A_310 : i32
        %dma_start3A_312 = arith.constant 0 : i32
        %dma_start3A_313 = arith.constant 0 : i32
        %dma_start3A_314 = arith.constant 0 : i32
        %dma_start3A_315 = arith.constant 0 : i32
        %dma_start3A_316 = tpu.memref_slice %arg8[%dma_start3A_312, %dma_start3A_314, %dma_start3A_315] : memref<4x128x32xf32, #tpu.memory_space<vmem>> -> memref<1x128x32xf32, #tpu.memory_space<vmem>>
        %dma_start3A_317 = tpu.memref_squeeze %dma_start3A_316 : memref<1x128x32xf32, #tpu.memory_space<vmem>> -> memref<128x32xf32, #tpu.memory_space<vmem>>
        %dma_start3A_318 = arith.constant 0 : i32
        %dma_start3A_319 = tpu.memref_slice %arg7[%add3A_311, %dma_start3A_318] : memref<80x128xi32, #tpu.memory_space<vmem>> -> memref<1x128xi32, #tpu.memory_space<vmem>>
        %dma_start3A_320 = tpu.memref_squeeze %dma_start3A_319 : memref<1x128xi32, #tpu.memory_space<vmem>> -> memref<128xi32, #tpu.memory_space<vmem>>
        %dma_start3A_321 = arith.constant 0 : i32
        %dma_start3A_322 = arith.constant 0 : i32
        %dma_start3A_323 = tpu.memref_slice %arg10[%dma_start3A_321, %dma_start3A_322] : memref<10240x32xf32, #tpu.memory_space<vmem_shared>> -> memref<10240x32xf32, #tpu.memory_space<vmem_shared>>
        %dma_start3A_324 = tpu.memref_slice %arg13[%dma_start3A_313] : memref<4x!tpu.dma_semaphore, #tpu.memory_space<semaphore_mem>> -> memref<1x!tpu.dma_semaphore, #tpu.memory_space<semaphore_mem>>
        %dma_start3A_325 = tpu.memref_squeeze %dma_start3A_324 : memref<1x!tpu.dma_semaphore, #tpu.memory_space<semaphore_mem>> -> memref<!tpu.dma_semaphore, #tpu.memory_space<semaphore_mem>>
        tpu.enqueue_indirect_dma source(%dma_start3A_317 : memref<128x32xf32, #tpu.memory_space<vmem>>) target(%dma_start3A_323 : memref<10240x32xf32, #tpu.memory_space<vmem_shared>>) offsets(%dma_start3A_320 : memref<128xi32, #tpu.memory_space<vmem>>) semaphore(%dma_start3A_325 : memref<!tpu.dma_semaphore, #tpu.memory_space<semaphore_mem>>) {add = true}
        %dma_wait3A_326 = arith.constant 0 : i32
        %dma_wait3A_327 = arith.constant 0 : i32
        %dma_wait3A_328 = arith.constant 0 : i32
        %dma_wait3A_329 = arith.constant 0 : i32
        %dma_wait3A_330 = arith.constant 0 : i32
        %dma_wait3A_331 = tpu.memref_slice %arg8[%dma_wait3A_326, %dma_wait3A_329, %dma_wait3A_330] : memref<4x128x32xf32, #tpu.memory_space<vmem>> -> memref<1x128x32xf32, #tpu.memory_space<vmem>>
        %dma_wait3A_332 = tpu.memref_squeeze %dma_wait3A_331 : memref<1x128x32xf32, #tpu.memory_space<vmem>> -> memref<128x32xf32, #tpu.memory_space<vmem>>
        %dma_wait3A_333 = arith.constant 0 : i32
        %dma_wait3A_334 = tpu.memref_slice %arg7[%dma_wait3A_327, %dma_wait3A_333] : memref<80x128xi32, #tpu.memory_space<vmem>> -> memref<1x128xi32, #tpu.memory_space<vmem>>
        %dma_wait3A_335 = tpu.memref_squeeze %dma_wait3A_334 : memref<1x128xi32, #tpu.memory_space<vmem>> -> memref<128xi32, #tpu.memory_space<vmem>>
        %dma_wait3A_336 = arith.constant 0 : i32
        %dma_wait3A_337 = arith.constant 0 : i32
        %dma_wait3A_338 = tpu.memref_slice %arg10[%dma_wait3A_336, %dma_wait3A_337] : memref<10240x32xf32, #tpu.memory_space<vmem_shared>> -> memref<10240x32xf32, #tpu.memory_space<vmem_shared>>
        %dma_wait3A_339 = tpu.memref_slice %arg13[%dma_wait3A_328] : memref<4x!tpu.dma_semaphore, #tpu.memory_space<semaphore_mem>> -> memref<1x!tpu.dma_semaphore, #tpu.memory_space<semaphore_mem>>
        %dma_wait3A_340 = tpu.memref_squeeze %dma_wait3A_339 : memref<1x!tpu.dma_semaphore, #tpu.memory_space<semaphore_mem>> -> memref<!tpu.dma_semaphore, #tpu.memory_space<semaphore_mem>>
        tpu.wait_indirect_dma semaphore(%dma_wait3A_340 : memref<!tpu.dma_semaphore, #tpu.memory_space<semaphore_mem>>) src(%dma_wait3A_332 : memref<128x32xf32, #tpu.memory_space<vmem>>) dst(%dma_wait3A_338 : memref<10240x32xf32, #tpu.memory_space<vmem_shared>>)
        %add3A_341 = arith.constant 0 : i32
        %add3A_342 = arith.addi %mul3A_294, %add3A_341 : i32
        %add3A_343 = arith.constant 4 : i32
        %add3A_344 = arith.addi %add3A_342, %add3A_343 : i32
        %dma_start3A_345 = arith.constant 0 : i32
        %dma_start3A_346 = arith.constant 0 : i32
        %dma_start3A_347 = arith.constant 0 : i32
        %dma_start3A_348 = arith.constant 0 : i32
        %dma_start3A_349 = tpu.memref_slice %arg8[%dma_start3A_345, %dma_start3A_347, %dma_start3A_348] : memref<4x128x32xf32, #tpu.memory_space<vmem>> -> memref<1x128x32xf32, #tpu.memory_space<vmem>>
        %dma_start3A_350 = tpu.memref_squeeze %dma_start3A_349 : memref<1x128x32xf32, #tpu.memory_space<vmem>> -> memref<128x32xf32, #tpu.memory_space<vmem>>
        %dma_start3A_351 = arith.constant 0 : i32
        %dma_start3A_352 = tpu.memref_slice %arg6[%add3A_344, %dma_start3A_351] : memref<80x128xi32, #tpu.memory_space<vmem>> -> memref<1x128xi32, #tpu.memory_space<vmem>>
        %dma_start3A_353 = tpu.memref_squeeze %dma_start3A_352 : memref<1x128xi32, #tpu.memory_space<vmem>> -> memref<128xi32, #tpu.memory_space<vmem>>
        %dma_start3A_354 = arith.constant 0 : i32
        %dma_start3A_355 = arith.constant 0 : i32
        %dma_start3A_356 = tpu.memref_slice %arg11[%dma_start3A_354, %dma_start3A_355] : memref<10000x32xf32, #tpu.memory_space<vmem_shared>> -> memref<10000x32xf32, #tpu.memory_space<vmem_shared>>
        %dma_start3A_357 = tpu.memref_slice %arg12[%dma_start3A_346] : memref<4x!tpu.dma_semaphore, #tpu.memory_space<semaphore_mem>> -> memref<1x!tpu.dma_semaphore, #tpu.memory_space<semaphore_mem>>
        %dma_start3A_358 = tpu.memref_squeeze %dma_start3A_357 : memref<1x!tpu.dma_semaphore, #tpu.memory_space<semaphore_mem>> -> memref<!tpu.dma_semaphore, #tpu.memory_space<semaphore_mem>>
        tpu.enqueue_indirect_dma source(%dma_start3A_356 : memref<10000x32xf32, #tpu.memory_space<vmem_shared>>) target(%dma_start3A_350 : memref<128x32xf32, #tpu.memory_space<vmem>>) offsets(%dma_start3A_353 : memref<128xi32, #tpu.memory_space<vmem>>) semaphore(%dma_start3A_358 : memref<!tpu.dma_semaphore, #tpu.memory_space<semaphore_mem>>)
        %dma_wait3A_359 = arith.constant 0 : i32
        %dma_wait3A_360 = arith.constant 1 : i32
        %dma_wait3A_361 = arith.constant 1 : i32
        %dma_wait3A_362 = arith.constant 0 : i32
        %dma_wait3A_363 = arith.constant 0 : i32
        %dma_wait3A_364 = tpu.memref_slice %arg8[%dma_wait3A_360, %dma_wait3A_362, %dma_wait3A_363] : memref<4x128x32xf32, #tpu.memory_space<vmem>> -> memref<1x128x32xf32, #tpu.memory_space<vmem>>
        %dma_wait3A_365 = tpu.memref_squeeze %dma_wait3A_364 : memref<1x128x32xf32, #tpu.memory_space<vmem>> -> memref<128x32xf32, #tpu.memory_space<vmem>>
        %dma_wait3A_366 = arith.constant 0 : i32
        %dma_wait3A_367 = tpu.memref_slice %arg6[%dma_wait3A_359, %dma_wait3A_366] : memref<80x128xi32, #tpu.memory_space<vmem>> -> memref<1x128xi32, #tpu.memory_space<vmem>>
        %dma_wait3A_368 = tpu.memref_squeeze %dma_wait3A_367 : memref<1x128xi32, #tpu.memory_space<vmem>> -> memref<128xi32, #tpu.memory_space<vmem>>
        %dma_wait3A_369 = arith.constant 0 : i32
        %dma_wait3A_370 = arith.constant 0 : i32
        %dma_wait3A_371 = tpu.memref_slice %arg11[%dma_wait3A_369, %dma_wait3A_370] : memref<10000x32xf32, #tpu.memory_space<vmem_shared>> -> memref<10000x32xf32, #tpu.memory_space<vmem_shared>>
        %dma_wait3A_372 = tpu.memref_slice %arg12[%dma_wait3A_361] : memref<4x!tpu.dma_semaphore, #tpu.memory_space<semaphore_mem>> -> memref<1x!tpu.dma_semaphore, #tpu.memory_space<semaphore_mem>>
        %dma_wait3A_373 = tpu.memref_squeeze %dma_wait3A_372 : memref<1x!tpu.dma_semaphore, #tpu.memory_space<semaphore_mem>> -> memref<!tpu.dma_semaphore, #tpu.memory_space<semaphore_mem>>
        tpu.wait_indirect_dma semaphore(%dma_wait3A_373 : memref<!tpu.dma_semaphore, #tpu.memory_space<semaphore_mem>>) src(%dma_wait3A_371 : memref<10000x32xf32, #tpu.memory_space<vmem_shared>>) dst(%dma_wait3A_365 : memref<128x32xf32, #tpu.memory_space<vmem>>)
        %add3A_374 = arith.constant 1 : i32
        %add3A_375 = arith.addi %mul3A_294, %add3A_374 : i32
        %dma_start3A_376 = arith.constant 1 : i32
        %dma_start3A_377 = arith.constant 1 : i32
        %dma_start3A_378 = arith.constant 0 : i32
        %dma_start3A_379 = arith.constant 0 : i32
        %dma_start3A_380 = tpu.memref_slice %arg8[%dma_start3A_376, %dma_start3A_378, %dma_start3A_379] : memref<4x128x32xf32, #tpu.memory_space<vmem>> -> memref<1x128x32xf32, #tpu.memory_space<vmem>>
        %dma_start3A_381 = tpu.memref_squeeze %dma_start3A_380 : memref<1x128x32xf32, #tpu.memory_space<vmem>> -> memref<128x32xf32, #tpu.memory_space<vmem>>
        %dma_start3A_382 = arith.constant 0 : i32
        %dma_start3A_383 = tpu.memref_slice %arg7[%add3A_375, %dma_start3A_382] : memref<80x128xi32, #tpu.memory_space<vmem>> -> memref<1x128xi32, #tpu.memory_space<vmem>>
        %dma_start3A_384 = tpu.memref_squeeze %dma_start3A_383 : memref<1x128xi32, #tpu.memory_space<vmem>> -> memref<128xi32, #tpu.memory_space<vmem>>
        %dma_start3A_385 = arith.constant 0 : i32
        %dma_start3A_386 = arith.constant 0 : i32
        %dma_start3A_387 = tpu.memref_slice %arg10[%dma_start3A_385, %dma_start3A_386] : memref<10240x32xf32, #tpu.memory_space<vmem_shared>> -> memref<10240x32xf32, #tpu.memory_space<vmem_shared>>
        %dma_start3A_388 = tpu.memref_slice %arg13[%dma_start3A_377] : memref<4x!tpu.dma_semaphore, #tpu.memory_space<semaphore_mem>> -> memref<1x!tpu.dma_semaphore, #tpu.memory_space<semaphore_mem>>
        %dma_start3A_389 = tpu.memref_squeeze %dma_start3A_388 : memref<1x!tpu.dma_semaphore, #tpu.memory_space<semaphore_mem>> -> memref<!tpu.dma_semaphore, #tpu.memory_space<semaphore_mem>>
        tpu.enqueue_indirect_dma source(%dma_start3A_381 : memref<128x32xf32, #tpu.memory_space<vmem>>) target(%dma_start3A_387 : memref<10240x32xf32, #tpu.memory_space<vmem_shared>>) offsets(%dma_start3A_384 : memref<128xi32, #tpu.memory_space<vmem>>) semaphore(%dma_start3A_389 : memref<!tpu.dma_semaphore, #tpu.memory_space<semaphore_mem>>) {add = true}
        %dma_wait3A_390 = arith.constant 1 : i32
        %dma_wait3A_391 = arith.constant 0 : i32
        %dma_wait3A_392 = arith.constant 1 : i32
        %dma_wait3A_393 = arith.constant 0 : i32
        %dma_wait3A_394 = arith.constant 0 : i32
        %dma_wait3A_395 = tpu.memref_slice %arg8[%dma_wait3A_390, %dma_wait3A_393, %dma_wait3A_394] : memref<4x128x32xf32, #tpu.memory_space<vmem>> -> memref<1x128x32xf32, #tpu.memory_space<vmem>>
        %dma_wait3A_396 = tpu.memref_squeeze %dma_wait3A_395 : memref<1x128x32xf32, #tpu.memory_space<vmem>> -> memref<128x32xf32, #tpu.memory_space<vmem>>
        %dma_wait3A_397 = arith.constant 0 : i32
        %dma_wait3A_398 = tpu.memref_slice %arg7[%dma_wait3A_391, %dma_wait3A_397] : memref<80x128xi32, #tpu.memory_space<vmem>> -> memref<1x128xi32, #tpu.memory_space<vmem>>
        %dma_wait3A_399 = tpu.memref_squeeze %dma_wait3A_398 : memref<1x128xi32, #tpu.memory_space<vmem>> -> memref<128xi32, #tpu.memory_space<vmem>>
        %dma_wait3A_400 = arith.constant 0 : i32
        %dma_wait3A_401 = arith.constant 0 : i32
        %dma_wait3A_402 = tpu.memref_slice %arg10[%dma_wait3A_400, %dma_wait3A_401] : memref<10240x32xf32, #tpu.memory_space<vmem_shared>> -> memref<10240x32xf32, #tpu.memory_space<vmem_shared>>
        %dma_wait3A_403 = tpu.memref_slice %arg13[%dma_wait3A_392] : memref<4x!tpu.dma_semaphore, #tpu.memory_space<semaphore_mem>> -> memref<1x!tpu.dma_semaphore, #tpu.memory_space<semaphore_mem>>
        %dma_wait3A_404 = tpu.memref_squeeze %dma_wait3A_403 : memref<1x!tpu.dma_semaphore, #tpu.memory_space<semaphore_mem>> -> memref<!tpu.dma_semaphore, #tpu.memory_space<semaphore_mem>>
        tpu.wait_indirect_dma semaphore(%dma_wait3A_404 : memref<!tpu.dma_semaphore, #tpu.memory_space<semaphore_mem>>) src(%dma_wait3A_396 : memref<128x32xf32, #tpu.memory_space<vmem>>) dst(%dma_wait3A_402 : memref<10240x32xf32, #tpu.memory_space<vmem_shared>>)
        %add3A_405 = arith.constant 1 : i32
        %add3A_406 = arith.addi %mul3A_294, %add3A_405 : i32
        %add3A_407 = arith.constant 4 : i32
        %add3A_408 = arith.addi %add3A_406, %add3A_407 : i32
        %dma_start3A_409 = arith.constant 1 : i32
        %dma_start3A_410 = arith.constant 1 : i32
        %dma_start3A_411 = arith.constant 0 : i32
        %dma_start3A_412 = arith.constant 0 : i32
        %dma_start3A_413 = tpu.memref_slice %arg8[%dma_start3A_409, %dma_start3A_411, %dma_start3A_412] : memref<4x128x32xf32, #tpu.memory_space<vmem>> -> memref<1x128x32xf32, #tpu.memory_space<vmem>>
        %dma_start3A_414 = tpu.memref_squeeze %dma_start3A_413 : memref<1x128x32xf32, #tpu.memory_space<vmem>> -> memref<128x32xf32, #tpu.memory_space<vmem>>
        %dma_start3A_415 = arith.constant 0 : i32
        %dma_start3A_416 = tpu.memref_slice %arg6[%add3A_408, %dma_start3A_415] : memref<80x128xi32, #tpu.memory_space<vmem>> -> memref<1x128xi32, #tpu.memory_space<vmem>>
        %dma_start3A_417 = tpu.memref_squeeze %dma_start3A_416 : memref<1x128xi32, #tpu.memory_space<vmem>> -> memref<128xi32, #tpu.memory_space<vmem>>
        %dma_start3A_418 = arith.constant 0 : i32
        %dma_start3A_419 = arith.constant 0 : i32
        %dma_start3A_420 = tpu.memref_slice %arg11[%dma_start3A_418, %dma_start3A_419] : memref<10000x32xf32, #tpu.memory_space<vmem_shared>> -> memref<10000x32xf32, #tpu.memory_space<vmem_shared>>
        %dma_start3A_421 = tpu.memref_slice %arg12[%dma_start3A_410] : memref<4x!tpu.dma_semaphore, #tpu.memory_space<semaphore_mem>> -> memref<1x!tpu.dma_semaphore, #tpu.memory_space<semaphore_mem>>
        %dma_start3A_422 = tpu.memref_squeeze %dma_start3A_421 : memref<1x!tpu.dma_semaphore, #tpu.memory_space<semaphore_mem>> -> memref<!tpu.dma_semaphore, #tpu.memory_space<semaphore_mem>>
        tpu.enqueue_indirect_dma source(%dma_start3A_420 : memref<10000x32xf32, #tpu.memory_space<vmem_shared>>) target(%dma_start3A_414 : memref<128x32xf32, #tpu.memory_space<vmem>>) offsets(%dma_start3A_417 : memref<128xi32, #tpu.memory_space<vmem>>) semaphore(%dma_start3A_422 : memref<!tpu.dma_semaphore, #tpu.memory_space<semaphore_mem>>)
        %dma_wait3A_423 = arith.constant 0 : i32
        %dma_wait3A_424 = arith.constant 2 : i32
        %dma_wait3A_425 = arith.constant 2 : i32
        %dma_wait3A_426 = arith.constant 0 : i32
        %dma_wait3A_427 = arith.constant 0 : i32
        %dma_wait3A_428 = tpu.memref_slice %arg8[%dma_wait3A_424, %dma_wait3A_426, %dma_wait3A_427] : memref<4x128x32xf32, #tpu.memory_space<vmem>> -> memref<1x128x32xf32, #tpu.memory_space<vmem>>
        %dma_wait3A_429 = tpu.memref_squeeze %dma_wait3A_428 : memref<1x128x32xf32, #tpu.memory_space<vmem>> -> memref<128x32xf32, #tpu.memory_space<vmem>>
        %dma_wait3A_430 = arith.constant 0 : i32
        %dma_wait3A_431 = tpu.memref_slice %arg6[%dma_wait3A_423, %dma_wait3A_430] : memref<80x128xi32, #tpu.memory_space<vmem>> -> memref<1x128xi32, #tpu.memory_space<vmem>>
        %dma_wait3A_432 = tpu.memref_squeeze %dma_wait3A_431 : memref<1x128xi32, #tpu.memory_space<vmem>> -> memref<128xi32, #tpu.memory_space<vmem>>
        %dma_wait3A_433 = arith.constant 0 : i32
        %dma_wait3A_434 = arith.constant 0 : i32
        %dma_wait3A_435 = tpu.memref_slice %arg11[%dma_wait3A_433, %dma_wait3A_434] : memref<10000x32xf32, #tpu.memory_space<vmem_shared>> -> memref<10000x32xf32, #tpu.memory_space<vmem_shared>>
        %dma_wait3A_436 = tpu.memref_slice %arg12[%dma_wait3A_425] : memref<4x!tpu.dma_semaphore, #tpu.memory_space<semaphore_mem>> -> memref<1x!tpu.dma_semaphore, #tpu.memory_space<semaphore_mem>>
        %dma_wait3A_437 = tpu.memref_squeeze %dma_wait3A_436 : memref<1x!tpu.dma_semaphore, #tpu.memory_space<semaphore_mem>> -> memref<!tpu.dma_semaphore, #tpu.memory_space<semaphore_mem>>
        tpu.wait_indirect_dma semaphore(%dma_wait3A_437 : memref<!tpu.dma_semaphore, #tpu.memory_space<semaphore_mem>>) src(%dma_wait3A_435 : memref<10000x32xf32, #tpu.memory_space<vmem_shared>>) dst(%dma_wait3A_429 : memref<128x32xf32, #tpu.memory_space<vmem>>)
        %add3A_438 = arith.constant 2 : i32
        %add3A_439 = arith.addi %mul3A_294, %add3A_438 : i32
        %dma_start3A_440 = arith.constant 2 : i32
        %dma_start3A_441 = arith.constant 2 : i32
        %dma_start3A_442 = arith.constant 0 : i32
        %dma_start3A_443 = arith.constant 0 : i32
        %dma_start3A_444 = tpu.memref_slice %arg8[%dma_start3A_440, %dma_start3A_442, %dma_start3A_443] : memref<4x128x32xf32, #tpu.memory_space<vmem>> -> memref<1x128x32xf32, #tpu.memory_space<vmem>>
        %dma_start3A_445 = tpu.memref_squeeze %dma_start3A_444 : memref<1x128x32xf32, #tpu.memory_space<vmem>> -> memref<128x32xf32, #tpu.memory_space<vmem>>
        %dma_start3A_446 = arith.constant 0 : i32
        %dma_start3A_447 = tpu.memref_slice %arg7[%add3A_439, %dma_start3A_446] : memref<80x128xi32, #tpu.memory_space<vmem>> -> memref<1x128xi32, #tpu.memory_space<vmem>>
        %dma_start3A_448 = tpu.memref_squeeze %dma_start3A_447 : memref<1x128xi32, #tpu.memory_space<vmem>> -> memref<128xi32, #tpu.memory_space<vmem>>
        %dma_start3A_449 = arith.constant 0 : i32
        %dma_start3A_450 = arith.constant 0 : i32
        %dma_start3A_451 = tpu.memref_slice %arg10[%dma_start3A_449, %dma_start3A_450] : memref<10240x32xf32, #tpu.memory_space<vmem_shared>> -> memref<10240x32xf32, #tpu.memory_space<vmem_shared>>
        %dma_start3A_452 = tpu.memref_slice %arg13[%dma_start3A_441] : memref<4x!tpu.dma_semaphore, #tpu.memory_space<semaphore_mem>> -> memref<1x!tpu.dma_semaphore, #tpu.memory_space<semaphore_mem>>
        %dma_start3A_453 = tpu.memref_squeeze %dma_start3A_452 : memref<1x!tpu.dma_semaphore, #tpu.memory_space<semaphore_mem>> -> memref<!tpu.dma_semaphore, #tpu.memory_space<semaphore_mem>>
        tpu.enqueue_indirect_dma source(%dma_start3A_445 : memref<128x32xf32, #tpu.memory_space<vmem>>) target(%dma_start3A_451 : memref<10240x32xf32, #tpu.memory_space<vmem_shared>>) offsets(%dma_start3A_448 : memref<128xi32, #tpu.memory_space<vmem>>) semaphore(%dma_start3A_453 : memref<!tpu.dma_semaphore, #tpu.memory_space<semaphore_mem>>) {add = true}
        %dma_wait3A_454 = arith.constant 2 : i32
        %dma_wait3A_455 = arith.constant 0 : i32
        %dma_wait3A_456 = arith.constant 2 : i32
        %dma_wait3A_457 = arith.constant 0 : i32
        %dma_wait3A_458 = arith.constant 0 : i32
        %dma_wait3A_459 = tpu.memref_slice %arg8[%dma_wait3A_454, %dma_wait3A_457, %dma_wait3A_458] : memref<4x128x32xf32, #tpu.memory_space<vmem>> -> memref<1x128x32xf32, #tpu.memory_space<vmem>>
        %dma_wait3A_460 = tpu.memref_squeeze %dma_wait3A_459 : memref<1x128x32xf32, #tpu.memory_space<vmem>> -> memref<128x32xf32, #tpu.memory_space<vmem>>
        %dma_wait3A_461 = arith.constant 0 : i32
        %dma_wait3A_462 = tpu.memref_slice %arg7[%dma_wait3A_455, %dma_wait3A_461] : memref<80x128xi32, #tpu.memory_space<vmem>> -> memref<1x128xi32, #tpu.memory_space<vmem>>
        %dma_wait3A_463 = tpu.memref_squeeze %dma_wait3A_462 : memref<1x128xi32, #tpu.memory_space<vmem>> -> memref<128xi32, #tpu.memory_space<vmem>>
        %dma_wait3A_464 = arith.constant 0 : i32
        %dma_wait3A_465 = arith.constant 0 : i32
        %dma_wait3A_466 = tpu.memref_slice %arg10[%dma_wait3A_464, %dma_wait3A_465] : memref<10240x32xf32, #tpu.memory_space<vmem_shared>> -> memref<10240x32xf32, #tpu.memory_space<vmem_shared>>
        %dma_wait3A_467 = tpu.memref_slice %arg13[%dma_wait3A_456] : memref<4x!tpu.dma_semaphore, #tpu.memory_space<semaphore_mem>> -> memref<1x!tpu.dma_semaphore, #tpu.memory_space<semaphore_mem>>
        %dma_wait3A_468 = tpu.memref_squeeze %dma_wait3A_467 : memref<1x!tpu.dma_semaphore, #tpu.memory_space<semaphore_mem>> -> memref<!tpu.dma_semaphore, #tpu.memory_space<semaphore_mem>>
        tpu.wait_indirect_dma semaphore(%dma_wait3A_468 : memref<!tpu.dma_semaphore, #tpu.memory_space<semaphore_mem>>) src(%dma_wait3A_460 : memref<128x32xf32, #tpu.memory_space<vmem>>) dst(%dma_wait3A_466 : memref<10240x32xf32, #tpu.memory_space<vmem_shared>>)
        %add3A_469 = arith.constant 2 : i32
        %add3A_470 = arith.addi %mul3A_294, %add3A_469 : i32
        %add3A_471 = arith.constant 4 : i32
        %add3A_472 = arith.addi %add3A_470, %add3A_471 : i32
        %dma_start3A_473 = arith.constant 2 : i32
        %dma_start3A_474 = arith.constant 2 : i32
        %dma_start3A_475 = arith.constant 0 : i32
        %dma_start3A_476 = arith.constant 0 : i32
        %dma_start3A_477 = tpu.memref_slice %arg8[%dma_start3A_473, %dma_start3A_475, %dma_start3A_476] : memref<4x128x32xf32, #tpu.memory_space<vmem>> -> memref<1x128x32xf32, #tpu.memory_space<vmem>>
        %dma_start3A_478 = tpu.memref_squeeze %dma_start3A_477 : memref<1x128x32xf32, #tpu.memory_space<vmem>> -> memref<128x32xf32, #tpu.memory_space<vmem>>
        %dma_start3A_479 = arith.constant 0 : i32
        %dma_start3A_480 = tpu.memref_slice %arg6[%add3A_472, %dma_start3A_479] : memref<80x128xi32, #tpu.memory_space<vmem>> -> memref<1x128xi32, #tpu.memory_space<vmem>>
        %dma_start3A_481 = tpu.memref_squeeze %dma_start3A_480 : memref<1x128xi32, #tpu.memory_space<vmem>> -> memref<128xi32, #tpu.memory_space<vmem>>
        %dma_start3A_482 = arith.constant 0 : i32
        %dma_start3A_483 = arith.constant 0 : i32
        %dma_start3A_484 = tpu.memref_slice %arg11[%dma_start3A_482, %dma_start3A_483] : memref<10000x32xf32, #tpu.memory_space<vmem_shared>> -> memref<10000x32xf32, #tpu.memory_space<vmem_shared>>
        %dma_start3A_485 = tpu.memref_slice %arg12[%dma_start3A_474] : memref<4x!tpu.dma_semaphore, #tpu.memory_space<semaphore_mem>> -> memref<1x!tpu.dma_semaphore, #tpu.memory_space<semaphore_mem>>
        %dma_start3A_486 = tpu.memref_squeeze %dma_start3A_485 : memref<1x!tpu.dma_semaphore, #tpu.memory_space<semaphore_mem>> -> memref<!tpu.dma_semaphore, #tpu.memory_space<semaphore_mem>>
        tpu.enqueue_indirect_dma source(%dma_start3A_484 : memref<10000x32xf32, #tpu.memory_space<vmem_shared>>) target(%dma_start3A_478 : memref<128x32xf32, #tpu.memory_space<vmem>>) offsets(%dma_start3A_481 : memref<128xi32, #tpu.memory_space<vmem>>) semaphore(%dma_start3A_486 : memref<!tpu.dma_semaphore, #tpu.memory_space<semaphore_mem>>)
        %dma_wait3A_487 = arith.constant 0 : i32
        %dma_wait3A_488 = arith.constant 3 : i32
        %dma_wait3A_489 = arith.constant 3 : i32
        %dma_wait3A_490 = arith.constant 0 : i32
        %dma_wait3A_491 = arith.constant 0 : i32
        %dma_wait3A_492 = tpu.memref_slice %arg8[%dma_wait3A_488, %dma_wait3A_490, %dma_wait3A_491] : memref<4x128x32xf32, #tpu.memory_space<vmem>> -> memref<1x128x32xf32, #tpu.memory_space<vmem>>
        %dma_wait3A_493 = tpu.memref_squeeze %dma_wait3A_492 : memref<1x128x32xf32, #tpu.memory_space<vmem>> -> memref<128x32xf32, #tpu.memory_space<vmem>>
        %dma_wait3A_494 = arith.constant 0 : i32
        %dma_wait3A_495 = tpu.memref_slice %arg6[%dma_wait3A_487, %dma_wait3A_494] : memref<80x128xi32, #tpu.memory_space<vmem>> -> memref<1x128xi32, #tpu.memory_space<vmem>>
        %dma_wait3A_496 = tpu.memref_squeeze %dma_wait3A_495 : memref<1x128xi32, #tpu.memory_space<vmem>> -> memref<128xi32, #tpu.memory_space<vmem>>
        %dma_wait3A_497 = arith.constant 0 : i32
        %dma_wait3A_498 = arith.constant 0 : i32
        %dma_wait3A_499 = tpu.memref_slice %arg11[%dma_wait3A_497, %dma_wait3A_498] : memref<10000x32xf32, #tpu.memory_space<vmem_shared>> -> memref<10000x32xf32, #tpu.memory_space<vmem_shared>>
        %dma_wait3A_500 = tpu.memref_slice %arg12[%dma_wait3A_489] : memref<4x!tpu.dma_semaphore, #tpu.memory_space<semaphore_mem>> -> memref<1x!tpu.dma_semaphore, #tpu.memory_space<semaphore_mem>>
        %dma_wait3A_501 = tpu.memref_squeeze %dma_wait3A_500 : memref<1x!tpu.dma_semaphore, #tpu.memory_space<semaphore_mem>> -> memref<!tpu.dma_semaphore, #tpu.memory_space<semaphore_mem>>
        tpu.wait_indirect_dma semaphore(%dma_wait3A_501 : memref<!tpu.dma_semaphore, #tpu.memory_space<semaphore_mem>>) src(%dma_wait3A_499 : memref<10000x32xf32, #tpu.memory_space<vmem_shared>>) dst(%dma_wait3A_493 : memref<128x32xf32, #tpu.memory_space<vmem>>)
        %add3A_502 = arith.constant 3 : i32
        %add3A_503 = arith.addi %mul3A_294, %add3A_502 : i32
        %dma_start3A_504 = arith.constant 3 : i32
        %dma_start3A_505 = arith.constant 3 : i32
        %dma_start3A_506 = arith.constant 0 : i32
        %dma_start3A_507 = arith.constant 0 : i32
        %dma_start3A_508 = tpu.memref_slice %arg8[%dma_start3A_504, %dma_start3A_506, %dma_start3A_507] : memref<4x128x32xf32, #tpu.memory_space<vmem>> -> memref<1x128x32xf32, #tpu.memory_space<vmem>>
        %dma_start3A_509 = tpu.memref_squeeze %dma_start3A_508 : memref<1x128x32xf32, #tpu.memory_space<vmem>> -> memref<128x32xf32, #tpu.memory_space<vmem>>
        %dma_start3A_510 = arith.constant 0 : i32
        %dma_start3A_511 = tpu.memref_slice %arg7[%add3A_503, %dma_start3A_510] : memref<80x128xi32, #tpu.memory_space<vmem>> -> memref<1x128xi32, #tpu.memory_space<vmem>>
        %dma_start3A_512 = tpu.memref_squeeze %dma_start3A_511 : memref<1x128xi32, #tpu.memory_space<vmem>> -> memref<128xi32, #tpu.memory_space<vmem>>
        %dma_start3A_513 = arith.constant 0 : i32
        %dma_start3A_514 = arith.constant 0 : i32
        %dma_start3A_515 = tpu.memref_slice %arg10[%dma_start3A_513, %dma_start3A_514] : memref<10240x32xf32, #tpu.memory_space<vmem_shared>> -> memref<10240x32xf32, #tpu.memory_space<vmem_shared>>
        %dma_start3A_516 = tpu.memref_slice %arg13[%dma_start3A_505] : memref<4x!tpu.dma_semaphore, #tpu.memory_space<semaphore_mem>> -> memref<1x!tpu.dma_semaphore, #tpu.memory_space<semaphore_mem>>
        %dma_start3A_517 = tpu.memref_squeeze %dma_start3A_516 : memref<1x!tpu.dma_semaphore, #tpu.memory_space<semaphore_mem>> -> memref<!tpu.dma_semaphore, #tpu.memory_space<semaphore_mem>>
        tpu.enqueue_indirect_dma source(%dma_start3A_509 : memref<128x32xf32, #tpu.memory_space<vmem>>) target(%dma_start3A_515 : memref<10240x32xf32, #tpu.memory_space<vmem_shared>>) offsets(%dma_start3A_512 : memref<128xi32, #tpu.memory_space<vmem>>) semaphore(%dma_start3A_517 : memref<!tpu.dma_semaphore, #tpu.memory_space<semaphore_mem>>) {add = true}
        %dma_wait3A_518 = arith.constant 3 : i32
        %dma_wait3A_519 = arith.constant 0 : i32
        %dma_wait3A_520 = arith.constant 3 : i32
        %dma_wait3A_521 = arith.constant 0 : i32
        %dma_wait3A_522 = arith.constant 0 : i32
        %dma_wait3A_523 = tpu.memref_slice %arg8[%dma_wait3A_518, %dma_wait3A_521, %dma_wait3A_522] : memref<4x128x32xf32, #tpu.memory_space<vmem>> -> memref<1x128x32xf32, #tpu.memory_space<vmem>>
        %dma_wait3A_524 = tpu.memref_squeeze %dma_wait3A_523 : memref<1x128x32xf32, #tpu.memory_space<vmem>> -> memref<128x32xf32, #tpu.memory_space<vmem>>
        %dma_wait3A_525 = arith.constant 0 : i32
        %dma_wait3A_526 = tpu.memref_slice %arg7[%dma_wait3A_519, %dma_wait3A_525] : memref<80x128xi32, #tpu.memory_space<vmem>> -> memref<1x128xi32, #tpu.memory_space<vmem>>
        %dma_wait3A_527 = tpu.memref_squeeze %dma_wait3A_526 : memref<1x128xi32, #tpu.memory_space<vmem>> -> memref<128xi32, #tpu.memory_space<vmem>>
        %dma_wait3A_528 = arith.constant 0 : i32
        %dma_wait3A_529 = arith.constant 0 : i32
        %dma_wait3A_530 = tpu.memref_slice %arg10[%dma_wait3A_528, %dma_wait3A_529] : memref<10240x32xf32, #tpu.memory_space<vmem_shared>> -> memref<10240x32xf32, #tpu.memory_space<vmem_shared>>
        %dma_wait3A_531 = tpu.memref_slice %arg13[%dma_wait3A_520] : memref<4x!tpu.dma_semaphore, #tpu.memory_space<semaphore_mem>> -> memref<1x!tpu.dma_semaphore, #tpu.memory_space<semaphore_mem>>
        %dma_wait3A_532 = tpu.memref_squeeze %dma_wait3A_531 : memref<1x!tpu.dma_semaphore, #tpu.memory_space<semaphore_mem>> -> memref<!tpu.dma_semaphore, #tpu.memory_space<semaphore_mem>>
        tpu.wait_indirect_dma semaphore(%dma_wait3A_532 : memref<!tpu.dma_semaphore, #tpu.memory_space<semaphore_mem>>) src(%dma_wait3A_524 : memref<128x32xf32, #tpu.memory_space<vmem>>) dst(%dma_wait3A_530 : memref<10240x32xf32, #tpu.memory_space<vmem_shared>>)
        %add3A_533 = arith.constant 3 : i32
        %add3A_534 = arith.addi %mul3A_294, %add3A_533 : i32
        %add3A_535 = arith.constant 4 : i32
        %add3A_536 = arith.addi %add3A_534, %add3A_535 : i32
        %dma_start3A_537 = arith.constant 3 : i32
        %dma_start3A_538 = arith.constant 3 : i32
        %dma_start3A_539 = arith.constant 0 : i32
        %dma_start3A_540 = arith.constant 0 : i32
        %dma_start3A_541 = tpu.memref_slice %arg8[%dma_start3A_537, %dma_start3A_539, %dma_start3A_540] : memref<4x128x32xf32, #tpu.memory_space<vmem>> -> memref<1x128x32xf32, #tpu.memory_space<vmem>>
        %dma_start3A_542 = tpu.memref_squeeze %dma_start3A_541 : memref<1x128x32xf32, #tpu.memory_space<vmem>> -> memref<128x32xf32, #tpu.memory_space<vmem>>
        %dma_start3A_543 = arith.constant 0 : i32
        %dma_start3A_544 = tpu.memref_slice %arg6[%add3A_536, %dma_start3A_543] : memref<80x128xi32, #tpu.memory_space<vmem>> -> memref<1x128xi32, #tpu.memory_space<vmem>>
        %dma_start3A_545 = tpu.memref_squeeze %dma_start3A_544 : memref<1x128xi32, #tpu.memory_space<vmem>> -> memref<128xi32, #tpu.memory_space<vmem>>
        %dma_start3A_546 = arith.constant 0 : i32
        %dma_start3A_547 = arith.constant 0 : i32
        %dma_start3A_548 = tpu.memref_slice %arg11[%dma_start3A_546, %dma_start3A_547] : memref<10000x32xf32, #tpu.memory_space<vmem_shared>> -> memref<10000x32xf32, #tpu.memory_space<vmem_shared>>
        %dma_start3A_549 = tpu.memref_slice %arg12[%dma_start3A_538] : memref<4x!tpu.dma_semaphore, #tpu.memory_space<semaphore_mem>> -> memref<1x!tpu.dma_semaphore, #tpu.memory_space<semaphore_mem>>
        %dma_start3A_550 = tpu.memref_squeeze %dma_start3A_549 : memref<1x!tpu.dma_semaphore, #tpu.memory_space<semaphore_mem>> -> memref<!tpu.dma_semaphore, #tpu.memory_space<semaphore_mem>>
        tpu.enqueue_indirect_dma source(%dma_start3A_548 : memref<10000x32xf32, #tpu.memory_space<vmem_shared>>) target(%dma_start3A_542 : memref<128x32xf32, #tpu.memory_space<vmem>>) offsets(%dma_start3A_545 : memref<128xi32, #tpu.memory_space<vmem>>) semaphore(%dma_start3A_550 : memref<!tpu.dma_semaphore, #tpu.memory_space<semaphore_mem>>)
      }
      %scan3A_102 = arith.constant 19 : i32
      %dma_wait3A = arith.constant 0 : i32
      %dma_wait3A_103 = arith.constant 0 : i32
      %dma_wait3A_104 = arith.constant 0 : i32
      %dma_wait3A_105 = arith.constant 0 : i32
      %dma_wait3A_106 = arith.constant 0 : i32
      %dma_wait3A_107 = tpu.memref_slice %arg8[%dma_wait3A_103, %dma_wait3A_105, %dma_wait3A_106] : memref<4x128x32xf32, #tpu.memory_space<vmem>> -> memref<1x128x32xf32, #tpu.memory_space<vmem>>
      %dma_wait3A_108 = tpu.memref_squeeze %dma_wait3A_107 : memref<1x128x32xf32, #tpu.memory_space<vmem>> -> memref<128x32xf32, #tpu.memory_space<vmem>>
      %dma_wait3A_109 = arith.constant 0 : i32
      %dma_wait3A_110 = tpu.memref_slice %arg6[%dma_wait3A, %dma_wait3A_109] : memref<80x128xi32, #tpu.memory_space<vmem>> -> memref<1x128xi32, #tpu.memory_space<vmem>>
      %dma_wait3A_111 = tpu.memref_squeeze %dma_wait3A_110 : memref<1x128xi32, #tpu.memory_space<vmem>> -> memref<128xi32, #tpu.memory_space<vmem>>
      %dma_wait3A_112 = arith.constant 0 : i32
      %dma_wait3A_113 = arith.constant 0 : i32
      %dma_wait3A_114 = tpu.memref_slice %arg11[%dma_wait3A_112, %dma_wait3A_113] : memref<10000x32xf32, #tpu.memory_space<vmem_shared>> -> memref<10000x32xf32, #tpu.memory_space<vmem_shared>>
      %dma_wait3A_115 = tpu.memref_slice %arg12[%dma_wait3A_104] : memref<4x!tpu.dma_semaphore, #tpu.memory_space<semaphore_mem>> -> memref<1x!tpu.dma_semaphore, #tpu.memory_space<semaphore_mem>>
      %dma_wait3A_116 = tpu.memref_squeeze %dma_wait3A_115 : memref<1x!tpu.dma_semaphore, #tpu.memory_space<semaphore_mem>> -> memref<!tpu.dma_semaphore, #tpu.memory_space<semaphore_mem>>
      tpu.wait_indirect_dma semaphore(%dma_wait3A_116 : memref<!tpu.dma_semaphore, #tpu.memory_space<semaphore_mem>>) src(%dma_wait3A_114 : memref<10000x32xf32, #tpu.memory_space<vmem_shared>>) dst(%dma_wait3A_108 : memref<128x32xf32, #tpu.memory_space<vmem>>)
      %dma_start3A_117 = arith.constant 0 : i32
      %dma_start3A_118 = arith.constant 76 : i32
      %dma_start3A_119 = arith.constant 0 : i32
      %dma_start3A_120 = arith.constant 0 : i32
      %dma_start3A_121 = arith.constant 0 : i32
      %dma_start3A_122 = tpu.memref_slice %arg8[%dma_start3A_117, %dma_start3A_120, %dma_start3A_121] : memref<4x128x32xf32, #tpu.memory_space<vmem>> -> memref<1x128x32xf32, #tpu.memory_space<vmem>>
      %dma_start3A_123 = tpu.memref_squeeze %dma_start3A_122 : memref<1x128x32xf32, #tpu.memory_space<vmem>> -> memref<128x32xf32, #tpu.memory_space<vmem>>
      %dma_start3A_124 = arith.constant 0 : i32
      %dma_start3A_125 = tpu.memref_slice %arg7[%dma_start3A_118, %dma_start3A_124] : memref<80x128xi32, #tpu.memory_space<vmem>> -> memref<1x128xi32, #tpu.memory_space<vmem>>
      %dma_start3A_126 = tpu.memref_squeeze %dma_start3A_125 : memref<1x128xi32, #tpu.memory_space<vmem>> -> memref<128xi32, #tpu.memory_space<vmem>>
      %dma_start3A_127 = arith.constant 0 : i32
      %dma_start3A_128 = arith.constant 0 : i32
      %dma_start3A_129 = tpu.memref_slice %arg10[%dma_start3A_127, %dma_start3A_128] : memref<10240x32xf32, #tpu.memory_space<vmem_shared>> -> memref<10240x32xf32, #tpu.memory_space<vmem_shared>>
      %dma_start3A_130 = tpu.memref_slice %arg13[%dma_start3A_119] : memref<4x!tpu.dma_semaphore, #tpu.memory_space<semaphore_mem>> -> memref<1x!tpu.dma_semaphore, #tpu.memory_space<semaphore_mem>>
      %dma_start3A_131 = tpu.memref_squeeze %dma_start3A_130 : memref<1x!tpu.dma_semaphore, #tpu.memory_space<semaphore_mem>> -> memref<!tpu.dma_semaphore, #tpu.memory_space<semaphore_mem>>
      tpu.enqueue_indirect_dma source(%dma_start3A_123 : memref<128x32xf32, #tpu.memory_space<vmem>>) target(%dma_start3A_129 : memref<10240x32xf32, #tpu.memory_space<vmem_shared>>) offsets(%dma_start3A_126 : memref<128xi32, #tpu.memory_space<vmem>>) semaphore(%dma_start3A_131 : memref<!tpu.dma_semaphore, #tpu.memory_space<semaphore_mem>>) {add = true}
      %dma_wait3A_132 = arith.constant 0 : i32
      %dma_wait3A_133 = arith.constant 1 : i32
      %dma_wait3A_134 = arith.constant 1 : i32
      %dma_wait3A_135 = arith.constant 0 : i32
      %dma_wait3A_136 = arith.constant 0 : i32
      %dma_wait3A_137 = tpu.memref_slice %arg8[%dma_wait3A_133, %dma_wait3A_135, %dma_wait3A_136] : memref<4x128x32xf32, #tpu.memory_space<vmem>> -> memref<1x128x32xf32, #tpu.memory_space<vmem>>
      %dma_wait3A_138 = tpu.memref_squeeze %dma_wait3A_137 : memref<1x128x32xf32, #tpu.memory_space<vmem>> -> memref<128x32xf32, #tpu.memory_space<vmem>>
      %dma_wait3A_139 = arith.constant 0 : i32
      %dma_wait3A_140 = tpu.memref_slice %arg6[%dma_wait3A_132, %dma_wait3A_139] : memref<80x128xi32, #tpu.memory_space<vmem>> -> memref<1x128xi32, #tpu.memory_space<vmem>>
      %dma_wait3A_141 = tpu.memref_squeeze %dma_wait3A_140 : memref<1x128xi32, #tpu.memory_space<vmem>> -> memref<128xi32, #tpu.memory_space<vmem>>
      %dma_wait3A_142 = arith.constant 0 : i32
      %dma_wait3A_143 = arith.constant 0 : i32
      %dma_wait3A_144 = tpu.memref_slice %arg11[%dma_wait3A_142, %dma_wait3A_143] : memref<10000x32xf32, #tpu.memory_space<vmem_shared>> -> memref<10000x32xf32, #tpu.memory_space<vmem_shared>>
      %dma_wait3A_145 = tpu.memref_slice %arg12[%dma_wait3A_134] : memref<4x!tpu.dma_semaphore, #tpu.memory_space<semaphore_mem>> -> memref<1x!tpu.dma_semaphore, #tpu.memory_space<semaphore_mem>>
      %dma_wait3A_146 = tpu.memref_squeeze %dma_wait3A_145 : memref<1x!tpu.dma_semaphore, #tpu.memory_space<semaphore_mem>> -> memref<!tpu.dma_semaphore, #tpu.memory_space<semaphore_mem>>
      tpu.wait_indirect_dma semaphore(%dma_wait3A_146 : memref<!tpu.dma_semaphore, #tpu.memory_space<semaphore_mem>>) src(%dma_wait3A_144 : memref<10000x32xf32, #tpu.memory_space<vmem_shared>>) dst(%dma_wait3A_138 : memref<128x32xf32, #tpu.memory_space<vmem>>)
      %dma_start3A_147 = arith.constant 1 : i32
      %dma_start3A_148 = arith.constant 77 : i32
      %dma_start3A_149 = arith.constant 1 : i32
      %dma_start3A_150 = arith.constant 0 : i32
      %dma_start3A_151 = arith.constant 0 : i32
      %dma_start3A_152 = tpu.memref_slice %arg8[%dma_start3A_147, %dma_start3A_150, %dma_start3A_151] : memref<4x128x32xf32, #tpu.memory_space<vmem>> -> memref<1x128x32xf32, #tpu.memory_space<vmem>>
      %dma_start3A_153 = tpu.memref_squeeze %dma_start3A_152 : memref<1x128x32xf32, #tpu.memory_space<vmem>> -> memref<128x32xf32, #tpu.memory_space<vmem>>
      %dma_start3A_154 = arith.constant 0 : i32
      %dma_start3A_155 = tpu.memref_slice %arg7[%dma_start3A_148, %dma_start3A_154] : memref<80x128xi32, #tpu.memory_space<vmem>> -> memref<1x128xi32, #tpu.memory_space<vmem>>
      %dma_start3A_156 = tpu.memref_squeeze %dma_start3A_155 : memref<1x128xi32, #tpu.memory_space<vmem>> -> memref<128xi32, #tpu.memory_space<vmem>>
      %dma_start3A_157 = arith.constant 0 : i32
      %dma_start3A_158 = arith.constant 0 : i32
      %dma_start3A_159 = tpu.memref_slice %arg10[%dma_start3A_157, %dma_start3A_158] : memref<10240x32xf32, #tpu.memory_space<vmem_shared>> -> memref<10240x32xf32, #tpu.memory_space<vmem_shared>>
      %dma_start3A_160 = tpu.memref_slice %arg13[%dma_start3A_149] : memref<4x!tpu.dma_semaphore, #tpu.memory_space<semaphore_mem>> -> memref<1x!tpu.dma_semaphore, #tpu.memory_space<semaphore_mem>>
      %dma_start3A_161 = tpu.memref_squeeze %dma_start3A_160 : memref<1x!tpu.dma_semaphore, #tpu.memory_space<semaphore_mem>> -> memref<!tpu.dma_semaphore, #tpu.memory_space<semaphore_mem>>
      tpu.enqueue_indirect_dma source(%dma_start3A_153 : memref<128x32xf32, #tpu.memory_space<vmem>>) target(%dma_start3A_159 : memref<10240x32xf32, #tpu.memory_space<vmem_shared>>) offsets(%dma_start3A_156 : memref<128xi32, #tpu.memory_space<vmem>>) semaphore(%dma_start3A_161 : memref<!tpu.dma_semaphore, #tpu.memory_space<semaphore_mem>>) {add = true}
      %dma_wait3A_162 = arith.constant 0 : i32
      %dma_wait3A_163 = arith.constant 2 : i32
      %dma_wait3A_164 = arith.constant 2 : i32
      %dma_wait3A_165 = arith.constant 0 : i32
      %dma_wait3A_166 = arith.constant 0 : i32
      %dma_wait3A_167 = tpu.memref_slice %arg8[%dma_wait3A_163, %dma_wait3A_165, %dma_wait3A_166] : memref<4x128x32xf32, #tpu.memory_space<vmem>> -> memref<1x128x32xf32, #tpu.memory_space<vmem>>
      %dma_wait3A_168 = tpu.memref_squeeze %dma_wait3A_167 : memref<1x128x32xf32, #tpu.memory_space<vmem>> -> memref<128x32xf32, #tpu.memory_space<vmem>>
      %dma_wait3A_169 = arith.constant 0 : i32
      %dma_wait3A_170 = tpu.memref_slice %arg6[%dma_wait3A_162, %dma_wait3A_169] : memref<80x128xi32, #tpu.memory_space<vmem>> -> memref<1x128xi32, #tpu.memory_space<vmem>>
      %dma_wait3A_171 = tpu.memref_squeeze %dma_wait3A_170 : memref<1x128xi32, #tpu.memory_space<vmem>> -> memref<128xi32, #tpu.memory_space<vmem>>
      %dma_wait3A_172 = arith.constant 0 : i32
      %dma_wait3A_173 = arith.constant 0 : i32
      %dma_wait3A_174 = tpu.memref_slice %arg11[%dma_wait3A_172, %dma_wait3A_173] : memref<10000x32xf32, #tpu.memory_space<vmem_shared>> -> memref<10000x32xf32, #tpu.memory_space<vmem_shared>>
      %dma_wait3A_175 = tpu.memref_slice %arg12[%dma_wait3A_164] : memref<4x!tpu.dma_semaphore, #tpu.memory_space<semaphore_mem>> -> memref<1x!tpu.dma_semaphore, #tpu.memory_space<semaphore_mem>>
      %dma_wait3A_176 = tpu.memref_squeeze %dma_wait3A_175 : memref<1x!tpu.dma_semaphore, #tpu.memory_space<semaphore_mem>> -> memref<!tpu.dma_semaphore, #tpu.memory_space<semaphore_mem>>
      tpu.wait_indirect_dma semaphore(%dma_wait3A_176 : memref<!tpu.dma_semaphore, #tpu.memory_space<semaphore_mem>>) src(%dma_wait3A_174 : memref<10000x32xf32, #tpu.memory_space<vmem_shared>>) dst(%dma_wait3A_168 : memref<128x32xf32, #tpu.memory_space<vmem>>)
      %dma_start3A_177 = arith.constant 2 : i32
      %dma_start3A_178 = arith.constant 78 : i32
      %dma_start3A_179 = arith.constant 2 : i32
      %dma_start3A_180 = arith.constant 0 : i32
      %dma_start3A_181 = arith.constant 0 : i32
      %dma_start3A_182 = tpu.memref_slice %arg8[%dma_start3A_177, %dma_start3A_180, %dma_start3A_181] : memref<4x128x32xf32, #tpu.memory_space<vmem>> -> memref<1x128x32xf32, #tpu.memory_space<vmem>>
      %dma_start3A_183 = tpu.memref_squeeze %dma_start3A_182 : memref<1x128x32xf32, #tpu.memory_space<vmem>> -> memref<128x32xf32, #tpu.memory_space<vmem>>
      %dma_start3A_184 = arith.constant 0 : i32
      %dma_start3A_185 = tpu.memref_slice %arg7[%dma_start3A_178, %dma_start3A_184] : memref<80x128xi32, #tpu.memory_space<vmem>> -> memref<1x128xi32, #tpu.memory_space<vmem>>
      %dma_start3A_186 = tpu.memref_squeeze %dma_start3A_185 : memref<1x128xi32, #tpu.memory_space<vmem>> -> memref<128xi32, #tpu.memory_space<vmem>>
      %dma_start3A_187 = arith.constant 0 : i32
      %dma_start3A_188 = arith.constant 0 : i32
      %dma_start3A_189 = tpu.memref_slice %arg10[%dma_start3A_187, %dma_start3A_188] : memref<10240x32xf32, #tpu.memory_space<vmem_shared>> -> memref<10240x32xf32, #tpu.memory_space<vmem_shared>>
      %dma_start3A_190 = tpu.memref_slice %arg13[%dma_start3A_179] : memref<4x!tpu.dma_semaphore, #tpu.memory_space<semaphore_mem>> -> memref<1x!tpu.dma_semaphore, #tpu.memory_space<semaphore_mem>>
      %dma_start3A_191 = tpu.memref_squeeze %dma_start3A_190 : memref<1x!tpu.dma_semaphore, #tpu.memory_space<semaphore_mem>> -> memref<!tpu.dma_semaphore, #tpu.memory_space<semaphore_mem>>
      tpu.enqueue_indirect_dma source(%dma_start3A_183 : memref<128x32xf32, #tpu.memory_space<vmem>>) target(%dma_start3A_189 : memref<10240x32xf32, #tpu.memory_space<vmem_shared>>) offsets(%dma_start3A_186 : memref<128xi32, #tpu.memory_space<vmem>>) semaphore(%dma_start3A_191 : memref<!tpu.dma_semaphore, #tpu.memory_space<semaphore_mem>>) {add = true}
      %dma_wait3A_192 = arith.constant 0 : i32
      %dma_wait3A_193 = arith.constant 3 : i32
      %dma_wait3A_194 = arith.constant 3 : i32
      %dma_wait3A_195 = arith.constant 0 : i32
      %dma_wait3A_196 = arith.constant 0 : i32
      %dma_wait3A_197 = tpu.memref_slice %arg8[%dma_wait3A_193, %dma_wait3A_195, %dma_wait3A_196] : memref<4x128x32xf32, #tpu.memory_space<vmem>> -> memref<1x128x32xf32, #tpu.memory_space<vmem>>
      %dma_wait3A_198 = tpu.memref_squeeze %dma_wait3A_197 : memref<1x128x32xf32, #tpu.memory_space<vmem>> -> memref<128x32xf32, #tpu.memory_space<vmem>>
      %dma_wait3A_199 = arith.constant 0 : i32
      %dma_wait3A_200 = tpu.memref_slice %arg6[%dma_wait3A_192, %dma_wait3A_199] : memref<80x128xi32, #tpu.memory_space<vmem>> -> memref<1x128xi32, #tpu.memory_space<vmem>>
      %dma_wait3A_201 = tpu.memref_squeeze %dma_wait3A_200 : memref<1x128xi32, #tpu.memory_space<vmem>> -> memref<128xi32, #tpu.memory_space<vmem>>
      %dma_wait3A_202 = arith.constant 0 : i32
      %dma_wait3A_203 = arith.constant 0 : i32
      %dma_wait3A_204 = tpu.memref_slice %arg11[%dma_wait3A_202, %dma_wait3A_203] : memref<10000x32xf32, #tpu.memory_space<vmem_shared>> -> memref<10000x32xf32, #tpu.memory_space<vmem_shared>>
      %dma_wait3A_205 = tpu.memref_slice %arg12[%dma_wait3A_194] : memref<4x!tpu.dma_semaphore, #tpu.memory_space<semaphore_mem>> -> memref<1x!tpu.dma_semaphore, #tpu.memory_space<semaphore_mem>>
      %dma_wait3A_206 = tpu.memref_squeeze %dma_wait3A_205 : memref<1x!tpu.dma_semaphore, #tpu.memory_space<semaphore_mem>> -> memref<!tpu.dma_semaphore, #tpu.memory_space<semaphore_mem>>
      tpu.wait_indirect_dma semaphore(%dma_wait3A_206 : memref<!tpu.dma_semaphore, #tpu.memory_space<semaphore_mem>>) src(%dma_wait3A_204 : memref<10000x32xf32, #tpu.memory_space<vmem_shared>>) dst(%dma_wait3A_198 : memref<128x32xf32, #tpu.memory_space<vmem>>)
      %dma_start3A_207 = arith.constant 3 : i32
      %dma_start3A_208 = arith.constant 79 : i32
      %dma_start3A_209 = arith.constant 3 : i32
      %dma_start3A_210 = arith.constant 0 : i32
      %dma_start3A_211 = arith.constant 0 : i32
      %dma_start3A_212 = tpu.memref_slice %arg8[%dma_start3A_207, %dma_start3A_210, %dma_start3A_211] : memref<4x128x32xf32, #tpu.memory_space<vmem>> -> memref<1x128x32xf32, #tpu.memory_space<vmem>>
      %dma_start3A_213 = tpu.memref_squeeze %dma_start3A_212 : memref<1x128x32xf32, #tpu.memory_space<vmem>> -> memref<128x32xf32, #tpu.memory_space<vmem>>
      %dma_start3A_214 = arith.constant 0 : i32
      %dma_start3A_215 = tpu.memref_slice %arg7[%dma_start3A_208, %dma_start3A_214] : memref<80x128xi32, #tpu.memory_space<vmem>> -> memref<1x128xi32, #tpu.memory_space<vmem>>
      %dma_start3A_216 = tpu.memref_squeeze %dma_start3A_215 : memref<1x128xi32, #tpu.memory_space<vmem>> -> memref<128xi32, #tpu.memory_space<vmem>>
      %dma_start3A_217 = arith.constant 0 : i32
      %dma_start3A_218 = arith.constant 0 : i32
      %dma_start3A_219 = tpu.memref_slice %arg10[%dma_start3A_217, %dma_start3A_218] : memref<10240x32xf32, #tpu.memory_space<vmem_shared>> -> memref<10240x32xf32, #tpu.memory_space<vmem_shared>>
      %dma_start3A_220 = tpu.memref_slice %arg13[%dma_start3A_209] : memref<4x!tpu.dma_semaphore, #tpu.memory_space<semaphore_mem>> -> memref<1x!tpu.dma_semaphore, #tpu.memory_space<semaphore_mem>>
      %dma_start3A_221 = tpu.memref_squeeze %dma_start3A_220 : memref<1x!tpu.dma_semaphore, #tpu.memory_space<semaphore_mem>> -> memref<!tpu.dma_semaphore, #tpu.memory_space<semaphore_mem>>
      tpu.enqueue_indirect_dma source(%dma_start3A_213 : memref<128x32xf32, #tpu.memory_space<vmem>>) target(%dma_start3A_219 : memref<10240x32xf32, #tpu.memory_space<vmem_shared>>) offsets(%dma_start3A_216 : memref<128xi32, #tpu.memory_space<vmem>>) semaphore(%dma_start3A_221 : memref<!tpu.dma_semaphore, #tpu.memory_space<semaphore_mem>>) {add = true}
      %dma_wait3A_222 = arith.constant 0 : i32
      %dma_wait3A_223 = arith.constant 0 : i32
      %dma_wait3A_224 = arith.constant 0 : i32
      %dma_wait3A_225 = arith.constant 0 : i32
      %dma_wait3A_226 = arith.constant 0 : i32
      %dma_wait3A_227 = tpu.memref_slice %arg8[%dma_wait3A_222, %dma_wait3A_225, %dma_wait3A_226] : memref<4x128x32xf32, #tpu.memory_space<vmem>> -> memref<1x128x32xf32, #tpu.memory_space<vmem>>
      %dma_wait3A_228 = tpu.memref_squeeze %dma_wait3A_227 : memref<1x128x32xf32, #tpu.memory_space<vmem>> -> memref<128x32xf32, #tpu.memory_space<vmem>>
      %dma_wait3A_229 = arith.constant 0 : i32
      %dma_wait3A_230 = tpu.memref_slice %arg7[%dma_wait3A_223, %dma_wait3A_229] : memref<80x128xi32, #tpu.memory_space<vmem>> -> memref<1x128xi32, #tpu.memory_space<vmem>>
      %dma_wait3A_231 = tpu.memref_squeeze %dma_wait3A_230 : memref<1x128xi32, #tpu.memory_space<vmem>> -> memref<128xi32, #tpu.memory_space<vmem>>
      %dma_wait3A_232 = arith.constant 0 : i32
      %dma_wait3A_233 = arith.constant 0 : i32
      %dma_wait3A_234 = tpu.memref_slice %arg10[%dma_wait3A_232, %dma_wait3A_233] : memref<10240x32xf32, #tpu.memory_space<vmem_shared>> -> memref<10240x32xf32, #tpu.memory_space<vmem_shared>>
      %dma_wait3A_235 = tpu.memref_slice %arg13[%dma_wait3A_224] : memref<4x!tpu.dma_semaphore, #tpu.memory_space<semaphore_mem>> -> memref<1x!tpu.dma_semaphore, #tpu.memory_space<semaphore_mem>>
      %dma_wait3A_236 = tpu.memref_squeeze %dma_wait3A_235 : memref<1x!tpu.dma_semaphore, #tpu.memory_space<semaphore_mem>> -> memref<!tpu.dma_semaphore, #tpu.memory_space<semaphore_mem>>
      tpu.wait_indirect_dma semaphore(%dma_wait3A_236 : memref<!tpu.dma_semaphore, #tpu.memory_space<semaphore_mem>>) src(%dma_wait3A_228 : memref<128x32xf32, #tpu.memory_space<vmem>>) dst(%dma_wait3A_234 : memref<10240x32xf32, #tpu.memory_space<vmem_shared>>)
      %dma_wait3A_237 = arith.constant 1 : i32
      %dma_wait3A_238 = arith.constant 0 : i32
      %dma_wait3A_239 = arith.constant 1 : i32
      %dma_wait3A_240 = arith.constant 0 : i32
      %dma_wait3A_241 = arith.constant 0 : i32
      %dma_wait3A_242 = tpu.memref_slice %arg8[%dma_wait3A_237, %dma_wait3A_240, %dma_wait3A_241] : memref<4x128x32xf32, #tpu.memory_space<vmem>> -> memref<1x128x32xf32, #tpu.memory_space<vmem>>
      %dma_wait3A_243 = tpu.memref_squeeze %dma_wait3A_242 : memref<1x128x32xf32, #tpu.memory_space<vmem>> -> memref<128x32xf32, #tpu.memory_space<vmem>>
      %dma_wait3A_244 = arith.constant 0 : i32
      %dma_wait3A_245 = tpu.memref_slice %arg7[%dma_wait3A_238, %dma_wait3A_244] : memref<80x128xi32, #tpu.memory_space<vmem>> -> memref<1x128xi32, #tpu.memory_space<vmem>>
      %dma_wait3A_246 = tpu.memref_squeeze %dma_wait3A_245 : memref<1x128xi32, #tpu.memory_space<vmem>> -> memref<128xi32, #tpu.memory_space<vmem>>
      %dma_wait3A_247 = arith.constant 0 : i32
      %dma_wait3A_248 = arith.constant 0 : i32
      %dma_wait3A_249 = tpu.memref_slice %arg10[%dma_wait3A_247, %dma_wait3A_248] : memref<10240x32xf32, #tpu.memory_space<vmem_shared>> -> memref<10240x32xf32, #tpu.memory_space<vmem_shared>>
      %dma_wait3A_250 = tpu.memref_slice %arg13[%dma_wait3A_239] : memref<4x!tpu.dma_semaphore, #tpu.memory_space<semaphore_mem>> -> memref<1x!tpu.dma_semaphore, #tpu.memory_space<semaphore_mem>>
      %dma_wait3A_251 = tpu.memref_squeeze %dma_wait3A_250 : memref<1x!tpu.dma_semaphore, #tpu.memory_space<semaphore_mem>> -> memref<!tpu.dma_semaphore, #tpu.memory_space<semaphore_mem>>
      tpu.wait_indirect_dma semaphore(%dma_wait3A_251 : memref<!tpu.dma_semaphore, #tpu.memory_space<semaphore_mem>>) src(%dma_wait3A_243 : memref<128x32xf32, #tpu.memory_space<vmem>>) dst(%dma_wait3A_249 : memref<10240x32xf32, #tpu.memory_space<vmem_shared>>)
      %dma_wait3A_252 = arith.constant 2 : i32
      %dma_wait3A_253 = arith.constant 0 : i32
      %dma_wait3A_254 = arith.constant 2 : i32
      %dma_wait3A_255 = arith.constant 0 : i32
      %dma_wait3A_256 = arith.constant 0 : i32
      %dma_wait3A_257 = tpu.memref_slice %arg8[%dma_wait3A_252, %dma_wait3A_255, %dma_wait3A_256] : memref<4x128x32xf32, #tpu.memory_space<vmem>> -> memref<1x128x32xf32, #tpu.memory_space<vmem>>
      %dma_wait3A_258 = tpu.memref_squeeze %dma_wait3A_257 : memref<1x128x32xf32, #tpu.memory_space<vmem>> -> memref<128x32xf32, #tpu.memory_space<vmem>>
      %dma_wait3A_259 = arith.constant 0 : i32
      %dma_wait3A_260 = tpu.memref_slice %arg7[%dma_wait3A_253, %dma_wait3A_259] : memref<80x128xi32, #tpu.memory_space<vmem>> -> memref<1x128xi32, #tpu.memory_space<vmem>>
      %dma_wait3A_261 = tpu.memref_squeeze %dma_wait3A_260 : memref<1x128xi32, #tpu.memory_space<vmem>> -> memref<128xi32, #tpu.memory_space<vmem>>
      %dma_wait3A_262 = arith.constant 0 : i32
      %dma_wait3A_263 = arith.constant 0 : i32
      %dma_wait3A_264 = tpu.memref_slice %arg10[%dma_wait3A_262, %dma_wait3A_263] : memref<10240x32xf32, #tpu.memory_space<vmem_shared>> -> memref<10240x32xf32, #tpu.memory_space<vmem_shared>>
      %dma_wait3A_265 = tpu.memref_slice %arg13[%dma_wait3A_254] : memref<4x!tpu.dma_semaphore, #tpu.memory_space<semaphore_mem>> -> memref<1x!tpu.dma_semaphore, #tpu.memory_space<semaphore_mem>>
      %dma_wait3A_266 = tpu.memref_squeeze %dma_wait3A_265 : memref<1x!tpu.dma_semaphore, #tpu.memory_space<semaphore_mem>> -> memref<!tpu.dma_semaphore, #tpu.memory_space<semaphore_mem>>
      tpu.wait_indirect_dma semaphore(%dma_wait3A_266 : memref<!tpu.dma_semaphore, #tpu.memory_space<semaphore_mem>>) src(%dma_wait3A_258 : memref<128x32xf32, #tpu.memory_space<vmem>>) dst(%dma_wait3A_264 : memref<10240x32xf32, #tpu.memory_space<vmem_shared>>)
      %dma_wait3A_267 = arith.constant 3 : i32
      %dma_wait3A_268 = arith.constant 0 : i32
      %dma_wait3A_269 = arith.constant 3 : i32
      %dma_wait3A_270 = arith.constant 0 : i32
      %dma_wait3A_271 = arith.constant 0 : i32
      %dma_wait3A_272 = tpu.memref_slice %arg8[%dma_wait3A_267, %dma_wait3A_270, %dma_wait3A_271] : memref<4x128x32xf32, #tpu.memory_space<vmem>> -> memref<1x128x32xf32, #tpu.memory_space<vmem>>
      %dma_wait3A_273 = tpu.memref_squeeze %dma_wait3A_272 : memref<1x128x32xf32, #tpu.memory_space<vmem>> -> memref<128x32xf32, #tpu.memory_space<vmem>>
      %dma_wait3A_274 = arith.constant 0 : i32
      %dma_wait3A_275 = tpu.memref_slice %arg7[%dma_wait3A_268, %dma_wait3A_274] : memref<80x128xi32, #tpu.memory_space<vmem>> -> memref<1x128xi32, #tpu.memory_space<vmem>>
      %dma_wait3A_276 = tpu.memref_squeeze %dma_wait3A_275 : memref<1x128xi32, #tpu.memory_space<vmem>> -> memref<128xi32, #tpu.memory_space<vmem>>
      %dma_wait3A_277 = arith.constant 0 : i32
      %dma_wait3A_278 = arith.constant 0 : i32
      %dma_wait3A_279 = tpu.memref_slice %arg10[%dma_wait3A_277, %dma_wait3A_278] : memref<10240x32xf32, #tpu.memory_space<vmem_shared>> -> memref<10240x32xf32, #tpu.memory_space<vmem_shared>>
      %dma_wait3A_280 = tpu.memref_slice %arg13[%dma_wait3A_269] : memref<4x!tpu.dma_semaphore, #tpu.memory_space<semaphore_mem>> -> memref<1x!tpu.dma_semaphore, #tpu.memory_space<semaphore_mem>>
      %dma_wait3A_281 = tpu.memref_squeeze %dma_wait3A_280 : memref<1x!tpu.dma_semaphore, #tpu.memory_space<semaphore_mem>> -> memref<!tpu.dma_semaphore, #tpu.memory_space<semaphore_mem>>
      tpu.wait_indirect_dma semaphore(%dma_wait3A_281 : memref<!tpu.dma_semaphore, #tpu.memory_space<semaphore_mem>>) src(%dma_wait3A_273 : memref<128x32xf32, #tpu.memory_space<vmem>>) dst(%dma_wait3A_279 : memref<10240x32xf32, #tpu.memory_space<vmem_shared>>)
      %barrier3A_282 = arith.constant 0 : index
      tpu.barrier barrier_id(%barrier3A_282)
      %mul3A_283 = arith.constant 640 : i32
      %mul3A_284 = arith.muli %arg1, %mul3A_283 : i32
      %mul3A_285 = arith.constant 32 : i32
      %mul3A_286 = arith.muli %add3A_14, %mul3A_285 : i32
      "tpu.region"() ({
        %run_scoped3A = tpu.sem_alloc : memref<!tpu.dma_semaphore, #tpu.memory_space<semaphore_mem>>
        %dma_start3A_288 = tpu.memref_slice %arg5[%arg0, %mul3A_284, %mul3A_286] : memref<2x10240x128xf32, #tpu.memory_space<hbm>> -> memref<1x640x32xf32, #tpu.memory_space<hbm>>
        %dma_start3A_289 = tpu.memref_squeeze %dma_start3A_288 : memref<1x640x32xf32, #tpu.memory_space<hbm>> -> memref<640x32xf32, #tpu.memory_space<hbm>>
        %dma_start3A_290 = arith.constant 0 : i32
        %dma_start3A_291 = tpu.memref_slice %arg10[%mul3A_284, %dma_start3A_290] : memref<10240x32xf32, #tpu.memory_space<vmem_shared>> -> memref<640x32xf32, #tpu.memory_space<vmem_shared>>
        tpu.enqueue_dma source(%dma_start3A_291 : memref<640x32xf32, #tpu.memory_space<vmem_shared>>) target(%dma_start3A_289 : memref<640x32xf32, #tpu.memory_space<hbm>>) target_semaphore(%run_scoped3A : memref<!tpu.dma_semaphore, #tpu.memory_space<semaphore_mem>>)
        %dma_wait3A_292 = tpu.memref_slice %arg5[%arg0, %mul3A_284, %mul3A_286] : memref<2x10240x128xf32, #tpu.memory_space<hbm>> -> memref<1x640x32xf32, #tpu.memory_space<hbm>>
        %dma_wait3A_293 = tpu.memref_squeeze %dma_wait3A_292 : memref<1x640x32xf32, #tpu.memory_space<hbm>> -> memref<640x32xf32, #tpu.memory_space<hbm>>
        %dma_wait3A_294 = arith.constant 0 : i32
        %dma_wait3A_295 = tpu.memref_slice %arg10[%mul3A_284, %dma_wait3A_294] : memref<10240x32xf32, #tpu.memory_space<vmem_shared>> -> memref<640x32xf32, #tpu.memory_space<vmem_shared>>
        tpu.wait_dma2 semaphore(%run_scoped3A : memref<!tpu.dma_semaphore, #tpu.memory_space<semaphore_mem>>) src(%dma_wait3A_295 : memref<640x32xf32, #tpu.memory_space<vmem_shared>>) dst(%dma_wait3A_293 : memref<640x32xf32, #tpu.memory_space<hbm>>)
        tpu.yield
      }) : () -> ()
      %barrier3A_287 = arith.constant 0 : index
      tpu.barrier barrier_id(%barrier3A_287)
    }
    %scan3A_9 = arith.constant 2 : i32
    return
  }
}

#map = affine_map<(d0, d1) -> (0, 0)>
#map1 = affine_map<(d0, d1) -> (0, 0, 0)>
module attributes {stable_mosaic.version = 14 : i64} {
  func.func @body(%arg0: i32, %arg1: i32, %arg2: memref<10000x128xf32, #tpu.memory_space<hbm>>, %arg3: memref<32x80x128xi32, #tpu.memory_space<hbm>>, %arg4: memref<32x80x128xi32, #tpu.memory_space<hbm>>, %arg5: memref<2x10240x128xf32, #tpu.memory_space<hbm>>, %arg6: memref<80x128xi32, #tpu.memory_space<vmem>>, %arg7: memref<80x128xi32, #tpu.memory_space<vmem>>, %arg8: memref<4x128x32xf32, #tpu.memory_space<vmem>>, %arg9: memref<128x32xf32, #tpu.memory_space<vmem>>, %arg10: memref<10240x32xf32, #tpu.memory_space<vmem_shared>>, %arg11: memref<10000x32xf32, #tpu.memory_space<vmem_shared>>, %arg12: memref<4x!tpu.dma_semaphore, #tpu.memory_space<semaphore_mem>>, %arg13: memref<4x!tpu.dma_semaphore, #tpu.memory_space<semaphore_mem>>) attributes {dimension_semantics = [#tpu.dimension_semantics<core_parallel>, #tpu.dimension_semantics<subcore_parallel>], iteration_bounds = array<i64: 2, 16>, scalar_prefetch = 0 : i64, scratch_operands = 8 : i64, tpu.core_type = #tpu.core_type<sc_vector_subcore>, window_params = [{transform_indices = #map}, {transform_indices = #map1}, {transform_indices = #map1}, {transform_indices = #map1}]} {
    %mul3A = arith.constant 2 : i32
    %mul3A_0 = arith.muli %arg1, %mul3A : i32
    %add3A = arith.addi %mul3A_0, %arg0 : i32
    %scan3A = arith.constant 0 : i32
    %scan3A_1 = arith.constant 128 : i32
    %scan3A_2 = arith.addi %scan3A, %scan3A_1 : i32
    %scan3A_3 = arith.constant 1 : i32
    scf.for %scan3A_10 = %scan3A to %scan3A_2 step %scan3A_3  : i32 {
      %mul3A_11 = arith.constant 1 : i32
      %mul3A_12 = arith.muli %scan3A_10, %mul3A_11 : i32
      %add3A_13 = arith.constant 0 : i32
      %add3A_14 = arith.addi %add3A_13, %mul3A_12 : i32
      %broadcast_in_dim3A = arith.constant 0.000000e+00 : f32
      %broadcast_in_dim3A_15 = vector.broadcast %broadcast_in_dim3A : f32 to vector<16xf32>
      %swap3A = arith.index_cast %add3A_14 : i32 to index
      %swap3A_16 = arith.constant 0 : index
      %swap3A_17 = tpu.vector_load %arg9[%swap3A, %swap3A_16] {strides = array<i32>} : memref<128x32xf32, #tpu.memory_space<vmem>>, vector<1x16xf32>,
      %swap3A_18 = vector.shape_cast %swap3A_17 : vector<1x16xf32> to vector<16xf32>
      %swap3A_19 = vector.shape_cast %broadcast_in_dim3A_15 : vector<16xf32> to vector<1x16xf32>
      tpu.vector_store %arg9[%swap3A, %swap3A_16], %swap3A_19 {strides = array<i32>} : memref<128x32xf32, #tpu.memory_space<vmem>>, vector<1x16xf32>,
      %broadcast_in_dim3A_20 = arith.constant 0.000000e+00 : f32
      %broadcast_in_dim3A_21 = vector.broadcast %broadcast_in_dim3A_20 : f32 to vector<16xf32>
      %swap3A_22 = arith.index_cast %add3A_14 : i32 to index
      %swap3A_23 = arith.constant 16 : index
      %swap3A_24 = tpu.vector_load %arg9[%swap3A_22, %swap3A_23] {strides = array<i32>} : memref<128x32xf32, #tpu.memory_space<vmem>>, vector<1x16xf32>,
      %swap3A_25 = vector.shape_cast %swap3A_24 : vector<1x16xf32> to vector<16xf32>
      %swap3A_26 = vector.shape_cast %broadcast_in_dim3A_21 : vector<16xf32> to vector<1x16xf32>
      tpu.vector_store %arg9[%swap3A_22, %swap3A_23], %swap3A_26 {strides = array<i32>} : memref<128x32xf32, #tpu.memory_space<vmem>>, vector<1x16xf32>,
    }
    %scan3A_4 = arith.constant 128 : i32
    "tpu.region"() ({
      %run_scoped3A = tpu.sem_alloc : memref<!tpu.dma_semaphore, #tpu.memory_space<semaphore_mem>>
      %dma_start3A = arith.constant 0 : i32
      %dma_start3A_10 = arith.constant 0 : i32
      %dma_start3A_11 = tpu.memref_slice %arg3[%add3A, %dma_start3A, %dma_start3A_10] : memref<32x80x128xi32, #tpu.memory_space<hbm>> -> memref<1x80x128xi32, #tpu.memory_space<hbm>>
      %dma_start3A_12 = tpu.memref_squeeze %dma_start3A_11 : memref<1x80x128xi32, #tpu.memory_space<hbm>> -> memref<80x128xi32, #tpu.memory_space<hbm>>
      %dma_start3A_13 = arith.constant 0 : i32
      %dma_start3A_14 = arith.constant 0 : i32
      %dma_start3A_15 = tpu.memref_slice %arg3[%add3A, %dma_start3A_13, %dma_start3A_14] : memref<32x80x128xi32, #tpu.memory_space<hbm>> -> memref<1x80x128xi32, #tpu.memory_space<hbm>>
      %dma_start3A_16 = tpu.memref_squeeze %dma_start3A_15 : memref<1x80x128xi32, #tpu.memory_space<hbm>> -> memref<80x128xi32, #tpu.memory_space<hbm>>
      tpu.enqueue_dma source(%dma_start3A_16 : memref<80x128xi32, #tpu.memory_space<hbm>>) target(%arg6 : memref<80x128xi32, #tpu.memory_space<vmem>>) target_semaphore(%run_scoped3A : memref<!tpu.dma_semaphore, #tpu.memory_space<semaphore_mem>>)
      %dma_wait3A = arith.constant 0 : i32
      %dma_wait3A_17 = arith.constant 0 : i32
      %dma_wait3A_18 = tpu.memref_slice %arg3[%add3A, %dma_wait3A, %dma_wait3A_17] : memref<32x80x128xi32, #tpu.memory_space<hbm>> -> memref<1x80x128xi32, #tpu.memory_space<hbm>>
      %dma_wait3A_19 = tpu.memref_squeeze %dma_wait3A_18 : memref<1x80x128xi32, #tpu.memory_space<hbm>> -> memref<80x128xi32, #tpu.memory_space<hbm>>
      %dma_wait3A_20 = arith.constant 0 : i32
      %dma_wait3A_21 = arith.constant 0 : i32
      %dma_wait3A_22 = tpu.memref_slice %arg3[%add3A, %dma_wait3A_20, %dma_wait3A_21] : memref<32x80x128xi32, #tpu.memory_space<hbm>> -> memref<1x80x128xi32, #tpu.memory_space<hbm>>
      %dma_wait3A_23 = tpu.memref_squeeze %dma_wait3A_22 : memref<1x80x128xi32, #tpu.memory_space<hbm>> -> memref<80x128xi32, #tpu.memory_space<hbm>>
      tpu.wait_dma2 semaphore(%run_scoped3A : memref<!tpu.dma_semaphore, #tpu.memory_space<semaphore_mem>>) src(%dma_wait3A_23 : memref<80x128xi32, #tpu.memory_space<hbm>>) dst(%arg6 : memref<80x128xi32, #tpu.memory_space<vmem>>)
      tpu.yield
    }) : () -> ()
    "tpu.region"() ({
      %run_scoped3A = tpu.sem_alloc : memref<!tpu.dma_semaphore, #tpu.memory_space<semaphore_mem>>
      %dma_start3A = arith.constant 0 : i32
      %dma_start3A_10 = arith.constant 0 : i32
      %dma_start3A_11 = tpu.memref_slice %arg4[%add3A, %dma_start3A, %dma_start3A_10] : memref<32x80x128xi32, #tpu.memory_space<hbm>> -> memref<1x80x128xi32, #tpu.memory_space<hbm>>
      %dma_start3A_12 = tpu.memref_squeeze %dma_start3A_11 : memref<1x80x128xi32, #tpu.memory_space<hbm>> -> memref<80x128xi32, #tpu.memory_space<hbm>>
      %dma_start3A_13 = arith.constant 0 : i32
      %dma_start3A_14 = arith.constant 0 : i32
      %dma_start3A_15 = tpu.memref_slice %arg4[%add3A, %dma_start3A_13, %dma_start3A_14] : memref<32x80x128xi32, #tpu.memory_space<hbm>> -> memref<1x80x128xi32, #tpu.memory_space<hbm>>
      %dma_start3A_16 = tpu.memref_squeeze %dma_start3A_15 : memref<1x80x128xi32, #tpu.memory_space<hbm>> -> memref<80x128xi32, #tpu.memory_space<hbm>>
      tpu.enqueue_dma source(%dma_start3A_16 : memref<80x128xi32, #tpu.memory_space<hbm>>) target(%arg7 : memref<80x128xi32, #tpu.memory_space<vmem>>) target_semaphore(%run_scoped3A : memref<!tpu.dma_semaphore, #tpu.memory_space<semaphore_mem>>)
      %dma_wait3A = arith.constant 0 : i32
      %dma_wait3A_17 = arith.constant 0 : i32
      %dma_wait3A_18 = tpu.memref_slice %arg4[%add3A, %dma_wait3A, %dma_wait3A_17] : memref<32x80x128xi32, #tpu.memory_space<hbm>> -> memref<1x80x128xi32, #tpu.memory_space<hbm>>
      %dma_wait3A_19 = tpu.memref_squeeze %dma_wait3A_18 : memref<1x80x128xi32, #tpu.memory_space<hbm>> -> memref<80x128xi32, #tpu.memory_space<hbm>>
      %dma_wait3A_20 = arith.constant 0 : i32
      %dma_wait3A_21 = arith.constant 0 : i32
      %dma_wait3A_22 = tpu.memref_slice %arg4[%add3A, %dma_wait3A_20, %dma_wait3A_21] : memref<32x80x128xi32, #tpu.memory_space<hbm>> -> memref<1x80x128xi32, #tpu.memory_space<hbm>>
      %dma_wait3A_23 = tpu.memref_squeeze %dma_wait3A_22 : memref<1x80x128xi32, #tpu.memory_space<hbm>> -> memref<80x128xi32, #tpu.memory_space<hbm>>
      tpu.wait_dma2 semaphore(%run_scoped3A : memref<!tpu.dma_semaphore, #tpu.memory_space<semaphore_mem>>) src(%dma_wait3A_23 : memref<80x128xi32, #tpu.memory_space<hbm>>) dst(%arg7 : memref<80x128xi32, #tpu.memory_space<vmem>>)
      tpu.yield
    }) : () -> ()
    %scan3A_5 = arith.constant 0 : i32
    %scan3A_6 = arith.constant 4 : i32
    %scan3A_7 = arith.addi %scan3A_5, %scan3A_6 : i32
    %scan3A_8 = arith.constant 1 : i32
    scf.for %scan3A_10 = %scan3A_5 to %scan3A_7 step %scan3A_8  : i32 {
      %mul3A_11 = arith.constant 1 : i32
      %mul3A_12 = arith.muli %scan3A_10, %mul3A_11 : i32
      %add3A_13 = arith.constant 0 : i32
      %add3A_14 = arith.addi %add3A_13, %mul3A_12 : i32
      %mul3A_15 = arith.constant 640 : i32
      %mul3A_16 = arith.muli %arg1, %mul3A_15 : i32
      %add3A_17 = arith.constant 0 : i32
      %add3A_18 = arith.addi %mul3A_16, %add3A_17 : i32
      "tpu.region"() ({
        %run_scoped3A = tpu.sem_alloc : memref<!tpu.dma_semaphore, #tpu.memory_space<semaphore_mem>>
        %dma_start3A_288 = arith.constant 0 : i32
        %dma_start3A_289 = tpu.memref_slice %arg10[%add3A_18, %dma_start3A_288] : memref<10240x32xf32, #tpu.memory_space<vmem_shared>> -> memref<128x32xf32, #tpu.memory_space<vmem_shared>>
        %dma_start3A_290 = arith.constant 0 : i32
        %dma_start3A_291 = tpu.memref_slice %arg10[%add3A_18, %dma_start3A_290] : memref<10240x32xf32, #tpu.memory_space<vmem_shared>> -> memref<128x32xf32, #tpu.memory_space<vmem_shared>>
        tpu.enqueue_dma source(%arg9 : memref<128x32xf32, #tpu.memory_space<vmem>>) target(%dma_start3A_291 : memref<128x32xf32, #tpu.memory_space<vmem_shared>>) target_semaphore(%run_scoped3A : memref<!tpu.dma_semaphore, #tpu.memory_space<semaphore_mem>>)
        %dma_wait3A_292 = arith.constant 0 : i32
        %dma_wait3A_293 = tpu.memref_slice %arg10[%add3A_18, %dma_wait3A_292] : memref<10240x32xf32, #tpu.memory_space<vmem_shared>> -> memref<128x32xf32, #tpu.memory_space<vmem_shared>>
        %dma_wait3A_294 = arith.constant 0 : i32
        %dma_wait3A_295 = tpu.memref_slice %arg10[%add3A_18, %dma_wait3A_294] : memref<10240x32xf32, #tpu.memory_space<vmem_shared>> -> memref<128x32xf32, #tpu.memory_space<vmem_shared>>
        tpu.wait_dma2 semaphore(%run_scoped3A : memref<!tpu.dma_semaphore, #tpu.memory_space<semaphore_mem>>) src(%arg9 : memref<128x32xf32, #tpu.memory_space<vmem>>) dst(%dma_wait3A_295 : memref<128x32xf32, #tpu.memory_space<vmem_shared>>)
        tpu.yield
      }) : () -> ()
      %mul3A_19 = arith.constant 640 : i32
      %mul3A_20 = arith.muli %arg1, %mul3A_19 : i32
      %add3A_21 = arith.constant 128 : i32
      %add3A_22 = arith.addi %mul3A_20, %add3A_21 : i32
      "tpu.region"() ({
        %run_scoped3A = tpu.sem_alloc : memref<!tpu.dma_semaphore, #tpu.memory_space<semaphore_mem>>
        %dma_start3A_288 = arith.constant 0 : i32
        %dma_start3A_289 = tpu.memref_slice %arg10[%add3A_22, %dma_start3A_288] : memref<10240x32xf32, #tpu.memory_space<vmem_shared>> -> memref<128x32xf32, #tpu.memory_space<vmem_shared>>
        %dma_start3A_290 = arith.constant 0 : i32
        %dma_start3A_291 = tpu.memref_slice %arg10[%add3A_22, %dma_start3A_290] : memref<10240x32xf32, #tpu.memory_space<vmem_shared>> -> memref<128x32xf32, #tpu.memory_space<vmem_shared>>
        tpu.enqueue_dma source(%arg9 : memref<128x32xf32, #tpu.memory_space<vmem>>) target(%dma_start3A_291 : memref<128x32xf32, #tpu.memory_space<vmem_shared>>) target_semaphore(%run_scoped3A : memref<!tpu.dma_semaphore, #tpu.memory_space<semaphore_mem>>)
        %dma_wait3A_292 = arith.constant 0 : i32
        %dma_wait3A_293 = tpu.memref_slice %arg10[%add3A_22, %dma_wait3A_292] : memref<10240x32xf32, #tpu.memory_space<vmem_shared>> -> memref<128x32xf32, #tpu.memory_space<vmem_shared>>
        %dma_wait3A_294 = arith.constant 0 : i32
        %dma_wait3A_295 = tpu.memref_slice %arg10[%add3A_22, %dma_wait3A_294] : memref<10240x32xf32, #tpu.memory_space<vmem_shared>> -> memref<128x32xf32, #tpu.memory_space<vmem_shared>>
        tpu.wait_dma2 semaphore(%run_scoped3A : memref<!tpu.dma_semaphore, #tpu.memory_space<semaphore_mem>>) src(%arg9 : memref<128x32xf32, #tpu.memory_space<vmem>>) dst(%dma_wait3A_295 : memref<128x32xf32, #tpu.memory_space<vmem_shared>>)
        tpu.yield
      }) : () -> ()
      %mul3A_23 = arith.constant 640 : i32
      %mul3A_24 = arith.muli %arg1, %mul3A_23 : i32
      %add3A_25 = arith.constant 256 : i32
      %add3A_26 = arith.addi %mul3A_24, %add3A_25 : i32
      "tpu.region"() ({
        %run_scoped3A = tpu.sem_alloc : memref<!tpu.dma_semaphore, #tpu.memory_space<semaphore_mem>>
        %dma_start3A_288 = arith.constant 0 : i32
        %dma_start3A_289 = tpu.memref_slice %arg10[%add3A_26, %dma_start3A_288] : memref<10240x32xf32, #tpu.memory_space<vmem_shared>> -> memref<128x32xf32, #tpu.memory_space<vmem_shared>>
        %dma_start3A_290 = arith.constant 0 : i32
        %dma_start3A_291 = tpu.memref_slice %arg10[%add3A_26, %dma_start3A_290] : memref<10240x32xf32, #tpu.memory_space<vmem_shared>> -> memref<128x32xf32, #tpu.memory_space<vmem_shared>>
        tpu.enqueue_dma source(%arg9 : memref<128x32xf32, #tpu.memory_space<vmem>>) target(%dma_start3A_291 : memref<128x32xf32, #tpu.memory_space<vmem_shared>>) target_semaphore(%run_scoped3A : memref<!tpu.dma_semaphore, #tpu.memory_space<semaphore_mem>>)
        %dma_wait3A_292 = arith.constant 0 : i32
        %dma_wait3A_293 = tpu.memref_slice %arg10[%add3A_26, %dma_wait3A_292] : memref<10240x32xf32, #tpu.memory_space<vmem_shared>> -> memref<128x32xf32, #tpu.memory_space<vmem_shared>>
        %dma_wait3A_294 = arith.constant 0 : i32
        %dma_wait3A_295 = tpu.memref_slice %arg10[%add3A_26, %dma_wait3A_294] : memref<10240x32xf32, #tpu.memory_space<vmem_shared>> -> memref<128x32xf32, #tpu.memory_space<vmem_shared>>
        tpu.wait_dma2 semaphore(%run_scoped3A : memref<!tpu.dma_semaphore, #tpu.memory_space<semaphore_mem>>) src(%arg9 : memref<128x32xf32, #tpu.memory_space<vmem>>) dst(%dma_wait3A_295 : memref<128x32xf32, #tpu.memory_space<vmem_shared>>)
        tpu.yield
      }) : () -> ()
      %mul3A_27 = arith.constant 640 : i32
      %mul3A_28 = arith.muli %arg1, %mul3A_27 : i32
      %add3A_29 = arith.constant 384 : i32
      %add3A_30 = arith.addi %mul3A_28, %add3A_29 : i32
      "tpu.region"() ({
        %run_scoped3A = tpu.sem_alloc : memref<!tpu.dma_semaphore, #tpu.memory_space<semaphore_mem>>
        %dma_start3A_288 = arith.constant 0 : i32
        %dma_start3A_289 = tpu.memref_slice %arg10[%add3A_30, %dma_start3A_288] : memref<10240x32xf32, #tpu.memory_space<vmem_shared>> -> memref<128x32xf32, #tpu.memory_space<vmem_shared>>
        %dma_start3A_290 = arith.constant 0 : i32
        %dma_start3A_291 = tpu.memref_slice %arg10[%add3A_30, %dma_start3A_290] : memref<10240x32xf32, #tpu.memory_space<vmem_shared>> -> memref<128x32xf32, #tpu.memory_space<vmem_shared>>
        tpu.enqueue_dma source(%arg9 : memref<128x32xf32, #tpu.memory_space<vmem>>) target(%dma_start3A_291 : memref<128x32xf32, #tpu.memory_space<vmem_shared>>) target_semaphore(%run_scoped3A : memref<!tpu.dma_semaphore, #tpu.memory_space<semaphore_mem>>)
        %dma_wait3A_292 = arith.constant 0 : i32
        %dma_wait3A_293 = tpu.memref_slice %arg10[%add3A_30, %dma_wait3A_292] : memref<10240x32xf32, #tpu.memory_space<vmem_shared>> -> memref<128x32xf32, #tpu.memory_space<vmem_shared>>
        %dma_wait3A_294 = arith.constant 0 : i32
        %dma_wait3A_295 = tpu.memref_slice %arg10[%add3A_30, %dma_wait3A_294] : memref<10240x32xf32, #tpu.memory_space<vmem_shared>> -> memref<128x32xf32, #tpu.memory_space<vmem_shared>>
        tpu.wait_dma2 semaphore(%run_scoped3A : memref<!tpu.dma_semaphore, #tpu.memory_space<semaphore_mem>>) src(%arg9 : memref<128x32xf32, #tpu.memory_space<vmem>>) dst(%dma_wait3A_295 : memref<128x32xf32, #tpu.memory_space<vmem_shared>>)
        tpu.yield
      }) : () -> ()
      %mul3A_31 = arith.constant 640 : i32
      %mul3A_32 = arith.muli %arg1, %mul3A_31 : i32
      %add3A_33 = arith.constant 512 : i32
      %add3A_34 = arith.addi %mul3A_32, %add3A_33 : i32
      "tpu.region"() ({
        %run_scoped3A = tpu.sem_alloc : memref<!tpu.dma_semaphore, #tpu.memory_space<semaphore_mem>>
        %dma_start3A_288 = arith.constant 0 : i32
        %dma_start3A_289 = tpu.memref_slice %arg10[%add3A_34, %dma_start3A_288] : memref<10240x32xf32, #tpu.memory_space<vmem_shared>> -> memref<128x32xf32, #tpu.memory_space<vmem_shared>>
        %dma_start3A_290 = arith.constant 0 : i32
        %dma_start3A_291 = tpu.memref_slice %arg10[%add3A_34, %dma_start3A_290] : memref<10240x32xf32, #tpu.memory_space<vmem_shared>> -> memref<128x32xf32, #tpu.memory_space<vmem_shared>>
        tpu.enqueue_dma source(%arg9 : memref<128x32xf32, #tpu.memory_space<vmem>>) target(%dma_start3A_291 : memref<128x32xf32, #tpu.memory_space<vmem_shared>>) target_semaphore(%run_scoped3A : memref<!tpu.dma_semaphore, #tpu.memory_space<semaphore_mem>>)
        %dma_wait3A_292 = arith.constant 0 : i32
        %dma_wait3A_293 = tpu.memref_slice %arg10[%add3A_34, %dma_wait3A_292] : memref<10240x32xf32, #tpu.memory_space<vmem_shared>> -> memref<128x32xf32, #tpu.memory_space<vmem_shared>>
        %dma_wait3A_294 = arith.constant 0 : i32
        %dma_wait3A_295 = tpu.memref_slice %arg10[%add3A_34, %dma_wait3A_294] : memref<10240x32xf32, #tpu.memory_space<vmem_shared>> -> memref<128x32xf32, #tpu.memory_space<vmem_shared>>
        tpu.wait_dma2 semaphore(%run_scoped3A : memref<!tpu.dma_semaphore, #tpu.memory_space<semaphore_mem>>) src(%arg9 : memref<128x32xf32, #tpu.memory_space<vmem>>) dst(%dma_wait3A_295 : memref<128x32xf32, #tpu.memory_space<vmem_shared>>)
        tpu.yield
      }) : () -> ()
      %mul3A_35 = arith.constant 625 : i32
      %mul3A_36 = arith.muli %arg1, %mul3A_35 : i32
      %mul3A_37 = arith.constant 32 : i32
      %mul3A_38 = arith.muli %add3A_14, %mul3A_37 : i32
      "tpu.region"() ({
        %run_scoped3A = tpu.sem_alloc : memref<!tpu.dma_semaphore, #tpu.memory_space<semaphore_mem>>
        %dma_start3A_288 = arith.constant 0 : i32
        %dma_start3A_289 = tpu.memref_slice %arg11[%mul3A_36, %dma_start3A_288] : memref<10000x32xf32, #tpu.memory_space<vmem_shared>> -> memref<625x32xf32, #tpu.memory_space<vmem_shared>>
        %dma_start3A_290 = tpu.memref_slice %arg2[%mul3A_36, %mul3A_38] : memref<10000x128xf32, #tpu.memory_space<hbm>> -> memref<625x32xf32, #tpu.memory_space<hbm>>
        tpu.enqueue_dma source(%dma_start3A_290 : memref<625x32xf32, #tpu.memory_space<hbm>>) target(%dma_start3A_289 : memref<625x32xf32, #tpu.memory_space<vmem_shared>>) target_semaphore(%run_scoped3A : memref<!tpu.dma_semaphore, #tpu.memory_space<semaphore_mem>>)
        %dma_wait3A_291 = arith.constant 0 : i32
        %dma_wait3A_292 = tpu.memref_slice %arg11[%mul3A_36, %dma_wait3A_291] : memref<10000x32xf32, #tpu.memory_space<vmem_shared>> -> memref<625x32xf32, #tpu.memory_space<vmem_shared>>
        %dma_wait3A_293 = tpu.memref_slice %arg2[%mul3A_36, %mul3A_38] : memref<10000x128xf32, #tpu.memory_space<hbm>> -> memref<625x32xf32, #tpu.memory_space<hbm>>
        tpu.wait_dma2 semaphore(%run_scoped3A : memref<!tpu.dma_semaphore, #tpu.memory_space<semaphore_mem>>) src(%dma_wait3A_293 : memref<625x32xf32, #tpu.memory_space<hbm>>) dst(%dma_wait3A_292 : memref<625x32xf32, #tpu.memory_space<vmem_shared>>)
        tpu.yield
      }) : () -> ()
      %barrier3A = arith.constant 0 : index
      tpu.barrier barrier_id(%barrier3A)
      %dma_start3A = arith.constant 0 : i32
      %dma_start3A_39 = arith.constant 0 : i32
      %dma_start3A_40 = arith.constant 0 : i32
      %dma_start3A_41 = arith.constant 0 : i32
      %dma_start3A_42 = arith.constant 0 : i32
      %dma_start3A_43 = tpu.memref_slice %arg8[%dma_start3A_39, %dma_start3A_41, %dma_start3A_42] : memref<4x128x32xf32, #tpu.memory_space<vmem>> -> memref<1x128x32xf32, #tpu.memory_space<vmem>>
      %dma_start3A_44 = tpu.memref_squeeze %dma_start3A_43 : memref<1x128x32xf32, #tpu.memory_space<vmem>> -> memref<128x32xf32, #tpu.memory_space<vmem>>
      %dma_start3A_45 = arith.constant 0 : i32
      %dma_start3A_46 = tpu.memref_slice %arg6[%dma_start3A, %dma_start3A_45] : memref<80x128xi32, #tpu.memory_space<vmem>> -> memref<1x128xi32, #tpu.memory_space<vmem>>
      %dma_start3A_47 = tpu.memref_squeeze %dma_start3A_46 : memref<1x128xi32, #tpu.memory_space<vmem>> -> memref<128xi32, #tpu.memory_space<vmem>>
      %dma_start3A_48 = arith.constant 0 : i32
      %dma_start3A_49 = arith.constant 0 : i32
      %dma_start3A_50 = tpu.memref_slice %arg11[%dma_start3A_48, %dma_start3A_49] : memref<10000x32xf32, #tpu.memory_space<vmem_shared>> -> memref<10000x32xf32, #tpu.memory_space<vmem_shared>>
      %dma_start3A_51 = tpu.memref_slice %arg12[%dma_start3A_40] : memref<4x!tpu.dma_semaphore, #tpu.memory_space<semaphore_mem>> -> memref<1x!tpu.dma_semaphore, #tpu.memory_space<semaphore_mem>>
      %dma_start3A_52 = tpu.memref_squeeze %dma_start3A_51 : memref<1x!tpu.dma_semaphore, #tpu.memory_space<semaphore_mem>> -> memref<!tpu.dma_semaphore, #tpu.memory_space<semaphore_mem>>
      tpu.enqueue_indirect_dma source(%dma_start3A_50 : memref<10000x32xf32, #tpu.memory_space<vmem_shared>>) target(%dma_start3A_44 : memref<128x32xf32, #tpu.memory_space<vmem>>) offsets(%dma_start3A_47 : memref<128xi32, #tpu.memory_space<vmem>>) semaphore(%dma_start3A_52 : memref<!tpu.dma_semaphore, #tpu.memory_space<semaphore_mem>>)
      %dma_start3A_53 = arith.constant 1 : i32
      %dma_start3A_54 = arith.constant 1 : i32
      %dma_start3A_55 = arith.constant 1 : i32
      %dma_start3A_56 = arith.constant 0 : i32
      %dma_start3A_57 = arith.constant 0 : i32
      %dma_start3A_58 = tpu.memref_slice %arg8[%dma_start3A_54, %dma_start3A_56, %dma_start3A_57] : memref<4x128x32xf32, #tpu.memory_space<vmem>> -> memref<1x128x32xf32, #tpu.memory_space<vmem>>
      %dma_start3A_59 = tpu.memref_squeeze %dma_start3A_58 : memref<1x128x32xf32, #tpu.memory_space<vmem>> -> memref<128x32xf32, #tpu.memory_space<vmem>>
      %dma_start3A_60 = arith.constant 0 : i32
      %dma_start3A_61 = tpu.memref_slice %arg6[%dma_start3A_53, %dma_start3A_60] : memref<80x128xi32, #tpu.memory_space<vmem>> -> memref<1x128xi32, #tpu.memory_space<vmem>>
      %dma_start3A_62 = tpu.memref_squeeze %dma_start3A_61 : memref<1x128xi32, #tpu.memory_space<vmem>> -> memref<128xi32, #tpu.memory_space<vmem>>
      %dma_start3A_63 = arith.constant 0 : i32
      %dma_start3A_64 = arith.constant 0 : i32
      %dma_start3A_65 = tpu.memref_slice %arg11[%dma_start3A_63, %dma_start3A_64] : memref<10000x32xf32, #tpu.memory_space<vmem_shared>> -> memref<10000x32xf32, #tpu.memory_space<vmem_shared>>
      %dma_start3A_66 = tpu.memref_slice %arg12[%dma_start3A_55] : memref<4x!tpu.dma_semaphore, #tpu.memory_space<semaphore_mem>> -> memref<1x!tpu.dma_semaphore, #tpu.memory_space<semaphore_mem>>
      %dma_start3A_67 = tpu.memref_squeeze %dma_start3A_66 : memref<1x!tpu.dma_semaphore, #tpu.memory_space<semaphore_mem>> -> memref<!tpu.dma_semaphore, #tpu.memory_space<semaphore_mem>>
      tpu.enqueue_indirect_dma source(%dma_start3A_65 : memref<10000x32xf32, #tpu.memory_space<vmem_shared>>) target(%dma_start3A_59 : memref<128x32xf32, #tpu.memory_space<vmem>>) offsets(%dma_start3A_62 : memref<128xi32, #tpu.memory_space<vmem>>) semaphore(%dma_start3A_67 : memref<!tpu.dma_semaphore, #tpu.memory_space<semaphore_mem>>)
      %dma_start3A_68 = arith.constant 2 : i32
      %dma_start3A_69 = arith.constant 2 : i32
      %dma_start3A_70 = arith.constant 2 : i32
      %dma_start3A_71 = arith.constant 0 : i32
      %dma_start3A_72 = arith.constant 0 : i32
      %dma_start3A_73 = tpu.memref_slice %arg8[%dma_start3A_69, %dma_start3A_71, %dma_start3A_72] : memref<4x128x32xf32, #tpu.memory_space<vmem>> -> memref<1x128x32xf32, #tpu.memory_space<vmem>>
      %dma_start3A_74 = tpu.memref_squeeze %dma_start3A_73 : memref<1x128x32xf32, #tpu.memory_space<vmem>> -> memref<128x32xf32, #tpu.memory_space<vmem>>
      %dma_start3A_75 = arith.constant 0 : i32
      %dma_start3A_76 = tpu.memref_slice %arg6[%dma_start3A_68, %dma_start3A_75] : memref<80x128xi32, #tpu.memory_space<vmem>> -> memref<1x128xi32, #tpu.memory_space<vmem>>
      %dma_start3A_77 = tpu.memref_squeeze %dma_start3A_76 : memref<1x128xi32, #tpu.memory_space<vmem>> -> memref<128xi32, #tpu.memory_space<vmem>>
      %dma_start3A_78 = arith.constant 0 : i32
      %dma_start3A_79 = arith.constant 0 : i32
      %dma_start3A_80 = tpu.memref_slice %arg11[%dma_start3A_78, %dma_start3A_79] : memref<10000x32xf32, #tpu.memory_space<vmem_shared>> -> memref<10000x32xf32, #tpu.memory_space<vmem_shared>>
      %dma_start3A_81 = tpu.memref_slice %arg12[%dma_start3A_70] : memref<4x!tpu.dma_semaphore, #tpu.memory_space<semaphore_mem>> -> memref<1x!tpu.dma_semaphore, #tpu.memory_space<semaphore_mem>>
      %dma_start3A_82 = tpu.memref_squeeze %dma_start3A_81 : memref<1x!tpu.dma_semaphore, #tpu.memory_space<semaphore_mem>> -> memref<!tpu.dma_semaphore, #tpu.memory_space<semaphore_mem>>
      tpu.enqueue_indirect_dma source(%dma_start3A_80 : memref<10000x32xf32, #tpu.memory_space<vmem_shared>>) target(%dma_start3A_74 : memref<128x32xf32, #tpu.memory_space<vmem>>) offsets(%dma_start3A_77 : memref<128xi32, #tpu.memory_space<vmem>>) semaphore(%dma_start3A_82 : memref<!tpu.dma_semaphore, #tpu.memory_space<semaphore_mem>>)
      %dma_start3A_83 = arith.constant 3 : i32
      %dma_start3A_84 = arith.constant 3 : i32
      %dma_start3A_85 = arith.constant 3 : i32
      %dma_start3A_86 = arith.constant 0 : i32
      %dma_start3A_87 = arith.constant 0 : i32
      %dma_start3A_88 = tpu.memref_slice %arg8[%dma_start3A_84, %dma_start3A_86, %dma_start3A_87] : memref<4x128x32xf32, #tpu.memory_space<vmem>> -> memref<1x128x32xf32, #tpu.memory_space<vmem>>
      %dma_start3A_89 = tpu.memref_squeeze %dma_start3A_88 : memref<1x128x32xf32, #tpu.memory_space<vmem>> -> memref<128x32xf32, #tpu.memory_space<vmem>>
      %dma_start3A_90 = arith.constant 0 : i32
      %dma_start3A_91 = tpu.memref_slice %arg6[%dma_start3A_83, %dma_start3A_90] : memref<80x128xi32, #tpu.memory_space<vmem>> -> memref<1x128xi32, #tpu.memory_space<vmem>>
      %dma_start3A_92 = tpu.memref_squeeze %dma_start3A_91 : memref<1x128xi32, #tpu.memory_space<vmem>> -> memref<128xi32, #tpu.memory_space<vmem>>
      %dma_start3A_93 = arith.constant 0 : i32
      %dma_start3A_94 = arith.constant 0 : i32
      %dma_start3A_95 = tpu.memref_slice %arg11[%dma_start3A_93, %dma_start3A_94] : memref<10000x32xf32, #tpu.memory_space<vmem_shared>> -> memref<10000x32xf32, #tpu.memory_space<vmem_shared>>
      %dma_start3A_96 = tpu.memref_slice %arg12[%dma_start3A_85] : memref<4x!tpu.dma_semaphore, #tpu.memory_space<semaphore_mem>> -> memref<1x!tpu.dma_semaphore, #tpu.memory_space<semaphore_mem>>
      %dma_start3A_97 = tpu.memref_squeeze %dma_start3A_96 : memref<1x!tpu.dma_semaphore, #tpu.memory_space<semaphore_mem>> -> memref<!tpu.dma_semaphore, #tpu.memory_space<semaphore_mem>>
      tpu.enqueue_indirect_dma source(%dma_start3A_95 : memref<10000x32xf32, #tpu.memory_space<vmem_shared>>) target(%dma_start3A_89 : memref<128x32xf32, #tpu.memory_space<vmem>>) offsets(%dma_start3A_92 : memref<128xi32, #tpu.memory_space<vmem>>) semaphore(%dma_start3A_97 : memref<!tpu.dma_semaphore, #tpu.memory_space<semaphore_mem>>)
      %scan3A_98 = arith.constant 0 : i32
      %scan3A_99 = arith.constant 19 : i32
      %scan3A_100 = arith.addi %scan3A_98, %scan3A_99 : i32
      %scan3A_101 = arith.constant 1 : i32
      scf.for %scan3A_288 = %scan3A_98 to %scan3A_100 step %scan3A_101  : i32 {
        %mul3A_289 = arith.constant 1 : i32
        %mul3A_290 = arith.muli %scan3A_288, %mul3A_289 : i32
        %add3A_291 = arith.constant 0 : i32
        %add3A_292 = arith.addi %add3A_291, %mul3A_290 : i32
        %mul3A_293 = arith.constant 4 : i32
        %mul3A_294 = arith.muli %mul3A_293, %add3A_292 : i32
        %dma_wait3A_295 = arith.constant 0 : i32
        %dma_wait3A_296 = arith.constant 0 : i32
        %dma_wait3A_297 = arith.constant 0 : i32
        %dma_wait3A_298 = arith.constant 0 : i32
        %dma_wait3A_299 = arith.constant 0 : i32
        %dma_wait3A_300 = tpu.memref_slice %arg8[%dma_wait3A_296, %dma_wait3A_298, %dma_wait3A_299] : memref<4x128x32xf32, #tpu.memory_space<vmem>> -> memref<1x128x32xf32, #tpu.memory_space<vmem>>
        %dma_wait3A_301 = tpu.memref_squeeze %dma_wait3A_300 : memref<1x128x32xf32, #tpu.memory_space<vmem>> -> memref<128x32xf32, #tpu.memory_space<vmem>>
        %dma_wait3A_302 = arith.constant 0 : i32
        %dma_wait3A_303 = tpu.memref_slice %arg6[%dma_wait3A_295, %dma_wait3A_302] : memref<80x128xi32, #tpu.memory_space<vmem>> -> memref<1x128xi32, #tpu.memory_space<vmem>>
        %dma_wait3A_304 = tpu.memref_squeeze %dma_wait3A_303 : memref<1x128xi32, #tpu.memory_space<vmem>> -> memref<128xi32, #tpu.memory_space<vmem>>
        %dma_wait3A_305 = arith.constant 0 : i32
        %dma_wait3A_306 = arith.constant 0 : i32
        %dma_wait3A_307 = tpu.memref_slice %arg11[%dma_wait3A_305, %dma_wait3A_306] : memref<10000x32xf32, #tpu.memory_space<vmem_shared>> -> memref<10000x32xf32, #tpu.memory_space<vmem_shared>>
        %dma_wait3A_308 = tpu.memref_slice %arg12[%dma_wait3A_297] : memref<4x!tpu.dma_semaphore, #tpu.memory_space<semaphore_mem>> -> memref<1x!tpu.dma_semaphore, #tpu.memory_space<semaphore_mem>>
        %dma_wait3A_309 = tpu.memref_squeeze %dma_wait3A_308 : memref<1x!tpu.dma_semaphore, #tpu.memory_space<semaphore_mem>> -> memref<!tpu.dma_semaphore, #tpu.memory_space<semaphore_mem>>
        tpu.wait_indirect_dma semaphore(%dma_wait3A_309 : memref<!tpu.dma_semaphore, #tpu.memory_space<semaphore_mem>>) src(%dma_wait3A_307 : memref<10000x32xf32, #tpu.memory_space<vmem_shared>>) dst(%dma_wait3A_301 : memref<128x32xf32, #tpu.memory_space<vmem>>)
        %add3A_310 = arith.constant 0 : i32
        %add3A_311 = arith.addi %mul3A_294, %add3A_310 : i32
        %dma_start3A_312 = arith.constant 0 : i32
        %dma_start3A_313 = arith.constant 0 : i32
        %dma_start3A_314 = arith.constant 0 : i32
        %dma_start3A_315 = arith.constant 0 : i32
        %dma_start3A_316 = tpu.memref_slice %arg8[%dma_start3A_312, %dma_start3A_314, %dma_start3A_315] : memref<4x128x32xf32, #tpu.memory_space<vmem>> -> memref<1x128x32xf32, #tpu.memory_space<vmem>>
        %dma_start3A_317 = tpu.memref_squeeze %dma_start3A_316 : memref<1x128x32xf32, #tpu.memory_space<vmem>> -> memref<128x32xf32, #tpu.memory_space<vmem>>
        %dma_start3A_318 = arith.constant 0 : i32
        %dma_start3A_319 = tpu.memref_slice %arg7[%add3A_311, %dma_start3A_318] : memref<80x128xi32, #tpu.memory_space<vmem>> -> memref<1x128xi32, #tpu.memory_space<vmem>>
        %dma_start3A_320 = tpu.memref_squeeze %dma_start3A_319 : memref<1x128xi32, #tpu.memory_space<vmem>> -> memref<128xi32, #tpu.memory_space<vmem>>
        %dma_start3A_321 = arith.constant 0 : i32
        %dma_start3A_322 = arith.constant 0 : i32
        %dma_start3A_323 = tpu.memref_slice %arg10[%dma_start3A_321, %dma_start3A_322] : memref<10240x32xf32, #tpu.memory_space<vmem_shared>> -> memref<10240x32xf32, #tpu.memory_space<vmem_shared>>
        %dma_start3A_324 = tpu.memref_slice %arg13[%dma_start3A_313] : memref<4x!tpu.dma_semaphore, #tpu.memory_space<semaphore_mem>> -> memref<1x!tpu.dma_semaphore, #tpu.memory_space<semaphore_mem>>
        %dma_start3A_325 = tpu.memref_squeeze %dma_start3A_324 : memref<1x!tpu.dma_semaphore, #tpu.memory_space<semaphore_mem>> -> memref<!tpu.dma_semaphore, #tpu.memory_space<semaphore_mem>>
        tpu.enqueue_indirect_dma source(%dma_start3A_317 : memref<128x32xf32, #tpu.memory_space<vmem>>) target(%dma_start3A_323 : memref<10240x32xf32, #tpu.memory_space<vmem_shared>>) offsets(%dma_start3A_320 : memref<128xi32, #tpu.memory_space<vmem>>) semaphore(%dma_start3A_325 : memref<!tpu.dma_semaphore, #tpu.memory_space<semaphore_mem>>) {add = true}
        %dma_wait3A_326 = arith.constant 0 : i32
        %dma_wait3A_327 = arith.constant 0 : i32
        %dma_wait3A_328 = arith.constant 0 : i32
        %dma_wait3A_329 = arith.constant 0 : i32
        %dma_wait3A_330 = arith.constant 0 : i32
        %dma_wait3A_331 = tpu.memref_slice %arg8[%dma_wait3A_326, %dma_wait3A_329, %dma_wait3A_330] : memref<4x128x32xf32, #tpu.memory_space<vmem>> -> memref<1x128x32xf32, #tpu.memory_space<vmem>>
        %dma_wait3A_332 = tpu.memref_squeeze %dma_wait3A_331 : memref<1x128x32xf32, #tpu.memory_space<vmem>> -> memref<128x32xf32, #tpu.memory_space<vmem>>
        %dma_wait3A_333 = arith.constant 0 : i32
        %dma_wait3A_334 = tpu.memref_slice %arg7[%dma_wait3A_327, %dma_wait3A_333] : memref<80x128xi32, #tpu.memory_space<vmem>> -> memref<1x128xi32, #tpu.memory_space<vmem>>
        %dma_wait3A_335 = tpu.memref_squeeze %dma_wait3A_334 : memref<1x128xi32, #tpu.memory_space<vmem>> -> memref<128xi32, #tpu.memory_space<vmem>>
        %dma_wait3A_336 = arith.constant 0 : i32
        %dma_wait3A_337 = arith.constant 0 : i32
        %dma_wait3A_338 = tpu.memref_slice %arg10[%dma_wait3A_336, %dma_wait3A_337] : memref<10240x32xf32, #tpu.memory_space<vmem_shared>> -> memref<10240x32xf32, #tpu.memory_space<vmem_shared>>
        %dma_wait3A_339 = tpu.memref_slice %arg13[%dma_wait3A_328] : memref<4x!tpu.dma_semaphore, #tpu.memory_space<semaphore_mem>> -> memref<1x!tpu.dma_semaphore, #tpu.memory_space<semaphore_mem>>
        %dma_wait3A_340 = tpu.memref_squeeze %dma_wait3A_339 : memref<1x!tpu.dma_semaphore, #tpu.memory_space<semaphore_mem>> -> memref<!tpu.dma_semaphore, #tpu.memory_space<semaphore_mem>>
        tpu.wait_indirect_dma semaphore(%dma_wait3A_340 : memref<!tpu.dma_semaphore, #tpu.memory_space<semaphore_mem>>) src(%dma_wait3A_332 : memref<128x32xf32, #tpu.memory_space<vmem>>) dst(%dma_wait3A_338 : memref<10240x32xf32, #tpu.memory_space<vmem_shared>>)
        %add3A_341 = arith.constant 0 : i32
        %add3A_342 = arith.addi %mul3A_294, %add3A_341 : i32
        %add3A_343 = arith.constant 4 : i32
        %add3A_344 = arith.addi %add3A_342, %add3A_343 : i32
        %dma_start3A_345 = arith.constant 0 : i32
        %dma_start3A_346 = arith.constant 0 : i32
        %dma_start3A_347 = arith.constant 0 : i32
        %dma_start3A_348 = arith.constant 0 : i32
        %dma_start3A_349 = tpu.memref_slice %arg8[%dma_start3A_345, %dma_start3A_347, %dma_start3A_348] : memref<4x128x32xf32, #tpu.memory_space<vmem>> -> memref<1x128x32xf32, #tpu.memory_space<vmem>>
        %dma_start3A_350 = tpu.memref_squeeze %dma_start3A_349 : memref<1x128x32xf32, #tpu.memory_space<vmem>> -> memref<128x32xf32, #tpu.memory_space<vmem>>
        %dma_start3A_351 = arith.constant 0 : i32
        %dma_start3A_352 = tpu.memref_slice %arg6[%add3A_344, %dma_start3A_351] : memref<80x128xi32, #tpu.memory_space<vmem>> -> memref<1x128xi32, #tpu.memory_space<vmem>>
        %dma_start3A_353 = tpu.memref_squeeze %dma_start3A_352 : memref<1x128xi32, #tpu.memory_space<vmem>> -> memref<128xi32, #tpu.memory_space<vmem>>
        %dma_start3A_354 = arith.constant 0 : i32
        %dma_start3A_355 = arith.constant 0 : i32
        %dma_start3A_356 = tpu.memref_slice %arg11[%dma_start3A_354, %dma_start3A_355] : memref<10000x32xf32, #tpu.memory_space<vmem_shared>> -> memref<10000x32xf32, #tpu.memory_space<vmem_shared>>
        %dma_start3A_357 = tpu.memref_slice %arg12[%dma_start3A_346] : memref<4x!tpu.dma_semaphore, #tpu.memory_space<semaphore_mem>> -> memref<1x!tpu.dma_semaphore, #tpu.memory_space<semaphore_mem>>
        %dma_start3A_358 = tpu.memref_squeeze %dma_start3A_357 : memref<1x!tpu.dma_semaphore, #tpu.memory_space<semaphore_mem>> -> memref<!tpu.dma_semaphore, #tpu.memory_space<semaphore_mem>>
        tpu.enqueue_indirect_dma source(%dma_start3A_356 : memref<10000x32xf32, #tpu.memory_space<vmem_shared>>) target(%dma_start3A_350 : memref<128x32xf32, #tpu.memory_space<vmem>>) offsets(%dma_start3A_353 : memref<128xi32, #tpu.memory_space<vmem>>) semaphore(%dma_start3A_358 : memref<!tpu.dma_semaphore, #tpu.memory_space<semaphore_mem>>)
        %dma_wait3A_359 = arith.constant 0 : i32
        %dma_wait3A_360 = arith.constant 1 : i32
        %dma_wait3A_361 = arith.constant 1 : i32
        %dma_wait3A_362 = arith.constant 0 : i32
        %dma_wait3A_363 = arith.constant 0 : i32
        %dma_wait3A_364 = tpu.memref_slice %arg8[%dma_wait3A_360, %dma_wait3A_362, %dma_wait3A_363] : memref<4x128x32xf32, #tpu.memory_space<vmem>> -> memref<1x128x32xf32, #tpu.memory_space<vmem>>
        %dma_wait3A_365 = tpu.memref_squeeze %dma_wait3A_364 : memref<1x128x32xf32, #tpu.memory_space<vmem>> -> memref<128x32xf32, #tpu.memory_space<vmem>>
        %dma_wait3A_366 = arith.constant 0 : i32
        %dma_wait3A_367 = tpu.memref_slice %arg6[%dma_wait3A_359, %dma_wait3A_366] : memref<80x128xi32, #tpu.memory_space<vmem>> -> memref<1x128xi32, #tpu.memory_space<vmem>>
        %dma_wait3A_368 = tpu.memref_squeeze %dma_wait3A_367 : memref<1x128xi32, #tpu.memory_space<vmem>> -> memref<128xi32, #tpu.memory_space<vmem>>
        %dma_wait3A_369 = arith.constant 0 : i32
        %dma_wait3A_370 = arith.constant 0 : i32
        %dma_wait3A_371 = tpu.memref_slice %arg11[%dma_wait3A_369, %dma_wait3A_370] : memref<10000x32xf32, #tpu.memory_space<vmem_shared>> -> memref<10000x32xf32, #tpu.memory_space<vmem_shared>>
        %dma_wait3A_372 = tpu.memref_slice %arg12[%dma_wait3A_361] : memref<4x!tpu.dma_semaphore, #tpu.memory_space<semaphore_mem>> -> memref<1x!tpu.dma_semaphore, #tpu.memory_space<semaphore_mem>>
        %dma_wait3A_373 = tpu.memref_squeeze %dma_wait3A_372 : memref<1x!tpu.dma_semaphore, #tpu.memory_space<semaphore_mem>> -> memref<!tpu.dma_semaphore, #tpu.memory_space<semaphore_mem>>
        tpu.wait_indirect_dma semaphore(%dma_wait3A_373 : memref<!tpu.dma_semaphore, #tpu.memory_space<semaphore_mem>>) src(%dma_wait3A_371 : memref<10000x32xf32, #tpu.memory_space<vmem_shared>>) dst(%dma_wait3A_365 : memref<128x32xf32, #tpu.memory_space<vmem>>)
        %add3A_374 = arith.constant 1 : i32
        %add3A_375 = arith.addi %mul3A_294, %add3A_374 : i32
        %dma_start3A_376 = arith.constant 1 : i32
        %dma_start3A_377 = arith.constant 1 : i32
        %dma_start3A_378 = arith.constant 0 : i32
        %dma_start3A_379 = arith.constant 0 : i32
        %dma_start3A_380 = tpu.memref_slice %arg8[%dma_start3A_376, %dma_start3A_378, %dma_start3A_379] : memref<4x128x32xf32, #tpu.memory_space<vmem>> -> memref<1x128x32xf32, #tpu.memory_space<vmem>>
        %dma_start3A_381 = tpu.memref_squeeze %dma_start3A_380 : memref<1x128x32xf32, #tpu.memory_space<vmem>> -> memref<128x32xf32, #tpu.memory_space<vmem>>
        %dma_start3A_382 = arith.constant 0 : i32
        %dma_start3A_383 = tpu.memref_slice %arg7[%add3A_375, %dma_start3A_382] : memref<80x128xi32, #tpu.memory_space<vmem>> -> memref<1x128xi32, #tpu.memory_space<vmem>>
        %dma_start3A_384 = tpu.memref_squeeze %dma_start3A_383 : memref<1x128xi32, #tpu.memory_space<vmem>> -> memref<128xi32, #tpu.memory_space<vmem>>
        %dma_start3A_385 = arith.constant 0 : i32
        %dma_start3A_386 = arith.constant 0 : i32
        %dma_start3A_387 = tpu.memref_slice %arg10[%dma_start3A_385, %dma_start3A_386] : memref<10240x32xf32, #tpu.memory_space<vmem_shared>> -> memref<10240x32xf32, #tpu.memory_space<vmem_shared>>
        %dma_start3A_388 = tpu.memref_slice %arg13[%dma_start3A_377] : memref<4x!tpu.dma_semaphore, #tpu.memory_space<semaphore_mem>> -> memref<1x!tpu.dma_semaphore, #tpu.memory_space<semaphore_mem>>
        %dma_start3A_389 = tpu.memref_squeeze %dma_start3A_388 : memref<1x!tpu.dma_semaphore, #tpu.memory_space<semaphore_mem>> -> memref<!tpu.dma_semaphore, #tpu.memory_space<semaphore_mem>>
        tpu.enqueue_indirect_dma source(%dma_start3A_381 : memref<128x32xf32, #tpu.memory_space<vmem>>) target(%dma_start3A_387 : memref<10240x32xf32, #tpu.memory_space<vmem_shared>>) offsets(%dma_start3A_384 : memref<128xi32, #tpu.memory_space<vmem>>) semaphore(%dma_start3A_389 : memref<!tpu.dma_semaphore, #tpu.memory_space<semaphore_mem>>) {add = true}
        %dma_wait3A_390 = arith.constant 1 : i32
        %dma_wait3A_391 = arith.constant 0 : i32
        %dma_wait3A_392 = arith.constant 1 : i32
        %dma_wait3A_393 = arith.constant 0 : i32
        %dma_wait3A_394 = arith.constant 0 : i32
        %dma_wait3A_395 = tpu.memref_slice %arg8[%dma_wait3A_390, %dma_wait3A_393, %dma_wait3A_394] : memref<4x128x32xf32, #tpu.memory_space<vmem>> -> memref<1x128x32xf32, #tpu.memory_space<vmem>>
        %dma_wait3A_396 = tpu.memref_squeeze %dma_wait3A_395 : memref<1x128x32xf32, #tpu.memory_space<vmem>> -> memref<128x32xf32, #tpu.memory_space<vmem>>
        %dma_wait3A_397 = arith.constant 0 : i32
        %dma_wait3A_398 = tpu.memref_slice %arg7[%dma_wait3A_391, %dma_wait3A_397] : memref<80x128xi32, #tpu.memory_space<vmem>> -> memref<1x128xi32, #tpu.memory_space<vmem>>
        %dma_wait3A_399 = tpu.memref_squeeze %dma_wait3A_398 : memref<1x128xi32, #tpu.memory_space<vmem>> -> memref<128xi32, #tpu.memory_space<vmem>>
        %dma_wait3A_400 = arith.constant 0 : i32
        %dma_wait3A_401 = arith.constant 0 : i32
        %dma_wait3A_402 = tpu.memref_slice %arg10[%dma_wait3A_400, %dma_wait3A_401] : memref<10240x32xf32, #tpu.memory_space<vmem_shared>> -> memref<10240x32xf32, #tpu.memory_space<vmem_shared>>
        %dma_wait3A_403 = tpu.memref_slice %arg13[%dma_wait3A_392] : memref<4x!tpu.dma_semaphore, #tpu.memory_space<semaphore_mem>> -> memref<1x!tpu.dma_semaphore, #tpu.memory_space<semaphore_mem>>
        %dma_wait3A_404 = tpu.memref_squeeze %dma_wait3A_403 : memref<1x!tpu.dma_semaphore, #tpu.memory_space<semaphore_mem>> -> memref<!tpu.dma_semaphore, #tpu.memory_space<semaphore_mem>>
        tpu.wait_indirect_dma semaphore(%dma_wait3A_404 : memref<!tpu.dma_semaphore, #tpu.memory_space<semaphore_mem>>) src(%dma_wait3A_396 : memref<128x32xf32, #tpu.memory_space<vmem>>) dst(%dma_wait3A_402 : memref<10240x32xf32, #tpu.memory_space<vmem_shared>>)
        %add3A_405 = arith.constant 1 : i32
        %add3A_406 = arith.addi %mul3A_294, %add3A_405 : i32
        %add3A_407 = arith.constant 4 : i32
        %add3A_408 = arith.addi %add3A_406, %add3A_407 : i32
        %dma_start3A_409 = arith.constant 1 : i32
        %dma_start3A_410 = arith.constant 1 : i32
        %dma_start3A_411 = arith.constant 0 : i32
        %dma_start3A_412 = arith.constant 0 : i32
        %dma_start3A_413 = tpu.memref_slice %arg8[%dma_start3A_409, %dma_start3A_411, %dma_start3A_412] : memref<4x128x32xf32, #tpu.memory_space<vmem>> -> memref<1x128x32xf32, #tpu.memory_space<vmem>>
        %dma_start3A_414 = tpu.memref_squeeze %dma_start3A_413 : memref<1x128x32xf32, #tpu.memory_space<vmem>> -> memref<128x32xf32, #tpu.memory_space<vmem>>
        %dma_start3A_415 = arith.constant 0 : i32
        %dma_start3A_416 = tpu.memref_slice %arg6[%add3A_408, %dma_start3A_415] : memref<80x128xi32, #tpu.memory_space<vmem>> -> memref<1x128xi32, #tpu.memory_space<vmem>>
        %dma_start3A_417 = tpu.memref_squeeze %dma_start3A_416 : memref<1x128xi32, #tpu.memory_space<vmem>> -> memref<128xi32, #tpu.memory_space<vmem>>
        %dma_start3A_418 = arith.constant 0 : i32
        %dma_start3A_419 = arith.constant 0 : i32
        %dma_start3A_420 = tpu.memref_slice %arg11[%dma_start3A_418, %dma_start3A_419] : memref<10000x32xf32, #tpu.memory_space<vmem_shared>> -> memref<10000x32xf32, #tpu.memory_space<vmem_shared>>
        %dma_start3A_421 = tpu.memref_slice %arg12[%dma_start3A_410] : memref<4x!tpu.dma_semaphore, #tpu.memory_space<semaphore_mem>> -> memref<1x!tpu.dma_semaphore, #tpu.memory_space<semaphore_mem>>
        %dma_start3A_422 = tpu.memref_squeeze %dma_start3A_421 : memref<1x!tpu.dma_semaphore, #tpu.memory_space<semaphore_mem>> -> memref<!tpu.dma_semaphore, #tpu.memory_space<semaphore_mem>>
        tpu.enqueue_indirect_dma source(%dma_start3A_420 : memref<10000x32xf32, #tpu.memory_space<vmem_shared>>) target(%dma_start3A_414 : memref<128x32xf32, #tpu.memory_space<vmem>>) offsets(%dma_start3A_417 : memref<128xi32, #tpu.memory_space<vmem>>) semaphore(%dma_start3A_422 : memref<!tpu.dma_semaphore, #tpu.memory_space<semaphore_mem>>)
        %dma_wait3A_423 = arith.constant 0 : i32
        %dma_wait3A_424 = arith.constant 2 : i32
        %dma_wait3A_425 = arith.constant 2 : i32
        %dma_wait3A_426 = arith.constant 0 : i32
        %dma_wait3A_427 = arith.constant 0 : i32
        %dma_wait3A_428 = tpu.memref_slice %arg8[%dma_wait3A_424, %dma_wait3A_426, %dma_wait3A_427] : memref<4x128x32xf32, #tpu.memory_space<vmem>> -> memref<1x128x32xf32, #tpu.memory_space<vmem>>
        %dma_wait3A_429 = tpu.memref_squeeze %dma_wait3A_428 : memref<1x128x32xf32, #tpu.memory_space<vmem>> -> memref<128x32xf32, #tpu.memory_space<vmem>>
        %dma_wait3A_430 = arith.constant 0 : i32
        %dma_wait3A_431 = tpu.memref_slice %arg6[%dma_wait3A_423, %dma_wait3A_430] : memref<80x128xi32, #tpu.memory_space<vmem>> -> memref<1x128xi32, #tpu.memory_space<vmem>>
        %dma_wait3A_432 = tpu.memref_squeeze %dma_wait3A_431 : memref<1x128xi32, #tpu.memory_space<vmem>> -> memref<128xi32, #tpu.memory_space<vmem>>
        %dma_wait3A_433 = arith.constant 0 : i32
        %dma_wait3A_434 = arith.constant 0 : i32
        %dma_wait3A_435 = tpu.memref_slice %arg11[%dma_wait3A_433, %dma_wait3A_434] : memref<10000x32xf32, #tpu.memory_space<vmem_shared>> -> memref<10000x32xf32, #tpu.memory_space<vmem_shared>>
        %dma_wait3A_436 = tpu.memref_slice %arg12[%dma_wait3A_425] : memref<4x!tpu.dma_semaphore, #tpu.memory_space<semaphore_mem>> -> memref<1x!tpu.dma_semaphore, #tpu.memory_space<semaphore_mem>>
        %dma_wait3A_437 = tpu.memref_squeeze %dma_wait3A_436 : memref<1x!tpu.dma_semaphore, #tpu.memory_space<semaphore_mem>> -> memref<!tpu.dma_semaphore, #tpu.memory_space<semaphore_mem>>
        tpu.wait_indirect_dma semaphore(%dma_wait3A_437 : memref<!tpu.dma_semaphore, #tpu.memory_space<semaphore_mem>>) src(%dma_wait3A_435 : memref<10000x32xf32, #tpu.memory_space<vmem_shared>>) dst(%dma_wait3A_429 : memref<128x32xf32, #tpu.memory_space<vmem>>)
        %add3A_438 = arith.constant 2 : i32
        %add3A_439 = arith.addi %mul3A_294, %add3A_438 : i32
        %dma_start3A_440 = arith.constant 2 : i32
        %dma_start3A_441 = arith.constant 2 : i32
        %dma_start3A_442 = arith.constant 0 : i32
        %dma_start3A_443 = arith.constant 0 : i32
        %dma_start3A_444 = tpu.memref_slice %arg8[%dma_start3A_440, %dma_start3A_442, %dma_start3A_443] : memref<4x128x32xf32, #tpu.memory_space<vmem>> -> memref<1x128x32xf32, #tpu.memory_space<vmem>>
        %dma_start3A_445 = tpu.memref_squeeze %dma_start3A_444 : memref<1x128x32xf32, #tpu.memory_space<vmem>> -> memref<128x32xf32, #tpu.memory_space<vmem>>
        %dma_start3A_446 = arith.constant 0 : i32
        %dma_start3A_447 = tpu.memref_slice %arg7[%add3A_439, %dma_start3A_446] : memref<80x128xi32, #tpu.memory_space<vmem>> -> memref<1x128xi32, #tpu.memory_space<vmem>>
        %dma_start3A_448 = tpu.memref_squeeze %dma_start3A_447 : memref<1x128xi32, #tpu.memory_space<vmem>> -> memref<128xi32, #tpu.memory_space<vmem>>
        %dma_start3A_449 = arith.constant 0 : i32
        %dma_start3A_450 = arith.constant 0 : i32
        %dma_start3A_451 = tpu.memref_slice %arg10[%dma_start3A_449, %dma_start3A_450] : memref<10240x32xf32, #tpu.memory_space<vmem_shared>> -> memref<10240x32xf32, #tpu.memory_space<vmem_shared>>
        %dma_start3A_452 = tpu.memref_slice %arg13[%dma_start3A_441] : memref<4x!tpu.dma_semaphore, #tpu.memory_space<semaphore_mem>> -> memref<1x!tpu.dma_semaphore, #tpu.memory_space<semaphore_mem>>
        %dma_start3A_453 = tpu.memref_squeeze %dma_start3A_452 : memref<1x!tpu.dma_semaphore, #tpu.memory_space<semaphore_mem>> -> memref<!tpu.dma_semaphore, #tpu.memory_space<semaphore_mem>>
        tpu.enqueue_indirect_dma source(%dma_start3A_445 : memref<128x32xf32, #tpu.memory_space<vmem>>) target(%dma_start3A_451 : memref<10240x32xf32, #tpu.memory_space<vmem_shared>>) offsets(%dma_start3A_448 : memref<128xi32, #tpu.memory_space<vmem>>) semaphore(%dma_start3A_453 : memref<!tpu.dma_semaphore, #tpu.memory_space<semaphore_mem>>) {add = true}
        %dma_wait3A_454 = arith.constant 2 : i32
        %dma_wait3A_455 = arith.constant 0 : i32
        %dma_wait3A_456 = arith.constant 2 : i32
        %dma_wait3A_457 = arith.constant 0 : i32
        %dma_wait3A_458 = arith.constant 0 : i32
        %dma_wait3A_459 = tpu.memref_slice %arg8[%dma_wait3A_454, %dma_wait3A_457, %dma_wait3A_458] : memref<4x128x32xf32, #tpu.memory_space<vmem>> -> memref<1x128x32xf32, #tpu.memory_space<vmem>>
        %dma_wait3A_460 = tpu.memref_squeeze %dma_wait3A_459 : memref<1x128x32xf32, #tpu.memory_space<vmem>> -> memref<128x32xf32, #tpu.memory_space<vmem>>
        %dma_wait3A_461 = arith.constant 0 : i32
        %dma_wait3A_462 = tpu.memref_slice %arg7[%dma_wait3A_455, %dma_wait3A_461] : memref<80x128xi32, #tpu.memory_space<vmem>> -> memref<1x128xi32, #tpu.memory_space<vmem>>
        %dma_wait3A_463 = tpu.memref_squeeze %dma_wait3A_462 : memref<1x128xi32, #tpu.memory_space<vmem>> -> memref<128xi32, #tpu.memory_space<vmem>>
        %dma_wait3A_464 = arith.constant 0 : i32
        %dma_wait3A_465 = arith.constant 0 : i32
        %dma_wait3A_466 = tpu.memref_slice %arg10[%dma_wait3A_464, %dma_wait3A_465] : memref<10240x32xf32, #tpu.memory_space<vmem_shared>> -> memref<10240x32xf32, #tpu.memory_space<vmem_shared>>
        %dma_wait3A_467 = tpu.memref_slice %arg13[%dma_wait3A_456] : memref<4x!tpu.dma_semaphore, #tpu.memory_space<semaphore_mem>> -> memref<1x!tpu.dma_semaphore, #tpu.memory_space<semaphore_mem>>
        %dma_wait3A_468 = tpu.memref_squeeze %dma_wait3A_467 : memref<1x!tpu.dma_semaphore, #tpu.memory_space<semaphore_mem>> -> memref<!tpu.dma_semaphore, #tpu.memory_space<semaphore_mem>>
        tpu.wait_indirect_dma semaphore(%dma_wait3A_468 : memref<!tpu.dma_semaphore, #tpu.memory_space<semaphore_mem>>) src(%dma_wait3A_460 : memref<128x32xf32, #tpu.memory_space<vmem>>) dst(%dma_wait3A_466 : memref<10240x32xf32, #tpu.memory_space<vmem_shared>>)
        %add3A_469 = arith.constant 2 : i32
        %add3A_470 = arith.addi %mul3A_294, %add3A_469 : i32
        %add3A_471 = arith.constant 4 : i32
        %add3A_472 = arith.addi %add3A_470, %add3A_471 : i32
        %dma_start3A_473 = arith.constant 2 : i32
        %dma_start3A_474 = arith.constant 2 : i32
        %dma_start3A_475 = arith.constant 0 : i32
        %dma_start3A_476 = arith.constant 0 : i32
        %dma_start3A_477 = tpu.memref_slice %arg8[%dma_start3A_473, %dma_start3A_475, %dma_start3A_476] : memref<4x128x32xf32, #tpu.memory_space<vmem>> -> memref<1x128x32xf32, #tpu.memory_space<vmem>>
        %dma_start3A_478 = tpu.memref_squeeze %dma_start3A_477 : memref<1x128x32xf32, #tpu.memory_space<vmem>> -> memref<128x32xf32, #tpu.memory_space<vmem>>
        %dma_start3A_479 = arith.constant 0 : i32
        %dma_start3A_480 = tpu.memref_slice %arg6[%add3A_472, %dma_start3A_479] : memref<80x128xi32, #tpu.memory_space<vmem>> -> memref<1x128xi32, #tpu.memory_space<vmem>>
        %dma_start3A_481 = tpu.memref_squeeze %dma_start3A_480 : memref<1x128xi32, #tpu.memory_space<vmem>> -> memref<128xi32, #tpu.memory_space<vmem>>
        %dma_start3A_482 = arith.constant 0 : i32
        %dma_start3A_483 = arith.constant 0 : i32
        %dma_start3A_484 = tpu.memref_slice %arg11[%dma_start3A_482, %dma_start3A_483] : memref<10000x32xf32, #tpu.memory_space<vmem_shared>> -> memref<10000x32xf32, #tpu.memory_space<vmem_shared>>
        %dma_start3A_485 = tpu.memref_slice %arg12[%dma_start3A_474] : memref<4x!tpu.dma_semaphore, #tpu.memory_space<semaphore_mem>> -> memref<1x!tpu.dma_semaphore, #tpu.memory_space<semaphore_mem>>
        %dma_start3A_486 = tpu.memref_squeeze %dma_start3A_485 : memref<1x!tpu.dma_semaphore, #tpu.memory_space<semaphore_mem>> -> memref<!tpu.dma_semaphore, #tpu.memory_space<semaphore_mem>>
        tpu.enqueue_indirect_dma source(%dma_start3A_484 : memref<10000x32xf32, #tpu.memory_space<vmem_shared>>) target(%dma_start3A_478 : memref<128x32xf32, #tpu.memory_space<vmem>>) offsets(%dma_start3A_481 : memref<128xi32, #tpu.memory_space<vmem>>) semaphore(%dma_start3A_486 : memref<!tpu.dma_semaphore, #tpu.memory_space<semaphore_mem>>)
        %dma_wait3A_487 = arith.constant 0 : i32
        %dma_wait3A_488 = arith.constant 3 : i32
        %dma_wait3A_489 = arith.constant 3 : i32
        %dma_wait3A_490 = arith.constant 0 : i32
        %dma_wait3A_491 = arith.constant 0 : i32
        %dma_wait3A_492 = tpu.memref_slice %arg8[%dma_wait3A_488, %dma_wait3A_490, %dma_wait3A_491] : memref<4x128x32xf32, #tpu.memory_space<vmem>> -> memref<1x128x32xf32, #tpu.memory_space<vmem>>
        %dma_wait3A_493 = tpu.memref_squeeze %dma_wait3A_492 : memref<1x128x32xf32, #tpu.memory_space<vmem>> -> memref<128x32xf32, #tpu.memory_space<vmem>>
        %dma_wait3A_494 = arith.constant 0 : i32
        %dma_wait3A_495 = tpu.memref_slice %arg6[%dma_wait3A_487, %dma_wait3A_494] : memref<80x128xi32, #tpu.memory_space<vmem>> -> memref<1x128xi32, #tpu.memory_space<vmem>>
        %dma_wait3A_496 = tpu.memref_squeeze %dma_wait3A_495 : memref<1x128xi32, #tpu.memory_space<vmem>> -> memref<128xi32, #tpu.memory_space<vmem>>
        %dma_wait3A_497 = arith.constant 0 : i32
        %dma_wait3A_498 = arith.constant 0 : i32
        %dma_wait3A_499 = tpu.memref_slice %arg11[%dma_wait3A_497, %dma_wait3A_498] : memref<10000x32xf32, #tpu.memory_space<vmem_shared>> -> memref<10000x32xf32, #tpu.memory_space<vmem_shared>>
        %dma_wait3A_500 = tpu.memref_slice %arg12[%dma_wait3A_489] : memref<4x!tpu.dma_semaphore, #tpu.memory_space<semaphore_mem>> -> memref<1x!tpu.dma_semaphore, #tpu.memory_space<semaphore_mem>>
        %dma_wait3A_501 = tpu.memref_squeeze %dma_wait3A_500 : memref<1x!tpu.dma_semaphore, #tpu.memory_space<semaphore_mem>> -> memref<!tpu.dma_semaphore, #tpu.memory_space<semaphore_mem>>
        tpu.wait_indirect_dma semaphore(%dma_wait3A_501 : memref<!tpu.dma_semaphore, #tpu.memory_space<semaphore_mem>>) src(%dma_wait3A_499 : memref<10000x32xf32, #tpu.memory_space<vmem_shared>>) dst(%dma_wait3A_493 : memref<128x32xf32, #tpu.memory_space<vmem>>)
        %add3A_502 = arith.constant 3 : i32
        %add3A_503 = arith.addi %mul3A_294, %add3A_502 : i32
        %dma_start3A_504 = arith.constant 3 : i32
        %dma_start3A_505 = arith.constant 3 : i32
        %dma_start3A_506 = arith.constant 0 : i32
        %dma_start3A_507 = arith.constant 0 : i32
        %dma_start3A_508 = tpu.memref_slice %arg8[%dma_start3A_504, %dma_start3A_506, %dma_start3A_507] : memref<4x128x32xf32, #tpu.memory_space<vmem>> -> memref<1x128x32xf32, #tpu.memory_space<vmem>>
        %dma_start3A_509 = tpu.memref_squeeze %dma_start3A_508 : memref<1x128x32xf32, #tpu.memory_space<vmem>> -> memref<128x32xf32, #tpu.memory_space<vmem>>
        %dma_start3A_510 = arith.constant 0 : i32
        %dma_start3A_511 = tpu.memref_slice %arg7[%add3A_503, %dma_start3A_510] : memref<80x128xi32, #tpu.memory_space<vmem>> -> memref<1x128xi32, #tpu.memory_space<vmem>>
        %dma_start3A_512 = tpu.memref_squeeze %dma_start3A_511 : memref<1x128xi32, #tpu.memory_space<vmem>> -> memref<128xi32, #tpu.memory_space<vmem>>
        %dma_start3A_513 = arith.constant 0 : i32
        %dma_start3A_514 = arith.constant 0 : i32
        %dma_start3A_515 = tpu.memref_slice %arg10[%dma_start3A_513, %dma_start3A_514] : memref<10240x32xf32, #tpu.memory_space<vmem_shared>> -> memref<10240x32xf32, #tpu.memory_space<vmem_shared>>
        %dma_start3A_516 = tpu.memref_slice %arg13[%dma_start3A_505] : memref<4x!tpu.dma_semaphore, #tpu.memory_space<semaphore_mem>> -> memref<1x!tpu.dma_semaphore, #tpu.memory_space<semaphore_mem>>
        %dma_start3A_517 = tpu.memref_squeeze %dma_start3A_516 : memref<1x!tpu.dma_semaphore, #tpu.memory_space<semaphore_mem>> -> memref<!tpu.dma_semaphore, #tpu.memory_space<semaphore_mem>>
        tpu.enqueue_indirect_dma source(%dma_start3A_509 : memref<128x32xf32, #tpu.memory_space<vmem>>) target(%dma_start3A_515 : memref<10240x32xf32, #tpu.memory_space<vmem_shared>>) offsets(%dma_start3A_512 : memref<128xi32, #tpu.memory_space<vmem>>) semaphore(%dma_start3A_517 : memref<!tpu.dma_semaphore, #tpu.memory_space<semaphore_mem>>) {add = true}
        %dma_wait3A_518 = arith.constant 3 : i32
        %dma_wait3A_519 = arith.constant 0 : i32
        %dma_wait3A_520 = arith.constant 3 : i32
        %dma_wait3A_521 = arith.constant 0 : i32
        %dma_wait3A_522 = arith.constant 0 : i32
        %dma_wait3A_523 = tpu.memref_slice %arg8[%dma_wait3A_518, %dma_wait3A_521, %dma_wait3A_522] : memref<4x128x32xf32, #tpu.memory_space<vmem>> -> memref<1x128x32xf32, #tpu.memory_space<vmem>>
        %dma_wait3A_524 = tpu.memref_squeeze %dma_wait3A_523 : memref<1x128x32xf32, #tpu.memory_space<vmem>> -> memref<128x32xf32, #tpu.memory_space<vmem>>
        %dma_wait3A_525 = arith.constant 0 : i32
        %dma_wait3A_526 = tpu.memref_slice %arg7[%dma_wait3A_519, %dma_wait3A_525] : memref<80x128xi32, #tpu.memory_space<vmem>> -> memref<1x128xi32, #tpu.memory_space<vmem>>
        %dma_wait3A_527 = tpu.memref_squeeze %dma_wait3A_526 : memref<1x128xi32, #tpu.memory_space<vmem>> -> memref<128xi32, #tpu.memory_space<vmem>>
        %dma_wait3A_528 = arith.constant 0 : i32
        %dma_wait3A_529 = arith.constant 0 : i32
        %dma_wait3A_530 = tpu.memref_slice %arg10[%dma_wait3A_528, %dma_wait3A_529] : memref<10240x32xf32, #tpu.memory_space<vmem_shared>> -> memref<10240x32xf32, #tpu.memory_space<vmem_shared>>
        %dma_wait3A_531 = tpu.memref_slice %arg13[%dma_wait3A_520] : memref<4x!tpu.dma_semaphore, #tpu.memory_space<semaphore_mem>> -> memref<1x!tpu.dma_semaphore, #tpu.memory_space<semaphore_mem>>
        %dma_wait3A_532 = tpu.memref_squeeze %dma_wait3A_531 : memref<1x!tpu.dma_semaphore, #tpu.memory_space<semaphore_mem>> -> memref<!tpu.dma_semaphore, #tpu.memory_space<semaphore_mem>>
        tpu.wait_indirect_dma semaphore(%dma_wait3A_532 : memref<!tpu.dma_semaphore, #tpu.memory_space<semaphore_mem>>) src(%dma_wait3A_524 : memref<128x32xf32, #tpu.memory_space<vmem>>) dst(%dma_wait3A_530 : memref<10240x32xf32, #tpu.memory_space<vmem_shared>>)
        %add3A_533 = arith.constant 3 : i32
        %add3A_534 = arith.addi %mul3A_294, %add3A_533 : i32
        %add3A_535 = arith.constant 4 : i32
        %add3A_536 = arith.addi %add3A_534, %add3A_535 : i32
        %dma_start3A_537 = arith.constant 3 : i32
        %dma_start3A_538 = arith.constant 3 : i32
        %dma_start3A_539 = arith.constant 0 : i32
        %dma_start3A_540 = arith.constant 0 : i32
        %dma_start3A_541 = tpu.memref_slice %arg8[%dma_start3A_537, %dma_start3A_539, %dma_start3A_540] : memref<4x128x32xf32, #tpu.memory_space<vmem>> -> memref<1x128x32xf32, #tpu.memory_space<vmem>>
        %dma_start3A_542 = tpu.memref_squeeze %dma_start3A_541 : memref<1x128x32xf32, #tpu.memory_space<vmem>> -> memref<128x32xf32, #tpu.memory_space<vmem>>
        %dma_start3A_543 = arith.constant 0 : i32
        %dma_start3A_544 = tpu.memref_slice %arg6[%add3A_536, %dma_start3A_543] : memref<80x128xi32, #tpu.memory_space<vmem>> -> memref<1x128xi32, #tpu.memory_space<vmem>>
        %dma_start3A_545 = tpu.memref_squeeze %dma_start3A_544 : memref<1x128xi32, #tpu.memory_space<vmem>> -> memref<128xi32, #tpu.memory_space<vmem>>
        %dma_start3A_546 = arith.constant 0 : i32
        %dma_start3A_547 = arith.constant 0 : i32
        %dma_start3A_548 = tpu.memref_slice %arg11[%dma_start3A_546, %dma_start3A_547] : memref<10000x32xf32, #tpu.memory_space<vmem_shared>> -> memref<10000x32xf32, #tpu.memory_space<vmem_shared>>
        %dma_start3A_549 = tpu.memref_slice %arg12[%dma_start3A_538] : memref<4x!tpu.dma_semaphore, #tpu.memory_space<semaphore_mem>> -> memref<1x!tpu.dma_semaphore, #tpu.memory_space<semaphore_mem>>
        %dma_start3A_550 = tpu.memref_squeeze %dma_start3A_549 : memref<1x!tpu.dma_semaphore, #tpu.memory_space<semaphore_mem>> -> memref<!tpu.dma_semaphore, #tpu.memory_space<semaphore_mem>>
        tpu.enqueue_indirect_dma source(%dma_start3A_548 : memref<10000x32xf32, #tpu.memory_space<vmem_shared>>) target(%dma_start3A_542 : memref<128x32xf32, #tpu.memory_space<vmem>>) offsets(%dma_start3A_545 : memref<128xi32, #tpu.memory_space<vmem>>) semaphore(%dma_start3A_550 : memref<!tpu.dma_semaphore, #tpu.memory_space<semaphore_mem>>)
      }
      %scan3A_102 = arith.constant 19 : i32
      %dma_wait3A = arith.constant 0 : i32
      %dma_wait3A_103 = arith.constant 0 : i32
      %dma_wait3A_104 = arith.constant 0 : i32
      %dma_wait3A_105 = arith.constant 0 : i32
      %dma_wait3A_106 = arith.constant 0 : i32
      %dma_wait3A_107 = tpu.memref_slice %arg8[%dma_wait3A_103, %dma_wait3A_105, %dma_wait3A_106] : memref<4x128x32xf32, #tpu.memory_space<vmem>> -> memref<1x128x32xf32, #tpu.memory_space<vmem>>
      %dma_wait3A_108 = tpu.memref_squeeze %dma_wait3A_107 : memref<1x128x32xf32, #tpu.memory_space<vmem>> -> memref<128x32xf32, #tpu.memory_space<vmem>>
      %dma_wait3A_109 = arith.constant 0 : i32
      %dma_wait3A_110 = tpu.memref_slice %arg6[%dma_wait3A, %dma_wait3A_109] : memref<80x128xi32, #tpu.memory_space<vmem>> -> memref<1x128xi32, #tpu.memory_space<vmem>>
      %dma_wait3A_111 = tpu.memref_squeeze %dma_wait3A_110 : memref<1x128xi32, #tpu.memory_space<vmem>> -> memref<128xi32, #tpu.memory_space<vmem>>
      %dma_wait3A_112 = arith.constant 0 : i32
      %dma_wait3A_113 = arith.constant 0 : i32
      %dma_wait3A_114 = tpu.memref_slice %arg11[%dma_wait3A_112, %dma_wait3A_113] : memref<10000x32xf32, #tpu.memory_space<vmem_shared>> -> memref<10000x32xf32, #tpu.memory_space<vmem_shared>>
      %dma_wait3A_115 = tpu.memref_slice %arg12[%dma_wait3A_104] : memref<4x!tpu.dma_semaphore, #tpu.memory_space<semaphore_mem>> -> memref<1x!tpu.dma_semaphore, #tpu.memory_space<semaphore_mem>>
      %dma_wait3A_116 = tpu.memref_squeeze %dma_wait3A_115 : memref<1x!tpu.dma_semaphore, #tpu.memory_space<semaphore_mem>> -> memref<!tpu.dma_semaphore, #tpu.memory_space<semaphore_mem>>
      tpu.wait_indirect_dma semaphore(%dma_wait3A_116 : memref<!tpu.dma_semaphore, #tpu.memory_space<semaphore_mem>>) src(%dma_wait3A_114 : memref<10000x32xf32, #tpu.memory_space<vmem_shared>>) dst(%dma_wait3A_108 : memref<128x32xf32, #tpu.memory_space<vmem>>)
      %dma_start3A_117 = arith.constant 0 : i32
      %dma_start3A_118 = arith.constant 76 : i32
      %dma_start3A_119 = arith.constant 0 : i32
      %dma_start3A_120 = arith.constant 0 : i32
      %dma_start3A_121 = arith.constant 0 : i32
      %dma_start3A_122 = tpu.memref_slice %arg8[%dma_start3A_117, %dma_start3A_120, %dma_start3A_121] : memref<4x128x32xf32, #tpu.memory_space<vmem>> -> memref<1x128x32xf32, #tpu.memory_space<vmem>>
      %dma_start3A_123 = tpu.memref_squeeze %dma_start3A_122 : memref<1x128x32xf32, #tpu.memory_space<vmem>> -> memref<128x32xf32, #tpu.memory_space<vmem>>
      %dma_start3A_124 = arith.constant 0 : i32
      %dma_start3A_125 = tpu.memref_slice %arg7[%dma_start3A_118, %dma_start3A_124] : memref<80x128xi32, #tpu.memory_space<vmem>> -> memref<1x128xi32, #tpu.memory_space<vmem>>
      %dma_start3A_126 = tpu.memref_squeeze %dma_start3A_125 : memref<1x128xi32, #tpu.memory_space<vmem>> -> memref<128xi32, #tpu.memory_space<vmem>>
      %dma_start3A_127 = arith.constant 0 : i32
      %dma_start3A_128 = arith.constant 0 : i32
      %dma_start3A_129 = tpu.memref_slice %arg10[%dma_start3A_127, %dma_start3A_128] : memref<10240x32xf32, #tpu.memory_space<vmem_shared>> -> memref<10240x32xf32, #tpu.memory_space<vmem_shared>>
      %dma_start3A_130 = tpu.memref_slice %arg13[%dma_start3A_119] : memref<4x!tpu.dma_semaphore, #tpu.memory_space<semaphore_mem>> -> memref<1x!tpu.dma_semaphore, #tpu.memory_space<semaphore_mem>>
      %dma_start3A_131 = tpu.memref_squeeze %dma_start3A_130 : memref<1x!tpu.dma_semaphore, #tpu.memory_space<semaphore_mem>> -> memref<!tpu.dma_semaphore, #tpu.memory_space<semaphore_mem>>
      tpu.enqueue_indirect_dma source(%dma_start3A_123 : memref<128x32xf32, #tpu.memory_space<vmem>>) target(%dma_start3A_129 : memref<10240x32xf32, #tpu.memory_space<vmem_shared>>) offsets(%dma_start3A_126 : memref<128xi32, #tpu.memory_space<vmem>>) semaphore(%dma_start3A_131 : memref<!tpu.dma_semaphore, #tpu.memory_space<semaphore_mem>>) {add = true}
      %dma_wait3A_132 = arith.constant 0 : i32
      %dma_wait3A_133 = arith.constant 1 : i32
      %dma_wait3A_134 = arith.constant 1 : i32
      %dma_wait3A_135 = arith.constant 0 : i32
      %dma_wait3A_136 = arith.constant 0 : i32
      %dma_wait3A_137 = tpu.memref_slice %arg8[%dma_wait3A_133, %dma_wait3A_135, %dma_wait3A_136] : memref<4x128x32xf32, #tpu.memory_space<vmem>> -> memref<1x128x32xf32, #tpu.memory_space<vmem>>
      %dma_wait3A_138 = tpu.memref_squeeze %dma_wait3A_137 : memref<1x128x32xf32, #tpu.memory_space<vmem>> -> memref<128x32xf32, #tpu.memory_space<vmem>>
      %dma_wait3A_139 = arith.constant 0 : i32
      %dma_wait3A_140 = tpu.memref_slice %arg6[%dma_wait3A_132, %dma_wait3A_139] : memref<80x128xi32, #tpu.memory_space<vmem>> -> memref<1x128xi32, #tpu.memory_space<vmem>>
      %dma_wait3A_141 = tpu.memref_squeeze %dma_wait3A_140 : memref<1x128xi32, #tpu.memory_space<vmem>> -> memref<128xi32, #tpu.memory_space<vmem>>
      %dma_wait3A_142 = arith.constant 0 : i32
      %dma_wait3A_143 = arith.constant 0 : i32
      %dma_wait3A_144 = tpu.memref_slice %arg11[%dma_wait3A_142, %dma_wait3A_143] : memref<10000x32xf32, #tpu.memory_space<vmem_shared>> -> memref<10000x32xf32, #tpu.memory_space<vmem_shared>>
      %dma_wait3A_145 = tpu.memref_slice %arg12[%dma_wait3A_134] : memref<4x!tpu.dma_semaphore, #tpu.memory_space<semaphore_mem>> -> memref<1x!tpu.dma_semaphore, #tpu.memory_space<semaphore_mem>>
      %dma_wait3A_146 = tpu.memref_squeeze %dma_wait3A_145 : memref<1x!tpu.dma_semaphore, #tpu.memory_space<semaphore_mem>> -> memref<!tpu.dma_semaphore, #tpu.memory_space<semaphore_mem>>
      tpu.wait_indirect_dma semaphore(%dma_wait3A_146 : memref<!tpu.dma_semaphore, #tpu.memory_space<semaphore_mem>>) src(%dma_wait3A_144 : memref<10000x32xf32, #tpu.memory_space<vmem_shared>>) dst(%dma_wait3A_138 : memref<128x32xf32, #tpu.memory_space<vmem>>)
      %dma_start3A_147 = arith.constant 1 : i32
      %dma_start3A_148 = arith.constant 77 : i32
      %dma_start3A_149 = arith.constant 1 : i32
      %dma_start3A_150 = arith.constant 0 : i32
      %dma_start3A_151 = arith.constant 0 : i32
      %dma_start3A_152 = tpu.memref_slice %arg8[%dma_start3A_147, %dma_start3A_150, %dma_start3A_151] : memref<4x128x32xf32, #tpu.memory_space<vmem>> -> memref<1x128x32xf32, #tpu.memory_space<vmem>>
      %dma_start3A_153 = tpu.memref_squeeze %dma_start3A_152 : memref<1x128x32xf32, #tpu.memory_space<vmem>> -> memref<128x32xf32, #tpu.memory_space<vmem>>
      %dma_start3A_154 = arith.constant 0 : i32
      %dma_start3A_155 = tpu.memref_slice %arg7[%dma_start3A_148, %dma_start3A_154] : memref<80x128xi32, #tpu.memory_space<vmem>> -> memref<1x128xi32, #tpu.memory_space<vmem>>
      %dma_start3A_156 = tpu.memref_squeeze %dma_start3A_155 : memref<1x128xi32, #tpu.memory_space<vmem>> -> memref<128xi32, #tpu.memory_space<vmem>>
      %dma_start3A_157 = arith.constant 0 : i32
      %dma_start3A_158 = arith.constant 0 : i32
      %dma_start3A_159 = tpu.memref_slice %arg10[%dma_start3A_157, %dma_start3A_158] : memref<10240x32xf32, #tpu.memory_space<vmem_shared>> -> memref<10240x32xf32, #tpu.memory_space<vmem_shared>>
      %dma_start3A_160 = tpu.memref_slice %arg13[%dma_start3A_149] : memref<4x!tpu.dma_semaphore, #tpu.memory_space<semaphore_mem>> -> memref<1x!tpu.dma_semaphore, #tpu.memory_space<semaphore_mem>>
      %dma_start3A_161 = tpu.memref_squeeze %dma_start3A_160 : memref<1x!tpu.dma_semaphore, #tpu.memory_space<semaphore_mem>> -> memref<!tpu.dma_semaphore, #tpu.memory_space<semaphore_mem>>
      tpu.enqueue_indirect_dma source(%dma_start3A_153 : memref<128x32xf32, #tpu.memory_space<vmem>>) target(%dma_start3A_159 : memref<10240x32xf32, #tpu.memory_space<vmem_shared>>) offsets(%dma_start3A_156 : memref<128xi32, #tpu.memory_space<vmem>>) semaphore(%dma_start3A_161 : memref<!tpu.dma_semaphore, #tpu.memory_space<semaphore_mem>>) {add = true}
      %dma_wait3A_162 = arith.constant 0 : i32
      %dma_wait3A_163 = arith.constant 2 : i32
      %dma_wait3A_164 = arith.constant 2 : i32
      %dma_wait3A_165 = arith.constant 0 : i32
      %dma_wait3A_166 = arith.constant 0 : i32
      %dma_wait3A_167 = tpu.memref_slice %arg8[%dma_wait3A_163, %dma_wait3A_165, %dma_wait3A_166] : memref<4x128x32xf32, #tpu.memory_space<vmem>> -> memref<1x128x32xf32, #tpu.memory_space<vmem>>
      %dma_wait3A_168 = tpu.memref_squeeze %dma_wait3A_167 : memref<1x128x32xf32, #tpu.memory_space<vmem>> -> memref<128x32xf32, #tpu.memory_space<vmem>>
      %dma_wait3A_169 = arith.constant 0 : i32
      %dma_wait3A_170 = tpu.memref_slice %arg6[%dma_wait3A_162, %dma_wait3A_169] : memref<80x128xi32, #tpu.memory_space<vmem>> -> memref<1x128xi32, #tpu.memory_space<vmem>>
      %dma_wait3A_171 = tpu.memref_squeeze %dma_wait3A_170 : memref<1x128xi32, #tpu.memory_space<vmem>> -> memref<128xi32, #tpu.memory_space<vmem>>
      %dma_wait3A_172 = arith.constant 0 : i32
      %dma_wait3A_173 = arith.constant 0 : i32
      %dma_wait3A_174 = tpu.memref_slice %arg11[%dma_wait3A_172, %dma_wait3A_173] : memref<10000x32xf32, #tpu.memory_space<vmem_shared>> -> memref<10000x32xf32, #tpu.memory_space<vmem_shared>>
      %dma_wait3A_175 = tpu.memref_slice %arg12[%dma_wait3A_164] : memref<4x!tpu.dma_semaphore, #tpu.memory_space<semaphore_mem>> -> memref<1x!tpu.dma_semaphore, #tpu.memory_space<semaphore_mem>>
      %dma_wait3A_176 = tpu.memref_squeeze %dma_wait3A_175 : memref<1x!tpu.dma_semaphore, #tpu.memory_space<semaphore_mem>> -> memref<!tpu.dma_semaphore, #tpu.memory_space<semaphore_mem>>
      tpu.wait_indirect_dma semaphore(%dma_wait3A_176 : memref<!tpu.dma_semaphore, #tpu.memory_space<semaphore_mem>>) src(%dma_wait3A_174 : memref<10000x32xf32, #tpu.memory_space<vmem_shared>>) dst(%dma_wait3A_168 : memref<128x32xf32, #tpu.memory_space<vmem>>)
      %dma_start3A_177 = arith.constant 2 : i32
      %dma_start3A_178 = arith.constant 78 : i32
      %dma_start3A_179 = arith.constant 2 : i32
      %dma_start3A_180 = arith.constant 0 : i32
      %dma_start3A_181 = arith.constant 0 : i32
      %dma_start3A_182 = tpu.memref_slice %arg8[%dma_start3A_177, %dma_start3A_180, %dma_start3A_181] : memref<4x128x32xf32, #tpu.memory_space<vmem>> -> memref<1x128x32xf32, #tpu.memory_space<vmem>>
      %dma_start3A_183 = tpu.memref_squeeze %dma_start3A_182 : memref<1x128x32xf32, #tpu.memory_space<vmem>> -> memref<128x32xf32, #tpu.memory_space<vmem>>
      %dma_start3A_184 = arith.constant 0 : i32
      %dma_start3A_185 = tpu.memref_slice %arg7[%dma_start3A_178, %dma_start3A_184] : memref<80x128xi32, #tpu.memory_space<vmem>> -> memref<1x128xi32, #tpu.memory_space<vmem>>
      %dma_start3A_186 = tpu.memref_squeeze %dma_start3A_185 : memref<1x128xi32, #tpu.memory_space<vmem>> -> memref<128xi32, #tpu.memory_space<vmem>>
      %dma_start3A_187 = arith.constant 0 : i32
      %dma_start3A_188 = arith.constant 0 : i32
      %dma_start3A_189 = tpu.memref_slice %arg10[%dma_start3A_187, %dma_start3A_188] : memref<10240x32xf32, #tpu.memory_space<vmem_shared>> -> memref<10240x32xf32, #tpu.memory_space<vmem_shared>>
      %dma_start3A_190 = tpu.memref_slice %arg13[%dma_start3A_179] : memref<4x!tpu.dma_semaphore, #tpu.memory_space<semaphore_mem>> -> memref<1x!tpu.dma_semaphore, #tpu.memory_space<semaphore_mem>>
      %dma_start3A_191 = tpu.memref_squeeze %dma_start3A_190 : memref<1x!tpu.dma_semaphore, #tpu.memory_space<semaphore_mem>> -> memref<!tpu.dma_semaphore, #tpu.memory_space<semaphore_mem>>
      tpu.enqueue_indirect_dma source(%dma_start3A_183 : memref<128x32xf32, #tpu.memory_space<vmem>>) target(%dma_start3A_189 : memref<10240x32xf32, #tpu.memory_space<vmem_shared>>) offsets(%dma_start3A_186 : memref<128xi32, #tpu.memory_space<vmem>>) semaphore(%dma_start3A_191 : memref<!tpu.dma_semaphore, #tpu.memory_space<semaphore_mem>>) {add = true}
      %dma_wait3A_192 = arith.constant 0 : i32
      %dma_wait3A_193 = arith.constant 3 : i32
      %dma_wait3A_194 = arith.constant 3 : i32
      %dma_wait3A_195 = arith.constant 0 : i32
      %dma_wait3A_196 = arith.constant 0 : i32
      %dma_wait3A_197 = tpu.memref_slice %arg8[%dma_wait3A_193, %dma_wait3A_195, %dma_wait3A_196] : memref<4x128x32xf32, #tpu.memory_space<vmem>> -> memref<1x128x32xf32, #tpu.memory_space<vmem>>
      %dma_wait3A_198 = tpu.memref_squeeze %dma_wait3A_197 : memref<1x128x32xf32, #tpu.memory_space<vmem>> -> memref<128x32xf32, #tpu.memory_space<vmem>>
      %dma_wait3A_199 = arith.constant 0 : i32
      %dma_wait3A_200 = tpu.memref_slice %arg6[%dma_wait3A_192, %dma_wait3A_199] : memref<80x128xi32, #tpu.memory_space<vmem>> -> memref<1x128xi32, #tpu.memory_space<vmem>>
      %dma_wait3A_201 = tpu.memref_squeeze %dma_wait3A_200 : memref<1x128xi32, #tpu.memory_space<vmem>> -> memref<128xi32, #tpu.memory_space<vmem>>
      %dma_wait3A_202 = arith.constant 0 : i32
      %dma_wait3A_203 = arith.constant 0 : i32
      %dma_wait3A_204 = tpu.memref_slice %arg11[%dma_wait3A_202, %dma_wait3A_203] : memref<10000x32xf32, #tpu.memory_space<vmem_shared>> -> memref<10000x32xf32, #tpu.memory_space<vmem_shared>>
      %dma_wait3A_205 = tpu.memref_slice %arg12[%dma_wait3A_194] : memref<4x!tpu.dma_semaphore, #tpu.memory_space<semaphore_mem>> -> memref<1x!tpu.dma_semaphore, #tpu.memory_space<semaphore_mem>>
      %dma_wait3A_206 = tpu.memref_squeeze %dma_wait3A_205 : memref<1x!tpu.dma_semaphore, #tpu.memory_space<semaphore_mem>> -> memref<!tpu.dma_semaphore, #tpu.memory_space<semaphore_mem>>
      tpu.wait_indirect_dma semaphore(%dma_wait3A_206 : memref<!tpu.dma_semaphore, #tpu.memory_space<semaphore_mem>>) src(%dma_wait3A_204 : memref<10000x32xf32, #tpu.memory_space<vmem_shared>>) dst(%dma_wait3A_198 : memref<128x32xf32, #tpu.memory_space<vmem>>)
      %dma_start3A_207 = arith.constant 3 : i32
      %dma_start3A_208 = arith.constant 79 : i32
      %dma_start3A_209 = arith.constant 3 : i32
      %dma_start3A_210 = arith.constant 0 : i32
      %dma_start3A_211 = arith.constant 0 : i32
      %dma_start3A_212 = tpu.memref_slice %arg8[%dma_start3A_207, %dma_start3A_210, %dma_start3A_211] : memref<4x128x32xf32, #tpu.memory_space<vmem>> -> memref<1x128x32xf32, #tpu.memory_space<vmem>>
      %dma_start3A_213 = tpu.memref_squeeze %dma_start3A_212 : memref<1x128x32xf32, #tpu.memory_space<vmem>> -> memref<128x32xf32, #tpu.memory_space<vmem>>
      %dma_start3A_214 = arith.constant 0 : i32
      %dma_start3A_215 = tpu.memref_slice %arg7[%dma_start3A_208, %dma_start3A_214] : memref<80x128xi32, #tpu.memory_space<vmem>> -> memref<1x128xi32, #tpu.memory_space<vmem>>
      %dma_start3A_216 = tpu.memref_squeeze %dma_start3A_215 : memref<1x128xi32, #tpu.memory_space<vmem>> -> memref<128xi32, #tpu.memory_space<vmem>>
      %dma_start3A_217 = arith.constant 0 : i32
      %dma_start3A_218 = arith.constant 0 : i32
      %dma_start3A_219 = tpu.memref_slice %arg10[%dma_start3A_217, %dma_start3A_218] : memref<10240x32xf32, #tpu.memory_space<vmem_shared>> -> memref<10240x32xf32, #tpu.memory_space<vmem_shared>>
      %dma_start3A_220 = tpu.memref_slice %arg13[%dma_start3A_209] : memref<4x!tpu.dma_semaphore, #tpu.memory_space<semaphore_mem>> -> memref<1x!tpu.dma_semaphore, #tpu.memory_space<semaphore_mem>>
      %dma_start3A_221 = tpu.memref_squeeze %dma_start3A_220 : memref<1x!tpu.dma_semaphore, #tpu.memory_space<semaphore_mem>> -> memref<!tpu.dma_semaphore, #tpu.memory_space<semaphore_mem>>
      tpu.enqueue_indirect_dma source(%dma_start3A_213 : memref<128x32xf32, #tpu.memory_space<vmem>>) target(%dma_start3A_219 : memref<10240x32xf32, #tpu.memory_space<vmem_shared>>) offsets(%dma_start3A_216 : memref<128xi32, #tpu.memory_space<vmem>>) semaphore(%dma_start3A_221 : memref<!tpu.dma_semaphore, #tpu.memory_space<semaphore_mem>>) {add = true}
      %dma_wait3A_222 = arith.constant 0 : i32
      %dma_wait3A_223 = arith.constant 0 : i32
      %dma_wait3A_224 = arith.constant 0 : i32
      %dma_wait3A_225 = arith.constant 0 : i32
      %dma_wait3A_226 = arith.constant 0 : i32
      %dma_wait3A_227 = tpu.memref_slice %arg8[%dma_wait3A_222, %dma_wait3A_225, %dma_wait3A_226] : memref<4x128x32xf32, #tpu.memory_space<vmem>> -> memref<1x128x32xf32, #tpu.memory_space<vmem>>
      %dma_wait3A_228 = tpu.memref_squeeze %dma_wait3A_227 : memref<1x128x32xf32, #tpu.memory_space<vmem>> -> memref<128x32xf32, #tpu.memory_space<vmem>>
      %dma_wait3A_229 = arith.constant 0 : i32
      %dma_wait3A_230 = tpu.memref_slice %arg7[%dma_wait3A_223, %dma_wait3A_229] : memref<80x128xi32, #tpu.memory_space<vmem>> -> memref<1x128xi32, #tpu.memory_space<vmem>>
      %dma_wait3A_231 = tpu.memref_squeeze %dma_wait3A_230 : memref<1x128xi32, #tpu.memory_space<vmem>> -> memref<128xi32, #tpu.memory_space<vmem>>
      %dma_wait3A_232 = arith.constant 0 : i32
      %dma_wait3A_233 = arith.constant 0 : i32
      %dma_wait3A_234 = tpu.memref_slice %arg10[%dma_wait3A_232, %dma_wait3A_233] : memref<10240x32xf32, #tpu.memory_space<vmem_shared>> -> memref<10240x32xf32, #tpu.memory_space<vmem_shared>>
      %dma_wait3A_235 = tpu.memref_slice %arg13[%dma_wait3A_224] : memref<4x!tpu.dma_semaphore, #tpu.memory_space<semaphore_mem>> -> memref<1x!tpu.dma_semaphore, #tpu.memory_space<semaphore_mem>>
      %dma_wait3A_236 = tpu.memref_squeeze %dma_wait3A_235 : memref<1x!tpu.dma_semaphore, #tpu.memory_space<semaphore_mem>> -> memref<!tpu.dma_semaphore, #tpu.memory_space<semaphore_mem>>
      tpu.wait_indirect_dma semaphore(%dma_wait3A_236 : memref<!tpu.dma_semaphore, #tpu.memory_space<semaphore_mem>>) src(%dma_wait3A_228 : memref<128x32xf32, #tpu.memory_space<vmem>>) dst(%dma_wait3A_234 : memref<10240x32xf32, #tpu.memory_space<vmem_shared>>)
      %dma_wait3A_237 = arith.constant 1 : i32
      %dma_wait3A_238 = arith.constant 0 : i32
      %dma_wait3A_239 = arith.constant 1 : i32
      %dma_wait3A_240 = arith.constant 0 : i32
      %dma_wait3A_241 = arith.constant 0 : i32
      %dma_wait3A_242 = tpu.memref_slice %arg8[%dma_wait3A_237, %dma_wait3A_240, %dma_wait3A_241] : memref<4x128x32xf32, #tpu.memory_space<vmem>> -> memref<1x128x32xf32, #tpu.memory_space<vmem>>
      %dma_wait3A_243 = tpu.memref_squeeze %dma_wait3A_242 : memref<1x128x32xf32, #tpu.memory_space<vmem>> -> memref<128x32xf32, #tpu.memory_space<vmem>>
      %dma_wait3A_244 = arith.constant 0 : i32
      %dma_wait3A_245 = tpu.memref_slice %arg7[%dma_wait3A_238, %dma_wait3A_244] : memref<80x128xi32, #tpu.memory_space<vmem>> -> memref<1x128xi32, #tpu.memory_space<vmem>>
      %dma_wait3A_246 = tpu.memref_squeeze %dma_wait3A_245 : memref<1x128xi32, #tpu.memory_space<vmem>> -> memref<128xi32, #tpu.memory_space<vmem>>
      %dma_wait3A_247 = arith.constant 0 : i32
      %dma_wait3A_248 = arith.constant 0 : i32
      %dma_wait3A_249 = tpu.memref_slice %arg10[%dma_wait3A_247, %dma_wait3A_248] : memref<10240x32xf32, #tpu.memory_space<vmem_shared>> -> memref<10240x32xf32, #tpu.memory_space<vmem_shared>>
      %dma_wait3A_250 = tpu.memref_slice %arg13[%dma_wait3A_239] : memref<4x!tpu.dma_semaphore, #tpu.memory_space<semaphore_mem>> -> memref<1x!tpu.dma_semaphore, #tpu.memory_space<semaphore_mem>>
      %dma_wait3A_251 = tpu.memref_squeeze %dma_wait3A_250 : memref<1x!tpu.dma_semaphore, #tpu.memory_space<semaphore_mem>> -> memref<!tpu.dma_semaphore, #tpu.memory_space<semaphore_mem>>
      tpu.wait_indirect_dma semaphore(%dma_wait3A_251 : memref<!tpu.dma_semaphore, #tpu.memory_space<semaphore_mem>>) src(%dma_wait3A_243 : memref<128x32xf32, #tpu.memory_space<vmem>>) dst(%dma_wait3A_249 : memref<10240x32xf32, #tpu.memory_space<vmem_shared>>)
      %dma_wait3A_252 = arith.constant 2 : i32
      %dma_wait3A_253 = arith.constant 0 : i32
      %dma_wait3A_254 = arith.constant 2 : i32
      %dma_wait3A_255 = arith.constant 0 : i32
      %dma_wait3A_256 = arith.constant 0 : i32
      %dma_wait3A_257 = tpu.memref_slice %arg8[%dma_wait3A_252, %dma_wait3A_255, %dma_wait3A_256] : memref<4x128x32xf32, #tpu.memory_space<vmem>> -> memref<1x128x32xf32, #tpu.memory_space<vmem>>
      %dma_wait3A_258 = tpu.memref_squeeze %dma_wait3A_257 : memref<1x128x32xf32, #tpu.memory_space<vmem>> -> memref<128x32xf32, #tpu.memory_space<vmem>>
      %dma_wait3A_259 = arith.constant 0 : i32
      %dma_wait3A_260 = tpu.memref_slice %arg7[%dma_wait3A_253, %dma_wait3A_259] : memref<80x128xi32, #tpu.memory_space<vmem>> -> memref<1x128xi32, #tpu.memory_space<vmem>>
      %dma_wait3A_261 = tpu.memref_squeeze %dma_wait3A_260 : memref<1x128xi32, #tpu.memory_space<vmem>> -> memref<128xi32, #tpu.memory_space<vmem>>
      %dma_wait3A_262 = arith.constant 0 : i32
      %dma_wait3A_263 = arith.constant 0 : i32
      %dma_wait3A_264 = tpu.memref_slice %arg10[%dma_wait3A_262, %dma_wait3A_263] : memref<10240x32xf32, #tpu.memory_space<vmem_shared>> -> memref<10240x32xf32, #tpu.memory_space<vmem_shared>>
      %dma_wait3A_265 = tpu.memref_slice %arg13[%dma_wait3A_254] : memref<4x!tpu.dma_semaphore, #tpu.memory_space<semaphore_mem>> -> memref<1x!tpu.dma_semaphore, #tpu.memory_space<semaphore_mem>>
      %dma_wait3A_266 = tpu.memref_squeeze %dma_wait3A_265 : memref<1x!tpu.dma_semaphore, #tpu.memory_space<semaphore_mem>> -> memref<!tpu.dma_semaphore, #tpu.memory_space<semaphore_mem>>
      tpu.wait_indirect_dma semaphore(%dma_wait3A_266 : memref<!tpu.dma_semaphore, #tpu.memory_space<semaphore_mem>>) src(%dma_wait3A_258 : memref<128x32xf32, #tpu.memory_space<vmem>>) dst(%dma_wait3A_264 : memref<10240x32xf32, #tpu.memory_space<vmem_shared>>)
      %dma_wait3A_267 = arith.constant 3 : i32
      %dma_wait3A_268 = arith.constant 0 : i32
      %dma_wait3A_269 = arith.constant 3 : i32
      %dma_wait3A_270 = arith.constant 0 : i32
      %dma_wait3A_271 = arith.constant 0 : i32
      %dma_wait3A_272 = tpu.memref_slice %arg8[%dma_wait3A_267, %dma_wait3A_270, %dma_wait3A_271] : memref<4x128x32xf32, #tpu.memory_space<vmem>> -> memref<1x128x32xf32, #tpu.memory_space<vmem>>
      %dma_wait3A_273 = tpu.memref_squeeze %dma_wait3A_272 : memref<1x128x32xf32, #tpu.memory_space<vmem>> -> memref<128x32xf32, #tpu.memory_space<vmem>>
      %dma_wait3A_274 = arith.constant 0 : i32
      %dma_wait3A_275 = tpu.memref_slice %arg7[%dma_wait3A_268, %dma_wait3A_274] : memref<80x128xi32, #tpu.memory_space<vmem>> -> memref<1x128xi32, #tpu.memory_space<vmem>>
      %dma_wait3A_276 = tpu.memref_squeeze %dma_wait3A_275 : memref<1x128xi32, #tpu.memory_space<vmem>> -> memref<128xi32, #tpu.memory_space<vmem>>
      %dma_wait3A_277 = arith.constant 0 : i32
      %dma_wait3A_278 = arith.constant 0 : i32
      %dma_wait3A_279 = tpu.memref_slice %arg10[%dma_wait3A_277, %dma_wait3A_278] : memref<10240x32xf32, #tpu.memory_space<vmem_shared>> -> memref<10240x32xf32, #tpu.memory_space<vmem_shared>>
      %dma_wait3A_280 = tpu.memref_slice %arg13[%dma_wait3A_269] : memref<4x!tpu.dma_semaphore, #tpu.memory_space<semaphore_mem>> -> memref<1x!tpu.dma_semaphore, #tpu.memory_space<semaphore_mem>>
      %dma_wait3A_281 = tpu.memref_squeeze %dma_wait3A_280 : memref<1x!tpu.dma_semaphore, #tpu.memory_space<semaphore_mem>> -> memref<!tpu.dma_semaphore, #tpu.memory_space<semaphore_mem>>
      tpu.wait_indirect_dma semaphore(%dma_wait3A_281 : memref<!tpu.dma_semaphore, #tpu.memory_space<semaphore_mem>>) src(%dma_wait3A_273 : memref<128x32xf32, #tpu.memory_space<vmem>>) dst(%dma_wait3A_279 : memref<10240x32xf32, #tpu.memory_space<vmem_shared>>)
      %barrier3A_282 = arith.constant 0 : index
      tpu.barrier barrier_id(%barrier3A_282)
      %mul3A_283 = arith.constant 640 : i32
      %mul3A_284 = arith.muli %arg1, %mul3A_283 : i32
      %mul3A_285 = arith.constant 32 : i32
      %mul3A_286 = arith.muli %add3A_14, %mul3A_285 : i32
      "tpu.region"() ({
        %run_scoped3A = tpu.sem_alloc : memref<!tpu.dma_semaphore, #tpu.memory_space<semaphore_mem>>
        %dma_start3A_288 = tpu.memref_slice %arg5[%arg0, %mul3A_284, %mul3A_286] : memref<2x10240x128xf32, #tpu.memory_space<hbm>> -> memref<1x640x32xf32, #tpu.memory_space<hbm>>
        %dma_start3A_289 = tpu.memref_squeeze %dma_start3A_288 : memref<1x640x32xf32, #tpu.memory_space<hbm>> -> memref<640x32xf32, #tpu.memory_space<hbm>>
        %dma_start3A_290 = arith.constant 0 : i32
        %dma_start3A_291 = tpu.memref_slice %arg10[%mul3A_284, %dma_start3A_290] : memref<10240x32xf32, #tpu.memory_space<vmem_shared>> -> memref<640x32xf32, #tpu.memory_space<vmem_shared>>
        tpu.enqueue_dma source(%dma_start3A_291 : memref<640x32xf32, #tpu.memory_space<vmem_shared>>) target(%dma_start3A_289 : memref<640x32xf32, #tpu.memory_space<hbm>>) target_semaphore(%run_scoped3A : memref<!tpu.dma_semaphore, #tpu.memory_space<semaphore_mem>>)
        %dma_wait3A_292 = tpu.memref_slice %arg5[%arg0, %mul3A_284, %mul3A_286] : memref<2x10240x128xf32, #tpu.memory_space<hbm>> -> memref<1x640x32xf32, #tpu.memory_space<hbm>>
        %dma_wait3A_293 = tpu.memref_squeeze %dma_wait3A_292 : memref<1x640x32xf32, #tpu.memory_space<hbm>> -> memref<640x32xf32, #tpu.memory_space<hbm>>
        %dma_wait3A_294 = arith.constant 0 : i32
        %dma_wait3A_295 = tpu.memref_slice %arg10[%mul3A_284, %dma_wait3A_294] : memref<10240x32xf32, #tpu.memory_space<vmem_shared>> -> memref<640x32xf32, #tpu.memory_space<vmem_shared>>
        tpu.wait_dma2 semaphore(%run_scoped3A : memref<!tpu.dma_semaphore, #tpu.memory_space<semaphore_mem>>) src(%dma_wait3A_295 : memref<640x32xf32, #tpu.memory_space<vmem_shared>>) dst(%dma_wait3A_293 : memref<640x32xf32, #tpu.memory_space<hbm>>)
        tpu.yield
      }) : () -> ()
      %barrier3A_287 = arith.constant 0 : index
      tpu.barrier barrier_id(%barrier3A_287)
    }
    %scan3A_9 = arith.constant 4 : i32
    return
  }
}

#map = affine_map<(d0, d1) -> (0, 0)>
#map1 = affine_map<(d0, d1) -> (0, 0, 0)>
module attributes {stable_mosaic.version = 14 : i64} {
  func.func @body(%arg0: i32, %arg1: i32, %arg2: memref<10000x128xf32, #tpu.memory_space<hbm>>, %arg3: memref<32x80x128xi32, #tpu.memory_space<hbm>>, %arg4: memref<32x80x128xi32, #tpu.memory_space<hbm>>, %arg5: memref<2x10240x128xf32, #tpu.memory_space<hbm>>, %arg6: memref<80x128xi32, #tpu.memory_space<vmem>>, %arg7: memref<80x128xi32, #tpu.memory_space<vmem>>, %arg8: memref<4x128x32xf32, #tpu.memory_space<vmem>>, %arg9: memref<128x32xf32, #tpu.memory_space<vmem>>, %arg10: memref<10240x32xf32, #tpu.memory_space<vmem_shared>>, %arg11: memref<10000x32xf32, #tpu.memory_space<vmem_shared>>, %arg12: memref<4x!tpu.dma_semaphore, #tpu.memory_space<semaphore_mem>>, %arg13: memref<4x!tpu.dma_semaphore, #tpu.memory_space<semaphore_mem>>) attributes {dimension_semantics = [#tpu.dimension_semantics<core_parallel>, #tpu.dimension_semantics<subcore_parallel>], iteration_bounds = array<i64: 2, 16>, scalar_prefetch = 0 : i64, scratch_operands = 8 : i64, tpu.core_type = #tpu.core_type<sc_vector_subcore>, window_params = [{transform_indices = #map}, {transform_indices = #map1}, {transform_indices = #map1}, {transform_indices = #map1}]} {
    %mul3A = arith.constant 2 : i32
    %mul3A_0 = arith.muli %arg1, %mul3A : i32
    %add3A = arith.addi %mul3A_0, %arg0 : i32
    %scan3A = arith.constant 0 : i32
    %scan3A_1 = arith.constant 128 : i32
    %scan3A_2 = arith.addi %scan3A, %scan3A_1 : i32
    %scan3A_3 = arith.constant 1 : i32
    scf.for %scan3A_10 = %scan3A to %scan3A_2 step %scan3A_3  : i32 {
      %mul3A_11 = arith.constant 1 : i32
      %mul3A_12 = arith.muli %scan3A_10, %mul3A_11 : i32
      %add3A_13 = arith.constant 0 : i32
      %add3A_14 = arith.addi %add3A_13, %mul3A_12 : i32
      %broadcast_in_dim3A = arith.constant 0.000000e+00 : f32
      %broadcast_in_dim3A_15 = vector.broadcast %broadcast_in_dim3A : f32 to vector<16xf32>
      %swap3A = arith.index_cast %add3A_14 : i32 to index
      %swap3A_16 = arith.constant 0 : index
      %swap3A_17 = tpu.vector_load %arg9[%swap3A, %swap3A_16] {strides = array<i32>} : memref<128x32xf32, #tpu.memory_space<vmem>>, vector<1x16xf32>,
      %swap3A_18 = vector.shape_cast %swap3A_17 : vector<1x16xf32> to vector<16xf32>
      %swap3A_19 = vector.shape_cast %broadcast_in_dim3A_15 : vector<16xf32> to vector<1x16xf32>
      tpu.vector_store %arg9[%swap3A, %swap3A_16], %swap3A_19 {strides = array<i32>} : memref<128x32xf32, #tpu.memory_space<vmem>>, vector<1x16xf32>,
      %broadcast_in_dim3A_20 = arith.constant 0.000000e+00 : f32
      %broadcast_in_dim3A_21 = vector.broadcast %broadcast_in_dim3A_20 : f32 to vector<16xf32>
      %swap3A_22 = arith.index_cast %add3A_14 : i32 to index
      %swap3A_23 = arith.constant 16 : index
      %swap3A_24 = tpu.vector_load %arg9[%swap3A_22, %swap3A_23] {strides = array<i32>} : memref<128x32xf32, #tpu.memory_space<vmem>>, vector<1x16xf32>,
      %swap3A_25 = vector.shape_cast %swap3A_24 : vector<1x16xf32> to vector<16xf32>
      %swap3A_26 = vector.shape_cast %broadcast_in_dim3A_21 : vector<16xf32> to vector<1x16xf32>
      tpu.vector_store %arg9[%swap3A_22, %swap3A_23], %swap3A_26 {strides = array<i32>} : memref<128x32xf32, #tpu.memory_space<vmem>>, vector<1x16xf32>,
    }
    %scan3A_4 = arith.constant 128 : i32
    "tpu.region"() ({
      %run_scoped3A = tpu.sem_alloc : memref<!tpu.dma_semaphore, #tpu.memory_space<semaphore_mem>>
      %dma_start3A = arith.constant 0 : i32
      %dma_start3A_10 = arith.constant 0 : i32
      %dma_start3A_11 = tpu.memref_slice %arg3[%add3A, %dma_start3A, %dma_start3A_10] : memref<32x80x128xi32, #tpu.memory_space<hbm>> -> memref<1x80x128xi32, #tpu.memory_space<hbm>>
      %dma_start3A_12 = tpu.memref_squeeze %dma_start3A_11 : memref<1x80x128xi32, #tpu.memory_space<hbm>> -> memref<80x128xi32, #tpu.memory_space<hbm>>
      %dma_start3A_13 = arith.constant 0 : i32
      %dma_start3A_14 = arith.constant 0 : i32
      %dma_start3A_15 = tpu.memref_slice %arg3[%add3A, %dma_start3A_13, %dma_start3A_14] : memref<32x80x128xi32, #tpu.memory_space<hbm>> -> memref<1x80x128xi32, #tpu.memory_space<hbm>>
      %dma_start3A_16 = tpu.memref_squeeze %dma_start3A_15 : memref<1x80x128xi32, #tpu.memory_space<hbm>> -> memref<80x128xi32, #tpu.memory_space<hbm>>
      tpu.enqueue_dma source(%dma_start3A_16 : memref<80x128xi32, #tpu.memory_space<hbm>>) target(%arg6 : memref<80x128xi32, #tpu.memory_space<vmem>>) target_semaphore(%run_scoped3A : memref<!tpu.dma_semaphore, #tpu.memory_space<semaphore_mem>>)
      %dma_wait3A = arith.constant 0 : i32
      %dma_wait3A_17 = arith.constant 0 : i32
      %dma_wait3A_18 = tpu.memref_slice %arg3[%add3A, %dma_wait3A, %dma_wait3A_17] : memref<32x80x128xi32, #tpu.memory_space<hbm>> -> memref<1x80x128xi32, #tpu.memory_space<hbm>>
      %dma_wait3A_19 = tpu.memref_squeeze %dma_wait3A_18 : memref<1x80x128xi32, #tpu.memory_space<hbm>> -> memref<80x128xi32, #tpu.memory_space<hbm>>
      %dma_wait3A_20 = arith.constant 0 : i32
      %dma_wait3A_21 = arith.constant 0 : i32
      %dma_wait3A_22 = tpu.memref_slice %arg3[%add3A, %dma_wait3A_20, %dma_wait3A_21] : memref<32x80x128xi32, #tpu.memory_space<hbm>> -> memref<1x80x128xi32, #tpu.memory_space<hbm>>
      %dma_wait3A_23 = tpu.memref_squeeze %dma_wait3A_22 : memref<1x80x128xi32, #tpu.memory_space<hbm>> -> memref<80x128xi32, #tpu.memory_space<hbm>>
      tpu.wait_dma2 semaphore(%run_scoped3A : memref<!tpu.dma_semaphore, #tpu.memory_space<semaphore_mem>>) src(%dma_wait3A_23 : memref<80x128xi32, #tpu.memory_space<hbm>>) dst(%arg6 : memref<80x128xi32, #tpu.memory_space<vmem>>)
      tpu.yield
    }) : () -> ()
    "tpu.region"() ({
      %run_scoped3A = tpu.sem_alloc : memref<!tpu.dma_semaphore, #tpu.memory_space<semaphore_mem>>
      %dma_start3A = arith.constant 0 : i32
      %dma_start3A_10 = arith.constant 0 : i32
      %dma_start3A_11 = tpu.memref_slice %arg4[%add3A, %dma_start3A, %dma_start3A_10] : memref<32x80x128xi32, #tpu.memory_space<hbm>> -> memref<1x80x128xi32, #tpu.memory_space<hbm>>
      %dma_start3A_12 = tpu.memref_squeeze %dma_start3A_11 : memref<1x80x128xi32, #tpu.memory_space<hbm>> -> memref<80x128xi32, #tpu.memory_space<hbm>>
      %dma_start3A_13 = arith.constant 0 : i32
      %dma_start3A_14 = arith.constant 0 : i32
      %dma_start3A_15 = tpu.memref_slice %arg4[%add3A, %dma_start3A_13, %dma_start3A_14] : memref<32x80x128xi32, #tpu.memory_space<hbm>> -> memref<1x80x128xi32, #tpu.memory_space<hbm>>
      %dma_start3A_16 = tpu.memref_squeeze %dma_start3A_15 : memref<1x80x128xi32, #tpu.memory_space<hbm>> -> memref<80x128xi32, #tpu.memory_space<hbm>>
      tpu.enqueue_dma source(%dma_start3A_16 : memref<80x128xi32, #tpu.memory_space<hbm>>) target(%arg7 : memref<80x128xi32, #tpu.memory_space<vmem>>) target_semaphore(%run_scoped3A : memref<!tpu.dma_semaphore, #tpu.memory_space<semaphore_mem>>)
      %dma_wait3A = arith.constant 0 : i32
      %dma_wait3A_17 = arith.constant 0 : i32
      %dma_wait3A_18 = tpu.memref_slice %arg4[%add3A, %dma_wait3A, %dma_wait3A_17] : memref<32x80x128xi32, #tpu.memory_space<hbm>> -> memref<1x80x128xi32, #tpu.memory_space<hbm>>
      %dma_wait3A_19 = tpu.memref_squeeze %dma_wait3A_18 : memref<1x80x128xi32, #tpu.memory_space<hbm>> -> memref<80x128xi32, #tpu.memory_space<hbm>>
      %dma_wait3A_20 = arith.constant 0 : i32
      %dma_wait3A_21 = arith.constant 0 : i32
      %dma_wait3A_22 = tpu.memref_slice %arg4[%add3A, %dma_wait3A_20, %dma_wait3A_21] : memref<32x80x128xi32, #tpu.memory_space<hbm>> -> memref<1x80x128xi32, #tpu.memory_space<hbm>>
      %dma_wait3A_23 = tpu.memref_squeeze %dma_wait3A_22 : memref<1x80x128xi32, #tpu.memory_space<hbm>> -> memref<80x128xi32, #tpu.memory_space<hbm>>
      tpu.wait_dma2 semaphore(%run_scoped3A : memref<!tpu.dma_semaphore, #tpu.memory_space<semaphore_mem>>) src(%dma_wait3A_23 : memref<80x128xi32, #tpu.memory_space<hbm>>) dst(%arg7 : memref<80x128xi32, #tpu.memory_space<vmem>>)
      tpu.yield
    }) : () -> ()
    %scan3A_5 = arith.constant 0 : i32
    %scan3A_6 = arith.constant 4 : i32
    %scan3A_7 = arith.addi %scan3A_5, %scan3A_6 : i32
    %scan3A_8 = arith.constant 1 : i32
    scf.for %scan3A_10 = %scan3A_5 to %scan3A_7 step %scan3A_8  : i32 {
      %mul3A_11 = arith.constant 1 : i32
      %mul3A_12 = arith.muli %scan3A_10, %mul3A_11 : i32
      %add3A_13 = arith.constant 0 : i32
      %add3A_14 = arith.addi %add3A_13, %mul3A_12 : i32
      %mul3A_15 = arith.constant 640 : i32
      %mul3A_16 = arith.muli %arg1, %mul3A_15 : i32
      %add3A_17 = arith.constant 0 : i32
      %add3A_18 = arith.addi %mul3A_16, %add3A_17 : i32
      "tpu.region"() ({
        %run_scoped3A = tpu.sem_alloc : memref<!tpu.dma_semaphore, #tpu.memory_space<semaphore_mem>>
        %dma_start3A_288 = arith.constant 0 : i32
        %dma_start3A_289 = tpu.memref_slice %arg10[%add3A_18, %dma_start3A_288] : memref<10240x32xf32, #tpu.memory_space<vmem_shared>> -> memref<128x32xf32, #tpu.memory_space<vmem_shared>>
        %dma_start3A_290 = arith.constant 0 : i32
        %dma_start3A_291 = tpu.memref_slice %arg10[%add3A_18, %dma_start3A_290] : memref<10240x32xf32, #tpu.memory_space<vmem_shared>> -> memref<128x32xf32, #tpu.memory_space<vmem_shared>>
        tpu.enqueue_dma source(%arg9 : memref<128x32xf32, #tpu.memory_space<vmem>>) target(%dma_start3A_291 : memref<128x32xf32, #tpu.memory_space<vmem_shared>>) target_semaphore(%run_scoped3A : memref<!tpu.dma_semaphore, #tpu.memory_space<semaphore_mem>>)
        %dma_wait3A_292 = arith.constant 0 : i32
        %dma_wait3A_293 = tpu.memref_slice %arg10[%add3A_18, %dma_wait3A_292] : memref<10240x32xf32, #tpu.memory_space<vmem_shared>> -> memref<128x32xf32, #tpu.memory_space<vmem_shared>>
        %dma_wait3A_294 = arith.constant 0 : i32
        %dma_wait3A_295 = tpu.memref_slice %arg10[%add3A_18, %dma_wait3A_294] : memref<10240x32xf32, #tpu.memory_space<vmem_shared>> -> memref<128x32xf32, #tpu.memory_space<vmem_shared>>
        tpu.wait_dma2 semaphore(%run_scoped3A : memref<!tpu.dma_semaphore, #tpu.memory_space<semaphore_mem>>) src(%arg9 : memref<128x32xf32, #tpu.memory_space<vmem>>) dst(%dma_wait3A_295 : memref<128x32xf32, #tpu.memory_space<vmem_shared>>)
        tpu.yield
      }) : () -> ()
      %mul3A_19 = arith.constant 640 : i32
      %mul3A_20 = arith.muli %arg1, %mul3A_19 : i32
      %add3A_21 = arith.constant 128 : i32
      %add3A_22 = arith.addi %mul3A_20, %add3A_21 : i32
      "tpu.region"() ({
        %run_scoped3A = tpu.sem_alloc : memref<!tpu.dma_semaphore, #tpu.memory_space<semaphore_mem>>
        %dma_start3A_288 = arith.constant 0 : i32
        %dma_start3A_289 = tpu.memref_slice %arg10[%add3A_22, %dma_start3A_288] : memref<10240x32xf32, #tpu.memory_space<vmem_shared>> -> memref<128x32xf32, #tpu.memory_space<vmem_shared>>
        %dma_start3A_290 = arith.constant 0 : i32
        %dma_start3A_291 = tpu.memref_slice %arg10[%add3A_22, %dma_start3A_290] : memref<10240x32xf32, #tpu.memory_space<vmem_shared>> -> memref<128x32xf32, #tpu.memory_space<vmem_shared>>
        tpu.enqueue_dma source(%arg9 : memref<128x32xf32, #tpu.memory_space<vmem>>) target(%dma_start3A_291 : memref<128x32xf32, #tpu.memory_space<vmem_shared>>) target_semaphore(%run_scoped3A : memref<!tpu.dma_semaphore, #tpu.memory_space<semaphore_mem>>)
        %dma_wait3A_292 = arith.constant 0 : i32
        %dma_wait3A_293 = tpu.memref_slice %arg10[%add3A_22, %dma_wait3A_292] : memref<10240x32xf32, #tpu.memory_space<vmem_shared>> -> memref<128x32xf32, #tpu.memory_space<vmem_shared>>
        %dma_wait3A_294 = arith.constant 0 : i32
        %dma_wait3A_295 = tpu.memref_slice %arg10[%add3A_22, %dma_wait3A_294] : memref<10240x32xf32, #tpu.memory_space<vmem_shared>> -> memref<128x32xf32, #tpu.memory_space<vmem_shared>>
        tpu.wait_dma2 semaphore(%run_scoped3A : memref<!tpu.dma_semaphore, #tpu.memory_space<semaphore_mem>>) src(%arg9 : memref<128x32xf32, #tpu.memory_space<vmem>>) dst(%dma_wait3A_295 : memref<128x32xf32, #tpu.memory_space<vmem_shared>>)
        tpu.yield
      }) : () -> ()
      %mul3A_23 = arith.constant 640 : i32
      %mul3A_24 = arith.muli %arg1, %mul3A_23 : i32
      %add3A_25 = arith.constant 256 : i32
      %add3A_26 = arith.addi %mul3A_24, %add3A_25 : i32
      "tpu.region"() ({
        %run_scoped3A = tpu.sem_alloc : memref<!tpu.dma_semaphore, #tpu.memory_space<semaphore_mem>>
        %dma_start3A_288 = arith.constant 0 : i32
        %dma_start3A_289 = tpu.memref_slice %arg10[%add3A_26, %dma_start3A_288] : memref<10240x32xf32, #tpu.memory_space<vmem_shared>> -> memref<128x32xf32, #tpu.memory_space<vmem_shared>>
        %dma_start3A_290 = arith.constant 0 : i32
        %dma_start3A_291 = tpu.memref_slice %arg10[%add3A_26, %dma_start3A_290] : memref<10240x32xf32, #tpu.memory_space<vmem_shared>> -> memref<128x32xf32, #tpu.memory_space<vmem_shared>>
        tpu.enqueue_dma source(%arg9 : memref<128x32xf32, #tpu.memory_space<vmem>>) target(%dma_start3A_291 : memref<128x32xf32, #tpu.memory_space<vmem_shared>>) target_semaphore(%run_scoped3A : memref<!tpu.dma_semaphore, #tpu.memory_space<semaphore_mem>>)
        %dma_wait3A_292 = arith.constant 0 : i32
        %dma_wait3A_293 = tpu.memref_slice %arg10[%add3A_26, %dma_wait3A_292] : memref<10240x32xf32, #tpu.memory_space<vmem_shared>> -> memref<128x32xf32, #tpu.memory_space<vmem_shared>>
        %dma_wait3A_294 = arith.constant 0 : i32
        %dma_wait3A_295 = tpu.memref_slice %arg10[%add3A_26, %dma_wait3A_294] : memref<10240x32xf32, #tpu.memory_space<vmem_shared>> -> memref<128x32xf32, #tpu.memory_space<vmem_shared>>
        tpu.wait_dma2 semaphore(%run_scoped3A : memref<!tpu.dma_semaphore, #tpu.memory_space<semaphore_mem>>) src(%arg9 : memref<128x32xf32, #tpu.memory_space<vmem>>) dst(%dma_wait3A_295 : memref<128x32xf32, #tpu.memory_space<vmem_shared>>)
        tpu.yield
      }) : () -> ()
      %mul3A_27 = arith.constant 640 : i32
      %mul3A_28 = arith.muli %arg1, %mul3A_27 : i32
      %add3A_29 = arith.constant 384 : i32
      %add3A_30 = arith.addi %mul3A_28, %add3A_29 : i32
      "tpu.region"() ({
        %run_scoped3A = tpu.sem_alloc : memref<!tpu.dma_semaphore, #tpu.memory_space<semaphore_mem>>
        %dma_start3A_288 = arith.constant 0 : i32
        %dma_start3A_289 = tpu.memref_slice %arg10[%add3A_30, %dma_start3A_288] : memref<10240x32xf32, #tpu.memory_space<vmem_shared>> -> memref<128x32xf32, #tpu.memory_space<vmem_shared>>
        %dma_start3A_290 = arith.constant 0 : i32
        %dma_start3A_291 = tpu.memref_slice %arg10[%add3A_30, %dma_start3A_290] : memref<10240x32xf32, #tpu.memory_space<vmem_shared>> -> memref<128x32xf32, #tpu.memory_space<vmem_shared>>
        tpu.enqueue_dma source(%arg9 : memref<128x32xf32, #tpu.memory_space<vmem>>) target(%dma_start3A_291 : memref<128x32xf32, #tpu.memory_space<vmem_shared>>) target_semaphore(%run_scoped3A : memref<!tpu.dma_semaphore, #tpu.memory_space<semaphore_mem>>)
        %dma_wait3A_292 = arith.constant 0 : i32
        %dma_wait3A_293 = tpu.memref_slice %arg10[%add3A_30, %dma_wait3A_292] : memref<10240x32xf32, #tpu.memory_space<vmem_shared>> -> memref<128x32xf32, #tpu.memory_space<vmem_shared>>
        %dma_wait3A_294 = arith.constant 0 : i32
        %dma_wait3A_295 = tpu.memref_slice %arg10[%add3A_30, %dma_wait3A_294] : memref<10240x32xf32, #tpu.memory_space<vmem_shared>> -> memref<128x32xf32, #tpu.memory_space<vmem_shared>>
        tpu.wait_dma2 semaphore(%run_scoped3A : memref<!tpu.dma_semaphore, #tpu.memory_space<semaphore_mem>>) src(%arg9 : memref<128x32xf32, #tpu.memory_space<vmem>>) dst(%dma_wait3A_295 : memref<128x32xf32, #tpu.memory_space<vmem_shared>>)
        tpu.yield
      }) : () -> ()
      %mul3A_31 = arith.constant 640 : i32
      %mul3A_32 = arith.muli %arg1, %mul3A_31 : i32
      %add3A_33 = arith.constant 512 : i32
      %add3A_34 = arith.addi %mul3A_32, %add3A_33 : i32
      "tpu.region"() ({
        %run_scoped3A = tpu.sem_alloc : memref<!tpu.dma_semaphore, #tpu.memory_space<semaphore_mem>>
        %dma_start3A_288 = arith.constant 0 : i32
        %dma_start3A_289 = tpu.memref_slice %arg10[%add3A_34, %dma_start3A_288] : memref<10240x32xf32, #tpu.memory_space<vmem_shared>> -> memref<128x32xf32, #tpu.memory_space<vmem_shared>>
        %dma_start3A_290 = arith.constant 0 : i32
        %dma_start3A_291 = tpu.memref_slice %arg10[%add3A_34, %dma_start3A_290] : memref<10240x32xf32, #tpu.memory_space<vmem_shared>> -> memref<128x32xf32, #tpu.memory_space<vmem_shared>>
        tpu.enqueue_dma source(%arg9 : memref<128x32xf32, #tpu.memory_space<vmem>>) target(%dma_start3A_291 : memref<128x32xf32, #tpu.memory_space<vmem_shared>>) target_semaphore(%run_scoped3A : memref<!tpu.dma_semaphore, #tpu.memory_space<semaphore_mem>>)
        %dma_wait3A_292 = arith.constant 0 : i32
        %dma_wait3A_293 = tpu.memref_slice %arg10[%add3A_34, %dma_wait3A_292] : memref<10240x32xf32, #tpu.memory_space<vmem_shared>> -> memref<128x32xf32, #tpu.memory_space<vmem_shared>>
        %dma_wait3A_294 = arith.constant 0 : i32
        %dma_wait3A_295 = tpu.memref_slice %arg10[%add3A_34, %dma_wait3A_294] : memref<10240x32xf32, #tpu.memory_space<vmem_shared>> -> memref<128x32xf32, #tpu.memory_space<vmem_shared>>
        tpu.wait_dma2 semaphore(%run_scoped3A : memref<!tpu.dma_semaphore, #tpu.memory_space<semaphore_mem>>) src(%arg9 : memref<128x32xf32, #tpu.memory_space<vmem>>) dst(%dma_wait3A_295 : memref<128x32xf32, #tpu.memory_space<vmem_shared>>)
        tpu.yield
      }) : () -> ()
      %mul3A_35 = arith.constant 625 : i32
      %mul3A_36 = arith.muli %arg1, %mul3A_35 : i32
      %mul3A_37 = arith.constant 32 : i32
      %mul3A_38 = arith.muli %add3A_14, %mul3A_37 : i32
      "tpu.region"() ({
        %run_scoped3A = tpu.sem_alloc : memref<!tpu.dma_semaphore, #tpu.memory_space<semaphore_mem>>
        %dma_start3A_288 = arith.constant 0 : i32
        %dma_start3A_289 = tpu.memref_slice %arg11[%mul3A_36, %dma_start3A_288] : memref<10000x32xf32, #tpu.memory_space<vmem_shared>> -> memref<625x32xf32, #tpu.memory_space<vmem_shared>>
        %dma_start3A_290 = tpu.memref_slice %arg2[%mul3A_36, %mul3A_38] : memref<10000x128xf32, #tpu.memory_space<hbm>> -> memref<625x32xf32, #tpu.memory_space<hbm>>
        tpu.enqueue_dma source(%dma_start3A_290 : memref<625x32xf32, #tpu.memory_space<hbm>>) target(%dma_start3A_289 : memref<625x32xf32, #tpu.memory_space<vmem_shared>>) target_semaphore(%run_scoped3A : memref<!tpu.dma_semaphore, #tpu.memory_space<semaphore_mem>>)
        %dma_wait3A_291 = arith.constant 0 : i32
        %dma_wait3A_292 = tpu.memref_slice %arg11[%mul3A_36, %dma_wait3A_291] : memref<10000x32xf32, #tpu.memory_space<vmem_shared>> -> memref<625x32xf32, #tpu.memory_space<vmem_shared>>
        %dma_wait3A_293 = tpu.memref_slice %arg2[%mul3A_36, %mul3A_38] : memref<10000x128xf32, #tpu.memory_space<hbm>> -> memref<625x32xf32, #tpu.memory_space<hbm>>
        tpu.wait_dma2 semaphore(%run_scoped3A : memref<!tpu.dma_semaphore, #tpu.memory_space<semaphore_mem>>) src(%dma_wait3A_293 : memref<625x32xf32, #tpu.memory_space<hbm>>) dst(%dma_wait3A_292 : memref<625x32xf32, #tpu.memory_space<vmem_shared>>)
        tpu.yield
      }) : () -> ()
      %barrier3A = arith.constant 0 : index
      tpu.barrier barrier_id(%barrier3A)
      %dma_start3A = arith.constant 0 : i32
      %dma_start3A_39 = arith.constant 0 : i32
      %dma_start3A_40 = arith.constant 0 : i32
      %dma_start3A_41 = arith.constant 0 : i32
      %dma_start3A_42 = arith.constant 0 : i32
      %dma_start3A_43 = tpu.memref_slice %arg8[%dma_start3A_39, %dma_start3A_41, %dma_start3A_42] : memref<4x128x32xf32, #tpu.memory_space<vmem>> -> memref<1x128x32xf32, #tpu.memory_space<vmem>>
      %dma_start3A_44 = tpu.memref_squeeze %dma_start3A_43 : memref<1x128x32xf32, #tpu.memory_space<vmem>> -> memref<128x32xf32, #tpu.memory_space<vmem>>
      %dma_start3A_45 = arith.constant 0 : i32
      %dma_start3A_46 = tpu.memref_slice %arg6[%dma_start3A, %dma_start3A_45] : memref<80x128xi32, #tpu.memory_space<vmem>> -> memref<1x128xi32, #tpu.memory_space<vmem>>
      %dma_start3A_47 = tpu.memref_squeeze %dma_start3A_46 : memref<1x128xi32, #tpu.memory_space<vmem>> -> memref<128xi32, #tpu.memory_space<vmem>>
      %dma_start3A_48 = arith.constant 0 : i32
      %dma_start3A_49 = arith.constant 0 : i32
      %dma_start3A_50 = tpu.memref_slice %arg11[%dma_start3A_48, %dma_start3A_49] : memref<10000x32xf32, #tpu.memory_space<vmem_shared>> -> memref<10000x32xf32, #tpu.memory_space<vmem_shared>>
      %dma_start3A_51 = tpu.memref_slice %arg12[%dma_start3A_40] : memref<4x!tpu.dma_semaphore, #tpu.memory_space<semaphore_mem>> -> memref<1x!tpu.dma_semaphore, #tpu.memory_space<semaphore_mem>>
      %dma_start3A_52 = tpu.memref_squeeze %dma_start3A_51 : memref<1x!tpu.dma_semaphore, #tpu.memory_space<semaphore_mem>> -> memref<!tpu.dma_semaphore, #tpu.memory_space<semaphore_mem>>
      tpu.enqueue_indirect_dma source(%dma_start3A_50 : memref<10000x32xf32, #tpu.memory_space<vmem_shared>>) target(%dma_start3A_44 : memref<128x32xf32, #tpu.memory_space<vmem>>) offsets(%dma_start3A_47 : memref<128xi32, #tpu.memory_space<vmem>>) semaphore(%dma_start3A_52 : memref<!tpu.dma_semaphore, #tpu.memory_space<semaphore_mem>>)
      %dma_start3A_53 = arith.constant 1 : i32
      %dma_start3A_54 = arith.constant 1 : i32
      %dma_start3A_55 = arith.constant 1 : i32
      %dma_start3A_56 = arith.constant 0 : i32
      %dma_start3A_57 = arith.constant 0 : i32
      %dma_start3A_58 = tpu.memref_slice %arg8[%dma_start3A_54, %dma_start3A_56, %dma_start3A_57] : memref<4x128x32xf32, #tpu.memory_space<vmem>> -> memref<1x128x32xf32, #tpu.memory_space<vmem>>
      %dma_start3A_59 = tpu.memref_squeeze %dma_start3A_58 : memref<1x128x32xf32, #tpu.memory_space<vmem>> -> memref<128x32xf32, #tpu.memory_space<vmem>>
      %dma_start3A_60 = arith.constant 0 : i32
      %dma_start3A_61 = tpu.memref_slice %arg6[%dma_start3A_53, %dma_start3A_60] : memref<80x128xi32, #tpu.memory_space<vmem>> -> memref<1x128xi32, #tpu.memory_space<vmem>>
      %dma_start3A_62 = tpu.memref_squeeze %dma_start3A_61 : memref<1x128xi32, #tpu.memory_space<vmem>> -> memref<128xi32, #tpu.memory_space<vmem>>
      %dma_start3A_63 = arith.constant 0 : i32
      %dma_start3A_64 = arith.constant 0 : i32
      %dma_start3A_65 = tpu.memref_slice %arg11[%dma_start3A_63, %dma_start3A_64] : memref<10000x32xf32, #tpu.memory_space<vmem_shared>> -> memref<10000x32xf32, #tpu.memory_space<vmem_shared>>
      %dma_start3A_66 = tpu.memref_slice %arg12[%dma_start3A_55] : memref<4x!tpu.dma_semaphore, #tpu.memory_space<semaphore_mem>> -> memref<1x!tpu.dma_semaphore, #tpu.memory_space<semaphore_mem>>
      %dma_start3A_67 = tpu.memref_squeeze %dma_start3A_66 : memref<1x!tpu.dma_semaphore, #tpu.memory_space<semaphore_mem>> -> memref<!tpu.dma_semaphore, #tpu.memory_space<semaphore_mem>>
      tpu.enqueue_indirect_dma source(%dma_start3A_65 : memref<10000x32xf32, #tpu.memory_space<vmem_shared>>) target(%dma_start3A_59 : memref<128x32xf32, #tpu.memory_space<vmem>>) offsets(%dma_start3A_62 : memref<128xi32, #tpu.memory_space<vmem>>) semaphore(%dma_start3A_67 : memref<!tpu.dma_semaphore, #tpu.memory_space<semaphore_mem>>)
      %dma_start3A_68 = arith.constant 2 : i32
      %dma_start3A_69 = arith.constant 2 : i32
      %dma_start3A_70 = arith.constant 2 : i32
      %dma_start3A_71 = arith.constant 0 : i32
      %dma_start3A_72 = arith.constant 0 : i32
      %dma_start3A_73 = tpu.memref_slice %arg8[%dma_start3A_69, %dma_start3A_71, %dma_start3A_72] : memref<4x128x32xf32, #tpu.memory_space<vmem>> -> memref<1x128x32xf32, #tpu.memory_space<vmem>>
      %dma_start3A_74 = tpu.memref_squeeze %dma_start3A_73 : memref<1x128x32xf32, #tpu.memory_space<vmem>> -> memref<128x32xf32, #tpu.memory_space<vmem>>
      %dma_start3A_75 = arith.constant 0 : i32
      %dma_start3A_76 = tpu.memref_slice %arg6[%dma_start3A_68, %dma_start3A_75] : memref<80x128xi32, #tpu.memory_space<vmem>> -> memref<1x128xi32, #tpu.memory_space<vmem>>
      %dma_start3A_77 = tpu.memref_squeeze %dma_start3A_76 : memref<1x128xi32, #tpu.memory_space<vmem>> -> memref<128xi32, #tpu.memory_space<vmem>>
      %dma_start3A_78 = arith.constant 0 : i32
      %dma_start3A_79 = arith.constant 0 : i32
      %dma_start3A_80 = tpu.memref_slice %arg11[%dma_start3A_78, %dma_start3A_79] : memref<10000x32xf32, #tpu.memory_space<vmem_shared>> -> memref<10000x32xf32, #tpu.memory_space<vmem_shared>>
      %dma_start3A_81 = tpu.memref_slice %arg12[%dma_start3A_70] : memref<4x!tpu.dma_semaphore, #tpu.memory_space<semaphore_mem>> -> memref<1x!tpu.dma_semaphore, #tpu.memory_space<semaphore_mem>>
      %dma_start3A_82 = tpu.memref_squeeze %dma_start3A_81 : memref<1x!tpu.dma_semaphore, #tpu.memory_space<semaphore_mem>> -> memref<!tpu.dma_semaphore, #tpu.memory_space<semaphore_mem>>
      tpu.enqueue_indirect_dma source(%dma_start3A_80 : memref<10000x32xf32, #tpu.memory_space<vmem_shared>>) target(%dma_start3A_74 : memref<128x32xf32, #tpu.memory_space<vmem>>) offsets(%dma_start3A_77 : memref<128xi32, #tpu.memory_space<vmem>>) semaphore(%dma_start3A_82 : memref<!tpu.dma_semaphore, #tpu.memory_space<semaphore_mem>>)
      %dma_start3A_83 = arith.constant 3 : i32
      %dma_start3A_84 = arith.constant 3 : i32
      %dma_start3A_85 = arith.constant 3 : i32
      %dma_start3A_86 = arith.constant 0 : i32
      %dma_start3A_87 = arith.constant 0 : i32
      %dma_start3A_88 = tpu.memref_slice %arg8[%dma_start3A_84, %dma_start3A_86, %dma_start3A_87] : memref<4x128x32xf32, #tpu.memory_space<vmem>> -> memref<1x128x32xf32, #tpu.memory_space<vmem>>
      %dma_start3A_89 = tpu.memref_squeeze %dma_start3A_88 : memref<1x128x32xf32, #tpu.memory_space<vmem>> -> memref<128x32xf32, #tpu.memory_space<vmem>>
      %dma_start3A_90 = arith.constant 0 : i32
      %dma_start3A_91 = tpu.memref_slice %arg6[%dma_start3A_83, %dma_start3A_90] : memref<80x128xi32, #tpu.memory_space<vmem>> -> memref<1x128xi32, #tpu.memory_space<vmem>>
      %dma_start3A_92 = tpu.memref_squeeze %dma_start3A_91 : memref<1x128xi32, #tpu.memory_space<vmem>> -> memref<128xi32, #tpu.memory_space<vmem>>
      %dma_start3A_93 = arith.constant 0 : i32
      %dma_start3A_94 = arith.constant 0 : i32
      %dma_start3A_95 = tpu.memref_slice %arg11[%dma_start3A_93, %dma_start3A_94] : memref<10000x32xf32, #tpu.memory_space<vmem_shared>> -> memref<10000x32xf32, #tpu.memory_space<vmem_shared>>
      %dma_start3A_96 = tpu.memref_slice %arg12[%dma_start3A_85] : memref<4x!tpu.dma_semaphore, #tpu.memory_space<semaphore_mem>> -> memref<1x!tpu.dma_semaphore, #tpu.memory_space<semaphore_mem>>
      %dma_start3A_97 = tpu.memref_squeeze %dma_start3A_96 : memref<1x!tpu.dma_semaphore, #tpu.memory_space<semaphore_mem>> -> memref<!tpu.dma_semaphore, #tpu.memory_space<semaphore_mem>>
      tpu.enqueue_indirect_dma source(%dma_start3A_95 : memref<10000x32xf32, #tpu.memory_space<vmem_shared>>) target(%dma_start3A_89 : memref<128x32xf32, #tpu.memory_space<vmem>>) offsets(%dma_start3A_92 : memref<128xi32, #tpu.memory_space<vmem>>) semaphore(%dma_start3A_97 : memref<!tpu.dma_semaphore, #tpu.memory_space<semaphore_mem>>)
      %scan3A_98 = arith.constant 0 : i32
      %scan3A_99 = arith.constant 19 : i32
      %scan3A_100 = arith.addi %scan3A_98, %scan3A_99 : i32
      %scan3A_101 = arith.constant 1 : i32
      scf.for %scan3A_288 = %scan3A_98 to %scan3A_100 step %scan3A_101  : i32 {
        %mul3A_289 = arith.constant 1 : i32
        %mul3A_290 = arith.muli %scan3A_288, %mul3A_289 : i32
        %add3A_291 = arith.constant 0 : i32
        %add3A_292 = arith.addi %add3A_291, %mul3A_290 : i32
        %mul3A_293 = arith.constant 4 : i32
        %mul3A_294 = arith.muli %mul3A_293, %add3A_292 : i32
        %dma_wait3A_295 = arith.constant 0 : i32
        %dma_wait3A_296 = arith.constant 0 : i32
        %dma_wait3A_297 = arith.constant 0 : i32
        %dma_wait3A_298 = arith.constant 0 : i32
        %dma_wait3A_299 = arith.constant 0 : i32
        %dma_wait3A_300 = tpu.memref_slice %arg8[%dma_wait3A_296, %dma_wait3A_298, %dma_wait3A_299] : memref<4x128x32xf32, #tpu.memory_space<vmem>> -> memref<1x128x32xf32, #tpu.memory_space<vmem>>
        %dma_wait3A_301 = tpu.memref_squeeze %dma_wait3A_300 : memref<1x128x32xf32, #tpu.memory_space<vmem>> -> memref<128x32xf32, #tpu.memory_space<vmem>>
        %dma_wait3A_302 = arith.constant 0 : i32
        %dma_wait3A_303 = tpu.memref_slice %arg6[%dma_wait3A_295, %dma_wait3A_302] : memref<80x128xi32, #tpu.memory_space<vmem>> -> memref<1x128xi32, #tpu.memory_space<vmem>>
        %dma_wait3A_304 = tpu.memref_squeeze %dma_wait3A_303 : memref<1x128xi32, #tpu.memory_space<vmem>> -> memref<128xi32, #tpu.memory_space<vmem>>
        %dma_wait3A_305 = arith.constant 0 : i32
        %dma_wait3A_306 = arith.constant 0 : i32
        %dma_wait3A_307 = tpu.memref_slice %arg11[%dma_wait3A_305, %dma_wait3A_306] : memref<10000x32xf32, #tpu.memory_space<vmem_shared>> -> memref<10000x32xf32, #tpu.memory_space<vmem_shared>>
        %dma_wait3A_308 = tpu.memref_slice %arg12[%dma_wait3A_297] : memref<4x!tpu.dma_semaphore, #tpu.memory_space<semaphore_mem>> -> memref<1x!tpu.dma_semaphore, #tpu.memory_space<semaphore_mem>>
        %dma_wait3A_309 = tpu.memref_squeeze %dma_wait3A_308 : memref<1x!tpu.dma_semaphore, #tpu.memory_space<semaphore_mem>> -> memref<!tpu.dma_semaphore, #tpu.memory_space<semaphore_mem>>
        tpu.wait_indirect_dma semaphore(%dma_wait3A_309 : memref<!tpu.dma_semaphore, #tpu.memory_space<semaphore_mem>>) src(%dma_wait3A_307 : memref<10000x32xf32, #tpu.memory_space<vmem_shared>>) dst(%dma_wait3A_301 : memref<128x32xf32, #tpu.memory_space<vmem>>)
        %add3A_310 = arith.constant 0 : i32
        %add3A_311 = arith.addi %mul3A_294, %add3A_310 : i32
        %dma_start3A_312 = arith.constant 0 : i32
        %dma_start3A_313 = arith.constant 0 : i32
        %dma_start3A_314 = arith.constant 0 : i32
        %dma_start3A_315 = arith.constant 0 : i32
        %dma_start3A_316 = tpu.memref_slice %arg8[%dma_start3A_312, %dma_start3A_314, %dma_start3A_315] : memref<4x128x32xf32, #tpu.memory_space<vmem>> -> memref<1x128x32xf32, #tpu.memory_space<vmem>>
        %dma_start3A_317 = tpu.memref_squeeze %dma_start3A_316 : memref<1x128x32xf32, #tpu.memory_space<vmem>> -> memref<128x32xf32, #tpu.memory_space<vmem>>
        %dma_start3A_318 = arith.constant 0 : i32
        %dma_start3A_319 = tpu.memref_slice %arg7[%add3A_311, %dma_start3A_318] : memref<80x128xi32, #tpu.memory_space<vmem>> -> memref<1x128xi32, #tpu.memory_space<vmem>>
        %dma_start3A_320 = tpu.memref_squeeze %dma_start3A_319 : memref<1x128xi32, #tpu.memory_space<vmem>> -> memref<128xi32, #tpu.memory_space<vmem>>
        %dma_start3A_321 = arith.constant 0 : i32
        %dma_start3A_322 = arith.constant 0 : i32
        %dma_start3A_323 = tpu.memref_slice %arg10[%dma_start3A_321, %dma_start3A_322] : memref<10240x32xf32, #tpu.memory_space<vmem_shared>> -> memref<10240x32xf32, #tpu.memory_space<vmem_shared>>
        %dma_start3A_324 = tpu.memref_slice %arg13[%dma_start3A_313] : memref<4x!tpu.dma_semaphore, #tpu.memory_space<semaphore_mem>> -> memref<1x!tpu.dma_semaphore, #tpu.memory_space<semaphore_mem>>
        %dma_start3A_325 = tpu.memref_squeeze %dma_start3A_324 : memref<1x!tpu.dma_semaphore, #tpu.memory_space<semaphore_mem>> -> memref<!tpu.dma_semaphore, #tpu.memory_space<semaphore_mem>>
        tpu.enqueue_indirect_dma source(%dma_start3A_317 : memref<128x32xf32, #tpu.memory_space<vmem>>) target(%dma_start3A_323 : memref<10240x32xf32, #tpu.memory_space<vmem_shared>>) offsets(%dma_start3A_320 : memref<128xi32, #tpu.memory_space<vmem>>) semaphore(%dma_start3A_325 : memref<!tpu.dma_semaphore, #tpu.memory_space<semaphore_mem>>) {add = true}
        %dma_wait3A_326 = arith.constant 0 : i32
        %dma_wait3A_327 = arith.constant 0 : i32
        %dma_wait3A_328 = arith.constant 0 : i32
        %dma_wait3A_329 = arith.constant 0 : i32
        %dma_wait3A_330 = arith.constant 0 : i32
        %dma_wait3A_331 = tpu.memref_slice %arg8[%dma_wait3A_326, %dma_wait3A_329, %dma_wait3A_330] : memref<4x128x32xf32, #tpu.memory_space<vmem>> -> memref<1x128x32xf32, #tpu.memory_space<vmem>>
        %dma_wait3A_332 = tpu.memref_squeeze %dma_wait3A_331 : memref<1x128x32xf32, #tpu.memory_space<vmem>> -> memref<128x32xf32, #tpu.memory_space<vmem>>
        %dma_wait3A_333 = arith.constant 0 : i32
        %dma_wait3A_334 = tpu.memref_slice %arg7[%dma_wait3A_327, %dma_wait3A_333] : memref<80x128xi32, #tpu.memory_space<vmem>> -> memref<1x128xi32, #tpu.memory_space<vmem>>
        %dma_wait3A_335 = tpu.memref_squeeze %dma_wait3A_334 : memref<1x128xi32, #tpu.memory_space<vmem>> -> memref<128xi32, #tpu.memory_space<vmem>>
        %dma_wait3A_336 = arith.constant 0 : i32
        %dma_wait3A_337 = arith.constant 0 : i32
        %dma_wait3A_338 = tpu.memref_slice %arg10[%dma_wait3A_336, %dma_wait3A_337] : memref<10240x32xf32, #tpu.memory_space<vmem_shared>> -> memref<10240x32xf32, #tpu.memory_space<vmem_shared>>
        %dma_wait3A_339 = tpu.memref_slice %arg13[%dma_wait3A_328] : memref<4x!tpu.dma_semaphore, #tpu.memory_space<semaphore_mem>> -> memref<1x!tpu.dma_semaphore, #tpu.memory_space<semaphore_mem>>
        %dma_wait3A_340 = tpu.memref_squeeze %dma_wait3A_339 : memref<1x!tpu.dma_semaphore, #tpu.memory_space<semaphore_mem>> -> memref<!tpu.dma_semaphore, #tpu.memory_space<semaphore_mem>>
        tpu.wait_indirect_dma semaphore(%dma_wait3A_340 : memref<!tpu.dma_semaphore, #tpu.memory_space<semaphore_mem>>) src(%dma_wait3A_332 : memref<128x32xf32, #tpu.memory_space<vmem>>) dst(%dma_wait3A_338 : memref<10240x32xf32, #tpu.memory_space<vmem_shared>>)
        %add3A_341 = arith.constant 0 : i32
        %add3A_342 = arith.addi %mul3A_294, %add3A_341 : i32
        %add3A_343 = arith.constant 4 : i32
        %add3A_344 = arith.addi %add3A_342, %add3A_343 : i32
        %dma_start3A_345 = arith.constant 0 : i32
        %dma_start3A_346 = arith.constant 0 : i32
        %dma_start3A_347 = arith.constant 0 : i32
        %dma_start3A_348 = arith.constant 0 : i32
        %dma_start3A_349 = tpu.memref_slice %arg8[%dma_start3A_345, %dma_start3A_347, %dma_start3A_348] : memref<4x128x32xf32, #tpu.memory_space<vmem>> -> memref<1x128x32xf32, #tpu.memory_space<vmem>>
        %dma_start3A_350 = tpu.memref_squeeze %dma_start3A_349 : memref<1x128x32xf32, #tpu.memory_space<vmem>> -> memref<128x32xf32, #tpu.memory_space<vmem>>
        %dma_start3A_351 = arith.constant 0 : i32
        %dma_start3A_352 = tpu.memref_slice %arg6[%add3A_344, %dma_start3A_351] : memref<80x128xi32, #tpu.memory_space<vmem>> -> memref<1x128xi32, #tpu.memory_space<vmem>>
        %dma_start3A_353 = tpu.memref_squeeze %dma_start3A_352 : memref<1x128xi32, #tpu.memory_space<vmem>> -> memref<128xi32, #tpu.memory_space<vmem>>
        %dma_start3A_354 = arith.constant 0 : i32
        %dma_start3A_355 = arith.constant 0 : i32
        %dma_start3A_356 = tpu.memref_slice %arg11[%dma_start3A_354, %dma_start3A_355] : memref<10000x32xf32, #tpu.memory_space<vmem_shared>> -> memref<10000x32xf32, #tpu.memory_space<vmem_shared>>
        %dma_start3A_357 = tpu.memref_slice %arg12[%dma_start3A_346] : memref<4x!tpu.dma_semaphore, #tpu.memory_space<semaphore_mem>> -> memref<1x!tpu.dma_semaphore, #tpu.memory_space<semaphore_mem>>
        %dma_start3A_358 = tpu.memref_squeeze %dma_start3A_357 : memref<1x!tpu.dma_semaphore, #tpu.memory_space<semaphore_mem>> -> memref<!tpu.dma_semaphore, #tpu.memory_space<semaphore_mem>>
        tpu.enqueue_indirect_dma source(%dma_start3A_356 : memref<10000x32xf32, #tpu.memory_space<vmem_shared>>) target(%dma_start3A_350 : memref<128x32xf32, #tpu.memory_space<vmem>>) offsets(%dma_start3A_353 : memref<128xi32, #tpu.memory_space<vmem>>) semaphore(%dma_start3A_358 : memref<!tpu.dma_semaphore, #tpu.memory_space<semaphore_mem>>)
        %dma_wait3A_359 = arith.constant 0 : i32
        %dma_wait3A_360 = arith.constant 1 : i32
        %dma_wait3A_361 = arith.constant 1 : i32
        %dma_wait3A_362 = arith.constant 0 : i32
        %dma_wait3A_363 = arith.constant 0 : i32
        %dma_wait3A_364 = tpu.memref_slice %arg8[%dma_wait3A_360, %dma_wait3A_362, %dma_wait3A_363] : memref<4x128x32xf32, #tpu.memory_space<vmem>> -> memref<1x128x32xf32, #tpu.memory_space<vmem>>
        %dma_wait3A_365 = tpu.memref_squeeze %dma_wait3A_364 : memref<1x128x32xf32, #tpu.memory_space<vmem>> -> memref<128x32xf32, #tpu.memory_space<vmem>>
        %dma_wait3A_366 = arith.constant 0 : i32
        %dma_wait3A_367 = tpu.memref_slice %arg6[%dma_wait3A_359, %dma_wait3A_366] : memref<80x128xi32, #tpu.memory_space<vmem>> -> memref<1x128xi32, #tpu.memory_space<vmem>>
        %dma_wait3A_368 = tpu.memref_squeeze %dma_wait3A_367 : memref<1x128xi32, #tpu.memory_space<vmem>> -> memref<128xi32, #tpu.memory_space<vmem>>
        %dma_wait3A_369 = arith.constant 0 : i32
        %dma_wait3A_370 = arith.constant 0 : i32
        %dma_wait3A_371 = tpu.memref_slice %arg11[%dma_wait3A_369, %dma_wait3A_370] : memref<10000x32xf32, #tpu.memory_space<vmem_shared>> -> memref<10000x32xf32, #tpu.memory_space<vmem_shared>>
        %dma_wait3A_372 = tpu.memref_slice %arg12[%dma_wait3A_361] : memref<4x!tpu.dma_semaphore, #tpu.memory_space<semaphore_mem>> -> memref<1x!tpu.dma_semaphore, #tpu.memory_space<semaphore_mem>>
        %dma_wait3A_373 = tpu.memref_squeeze %dma_wait3A_372 : memref<1x!tpu.dma_semaphore, #tpu.memory_space<semaphore_mem>> -> memref<!tpu.dma_semaphore, #tpu.memory_space<semaphore_mem>>
        tpu.wait_indirect_dma semaphore(%dma_wait3A_373 : memref<!tpu.dma_semaphore, #tpu.memory_space<semaphore_mem>>) src(%dma_wait3A_371 : memref<10000x32xf32, #tpu.memory_space<vmem_shared>>) dst(%dma_wait3A_365 : memref<128x32xf32, #tpu.memory_space<vmem>>)
        %add3A_374 = arith.constant 1 : i32
        %add3A_375 = arith.addi %mul3A_294, %add3A_374 : i32
        %dma_start3A_376 = arith.constant 1 : i32
        %dma_start3A_377 = arith.constant 1 : i32
        %dma_start3A_378 = arith.constant 0 : i32
        %dma_start3A_379 = arith.constant 0 : i32
        %dma_start3A_380 = tpu.memref_slice %arg8[%dma_start3A_376, %dma_start3A_378, %dma_start3A_379] : memref<4x128x32xf32, #tpu.memory_space<vmem>> -> memref<1x128x32xf32, #tpu.memory_space<vmem>>
        %dma_start3A_381 = tpu.memref_squeeze %dma_start3A_380 : memref<1x128x32xf32, #tpu.memory_space<vmem>> -> memref<128x32xf32, #tpu.memory_space<vmem>>
        %dma_start3A_382 = arith.constant 0 : i32
        %dma_start3A_383 = tpu.memref_slice %arg7[%add3A_375, %dma_start3A_382] : memref<80x128xi32, #tpu.memory_space<vmem>> -> memref<1x128xi32, #tpu.memory_space<vmem>>
        %dma_start3A_384 = tpu.memref_squeeze %dma_start3A_383 : memref<1x128xi32, #tpu.memory_space<vmem>> -> memref<128xi32, #tpu.memory_space<vmem>>
        %dma_start3A_385 = arith.constant 0 : i32
        %dma_start3A_386 = arith.constant 0 : i32
        %dma_start3A_387 = tpu.memref_slice %arg10[%dma_start3A_385, %dma_start3A_386] : memref<10240x32xf32, #tpu.memory_space<vmem_shared>> -> memref<10240x32xf32, #tpu.memory_space<vmem_shared>>
        %dma_start3A_388 = tpu.memref_slice %arg13[%dma_start3A_377] : memref<4x!tpu.dma_semaphore, #tpu.memory_space<semaphore_mem>> -> memref<1x!tpu.dma_semaphore, #tpu.memory_space<semaphore_mem>>
        %dma_start3A_389 = tpu.memref_squeeze %dma_start3A_388 : memref<1x!tpu.dma_semaphore, #tpu.memory_space<semaphore_mem>> -> memref<!tpu.dma_semaphore, #tpu.memory_space<semaphore_mem>>
        tpu.enqueue_indirect_dma source(%dma_start3A_381 : memref<128x32xf32, #tpu.memory_space<vmem>>) target(%dma_start3A_387 : memref<10240x32xf32, #tpu.memory_space<vmem_shared>>) offsets(%dma_start3A_384 : memref<128xi32, #tpu.memory_space<vmem>>) semaphore(%dma_start3A_389 : memref<!tpu.dma_semaphore, #tpu.memory_space<semaphore_mem>>) {add = true}
        %dma_wait3A_390 = arith.constant 1 : i32
        %dma_wait3A_391 = arith.constant 0 : i32
        %dma_wait3A_392 = arith.constant 1 : i32
        %dma_wait3A_393 = arith.constant 0 : i32
        %dma_wait3A_394 = arith.constant 0 : i32
        %dma_wait3A_395 = tpu.memref_slice %arg8[%dma_wait3A_390, %dma_wait3A_393, %dma_wait3A_394] : memref<4x128x32xf32, #tpu.memory_space<vmem>> -> memref<1x128x32xf32, #tpu.memory_space<vmem>>
        %dma_wait3A_396 = tpu.memref_squeeze %dma_wait3A_395 : memref<1x128x32xf32, #tpu.memory_space<vmem>> -> memref<128x32xf32, #tpu.memory_space<vmem>>
        %dma_wait3A_397 = arith.constant 0 : i32
        %dma_wait3A_398 = tpu.memref_slice %arg7[%dma_wait3A_391, %dma_wait3A_397] : memref<80x128xi32, #tpu.memory_space<vmem>> -> memref<1x128xi32, #tpu.memory_space<vmem>>
        %dma_wait3A_399 = tpu.memref_squeeze %dma_wait3A_398 : memref<1x128xi32, #tpu.memory_space<vmem>> -> memref<128xi32, #tpu.memory_space<vmem>>
        %dma_wait3A_400 = arith.constant 0 : i32
        %dma_wait3A_401 = arith.constant 0 : i32
        %dma_wait3A_402 = tpu.memref_slice %arg10[%dma_wait3A_400, %dma_wait3A_401] : memref<10240x32xf32, #tpu.memory_space<vmem_shared>> -> memref<10240x32xf32, #tpu.memory_space<vmem_shared>>
        %dma_wait3A_403 = tpu.memref_slice %arg13[%dma_wait3A_392] : memref<4x!tpu.dma_semaphore, #tpu.memory_space<semaphore_mem>> -> memref<1x!tpu.dma_semaphore, #tpu.memory_space<semaphore_mem>>
        %dma_wait3A_404 = tpu.memref_squeeze %dma_wait3A_403 : memref<1x!tpu.dma_semaphore, #tpu.memory_space<semaphore_mem>> -> memref<!tpu.dma_semaphore, #tpu.memory_space<semaphore_mem>>
        tpu.wait_indirect_dma semaphore(%dma_wait3A_404 : memref<!tpu.dma_semaphore, #tpu.memory_space<semaphore_mem>>) src(%dma_wait3A_396 : memref<128x32xf32, #tpu.memory_space<vmem>>) dst(%dma_wait3A_402 : memref<10240x32xf32, #tpu.memory_space<vmem_shared>>)
        %add3A_405 = arith.constant 1 : i32
        %add3A_406 = arith.addi %mul3A_294, %add3A_405 : i32
        %add3A_407 = arith.constant 4 : i32
        %add3A_408 = arith.addi %add3A_406, %add3A_407 : i32
        %dma_start3A_409 = arith.constant 1 : i32
        %dma_start3A_410 = arith.constant 1 : i32
        %dma_start3A_411 = arith.constant 0 : i32
        %dma_start3A_412 = arith.constant 0 : i32
        %dma_start3A_413 = tpu.memref_slice %arg8[%dma_start3A_409, %dma_start3A_411, %dma_start3A_412] : memref<4x128x32xf32, #tpu.memory_space<vmem>> -> memref<1x128x32xf32, #tpu.memory_space<vmem>>
        %dma_start3A_414 = tpu.memref_squeeze %dma_start3A_413 : memref<1x128x32xf32, #tpu.memory_space<vmem>> -> memref<128x32xf32, #tpu.memory_space<vmem>>
        %dma_start3A_415 = arith.constant 0 : i32
        %dma_start3A_416 = tpu.memref_slice %arg6[%add3A_408, %dma_start3A_415] : memref<80x128xi32, #tpu.memory_space<vmem>> -> memref<1x128xi32, #tpu.memory_space<vmem>>
        %dma_start3A_417 = tpu.memref_squeeze %dma_start3A_416 : memref<1x128xi32, #tpu.memory_space<vmem>> -> memref<128xi32, #tpu.memory_space<vmem>>
        %dma_start3A_418 = arith.constant 0 : i32
        %dma_start3A_419 = arith.constant 0 : i32
        %dma_start3A_420 = tpu.memref_slice %arg11[%dma_start3A_418, %dma_start3A_419] : memref<10000x32xf32, #tpu.memory_space<vmem_shared>> -> memref<10000x32xf32, #tpu.memory_space<vmem_shared>>
        %dma_start3A_421 = tpu.memref_slice %arg12[%dma_start3A_410] : memref<4x!tpu.dma_semaphore, #tpu.memory_space<semaphore_mem>> -> memref<1x!tpu.dma_semaphore, #tpu.memory_space<semaphore_mem>>
        %dma_start3A_422 = tpu.memref_squeeze %dma_start3A_421 : memref<1x!tpu.dma_semaphore, #tpu.memory_space<semaphore_mem>> -> memref<!tpu.dma_semaphore, #tpu.memory_space<semaphore_mem>>
        tpu.enqueue_indirect_dma source(%dma_start3A_420 : memref<10000x32xf32, #tpu.memory_space<vmem_shared>>) target(%dma_start3A_414 : memref<128x32xf32, #tpu.memory_space<vmem>>) offsets(%dma_start3A_417 : memref<128xi32, #tpu.memory_space<vmem>>) semaphore(%dma_start3A_422 : memref<!tpu.dma_semaphore, #tpu.memory_space<semaphore_mem>>)
        %dma_wait3A_423 = arith.constant 0 : i32
        %dma_wait3A_424 = arith.constant 2 : i32
        %dma_wait3A_425 = arith.constant 2 : i32
        %dma_wait3A_426 = arith.constant 0 : i32
        %dma_wait3A_427 = arith.constant 0 : i32
        %dma_wait3A_428 = tpu.memref_slice %arg8[%dma_wait3A_424, %dma_wait3A_426, %dma_wait3A_427] : memref<4x128x32xf32, #tpu.memory_space<vmem>> -> memref<1x128x32xf32, #tpu.memory_space<vmem>>
        %dma_wait3A_429 = tpu.memref_squeeze %dma_wait3A_428 : memref<1x128x32xf32, #tpu.memory_space<vmem>> -> memref<128x32xf32, #tpu.memory_space<vmem>>
        %dma_wait3A_430 = arith.constant 0 : i32
        %dma_wait3A_431 = tpu.memref_slice %arg6[%dma_wait3A_423, %dma_wait3A_430] : memref<80x128xi32, #tpu.memory_space<vmem>> -> memref<1x128xi32, #tpu.memory_space<vmem>>
        %dma_wait3A_432 = tpu.memref_squeeze %dma_wait3A_431 : memref<1x128xi32, #tpu.memory_space<vmem>> -> memref<128xi32, #tpu.memory_space<vmem>>
        %dma_wait3A_433 = arith.constant 0 : i32
        %dma_wait3A_434 = arith.constant 0 : i32
        %dma_wait3A_435 = tpu.memref_slice %arg11[%dma_wait3A_433, %dma_wait3A_434] : memref<10000x32xf32, #tpu.memory_space<vmem_shared>> -> memref<10000x32xf32, #tpu.memory_space<vmem_shared>>
        %dma_wait3A_436 = tpu.memref_slice %arg12[%dma_wait3A_425] : memref<4x!tpu.dma_semaphore, #tpu.memory_space<semaphore_mem>> -> memref<1x!tpu.dma_semaphore, #tpu.memory_space<semaphore_mem>>
        %dma_wait3A_437 = tpu.memref_squeeze %dma_wait3A_436 : memref<1x!tpu.dma_semaphore, #tpu.memory_space<semaphore_mem>> -> memref<!tpu.dma_semaphore, #tpu.memory_space<semaphore_mem>>
        tpu.wait_indirect_dma semaphore(%dma_wait3A_437 : memref<!tpu.dma_semaphore, #tpu.memory_space<semaphore_mem>>) src(%dma_wait3A_435 : memref<10000x32xf32, #tpu.memory_space<vmem_shared>>) dst(%dma_wait3A_429 : memref<128x32xf32, #tpu.memory_space<vmem>>)
        %add3A_438 = arith.constant 2 : i32
        %add3A_439 = arith.addi %mul3A_294, %add3A_438 : i32
        %dma_start3A_440 = arith.constant 2 : i32
        %dma_start3A_441 = arith.constant 2 : i32
        %dma_start3A_442 = arith.constant 0 : i32
        %dma_start3A_443 = arith.constant 0 : i32
        %dma_start3A_444 = tpu.memref_slice %arg8[%dma_start3A_440, %dma_start3A_442, %dma_start3A_443] : memref<4x128x32xf32, #tpu.memory_space<vmem>> -> memref<1x128x32xf32, #tpu.memory_space<vmem>>
        %dma_start3A_445 = tpu.memref_squeeze %dma_start3A_444 : memref<1x128x32xf32, #tpu.memory_space<vmem>> -> memref<128x32xf32, #tpu.memory_space<vmem>>
        %dma_start3A_446 = arith.constant 0 : i32
        %dma_start3A_447 = tpu.memref_slice %arg7[%add3A_439, %dma_start3A_446] : memref<80x128xi32, #tpu.memory_space<vmem>> -> memref<1x128xi32, #tpu.memory_space<vmem>>
        %dma_start3A_448 = tpu.memref_squeeze %dma_start3A_447 : memref<1x128xi32, #tpu.memory_space<vmem>> -> memref<128xi32, #tpu.memory_space<vmem>>
        %dma_start3A_449 = arith.constant 0 : i32
        %dma_start3A_450 = arith.constant 0 : i32
        %dma_start3A_451 = tpu.memref_slice %arg10[%dma_start3A_449, %dma_start3A_450] : memref<10240x32xf32, #tpu.memory_space<vmem_shared>> -> memref<10240x32xf32, #tpu.memory_space<vmem_shared>>
        %dma_start3A_452 = tpu.memref_slice %arg13[%dma_start3A_441] : memref<4x!tpu.dma_semaphore, #tpu.memory_space<semaphore_mem>> -> memref<1x!tpu.dma_semaphore, #tpu.memory_space<semaphore_mem>>
        %dma_start3A_453 = tpu.memref_squeeze %dma_start3A_452 : memref<1x!tpu.dma_semaphore, #tpu.memory_space<semaphore_mem>> -> memref<!tpu.dma_semaphore, #tpu.memory_space<semaphore_mem>>
        tpu.enqueue_indirect_dma source(%dma_start3A_445 : memref<128x32xf32, #tpu.memory_space<vmem>>) target(%dma_start3A_451 : memref<10240x32xf32, #tpu.memory_space<vmem_shared>>) offsets(%dma_start3A_448 : memref<128xi32, #tpu.memory_space<vmem>>) semaphore(%dma_start3A_453 : memref<!tpu.dma_semaphore, #tpu.memory_space<semaphore_mem>>) {add = true}
        %dma_wait3A_454 = arith.constant 2 : i32
        %dma_wait3A_455 = arith.constant 0 : i32
        %dma_wait3A_456 = arith.constant 2 : i32
        %dma_wait3A_457 = arith.constant 0 : i32
        %dma_wait3A_458 = arith.constant 0 : i32
        %dma_wait3A_459 = tpu.memref_slice %arg8[%dma_wait3A_454, %dma_wait3A_457, %dma_wait3A_458] : memref<4x128x32xf32, #tpu.memory_space<vmem>> -> memref<1x128x32xf32, #tpu.memory_space<vmem>>
        %dma_wait3A_460 = tpu.memref_squeeze %dma_wait3A_459 : memref<1x128x32xf32, #tpu.memory_space<vmem>> -> memref<128x32xf32, #tpu.memory_space<vmem>>
        %dma_wait3A_461 = arith.constant 0 : i32
        %dma_wait3A_462 = tpu.memref_slice %arg7[%dma_wait3A_455, %dma_wait3A_461] : memref<80x128xi32, #tpu.memory_space<vmem>> -> memref<1x128xi32, #tpu.memory_space<vmem>>
        %dma_wait3A_463 = tpu.memref_squeeze %dma_wait3A_462 : memref<1x128xi32, #tpu.memory_space<vmem>> -> memref<128xi32, #tpu.memory_space<vmem>>
        %dma_wait3A_464 = arith.constant 0 : i32
        %dma_wait3A_465 = arith.constant 0 : i32
        %dma_wait3A_466 = tpu.memref_slice %arg10[%dma_wait3A_464, %dma_wait3A_465] : memref<10240x32xf32, #tpu.memory_space<vmem_shared>> -> memref<10240x32xf32, #tpu.memory_space<vmem_shared>>
        %dma_wait3A_467 = tpu.memref_slice %arg13[%dma_wait3A_456] : memref<4x!tpu.dma_semaphore, #tpu.memory_space<semaphore_mem>> -> memref<1x!tpu.dma_semaphore, #tpu.memory_space<semaphore_mem>>
        %dma_wait3A_468 = tpu.memref_squeeze %dma_wait3A_467 : memref<1x!tpu.dma_semaphore, #tpu.memory_space<semaphore_mem>> -> memref<!tpu.dma_semaphore, #tpu.memory_space<semaphore_mem>>
        tpu.wait_indirect_dma semaphore(%dma_wait3A_468 : memref<!tpu.dma_semaphore, #tpu.memory_space<semaphore_mem>>) src(%dma_wait3A_460 : memref<128x32xf32, #tpu.memory_space<vmem>>) dst(%dma_wait3A_466 : memref<10240x32xf32, #tpu.memory_space<vmem_shared>>)
        %add3A_469 = arith.constant 2 : i32
        %add3A_470 = arith.addi %mul3A_294, %add3A_469 : i32
        %add3A_471 = arith.constant 4 : i32
        %add3A_472 = arith.addi %add3A_470, %add3A_471 : i32
        %dma_start3A_473 = arith.constant 2 : i32
        %dma_start3A_474 = arith.constant 2 : i32
        %dma_start3A_475 = arith.constant 0 : i32
        %dma_start3A_476 = arith.constant 0 : i32
        %dma_start3A_477 = tpu.memref_slice %arg8[%dma_start3A_473, %dma_start3A_475, %dma_start3A_476] : memref<4x128x32xf32, #tpu.memory_space<vmem>> -> memref<1x128x32xf32, #tpu.memory_space<vmem>>
        %dma_start3A_478 = tpu.memref_squeeze %dma_start3A_477 : memref<1x128x32xf32, #tpu.memory_space<vmem>> -> memref<128x32xf32, #tpu.memory_space<vmem>>
        %dma_start3A_479 = arith.constant 0 : i32
        %dma_start3A_480 = tpu.memref_slice %arg6[%add3A_472, %dma_start3A_479] : memref<80x128xi32, #tpu.memory_space<vmem>> -> memref<1x128xi32, #tpu.memory_space<vmem>>
        %dma_start3A_481 = tpu.memref_squeeze %dma_start3A_480 : memref<1x128xi32, #tpu.memory_space<vmem>> -> memref<128xi32, #tpu.memory_space<vmem>>
        %dma_start3A_482 = arith.constant 0 : i32
        %dma_start3A_483 = arith.constant 0 : i32
        %dma_start3A_484 = tpu.memref_slice %arg11[%dma_start3A_482, %dma_start3A_483] : memref<10000x32xf32, #tpu.memory_space<vmem_shared>> -> memref<10000x32xf32, #tpu.memory_space<vmem_shared>>
        %dma_start3A_485 = tpu.memref_slice %arg12[%dma_start3A_474] : memref<4x!tpu.dma_semaphore, #tpu.memory_space<semaphore_mem>> -> memref<1x!tpu.dma_semaphore, #tpu.memory_space<semaphore_mem>>
        %dma_start3A_486 = tpu.memref_squeeze %dma_start3A_485 : memref<1x!tpu.dma_semaphore, #tpu.memory_space<semaphore_mem>> -> memref<!tpu.dma_semaphore, #tpu.memory_space<semaphore_mem>>
        tpu.enqueue_indirect_dma source(%dma_start3A_484 : memref<10000x32xf32, #tpu.memory_space<vmem_shared>>) target(%dma_start3A_478 : memref<128x32xf32, #tpu.memory_space<vmem>>) offsets(%dma_start3A_481 : memref<128xi32, #tpu.memory_space<vmem>>) semaphore(%dma_start3A_486 : memref<!tpu.dma_semaphore, #tpu.memory_space<semaphore_mem>>)
        %dma_wait3A_487 = arith.constant 0 : i32
        %dma_wait3A_488 = arith.constant 3 : i32
        %dma_wait3A_489 = arith.constant 3 : i32
        %dma_wait3A_490 = arith.constant 0 : i32
        %dma_wait3A_491 = arith.constant 0 : i32
        %dma_wait3A_492 = tpu.memref_slice %arg8[%dma_wait3A_488, %dma_wait3A_490, %dma_wait3A_491] : memref<4x128x32xf32, #tpu.memory_space<vmem>> -> memref<1x128x32xf32, #tpu.memory_space<vmem>>
        %dma_wait3A_493 = tpu.memref_squeeze %dma_wait3A_492 : memref<1x128x32xf32, #tpu.memory_space<vmem>> -> memref<128x32xf32, #tpu.memory_space<vmem>>
        %dma_wait3A_494 = arith.constant 0 : i32
        %dma_wait3A_495 = tpu.memref_slice %arg6[%dma_wait3A_487, %dma_wait3A_494] : memref<80x128xi32, #tpu.memory_space<vmem>> -> memref<1x128xi32, #tpu.memory_space<vmem>>
        %dma_wait3A_496 = tpu.memref_squeeze %dma_wait3A_495 : memref<1x128xi32, #tpu.memory_space<vmem>> -> memref<128xi32, #tpu.memory_space<vmem>>
        %dma_wait3A_497 = arith.constant 0 : i32
        %dma_wait3A_498 = arith.constant 0 : i32
        %dma_wait3A_499 = tpu.memref_slice %arg11[%dma_wait3A_497, %dma_wait3A_498] : memref<10000x32xf32, #tpu.memory_space<vmem_shared>> -> memref<10000x32xf32, #tpu.memory_space<vmem_shared>>
        %dma_wait3A_500 = tpu.memref_slice %arg12[%dma_wait3A_489] : memref<4x!tpu.dma_semaphore, #tpu.memory_space<semaphore_mem>> -> memref<1x!tpu.dma_semaphore, #tpu.memory_space<semaphore_mem>>
        %dma_wait3A_501 = tpu.memref_squeeze %dma_wait3A_500 : memref<1x!tpu.dma_semaphore, #tpu.memory_space<semaphore_mem>> -> memref<!tpu.dma_semaphore, #tpu.memory_space<semaphore_mem>>
        tpu.wait_indirect_dma semaphore(%dma_wait3A_501 : memref<!tpu.dma_semaphore, #tpu.memory_space<semaphore_mem>>) src(%dma_wait3A_499 : memref<10000x32xf32, #tpu.memory_space<vmem_shared>>) dst(%dma_wait3A_493 : memref<128x32xf32, #tpu.memory_space<vmem>>)
        %add3A_502 = arith.constant 3 : i32
        %add3A_503 = arith.addi %mul3A_294, %add3A_502 : i32
        %dma_start3A_504 = arith.constant 3 : i32
        %dma_start3A_505 = arith.constant 3 : i32
        %dma_start3A_506 = arith.constant 0 : i32
        %dma_start3A_507 = arith.constant 0 : i32
        %dma_start3A_508 = tpu.memref_slice %arg8[%dma_start3A_504, %dma_start3A_506, %dma_start3A_507] : memref<4x128x32xf32, #tpu.memory_space<vmem>> -> memref<1x128x32xf32, #tpu.memory_space<vmem>>
        %dma_start3A_509 = tpu.memref_squeeze %dma_start3A_508 : memref<1x128x32xf32, #tpu.memory_space<vmem>> -> memref<128x32xf32, #tpu.memory_space<vmem>>
        %dma_start3A_510 = arith.constant 0 : i32
        %dma_start3A_511 = tpu.memref_slice %arg7[%add3A_503, %dma_start3A_510] : memref<80x128xi32, #tpu.memory_space<vmem>> -> memref<1x128xi32, #tpu.memory_space<vmem>>
        %dma_start3A_512 = tpu.memref_squeeze %dma_start3A_511 : memref<1x128xi32, #tpu.memory_space<vmem>> -> memref<128xi32, #tpu.memory_space<vmem>>
        %dma_start3A_513 = arith.constant 0 : i32
        %dma_start3A_514 = arith.constant 0 : i32
        %dma_start3A_515 = tpu.memref_slice %arg10[%dma_start3A_513, %dma_start3A_514] : memref<10240x32xf32, #tpu.memory_space<vmem_shared>> -> memref<10240x32xf32, #tpu.memory_space<vmem_shared>>
        %dma_start3A_516 = tpu.memref_slice %arg13[%dma_start3A_505] : memref<4x!tpu.dma_semaphore, #tpu.memory_space<semaphore_mem>> -> memref<1x!tpu.dma_semaphore, #tpu.memory_space<semaphore_mem>>
        %dma_start3A_517 = tpu.memref_squeeze %dma_start3A_516 : memref<1x!tpu.dma_semaphore, #tpu.memory_space<semaphore_mem>> -> memref<!tpu.dma_semaphore, #tpu.memory_space<semaphore_mem>>
        tpu.enqueue_indirect_dma source(%dma_start3A_509 : memref<128x32xf32, #tpu.memory_space<vmem>>) target(%dma_start3A_515 : memref<10240x32xf32, #tpu.memory_space<vmem_shared>>) offsets(%dma_start3A_512 : memref<128xi32, #tpu.memory_space<vmem>>) semaphore(%dma_start3A_517 : memref<!tpu.dma_semaphore, #tpu.memory_space<semaphore_mem>>) {add = true}
        %dma_wait3A_518 = arith.constant 3 : i32
        %dma_wait3A_519 = arith.constant 0 : i32
        %dma_wait3A_520 = arith.constant 3 : i32
        %dma_wait3A_521 = arith.constant 0 : i32
        %dma_wait3A_522 = arith.constant 0 : i32
        %dma_wait3A_523 = tpu.memref_slice %arg8[%dma_wait3A_518, %dma_wait3A_521, %dma_wait3A_522] : memref<4x128x32xf32, #tpu.memory_space<vmem>> -> memref<1x128x32xf32, #tpu.memory_space<vmem>>
        %dma_wait3A_524 = tpu.memref_squeeze %dma_wait3A_523 : memref<1x128x32xf32, #tpu.memory_space<vmem>> -> memref<128x32xf32, #tpu.memory_space<vmem>>
        %dma_wait3A_525 = arith.constant 0 : i32
        %dma_wait3A_526 = tpu.memref_slice %arg7[%dma_wait3A_519, %dma_wait3A_525] : memref<80x128xi32, #tpu.memory_space<vmem>> -> memref<1x128xi32, #tpu.memory_space<vmem>>
        %dma_wait3A_527 = tpu.memref_squeeze %dma_wait3A_526 : memref<1x128xi32, #tpu.memory_space<vmem>> -> memref<128xi32, #tpu.memory_space<vmem>>
        %dma_wait3A_528 = arith.constant 0 : i32
        %dma_wait3A_529 = arith.constant 0 : i32
        %dma_wait3A_530 = tpu.memref_slice %arg10[%dma_wait3A_528, %dma_wait3A_529] : memref<10240x32xf32, #tpu.memory_space<vmem_shared>> -> memref<10240x32xf32, #tpu.memory_space<vmem_shared>>
        %dma_wait3A_531 = tpu.memref_slice %arg13[%dma_wait3A_520] : memref<4x!tpu.dma_semaphore, #tpu.memory_space<semaphore_mem>> -> memref<1x!tpu.dma_semaphore, #tpu.memory_space<semaphore_mem>>
        %dma_wait3A_532 = tpu.memref_squeeze %dma_wait3A_531 : memref<1x!tpu.dma_semaphore, #tpu.memory_space<semaphore_mem>> -> memref<!tpu.dma_semaphore, #tpu.memory_space<semaphore_mem>>
        tpu.wait_indirect_dma semaphore(%dma_wait3A_532 : memref<!tpu.dma_semaphore, #tpu.memory_space<semaphore_mem>>) src(%dma_wait3A_524 : memref<128x32xf32, #tpu.memory_space<vmem>>) dst(%dma_wait3A_530 : memref<10240x32xf32, #tpu.memory_space<vmem_shared>>)
        %add3A_533 = arith.constant 3 : i32
        %add3A_534 = arith.addi %mul3A_294, %add3A_533 : i32
        %add3A_535 = arith.constant 4 : i32
        %add3A_536 = arith.addi %add3A_534, %add3A_535 : i32
        %dma_start3A_537 = arith.constant 3 : i32
        %dma_start3A_538 = arith.constant 3 : i32
        %dma_start3A_539 = arith.constant 0 : i32
        %dma_start3A_540 = arith.constant 0 : i32
        %dma_start3A_541 = tpu.memref_slice %arg8[%dma_start3A_537, %dma_start3A_539, %dma_start3A_540] : memref<4x128x32xf32, #tpu.memory_space<vmem>> -> memref<1x128x32xf32, #tpu.memory_space<vmem>>
        %dma_start3A_542 = tpu.memref_squeeze %dma_start3A_541 : memref<1x128x32xf32, #tpu.memory_space<vmem>> -> memref<128x32xf32, #tpu.memory_space<vmem>>
        %dma_start3A_543 = arith.constant 0 : i32
        %dma_start3A_544 = tpu.memref_slice %arg6[%add3A_536, %dma_start3A_543] : memref<80x128xi32, #tpu.memory_space<vmem>> -> memref<1x128xi32, #tpu.memory_space<vmem>>
        %dma_start3A_545 = tpu.memref_squeeze %dma_start3A_544 : memref<1x128xi32, #tpu.memory_space<vmem>> -> memref<128xi32, #tpu.memory_space<vmem>>
        %dma_start3A_546 = arith.constant 0 : i32
        %dma_start3A_547 = arith.constant 0 : i32
        %dma_start3A_548 = tpu.memref_slice %arg11[%dma_start3A_546, %dma_start3A_547] : memref<10000x32xf32, #tpu.memory_space<vmem_shared>> -> memref<10000x32xf32, #tpu.memory_space<vmem_shared>>
        %dma_start3A_549 = tpu.memref_slice %arg12[%dma_start3A_538] : memref<4x!tpu.dma_semaphore, #tpu.memory_space<semaphore_mem>> -> memref<1x!tpu.dma_semaphore, #tpu.memory_space<semaphore_mem>>
        %dma_start3A_550 = tpu.memref_squeeze %dma_start3A_549 : memref<1x!tpu.dma_semaphore, #tpu.memory_space<semaphore_mem>> -> memref<!tpu.dma_semaphore, #tpu.memory_space<semaphore_mem>>
        tpu.enqueue_indirect_dma source(%dma_start3A_548 : memref<10000x32xf32, #tpu.memory_space<vmem_shared>>) target(%dma_start3A_542 : memref<128x32xf32, #tpu.memory_space<vmem>>) offsets(%dma_start3A_545 : memref<128xi32, #tpu.memory_space<vmem>>) semaphore(%dma_start3A_550 : memref<!tpu.dma_semaphore, #tpu.memory_space<semaphore_mem>>)
      }
      %scan3A_102 = arith.constant 19 : i32
      %dma_wait3A = arith.constant 0 : i32
      %dma_wait3A_103 = arith.constant 0 : i32
      %dma_wait3A_104 = arith.constant 0 : i32
      %dma_wait3A_105 = arith.constant 0 : i32
      %dma_wait3A_106 = arith.constant 0 : i32
      %dma_wait3A_107 = tpu.memref_slice %arg8[%dma_wait3A_103, %dma_wait3A_105, %dma_wait3A_106] : memref<4x128x32xf32, #tpu.memory_space<vmem>> -> memref<1x128x32xf32, #tpu.memory_space<vmem>>
      %dma_wait3A_108 = tpu.memref_squeeze %dma_wait3A_107 : memref<1x128x32xf32, #tpu.memory_space<vmem>> -> memref<128x32xf32, #tpu.memory_space<vmem>>
      %dma_wait3A_109 = arith.constant 0 : i32
      %dma_wait3A_110 = tpu.memref_slice %arg6[%dma_wait3A, %dma_wait3A_109] : memref<80x128xi32, #tpu.memory_space<vmem>> -> memref<1x128xi32, #tpu.memory_space<vmem>>
      %dma_wait3A_111 = tpu.memref_squeeze %dma_wait3A_110 : memref<1x128xi32, #tpu.memory_space<vmem>> -> memref<128xi32, #tpu.memory_space<vmem>>
      %dma_wait3A_112 = arith.constant 0 : i32
      %dma_wait3A_113 = arith.constant 0 : i32
      %dma_wait3A_114 = tpu.memref_slice %arg11[%dma_wait3A_112, %dma_wait3A_113] : memref<10000x32xf32, #tpu.memory_space<vmem_shared>> -> memref<10000x32xf32, #tpu.memory_space<vmem_shared>>
      %dma_wait3A_115 = tpu.memref_slice %arg12[%dma_wait3A_104] : memref<4x!tpu.dma_semaphore, #tpu.memory_space<semaphore_mem>> -> memref<1x!tpu.dma_semaphore, #tpu.memory_space<semaphore_mem>>
      %dma_wait3A_116 = tpu.memref_squeeze %dma_wait3A_115 : memref<1x!tpu.dma_semaphore, #tpu.memory_space<semaphore_mem>> -> memref<!tpu.dma_semaphore, #tpu.memory_space<semaphore_mem>>
      tpu.wait_indirect_dma semaphore(%dma_wait3A_116 : memref<!tpu.dma_semaphore, #tpu.memory_space<semaphore_mem>>) src(%dma_wait3A_114 : memref<10000x32xf32, #tpu.memory_space<vmem_shared>>) dst(%dma_wait3A_108 : memref<128x32xf32, #tpu.memory_space<vmem>>)
      %dma_start3A_117 = arith.constant 0 : i32
      %dma_start3A_118 = arith.constant 76 : i32
      %dma_start3A_119 = arith.constant 0 : i32
      %dma_start3A_120 = arith.constant 0 : i32
      %dma_start3A_121 = arith.constant 0 : i32
      %dma_start3A_122 = tpu.memref_slice %arg8[%dma_start3A_117, %dma_start3A_120, %dma_start3A_121] : memref<4x128x32xf32, #tpu.memory_space<vmem>> -> memref<1x128x32xf32, #tpu.memory_space<vmem>>
      %dma_start3A_123 = tpu.memref_squeeze %dma_start3A_122 : memref<1x128x32xf32, #tpu.memory_space<vmem>> -> memref<128x32xf32, #tpu.memory_space<vmem>>
      %dma_start3A_124 = arith.constant 0 : i32
      %dma_start3A_125 = tpu.memref_slice %arg7[%dma_start3A_118, %dma_start3A_124] : memref<80x128xi32, #tpu.memory_space<vmem>> -> memref<1x128xi32, #tpu.memory_space<vmem>>
      %dma_start3A_126 = tpu.memref_squeeze %dma_start3A_125 : memref<1x128xi32, #tpu.memory_space<vmem>> -> memref<128xi32, #tpu.memory_space<vmem>>
      %dma_start3A_127 = arith.constant 0 : i32
      %dma_start3A_128 = arith.constant 0 : i32
      %dma_start3A_129 = tpu.memref_slice %arg10[%dma_start3A_127, %dma_start3A_128] : memref<10240x32xf32, #tpu.memory_space<vmem_shared>> -> memref<10240x32xf32, #tpu.memory_space<vmem_shared>>
      %dma_start3A_130 = tpu.memref_slice %arg13[%dma_start3A_119] : memref<4x!tpu.dma_semaphore, #tpu.memory_space<semaphore_mem>> -> memref<1x!tpu.dma_semaphore, #tpu.memory_space<semaphore_mem>>
      %dma_start3A_131 = tpu.memref_squeeze %dma_start3A_130 : memref<1x!tpu.dma_semaphore, #tpu.memory_space<semaphore_mem>> -> memref<!tpu.dma_semaphore, #tpu.memory_space<semaphore_mem>>
      tpu.enqueue_indirect_dma source(%dma_start3A_123 : memref<128x32xf32, #tpu.memory_space<vmem>>) target(%dma_start3A_129 : memref<10240x32xf32, #tpu.memory_space<vmem_shared>>) offsets(%dma_start3A_126 : memref<128xi32, #tpu.memory_space<vmem>>) semaphore(%dma_start3A_131 : memref<!tpu.dma_semaphore, #tpu.memory_space<semaphore_mem>>) {add = true}
      %dma_wait3A_132 = arith.constant 0 : i32
      %dma_wait3A_133 = arith.constant 1 : i32
      %dma_wait3A_134 = arith.constant 1 : i32
      %dma_wait3A_135 = arith.constant 0 : i32
      %dma_wait3A_136 = arith.constant 0 : i32
      %dma_wait3A_137 = tpu.memref_slice %arg8[%dma_wait3A_133, %dma_wait3A_135, %dma_wait3A_136] : memref<4x128x32xf32, #tpu.memory_space<vmem>> -> memref<1x128x32xf32, #tpu.memory_space<vmem>>
      %dma_wait3A_138 = tpu.memref_squeeze %dma_wait3A_137 : memref<1x128x32xf32, #tpu.memory_space<vmem>> -> memref<128x32xf32, #tpu.memory_space<vmem>>
      %dma_wait3A_139 = arith.constant 0 : i32
      %dma_wait3A_140 = tpu.memref_slice %arg6[%dma_wait3A_132, %dma_wait3A_139] : memref<80x128xi32, #tpu.memory_space<vmem>> -> memref<1x128xi32, #tpu.memory_space<vmem>>
      %dma_wait3A_141 = tpu.memref_squeeze %dma_wait3A_140 : memref<1x128xi32, #tpu.memory_space<vmem>> -> memref<128xi32, #tpu.memory_space<vmem>>
      %dma_wait3A_142 = arith.constant 0 : i32
      %dma_wait3A_143 = arith.constant 0 : i32
      %dma_wait3A_144 = tpu.memref_slice %arg11[%dma_wait3A_142, %dma_wait3A_143] : memref<10000x32xf32, #tpu.memory_space<vmem_shared>> -> memref<10000x32xf32, #tpu.memory_space<vmem_shared>>
      %dma_wait3A_145 = tpu.memref_slice %arg12[%dma_wait3A_134] : memref<4x!tpu.dma_semaphore, #tpu.memory_space<semaphore_mem>> -> memref<1x!tpu.dma_semaphore, #tpu.memory_space<semaphore_mem>>
      %dma_wait3A_146 = tpu.memref_squeeze %dma_wait3A_145 : memref<1x!tpu.dma_semaphore, #tpu.memory_space<semaphore_mem>> -> memref<!tpu.dma_semaphore, #tpu.memory_space<semaphore_mem>>
      tpu.wait_indirect_dma semaphore(%dma_wait3A_146 : memref<!tpu.dma_semaphore, #tpu.memory_space<semaphore_mem>>) src(%dma_wait3A_144 : memref<10000x32xf32, #tpu.memory_space<vmem_shared>>) dst(%dma_wait3A_138 : memref<128x32xf32, #tpu.memory_space<vmem>>)
      %dma_start3A_147 = arith.constant 1 : i32
      %dma_start3A_148 = arith.constant 77 : i32
      %dma_start3A_149 = arith.constant 1 : i32
      %dma_start3A_150 = arith.constant 0 : i32
      %dma_start3A_151 = arith.constant 0 : i32
      %dma_start3A_152 = tpu.memref_slice %arg8[%dma_start3A_147, %dma_start3A_150, %dma_start3A_151] : memref<4x128x32xf32, #tpu.memory_space<vmem>> -> memref<1x128x32xf32, #tpu.memory_space<vmem>>
      %dma_start3A_153 = tpu.memref_squeeze %dma_start3A_152 : memref<1x128x32xf32, #tpu.memory_space<vmem>> -> memref<128x32xf32, #tpu.memory_space<vmem>>
      %dma_start3A_154 = arith.constant 0 : i32
      %dma_start3A_155 = tpu.memref_slice %arg7[%dma_start3A_148, %dma_start3A_154] : memref<80x128xi32, #tpu.memory_space<vmem>> -> memref<1x128xi32, #tpu.memory_space<vmem>>
      %dma_start3A_156 = tpu.memref_squeeze %dma_start3A_155 : memref<1x128xi32, #tpu.memory_space<vmem>> -> memref<128xi32, #tpu.memory_space<vmem>>
      %dma_start3A_157 = arith.constant 0 : i32
      %dma_start3A_158 = arith.constant 0 : i32
      %dma_start3A_159 = tpu.memref_slice %arg10[%dma_start3A_157, %dma_start3A_158] : memref<10240x32xf32, #tpu.memory_space<vmem_shared>> -> memref<10240x32xf32, #tpu.memory_space<vmem_shared>>
      %dma_start3A_160 = tpu.memref_slice %arg13[%dma_start3A_149] : memref<4x!tpu.dma_semaphore, #tpu.memory_space<semaphore_mem>> -> memref<1x!tpu.dma_semaphore, #tpu.memory_space<semaphore_mem>>
      %dma_start3A_161 = tpu.memref_squeeze %dma_start3A_160 : memref<1x!tpu.dma_semaphore, #tpu.memory_space<semaphore_mem>> -> memref<!tpu.dma_semaphore, #tpu.memory_space<semaphore_mem>>
      tpu.enqueue_indirect_dma source(%dma_start3A_153 : memref<128x32xf32, #tpu.memory_space<vmem>>) target(%dma_start3A_159 : memref<10240x32xf32, #tpu.memory_space<vmem_shared>>) offsets(%dma_start3A_156 : memref<128xi32, #tpu.memory_space<vmem>>) semaphore(%dma_start3A_161 : memref<!tpu.dma_semaphore, #tpu.memory_space<semaphore_mem>>) {add = true}
      %dma_wait3A_162 = arith.constant 0 : i32
      %dma_wait3A_163 = arith.constant 2 : i32
      %dma_wait3A_164 = arith.constant 2 : i32
      %dma_wait3A_165 = arith.constant 0 : i32
      %dma_wait3A_166 = arith.constant 0 : i32
      %dma_wait3A_167 = tpu.memref_slice %arg8[%dma_wait3A_163, %dma_wait3A_165, %dma_wait3A_166] : memref<4x128x32xf32, #tpu.memory_space<vmem>> -> memref<1x128x32xf32, #tpu.memory_space<vmem>>
      %dma_wait3A_168 = tpu.memref_squeeze %dma_wait3A_167 : memref<1x128x32xf32, #tpu.memory_space<vmem>> -> memref<128x32xf32, #tpu.memory_space<vmem>>
      %dma_wait3A_169 = arith.constant 0 : i32
      %dma_wait3A_170 = tpu.memref_slice %arg6[%dma_wait3A_162, %dma_wait3A_169] : memref<80x128xi32, #tpu.memory_space<vmem>> -> memref<1x128xi32, #tpu.memory_space<vmem>>
      %dma_wait3A_171 = tpu.memref_squeeze %dma_wait3A_170 : memref<1x128xi32, #tpu.memory_space<vmem>> -> memref<128xi32, #tpu.memory_space<vmem>>
      %dma_wait3A_172 = arith.constant 0 : i32
      %dma_wait3A_173 = arith.constant 0 : i32
      %dma_wait3A_174 = tpu.memref_slice %arg11[%dma_wait3A_172, %dma_wait3A_173] : memref<10000x32xf32, #tpu.memory_space<vmem_shared>> -> memref<10000x32xf32, #tpu.memory_space<vmem_shared>>
      %dma_wait3A_175 = tpu.memref_slice %arg12[%dma_wait3A_164] : memref<4x!tpu.dma_semaphore, #tpu.memory_space<semaphore_mem>> -> memref<1x!tpu.dma_semaphore, #tpu.memory_space<semaphore_mem>>
      %dma_wait3A_176 = tpu.memref_squeeze %dma_wait3A_175 : memref<1x!tpu.dma_semaphore, #tpu.memory_space<semaphore_mem>> -> memref<!tpu.dma_semaphore, #tpu.memory_space<semaphore_mem>>
      tpu.wait_indirect_dma semaphore(%dma_wait3A_176 : memref<!tpu.dma_semaphore, #tpu.memory_space<semaphore_mem>>) src(%dma_wait3A_174 : memref<10000x32xf32, #tpu.memory_space<vmem_shared>>) dst(%dma_wait3A_168 : memref<128x32xf32, #tpu.memory_space<vmem>>)
      %dma_start3A_177 = arith.constant 2 : i32
      %dma_start3A_178 = arith.constant 78 : i32
      %dma_start3A_179 = arith.constant 2 : i32
      %dma_start3A_180 = arith.constant 0 : i32
      %dma_start3A_181 = arith.constant 0 : i32
      %dma_start3A_182 = tpu.memref_slice %arg8[%dma_start3A_177, %dma_start3A_180, %dma_start3A_181] : memref<4x128x32xf32, #tpu.memory_space<vmem>> -> memref<1x128x32xf32, #tpu.memory_space<vmem>>
      %dma_start3A_183 = tpu.memref_squeeze %dma_start3A_182 : memref<1x128x32xf32, #tpu.memory_space<vmem>> -> memref<128x32xf32, #tpu.memory_space<vmem>>
      %dma_start3A_184 = arith.constant 0 : i32
      %dma_start3A_185 = tpu.memref_slice %arg7[%dma_start3A_178, %dma_start3A_184] : memref<80x128xi32, #tpu.memory_space<vmem>> -> memref<1x128xi32, #tpu.memory_space<vmem>>
      %dma_start3A_186 = tpu.memref_squeeze %dma_start3A_185 : memref<1x128xi32, #tpu.memory_space<vmem>> -> memref<128xi32, #tpu.memory_space<vmem>>
      %dma_start3A_187 = arith.constant 0 : i32
      %dma_start3A_188 = arith.constant 0 : i32
      %dma_start3A_189 = tpu.memref_slice %arg10[%dma_start3A_187, %dma_start3A_188] : memref<10240x32xf32, #tpu.memory_space<vmem_shared>> -> memref<10240x32xf32, #tpu.memory_space<vmem_shared>>
      %dma_start3A_190 = tpu.memref_slice %arg13[%dma_start3A_179] : memref<4x!tpu.dma_semaphore, #tpu.memory_space<semaphore_mem>> -> memref<1x!tpu.dma_semaphore, #tpu.memory_space<semaphore_mem>>
      %dma_start3A_191 = tpu.memref_squeeze %dma_start3A_190 : memref<1x!tpu.dma_semaphore, #tpu.memory_space<semaphore_mem>> -> memref<!tpu.dma_semaphore, #tpu.memory_space<semaphore_mem>>
      tpu.enqueue_indirect_dma source(%dma_start3A_183 : memref<128x32xf32, #tpu.memory_space<vmem>>) target(%dma_start3A_189 : memref<10240x32xf32, #tpu.memory_space<vmem_shared>>) offsets(%dma_start3A_186 : memref<128xi32, #tpu.memory_space<vmem>>) semaphore(%dma_start3A_191 : memref<!tpu.dma_semaphore, #tpu.memory_space<semaphore_mem>>) {add = true}
      %dma_wait3A_192 = arith.constant 0 : i32
      %dma_wait3A_193 = arith.constant 3 : i32
      %dma_wait3A_194 = arith.constant 3 : i32
      %dma_wait3A_195 = arith.constant 0 : i32
      %dma_wait3A_196 = arith.constant 0 : i32
      %dma_wait3A_197 = tpu.memref_slice %arg8[%dma_wait3A_193, %dma_wait3A_195, %dma_wait3A_196] : memref<4x128x32xf32, #tpu.memory_space<vmem>> -> memref<1x128x32xf32, #tpu.memory_space<vmem>>
      %dma_wait3A_198 = tpu.memref_squeeze %dma_wait3A_197 : memref<1x128x32xf32, #tpu.memory_space<vmem>> -> memref<128x32xf32, #tpu.memory_space<vmem>>
      %dma_wait3A_199 = arith.constant 0 : i32
      %dma_wait3A_200 = tpu.memref_slice %arg6[%dma_wait3A_192, %dma_wait3A_199] : memref<80x128xi32, #tpu.memory_space<vmem>> -> memref<1x128xi32, #tpu.memory_space<vmem>>
      %dma_wait3A_201 = tpu.memref_squeeze %dma_wait3A_200 : memref<1x128xi32, #tpu.memory_space<vmem>> -> memref<128xi32, #tpu.memory_space<vmem>>
      %dma_wait3A_202 = arith.constant 0 : i32
      %dma_wait3A_203 = arith.constant 0 : i32
      %dma_wait3A_204 = tpu.memref_slice %arg11[%dma_wait3A_202, %dma_wait3A_203] : memref<10000x32xf32, #tpu.memory_space<vmem_shared>> -> memref<10000x32xf32, #tpu.memory_space<vmem_shared>>
      %dma_wait3A_205 = tpu.memref_slice %arg12[%dma_wait3A_194] : memref<4x!tpu.dma_semaphore, #tpu.memory_space<semaphore_mem>> -> memref<1x!tpu.dma_semaphore, #tpu.memory_space<semaphore_mem>>
      %dma_wait3A_206 = tpu.memref_squeeze %dma_wait3A_205 : memref<1x!tpu.dma_semaphore, #tpu.memory_space<semaphore_mem>> -> memref<!tpu.dma_semaphore, #tpu.memory_space<semaphore_mem>>
      tpu.wait_indirect_dma semaphore(%dma_wait3A_206 : memref<!tpu.dma_semaphore, #tpu.memory_space<semaphore_mem>>) src(%dma_wait3A_204 : memref<10000x32xf32, #tpu.memory_space<vmem_shared>>) dst(%dma_wait3A_198 : memref<128x32xf32, #tpu.memory_space<vmem>>)
      %dma_start3A_207 = arith.constant 3 : i32
      %dma_start3A_208 = arith.constant 79 : i32
      %dma_start3A_209 = arith.constant 3 : i32
      %dma_start3A_210 = arith.constant 0 : i32
      %dma_start3A_211 = arith.constant 0 : i32
      %dma_start3A_212 = tpu.memref_slice %arg8[%dma_start3A_207, %dma_start3A_210, %dma_start3A_211] : memref<4x128x32xf32, #tpu.memory_space<vmem>> -> memref<1x128x32xf32, #tpu.memory_space<vmem>>
      %dma_start3A_213 = tpu.memref_squeeze %dma_start3A_212 : memref<1x128x32xf32, #tpu.memory_space<vmem>> -> memref<128x32xf32, #tpu.memory_space<vmem>>
      %dma_start3A_214 = arith.constant 0 : i32
      %dma_start3A_215 = tpu.memref_slice %arg7[%dma_start3A_208, %dma_start3A_214] : memref<80x128xi32, #tpu.memory_space<vmem>> -> memref<1x128xi32, #tpu.memory_space<vmem>>
      %dma_start3A_216 = tpu.memref_squeeze %dma_start3A_215 : memref<1x128xi32, #tpu.memory_space<vmem>> -> memref<128xi32, #tpu.memory_space<vmem>>
      %dma_start3A_217 = arith.constant 0 : i32
      %dma_start3A_218 = arith.constant 0 : i32
      %dma_start3A_219 = tpu.memref_slice %arg10[%dma_start3A_217, %dma_start3A_218] : memref<10240x32xf32, #tpu.memory_space<vmem_shared>> -> memref<10240x32xf32, #tpu.memory_space<vmem_shared>>
      %dma_start3A_220 = tpu.memref_slice %arg13[%dma_start3A_209] : memref<4x!tpu.dma_semaphore, #tpu.memory_space<semaphore_mem>> -> memref<1x!tpu.dma_semaphore, #tpu.memory_space<semaphore_mem>>
      %dma_start3A_221 = tpu.memref_squeeze %dma_start3A_220 : memref<1x!tpu.dma_semaphore, #tpu.memory_space<semaphore_mem>> -> memref<!tpu.dma_semaphore, #tpu.memory_space<semaphore_mem>>
      tpu.enqueue_indirect_dma source(%dma_start3A_213 : memref<128x32xf32, #tpu.memory_space<vmem>>) target(%dma_start3A_219 : memref<10240x32xf32, #tpu.memory_space<vmem_shared>>) offsets(%dma_start3A_216 : memref<128xi32, #tpu.memory_space<vmem>>) semaphore(%dma_start3A_221 : memref<!tpu.dma_semaphore, #tpu.memory_space<semaphore_mem>>) {add = true}
      %dma_wait3A_222 = arith.constant 0 : i32
      %dma_wait3A_223 = arith.constant 0 : i32
      %dma_wait3A_224 = arith.constant 0 : i32
      %dma_wait3A_225 = arith.constant 0 : i32
      %dma_wait3A_226 = arith.constant 0 : i32
      %dma_wait3A_227 = tpu.memref_slice %arg8[%dma_wait3A_222, %dma_wait3A_225, %dma_wait3A_226] : memref<4x128x32xf32, #tpu.memory_space<vmem>> -> memref<1x128x32xf32, #tpu.memory_space<vmem>>
      %dma_wait3A_228 = tpu.memref_squeeze %dma_wait3A_227 : memref<1x128x32xf32, #tpu.memory_space<vmem>> -> memref<128x32xf32, #tpu.memory_space<vmem>>
      %dma_wait3A_229 = arith.constant 0 : i32
      %dma_wait3A_230 = tpu.memref_slice %arg7[%dma_wait3A_223, %dma_wait3A_229] : memref<80x128xi32, #tpu.memory_space<vmem>> -> memref<1x128xi32, #tpu.memory_space<vmem>>
      %dma_wait3A_231 = tpu.memref_squeeze %dma_wait3A_230 : memref<1x128xi32, #tpu.memory_space<vmem>> -> memref<128xi32, #tpu.memory_space<vmem>>
      %dma_wait3A_232 = arith.constant 0 : i32
      %dma_wait3A_233 = arith.constant 0 : i32
      %dma_wait3A_234 = tpu.memref_slice %arg10[%dma_wait3A_232, %dma_wait3A_233] : memref<10240x32xf32, #tpu.memory_space<vmem_shared>> -> memref<10240x32xf32, #tpu.memory_space<vmem_shared>>
      %dma_wait3A_235 = tpu.memref_slice %arg13[%dma_wait3A_224] : memref<4x!tpu.dma_semaphore, #tpu.memory_space<semaphore_mem>> -> memref<1x!tpu.dma_semaphore, #tpu.memory_space<semaphore_mem>>
      %dma_wait3A_236 = tpu.memref_squeeze %dma_wait3A_235 : memref<1x!tpu.dma_semaphore, #tpu.memory_space<semaphore_mem>> -> memref<!tpu.dma_semaphore, #tpu.memory_space<semaphore_mem>>
      tpu.wait_indirect_dma semaphore(%dma_wait3A_236 : memref<!tpu.dma_semaphore, #tpu.memory_space<semaphore_mem>>) src(%dma_wait3A_228 : memref<128x32xf32, #tpu.memory_space<vmem>>) dst(%dma_wait3A_234 : memref<10240x32xf32, #tpu.memory_space<vmem_shared>>)
      %dma_wait3A_237 = arith.constant 1 : i32
      %dma_wait3A_238 = arith.constant 0 : i32
      %dma_wait3A_239 = arith.constant 1 : i32
      %dma_wait3A_240 = arith.constant 0 : i32
      %dma_wait3A_241 = arith.constant 0 : i32
      %dma_wait3A_242 = tpu.memref_slice %arg8[%dma_wait3A_237, %dma_wait3A_240, %dma_wait3A_241] : memref<4x128x32xf32, #tpu.memory_space<vmem>> -> memref<1x128x32xf32, #tpu.memory_space<vmem>>
      %dma_wait3A_243 = tpu.memref_squeeze %dma_wait3A_242 : memref<1x128x32xf32, #tpu.memory_space<vmem>> -> memref<128x32xf32, #tpu.memory_space<vmem>>
      %dma_wait3A_244 = arith.constant 0 : i32
      %dma_wait3A_245 = tpu.memref_slice %arg7[%dma_wait3A_238, %dma_wait3A_244] : memref<80x128xi32, #tpu.memory_space<vmem>> -> memref<1x128xi32, #tpu.memory_space<vmem>>
      %dma_wait3A_246 = tpu.memref_squeeze %dma_wait3A_245 : memref<1x128xi32, #tpu.memory_space<vmem>> -> memref<128xi32, #tpu.memory_space<vmem>>
      %dma_wait3A_247 = arith.constant 0 : i32
      %dma_wait3A_248 = arith.constant 0 : i32
      %dma_wait3A_249 = tpu.memref_slice %arg10[%dma_wait3A_247, %dma_wait3A_248] : memref<10240x32xf32, #tpu.memory_space<vmem_shared>> -> memref<10240x32xf32, #tpu.memory_space<vmem_shared>>
      %dma_wait3A_250 = tpu.memref_slice %arg13[%dma_wait3A_239] : memref<4x!tpu.dma_semaphore, #tpu.memory_space<semaphore_mem>> -> memref<1x!tpu.dma_semaphore, #tpu.memory_space<semaphore_mem>>
      %dma_wait3A_251 = tpu.memref_squeeze %dma_wait3A_250 : memref<1x!tpu.dma_semaphore, #tpu.memory_space<semaphore_mem>> -> memref<!tpu.dma_semaphore, #tpu.memory_space<semaphore_mem>>
      tpu.wait_indirect_dma semaphore(%dma_wait3A_251 : memref<!tpu.dma_semaphore, #tpu.memory_space<semaphore_mem>>) src(%dma_wait3A_243 : memref<128x32xf32, #tpu.memory_space<vmem>>) dst(%dma_wait3A_249 : memref<10240x32xf32, #tpu.memory_space<vmem_shared>>)
      %dma_wait3A_252 = arith.constant 2 : i32
      %dma_wait3A_253 = arith.constant 0 : i32
      %dma_wait3A_254 = arith.constant 2 : i32
      %dma_wait3A_255 = arith.constant 0 : i32
      %dma_wait3A_256 = arith.constant 0 : i32
      %dma_wait3A_257 = tpu.memref_slice %arg8[%dma_wait3A_252, %dma_wait3A_255, %dma_wait3A_256] : memref<4x128x32xf32, #tpu.memory_space<vmem>> -> memref<1x128x32xf32, #tpu.memory_space<vmem>>
      %dma_wait3A_258 = tpu.memref_squeeze %dma_wait3A_257 : memref<1x128x32xf32, #tpu.memory_space<vmem>> -> memref<128x32xf32, #tpu.memory_space<vmem>>
      %dma_wait3A_259 = arith.constant 0 : i32
      %dma_wait3A_260 = tpu.memref_slice %arg7[%dma_wait3A_253, %dma_wait3A_259] : memref<80x128xi32, #tpu.memory_space<vmem>> -> memref<1x128xi32, #tpu.memory_space<vmem>>
      %dma_wait3A_261 = tpu.memref_squeeze %dma_wait3A_260 : memref<1x128xi32, #tpu.memory_space<vmem>> -> memref<128xi32, #tpu.memory_space<vmem>>
      %dma_wait3A_262 = arith.constant 0 : i32
      %dma_wait3A_263 = arith.constant 0 : i32
      %dma_wait3A_264 = tpu.memref_slice %arg10[%dma_wait3A_262, %dma_wait3A_263] : memref<10240x32xf32, #tpu.memory_space<vmem_shared>> -> memref<10240x32xf32, #tpu.memory_space<vmem_shared>>
      %dma_wait3A_265 = tpu.memref_slice %arg13[%dma_wait3A_254] : memref<4x!tpu.dma_semaphore, #tpu.memory_space<semaphore_mem>> -> memref<1x!tpu.dma_semaphore, #tpu.memory_space<semaphore_mem>>
      %dma_wait3A_266 = tpu.memref_squeeze %dma_wait3A_265 : memref<1x!tpu.dma_semaphore, #tpu.memory_space<semaphore_mem>> -> memref<!tpu.dma_semaphore, #tpu.memory_space<semaphore_mem>>
      tpu.wait_indirect_dma semaphore(%dma_wait3A_266 : memref<!tpu.dma_semaphore, #tpu.memory_space<semaphore_mem>>) src(%dma_wait3A_258 : memref<128x32xf32, #tpu.memory_space<vmem>>) dst(%dma_wait3A_264 : memref<10240x32xf32, #tpu.memory_space<vmem_shared>>)
      %dma_wait3A_267 = arith.constant 3 : i32
      %dma_wait3A_268 = arith.constant 0 : i32
      %dma_wait3A_269 = arith.constant 3 : i32
      %dma_wait3A_270 = arith.constant 0 : i32
      %dma_wait3A_271 = arith.constant 0 : i32
      %dma_wait3A_272 = tpu.memref_slice %arg8[%dma_wait3A_267, %dma_wait3A_270, %dma_wait3A_271] : memref<4x128x32xf32, #tpu.memory_space<vmem>> -> memref<1x128x32xf32, #tpu.memory_space<vmem>>
      %dma_wait3A_273 = tpu.memref_squeeze %dma_wait3A_272 : memref<1x128x32xf32, #tpu.memory_space<vmem>> -> memref<128x32xf32, #tpu.memory_space<vmem>>
      %dma_wait3A_274 = arith.constant 0 : i32
      %dma_wait3A_275 = tpu.memref_slice %arg7[%dma_wait3A_268, %dma_wait3A_274] : memref<80x128xi32, #tpu.memory_space<vmem>> -> memref<1x128xi32, #tpu.memory_space<vmem>>
      %dma_wait3A_276 = tpu.memref_squeeze %dma_wait3A_275 : memref<1x128xi32, #tpu.memory_space<vmem>> -> memref<128xi32, #tpu.memory_space<vmem>>
      %dma_wait3A_277 = arith.constant 0 : i32
      %dma_wait3A_278 = arith.constant 0 : i32
      %dma_wait3A_279 = tpu.memref_slice %arg10[%dma_wait3A_277, %dma_wait3A_278] : memref<10240x32xf32, #tpu.memory_space<vmem_shared>> -> memref<10240x32xf32, #tpu.memory_space<vmem_shared>>
      %dma_wait3A_280 = tpu.memref_slice %arg13[%dma_wait3A_269] : memref<4x!tpu.dma_semaphore, #tpu.memory_space<semaphore_mem>> -> memref<1x!tpu.dma_semaphore, #tpu.memory_space<semaphore_mem>>
      %dma_wait3A_281 = tpu.memref_squeeze %dma_wait3A_280 : memref<1x!tpu.dma_semaphore, #tpu.memory_space<semaphore_mem>> -> memref<!tpu.dma_semaphore, #tpu.memory_space<semaphore_mem>>
      tpu.wait_indirect_dma semaphore(%dma_wait3A_281 : memref<!tpu.dma_semaphore, #tpu.memory_space<semaphore_mem>>) src(%dma_wait3A_273 : memref<128x32xf32, #tpu.memory_space<vmem>>) dst(%dma_wait3A_279 : memref<10240x32xf32, #tpu.memory_space<vmem_shared>>)
      %barrier3A_282 = arith.constant 0 : index
      tpu.barrier barrier_id(%barrier3A_282)
      %mul3A_283 = arith.constant 640 : i32
      %mul3A_284 = arith.muli %arg1, %mul3A_283 : i32
      %mul3A_285 = arith.constant 32 : i32
      %mul3A_286 = arith.muli %add3A_14, %mul3A_285 : i32
      "tpu.region"() ({
        %run_scoped3A = tpu.sem_alloc : memref<!tpu.dma_semaphore, #tpu.memory_space<semaphore_mem>>
        %dma_start3A_288 = tpu.memref_slice %arg5[%arg0, %mul3A_284, %mul3A_286] : memref<2x10240x128xf32, #tpu.memory_space<hbm>> -> memref<1x640x32xf32, #tpu.memory_space<hbm>>
        %dma_start3A_289 = tpu.memref_squeeze %dma_start3A_288 : memref<1x640x32xf32, #tpu.memory_space<hbm>> -> memref<640x32xf32, #tpu.memory_space<hbm>>
        %dma_start3A_290 = arith.constant 0 : i32
        %dma_start3A_291 = tpu.memref_slice %arg10[%mul3A_284, %dma_start3A_290] : memref<10240x32xf32, #tpu.memory_space<vmem_shared>> -> memref<640x32xf32, #tpu.memory_space<vmem_shared>>
        tpu.enqueue_dma source(%dma_start3A_291 : memref<640x32xf32, #tpu.memory_space<vmem_shared>>) target(%dma_start3A_289 : memref<640x32xf32, #tpu.memory_space<hbm>>) target_semaphore(%run_scoped3A : memref<!tpu.dma_semaphore, #tpu.memory_space<semaphore_mem>>)
        %dma_wait3A_292 = tpu.memref_slice %arg5[%arg0, %mul3A_284, %mul3A_286] : memref<2x10240x128xf32, #tpu.memory_space<hbm>> -> memref<1x640x32xf32, #tpu.memory_space<hbm>>
        %dma_wait3A_293 = tpu.memref_squeeze %dma_wait3A_292 : memref<1x640x32xf32, #tpu.memory_space<hbm>> -> memref<640x32xf32, #tpu.memory_space<hbm>>
        %dma_wait3A_294 = arith.constant 0 : i32
        %dma_wait3A_295 = tpu.memref_slice %arg10[%mul3A_284, %dma_wait3A_294] : memref<10240x32xf32, #tpu.memory_space<vmem_shared>> -> memref<640x32xf32, #tpu.memory_space<vmem_shared>>
        tpu.wait_dma2 semaphore(%run_scoped3A : memref<!tpu.dma_semaphore, #tpu.memory_space<semaphore_mem>>) src(%dma_wait3A_295 : memref<640x32xf32, #tpu.memory_space<vmem_shared>>) dst(%dma_wait3A_293 : memref<640x32xf32, #tpu.memory_space<hbm>>)
        tpu.yield
      }) : () -> ()
      %barrier3A_287 = arith.constant 0 : index
      tpu.barrier barrier_id(%barrier3A_287)
    }
    %scan3A_9 = arith.constant 4 : i32
    return
  }
}

module attributes {stable_mosaic.version = 14 : i64} {
  func.func @body(%arg0: i32, %arg1: memref<2x1000x128xf32, #tpu.memory_space<vmem>>, %arg2: memref<1000x128xf32, #tpu.memory_space<vmem>>, %arg3: memref<128x128xf32, #tpu.memory_space<vmem>>, %arg4: memref<128x128xf32, #tpu.memory_space<vmem>>, %arg5: memref<1x128xf32, #tpu.memory_space<vmem>>, %arg6: memref<1000x128xf32, #tpu.memory_space<vmem>>) attributes {dimension_semantics = [#tpu.dimension_semantics<arbitrary>], iteration_bounds = array<i64: 10>, scalar_prefetch = 0 : i64, scratch_operands = 0 : i64, tpu.core_type = #tpu.core_type<tc>, window_params = [{transform_indices = @transform_0, window_bounds = array<i64: 2, 1000, 128>}, {transform_indices = @transform_1, window_bounds = array<i64: 1000, 128>}, {pipeline_mode = #tpu.pipeline_mode<synchronous>, transform_indices = @transform_2, window_bounds = array<i64: 128, 128>}, {pipeline_mode = #tpu.pipeline_mode<synchronous>, transform_indices = @transform_3, window_bounds = array<i64: 128, 128>}, {pipeline_mode = #tpu.pipeline_mode<synchronous>, transform_indices = @transform_4, window_bounds = array<i64: 1, 128>}, {transform_indices = @transform_5, window_bounds = array<i64: 1000, 128>}]} {
    %get3A = arith.constant 0 : index
    %get3A_0 = arith.constant 0 : index
    %get3A_1 = arith.constant 0 : index
    %get3A_2 = vector.load %arg1[%get3A, %get3A_0, %get3A_1] : memref<2x1000x128xf32, #tpu.memory_space<vmem>>, vector<1x1000x128xf32>
    %get3A_3 = vector.shape_cast %get3A_2 : vector<1x1000x128xf32> to vector<1000x128xf32>
    %get3A_4 = arith.constant 1 : index
    %get3A_5 = arith.constant 0 : index
    %get3A_6 = arith.constant 0 : index
    %get3A_7 = vector.load %arg1[%get3A_4, %get3A_5, %get3A_6] : memref<2x1000x128xf32, #tpu.memory_space<vmem>>, vector<1x1000x128xf32>
    %get3A_8 = vector.shape_cast %get3A_7 : vector<1x1000x128xf32> to vector<1000x128xf32>
    %add3A = arith.addf %get3A_3, %get3A_8 : vector<1000x128xf32>
    %get3A_9 = arith.constant 0 : index
    %get3A_10 = arith.constant 0 : index
    %get3A_11 = vector.load %arg3[%get3A_9, %get3A_10] : memref<128x128xf32, #tpu.memory_space<vmem>>, vector<128x128xf32>
    %dot_general3A = arith.constant dense<0.000000e+00> : vector<1000x128xf32>
    %dot_general3A_12 = tpu.matmul %add3A, %get3A_11, %dot_general3A {dimension_numbers = #tpu.dot_dimension_numbers<[1], [0], [0], [1], [0, 0, 1, 1], [], []>, transpose_lhs_hint = false} : vector<1000x128xf32>, vector<128x128xf32>, vector<1000x128xf32> -> vector<1000x128xf32>
    %get3A_13 = arith.constant 0 : index
    %get3A_14 = arith.constant 0 : index
    %get3A_15 = vector.load %arg2[%get3A_13, %get3A_14] : memref<1000x128xf32, #tpu.memory_space<vmem>>, vector<1000x128xf32>
    %get3A_16 = arith.constant 0 : index
    %get3A_17 = arith.constant 0 : index
    %get3A_18 = vector.load %arg4[%get3A_16, %get3A_17] : memref<128x128xf32, #tpu.memory_space<vmem>>, vector<128x128xf32>
    %dot_general3A_19 = arith.constant dense<0.000000e+00> : vector<1000x128xf32>
    %dot_general3A_20 = tpu.matmul %get3A_15, %get3A_18, %dot_general3A_19 {dimension_numbers = #tpu.dot_dimension_numbers<[1], [0], [0], [1], [0, 0, 1, 1], [], []>, transpose_lhs_hint = false} : vector<1000x128xf32>, vector<128x128xf32>, vector<1000x128xf32> -> vector<1000x128xf32>
    %add3A_21 = arith.addf %dot_general3A_12, %dot_general3A_20 : vector<1000x128xf32>
    %get3A_22 = arith.constant 0 : index
    %get3A_23 = arith.constant 0 : index
    %get3A_24 = vector.load %arg5[%get3A_22, %get3A_23] : memref<1x128xf32, #tpu.memory_space<vmem>>, vector<1x128xf32>
    %add3A_25 = vector.broadcast %get3A_24 : vector<1x128xf32> to vector<1000x128xf32>
    %add3A_26 = arith.addf %add3A_21, %add3A_25 : vector<1000x128xf32>
    %max3A = arith.constant 0.000000e+00 : f32
    %max3A_27 = vector.broadcast %max3A : f32 to vector<1000x128xf32>
    %max3A_28 = arith.maximumf %add3A_26, %max3A_27 : vector<1000x128xf32>
    %swap3A = arith.constant 0 : index
    %swap3A_29 = arith.constant 0 : index
    %swap3A_30 = vector.load %arg6[%swap3A, %swap3A_29] : memref<1000x128xf32, #tpu.memory_space<vmem>>, vector<1000x128xf32>
    tpu.vector_store %arg6[%swap3A, %swap3A_29], %max3A_28 {strides = array<i32>} : memref<1000x128xf32, #tpu.memory_space<vmem>>, vector<1000x128xf32>,
    return
  }
  func.func @transform_0(%arg0: i32) -> (i32, i32, i32) {
    %c0_i32 = arith.constant 0 : i32
    %c0_i32_0 = arith.constant 0 : i32
    %c0_i32_1 = arith.constant 0 : i32
    return %c0_i32, %arg0, %c0_i32_0 : i32, i32, i32
  }
  func.func @transform_1(%arg0: i32) -> (i32, i32) {
    %c0_i32 = arith.constant 0 : i32
    %c0_i32_0 = arith.constant 0 : i32
    return %arg0, %c0_i32 : i32, i32
  }
  func.func @transform_2(%arg0: i32) -> (i32, i32) {
    %c0_i32 = arith.constant 0 : i32
    %c0_i32_0 = arith.constant 0 : i32
    %c0_i32_1 = arith.constant 0 : i32
    return %c0_i32, %c0_i32_0 : i32, i32
  }
  func.func @transform_3(%arg0: i32) -> (i32, i32) {
    %c0_i32 = arith.constant 0 : i32
    %c0_i32_0 = arith.constant 0 : i32
    %c0_i32_1 = arith.constant 0 : i32
    return %c0_i32, %c0_i32_0 : i32, i32
  }
  func.func @transform_4(%arg0: i32) -> (i32, i32) {
    %c0_i32 = arith.constant 0 : i32
    %c0_i32_0 = arith.constant 0 : i32
    %c0_i32_1 = arith.constant 0 : i32
    return %c0_i32, %c0_i32_0 : i32, i32
  }
  func.func @transform_5(%arg0: i32) -> (i32, i32) {
    %c0_i32 = arith.constant 0 : i32
    %c0_i32_0 = arith.constant 0 : i32
    return %arg0, %c0_i32 : i32, i32
  }
}

module attributes {stable_mosaic.version = 14 : i64} {
  func.func @body(%arg0: i32, %arg1: memref<2x1000x128xf32, #tpu.memory_space<vmem>>, %arg2: memref<1000x128xf32, #tpu.memory_space<vmem>>, %arg3: memref<128x256xf32, #tpu.memory_space<vmem>>, %arg4: memref<128x256xf32, #tpu.memory_space<vmem>>, %arg5: memref<1x256xf32, #tpu.memory_space<vmem>>, %arg6: memref<256x128xf32, #tpu.memory_space<vmem>>, %arg7: memref<1000x256xf32, #tpu.memory_space<vmem>>, %arg8: memref<1000x128xf32, #tpu.memory_space<vmem>>) attributes {dimension_semantics = [#tpu.dimension_semantics<arbitrary>], iteration_bounds = array<i64: 10>, scalar_prefetch = 0 : i64, scratch_operands = 0 : i64, tpu.core_type = #tpu.core_type<tc>, window_params = [{transform_indices = @transform_0, window_bounds = array<i64: 2, 1000, 128>}, {transform_indices = @transform_1, window_bounds = array<i64: 1000, 128>}, {pipeline_mode = #tpu.pipeline_mode<synchronous>, transform_indices = @transform_2, window_bounds = array<i64: 128, 256>}, {pipeline_mode = #tpu.pipeline_mode<synchronous>, transform_indices = @transform_3, window_bounds = array<i64: 128, 256>}, {pipeline_mode = #tpu.pipeline_mode<synchronous>, transform_indices = @transform_4, window_bounds = array<i64: 1, 256>}, {pipeline_mode = #tpu.pipeline_mode<synchronous>, transform_indices = @transform_5, window_bounds = array<i64: 256, 128>}, {transform_indices = @transform_6, window_bounds = array<i64: 1000, 256>}, {transform_indices = @transform_7, window_bounds = array<i64: 1000, 128>}]} {
    %get3A = arith.constant 0 : index
    %get3A_0 = arith.constant 0 : index
    %get3A_1 = arith.constant 0 : index
    %get3A_2 = vector.load %arg1[%get3A, %get3A_0, %get3A_1] : memref<2x1000x128xf32, #tpu.memory_space<vmem>>, vector<1x1000x128xf32>
    %get3A_3 = vector.shape_cast %get3A_2 : vector<1x1000x128xf32> to vector<1000x128xf32>
    %get3A_4 = arith.constant 1 : index
    %get3A_5 = arith.constant 0 : index
    %get3A_6 = arith.constant 0 : index
    %get3A_7 = vector.load %arg1[%get3A_4, %get3A_5, %get3A_6] : memref<2x1000x128xf32, #tpu.memory_space<vmem>>, vector<1x1000x128xf32>
    %get3A_8 = vector.shape_cast %get3A_7 : vector<1x1000x128xf32> to vector<1000x128xf32>
    %add3A = arith.addf %get3A_3, %get3A_8 : vector<1000x128xf32>
    %get3A_9 = arith.constant 0 : index
    %get3A_10 = arith.constant 0 : index
    %get3A_11 = vector.load %arg3[%get3A_9, %get3A_10] : memref<128x256xf32, #tpu.memory_space<vmem>>, vector<128x256xf32>
    %dot_general3A = arith.constant dense<0.000000e+00> : vector<1000x256xf32>
    %dot_general3A_12 = tpu.matmul %add3A, %get3A_11, %dot_general3A {dimension_numbers = #tpu.dot_dimension_numbers<[1], [0], [0], [1], [0, 0, 1, 1], [], []>, transpose_lhs_hint = false} : vector<1000x128xf32>, vector<128x256xf32>, vector<1000x256xf32> -> vector<1000x256xf32>
    %get3A_13 = arith.constant 0 : index
    %get3A_14 = arith.constant 0 : index
    %get3A_15 = vector.load %arg2[%get3A_13, %get3A_14] : memref<1000x128xf32, #tpu.memory_space<vmem>>, vector<1000x128xf32>
    %get3A_16 = arith.constant 0 : index
    %get3A_17 = arith.constant 0 : index
    %get3A_18 = vector.load %arg4[%get3A_16, %get3A_17] : memref<128x256xf32, #tpu.memory_space<vmem>>, vector<128x256xf32>
    %dot_general3A_19 = arith.constant dense<0.000000e+00> : vector<1000x256xf32>
    %dot_general3A_20 = tpu.matmul %get3A_15, %get3A_18, %dot_general3A_19 {dimension_numbers = #tpu.dot_dimension_numbers<[1], [0], [0], [1], [0, 0, 1, 1], [], []>, transpose_lhs_hint = false} : vector<1000x128xf32>, vector<128x256xf32>, vector<1000x256xf32> -> vector<1000x256xf32>
    %add3A_21 = arith.addf %dot_general3A_12, %dot_general3A_20 : vector<1000x256xf32>
    %get3A_22 = arith.constant 0 : index
    %get3A_23 = arith.constant 0 : index
    %get3A_24 = vector.load %arg5[%get3A_22, %get3A_23] : memref<1x256xf32, #tpu.memory_space<vmem>>, vector<1x256xf32>
    %add3A_25 = vector.broadcast %get3A_24 : vector<1x256xf32> to vector<1000x256xf32>
    %add3A_26 = arith.addf %add3A_21, %add3A_25 : vector<1000x256xf32>
    %max3A = arith.constant 0.000000e+00 : f32
    %max3A_27 = vector.broadcast %max3A : f32 to vector<1000x256xf32>
    %max3A_28 = arith.maximumf %add3A_26, %max3A_27 : vector<1000x256xf32>
    %swap3A = arith.constant 0 : index
    %swap3A_29 = arith.constant 0 : index
    %swap3A_30 = vector.load %arg7[%swap3A, %swap3A_29] : memref<1000x256xf32, #tpu.memory_space<vmem>>, vector<1000x256xf32>
    tpu.vector_store %arg7[%swap3A, %swap3A_29], %max3A_28 {strides = array<i32>} : memref<1000x256xf32, #tpu.memory_space<vmem>>, vector<1000x256xf32>,
    %get3A_31 = arith.constant 0 : index
    %get3A_32 = arith.constant 0 : index
    %get3A_33 = vector.load %arg6[%get3A_31, %get3A_32] : memref<256x128xf32, #tpu.memory_space<vmem>>, vector<256x128xf32>
    %dot_general3A_34 = arith.constant dense<0.000000e+00> : vector<1000x128xf32>
    %dot_general3A_35 = tpu.matmul %max3A_28, %get3A_33, %dot_general3A_34 {dimension_numbers = #tpu.dot_dimension_numbers<[1], [0], [0], [1], [0, 0, 1, 1], [], []>, transpose_lhs_hint = false} : vector<1000x256xf32>, vector<256x128xf32>, vector<1000x128xf32> -> vector<1000x128xf32>
    %swap3A_36 = arith.constant 0 : index
    %swap3A_37 = arith.constant 0 : index
    %swap3A_38 = vector.load %arg8[%swap3A_36, %swap3A_37] : memref<1000x128xf32, #tpu.memory_space<vmem>>, vector<1000x128xf32>
    tpu.vector_store %arg8[%swap3A_36, %swap3A_37], %dot_general3A_35 {strides = array<i32>} : memref<1000x128xf32, #tpu.memory_space<vmem>>, vector<1000x128xf32>,
    return
  }
  func.func @transform_0(%arg0: i32) -> (i32, i32, i32) {
    %c0_i32 = arith.constant 0 : i32
    %c0_i32_0 = arith.constant 0 : i32
    %c0_i32_1 = arith.constant 0 : i32
    return %c0_i32, %arg0, %c0_i32_0 : i32, i32, i32
  }
  func.func @transform_1(%arg0: i32) -> (i32, i32) {
    %c0_i32 = arith.constant 0 : i32
    %c0_i32_0 = arith.constant 0 : i32
    return %arg0, %c0_i32 : i32, i32
  }
  func.func @transform_2(%arg0: i32) -> (i32, i32) {
    %c0_i32 = arith.constant 0 : i32
    %c0_i32_0 = arith.constant 0 : i32
    %c0_i32_1 = arith.constant 0 : i32
    return %c0_i32, %c0_i32_0 : i32, i32
  }
  func.func @transform_3(%arg0: i32) -> (i32, i32) {
    %c0_i32 = arith.constant 0 : i32
    %c0_i32_0 = arith.constant 0 : i32
    %c0_i32_1 = arith.constant 0 : i32
    return %c0_i32, %c0_i32_0 : i32, i32
  }
  func.func @transform_4(%arg0: i32) -> (i32, i32) {
    %c0_i32 = arith.constant 0 : i32
    %c0_i32_0 = arith.constant 0 : i32
    %c0_i32_1 = arith.constant 0 : i32
    return %c0_i32, %c0_i32_0 : i32, i32
  }
  func.func @transform_5(%arg0: i32) -> (i32, i32) {
    %c0_i32 = arith.constant 0 : i32
    %c0_i32_0 = arith.constant 0 : i32
    %c0_i32_1 = arith.constant 0 : i32
    return %c0_i32, %c0_i32_0 : i32, i32
  }
  func.func @transform_6(%arg0: i32) -> (i32, i32) {
    %c0_i32 = arith.constant 0 : i32
    %c0_i32_0 = arith.constant 0 : i32
    return %arg0, %c0_i32 : i32, i32
  }
  func.func @transform_7(%arg0: i32) -> (i32, i32) {
    %c0_i32 = arith.constant 0 : i32
    %c0_i32_0 = arith.constant 0 : i32
    return %arg0, %c0_i32 : i32, i32
  }
}

module attributes {stable_mosaic.version = 14 : i64} {
  func.func @body(%arg0: i32, %arg1: memref<2x1000x128xf32, #tpu.memory_space<vmem>>, %arg2: memref<1000x256xf32, #tpu.memory_space<vmem>>, %arg3: memref<256x64xf32, #tpu.memory_space<vmem>>, %arg4: memref<1x64xf32, #tpu.memory_space<vmem>>, %arg5: memref<1000x64xf32, #tpu.memory_space<vmem>>) attributes {dimension_semantics = [#tpu.dimension_semantics<arbitrary>], iteration_bounds = array<i64: 10>, scalar_prefetch = 0 : i64, scratch_operands = 0 : i64, tpu.core_type = #tpu.core_type<tc>, window_params = [{transform_indices = @transform_0, window_bounds = array<i64: 2, 1000, 128>}, {transform_indices = @transform_1, window_bounds = array<i64: 1000, 256>}, {pipeline_mode = #tpu.pipeline_mode<synchronous>, transform_indices = @transform_2, window_bounds = array<i64: 256, 64>}, {pipeline_mode = #tpu.pipeline_mode<synchronous>, transform_indices = @transform_3, window_bounds = array<i64: 1, 64>}, {transform_indices = @transform_4, window_bounds = array<i64: 1000, 64>}]} {
    %get3A = arith.constant 0 : index
    %get3A_0 = arith.constant 0 : index
    %get3A_1 = arith.constant 0 : index
    %get3A_2 = vector.load %arg1[%get3A, %get3A_0, %get3A_1] : memref<2x1000x128xf32, #tpu.memory_space<vmem>>, vector<1x1000x128xf32>
    %get3A_3 = vector.shape_cast %get3A_2 : vector<1x1000x128xf32> to vector<1000x128xf32>
    %get3A_4 = arith.constant 1 : index
    %get3A_5 = arith.constant 0 : index
    %get3A_6 = arith.constant 0 : index
    %get3A_7 = vector.load %arg1[%get3A_4, %get3A_5, %get3A_6] : memref<2x1000x128xf32, #tpu.memory_space<vmem>>, vector<1x1000x128xf32>
    %get3A_8 = vector.shape_cast %get3A_7 : vector<1x1000x128xf32> to vector<1000x128xf32>
    %add3A = arith.addf %get3A_3, %get3A_8 : vector<1000x128xf32>
    %slice3A = vector.extract_strided_slice %add3A {offsets = [0, 0], sizes = [1000, 64], strides = [1, 1]} : vector<1000x128xf32> to vector<1000x64xf32>
    %get3A_9 = arith.constant 0 : index
    %get3A_10 = arith.constant 0 : index
    %get3A_11 = vector.load %arg2[%get3A_9, %get3A_10] : memref<1000x256xf32, #tpu.memory_space<vmem>>, vector<1000x256xf32>
    %get3A_12 = arith.constant 0 : index
    %get3A_13 = arith.constant 0 : index
    %get3A_14 = vector.load %arg3[%get3A_12, %get3A_13] : memref<256x64xf32, #tpu.memory_space<vmem>>, vector<256x64xf32>
    %dot_general3A = arith.constant dense<0.000000e+00> : vector<1000x64xf32>
    %dot_general3A_15 = tpu.matmul %get3A_11, %get3A_14, %dot_general3A {dimension_numbers = #tpu.dot_dimension_numbers<[1], [0], [0], [1], [0, 0, 1, 1], [], []>, transpose_lhs_hint = false} : vector<1000x256xf32>, vector<256x64xf32>, vector<1000x64xf32> -> vector<1000x64xf32>
    %add3A_16 = arith.addf %slice3A, %dot_general3A_15 : vector<1000x64xf32>
    %get3A_17 = arith.constant 0 : index
    %get3A_18 = arith.constant 0 : index
    %get3A_19 = vector.load %arg4[%get3A_17, %get3A_18] : memref<1x64xf32, #tpu.memory_space<vmem>>, vector<1x64xf32>
    %add3A_20 = vector.broadcast %get3A_19 : vector<1x64xf32> to vector<1000x64xf32>
    %add3A_21 = arith.addf %add3A_16, %add3A_20 : vector<1000x64xf32>
    %iota3A = tpu.iota {dimensions = array<i32: 1>} : vector<1000x64xi32>
    %lt3A = arith.constant 40 : i32
    %lt3A_22 = vector.broadcast %lt3A : i32 to vector<1000x64xi32>
    %lt3A_23 = arith.cmpi slt, %iota3A, %lt3A_22 : vector<1000x64xi32>
    %jit3A = arith.constant 0xFF800000 : f32
    %broadcast_in_dim3A = vector.broadcast %jit3A : f32 to vector<1000x64xf32>
    %select_n3A = arith.select %lt3A_23, %add3A_21, %broadcast_in_dim3A : vector<1000x64xi1>, vector<1000x64xf32>
    %reduce_max3A = arith.constant dense<0xFF800000> : vector<1000xf32>
    %reduce_max3A_24 = vector.multi_reduction <maximumf>, %select_n3A, %reduce_max3A [1] : vector<1000x64xf32> to vector<1000xf32>
    %broadcast_in_dim3A_25 = vector.shape_cast %reduce_max3A_24 : vector<1000xf32> to vector<1000x1xf32>
    %sub3A = vector.broadcast %broadcast_in_dim3A_25 : vector<1000x1xf32> to vector<1000x64xf32>
    %sub3A_26 = arith.subf %add3A_21, %sub3A : vector<1000x64xf32>
    %exp3A = math.exp %sub3A_26 : vector<1000x64xf32>
    %jit3A_27 = arith.constant 0.000000e+00 : f32
    %broadcast_in_dim3A_28 = vector.broadcast %jit3A_27 : f32 to vector<1000x64xf32>
    %select_n3A_29 = arith.select %lt3A_23, %exp3A, %broadcast_in_dim3A_28 : vector<1000x64xi1>, vector<1000x64xf32>
    %reduce_sum3A = arith.constant dense<0.000000e+00> : vector<1000xf32>
    %reduce_sum3A_30 = vector.multi_reduction <add>, %select_n3A_29, %reduce_sum3A [1] : vector<1000x64xf32> to vector<1000xf32>
    %broadcast_in_dim3A_31 = vector.shape_cast %reduce_sum3A_30 : vector<1000xf32> to vector<1000x1xf32>
    %sub3A_32 = vector.broadcast %broadcast_in_dim3A_25 : vector<1000x1xf32> to vector<1000x64xf32>
    %sub3A_33 = arith.subf %add3A_21, %sub3A_32 : vector<1000x64xf32>
    %log3A = math.log %broadcast_in_dim3A_31 : vector<1000x1xf32>
    %sub3A_34 = vector.broadcast %log3A : vector<1000x1xf32> to vector<1000x64xf32>
    %sub3A_35 = arith.subf %sub3A_33, %sub3A_34 : vector<1000x64xf32>
    %swap3A = arith.constant 0 : index
    %swap3A_36 = arith.constant 0 : index
    %swap3A_37 = vector.load %arg5[%swap3A, %swap3A_36] : memref<1000x64xf32, #tpu.memory_space<vmem>>, vector<1000x64xf32>
    tpu.vector_store %arg5[%swap3A, %swap3A_36], %sub3A_35 {strides = array<i32>} : memref<1000x64xf32, #tpu.memory_space<vmem>>, vector<1000x64xf32>,
    return
  }
  func.func @transform_0(%arg0: i32) -> (i32, i32, i32) {
    %c0_i32 = arith.constant 0 : i32
    %c0_i32_0 = arith.constant 0 : i32
    %c0_i32_1 = arith.constant 0 : i32
    return %c0_i32, %arg0, %c0_i32_0 : i32, i32, i32
  }
  func.func @transform_1(%arg0: i32) -> (i32, i32) {
    %c0_i32 = arith.constant 0 : i32
    %c0_i32_0 = arith.constant 0 : i32
    return %arg0, %c0_i32 : i32, i32
  }
  func.func @transform_2(%arg0: i32) -> (i32, i32) {
    %c0_i32 = arith.constant 0 : i32
    %c0_i32_0 = arith.constant 0 : i32
    %c0_i32_1 = arith.constant 0 : i32
    return %c0_i32, %c0_i32_0 : i32, i32
  }
  func.func @transform_3(%arg0: i32) -> (i32, i32) {
    %c0_i32 = arith.constant 0 : i32
    %c0_i32_0 = arith.constant 0 : i32
    %c0_i32_1 = arith.constant 0 : i32
    return %c0_i32, %c0_i32_0 : i32, i32
  }
  func.func @transform_4(%arg0: i32) -> (i32, i32) {
    %c0_i32 = arith.constant 0 : i32
    %c0_i32_0 = arith.constant 0 : i32
    return %arg0, %c0_i32 : i32, i32
  }
}

</mosaic_0001>

<sc_bundles>
// kernel: kernel.11.cloned.1.call-start
scs
__scs_entry_jumppad:
0x0: {  	(pc) =	sbr.rel $0x88, $3  }
0x1: {  	(tag) =	ssettag $0x0;
	lr =	simm.s32 $0x1  }
0x2: {  	[smem:$0x3F96] =	sst lr;
	_ =	strace $0xD0000000  }
0x3: {  	_ = 	snop  }
0x4: {  	_ = 	snop  }
0x5: {  	_ = 	snop  }
0x6: {  	_ = 	snop  }
0x7: {  	_ = 	snop  }
__scs_overlays_trampoline_lowered:
0x8: {  	[smem:$0x3FA5] =	sst s0  }
0x9: {  	[smem:$0x3FA6] =	sst s1  }
0xa: {  	[smem:$0x3FA7] =	sst s2  }
0xb: {  	[smem:$0x3FA8] =	sst s3  }
0xc: {  	[smem:$0x3FA9] =	sst s4  }
0xd: {  	[smem:$0x3FAA] =	sst s5  }
0xe: {  	[smem:$0x3FAB] =	sst s6  }
0xf: {  	[smem:$0x3FAC] =	sst s7  }
0x10: {  	[smem:$0x3FAD] =	sst s8  }
0x11: {  	[smem:$0x3FAE] =	sst s9;
	s0 =	simm.s32 @!p0 $0x0  }
0x12: {  	s1 =	sld [smem:$0x3F94];
	s0 =	simm.s32 @p0 $0x1  }
0x13: {  	[smem:$0x3FAF] =	sst s0;
	s0 =	simm.s32 @!p1 $0x0  }
0x14: {  	s2 =	sld [smem:$0x3F93];
	s0 =	simm.s32 @p1 $0x1  }
0x15: {  	[smem:$0x3FB0] =	sst s0;
	s0 =	simm.s32 @!p2 $0x0  }
0x16: {  	s3 =	sld [smem:$0x3FDB];
	s0 =	simm.s32 @p2 $0x1  }
0x17: {  	s4 =	simm.s32 $0x1BF5;
	[smem:$0x3FB2] =	sst s0  }
0x18: {  	s0 =	sld [smem:$0x3F95];
	_ =	swait.ge [sflag:s4], $0x0  }
0x19: {  	s7 =	sld [smem:$0x3F96]  }
0x1a: {  	s8 =	sadd.s32 $0xFFFFE003, lr  }
0x1b: {  	s9 =	sadd.s32 $0xFFFFFEF7, lr;
	s5 =	simm.s32 $0xFFFFFFFF;
	p2 =	slt.u32 s8, $0xFFFFF086  }
0x1c: {  	p1 =	slt.u32 s9, $0xF7A;
	s5 =	simm.s32 @!p2 $0x0  }
0x1d: {  	s5 =	simm.s32 @p1 $0x1;
	p0 =	seq.s32 s7, s2  }
0x1e: {  	s7 =	smul.u32 @!p0 $0xF7A, s2;
	p2 =	seq.s32 @!p0 s5, $0x0  }
0x1f: {  	s9 =	smul.u32 $0xF7A, s1;
	s8 =	simm.s32 @!p0 $0x1BF5;
	p2 =	por !p2, p0  }
0x20: {  	[sflag:s8] =	ssyncset.s32 @!p0 $0xFFFFF086;
	s6 =	sadd.s32 @!p0 s3, s7;
	s7 =	simm.s32 @!p0 $0x108  }
0x21: {  	s3 =	sadd.s32 s3, s9;
	s6 =	sadd.s32 @!p0 $0x88, s6;
	s7 =	simm.s32 @p2 $0x1082  }
0x22: {  	[simem:s7], [sflag:s8] =	dma.local @!p0 [hbm:s6], $0xF7A  }
0x23: {  	s9 =	sor.u32 $0xD0000000, s2;
	s6 =	simm.s32 $0x108;
	_ =	swait.ge @!p0 [sflag:s8], $0x0  }
0x24: {  	s3 =	sadd.s32 $0x88, s3;
	s6 =	simm.s32 @!p1 $0x1082;
	[sflag:s4] =	ssyncset.s32 $0xFFFFF086  }
0x25: {  	[simem:s6], [sflag:s4] =	dma.local [hbm:s3], $0xF7A  }
0x26: {  	[smem:$0x3F96] =	sst s1;
	(tag) =	ssettag s2;
	_ =	strace s9  }
0x27: {  	s1 =	sld [smem:$0x3FA6]  }
0x28: {  	s2 =	sld [smem:$0x3FA7]  }
0x29: {  	s4 =	sld [smem:$0x3FA9]  }
0x2a: {  	p0 =	seq.s32 s5, $0x0;
	s5 =	sld [smem:$0x3FAA]  }
0x2b: {  	s6 =	sld [smem:$0x3FAB]  }
0x2c: {  	s7 =	sld [smem:$0x3FAC]  }
0x2d: {  	s3 =	simm.s32 $0x108;
	s8 =	sld [smem:$0x3FAD]  }
0x2e: {  	s3 =	simm.s32 @!p0 $0x1082;
	s9 =	sld [smem:$0x3FAE]  }
0x2f: {  	lr =	sadd.s32 s0, s3;
	s0 =	sld [smem:$0x3FA5]  }
0x30: {  	s3 =	sld [smem:$0x3FA8]  }
0x31: {  	[smem:$0x3FB1] =	sst s10  }
0x32: {  	s10 =	sld [smem:$0x3FAF];
	_ =	sdelay $0x3  }
0x33: {  	p0 =	seq.s32 s10, $0x1;
	s10 =	sld [smem:$0x3FB1];
	_ =	sdelay $0x3  }
0x34: {  	[smem:$0x3FB1] =	sst s10  }
0x35: {  	s10 =	sld [smem:$0x3FB0];
	_ =	sdelay $0x3  }
0x36: {  	p1 =	seq.s32 s10, $0x1;
	s10 =	sld [smem:$0x3FB1];
	_ =	sdelay $0x3  }
0x37: {  	[smem:$0x3FB1] =	sst s10  }
0x38: {  	s10 =	sld [smem:$0x3FB2]  }
0x39: {  	_ = 	snop;
	(pc) =	sbr.ind lr, $3  }
0x3a: {  	_ = 	snop  }
0x3b: {  	_ = 	snop  }
0x3c: {  	p2 =	seq.s32 s10, $0x1;
	s10 =	sld [smem:$0x3FB1]  }
0x3d: {  	_ =	shalt  }
0x3e: {  	_ =	shalt  }
0x3f: {  	_ =	shalt  }
0x40: {  	_ =	shalt  }
0x41: {  	_ =	shalt  }
0x42: {  	_ =	shalt  }
0x43: {  	_ =	shalt  }
0x44: {  	_ =	shalt  }
0x45: {  	_ =	shalt  }
0x46: {  	_ =	shalt  }
0x47: {  	_ =	shalt  }
0x48: {  	_ =	shalt  }
0x49: {  	_ =	shalt  }
0x4a: {  	_ =	shalt  }
0x4b: {  	_ =	shalt  }
0x4c: {  	_ =	shalt  }
0x4d: {  	_ =	shalt  }
0x4e: {  	_ =	shalt  }
0x4f: {  	_ =	shalt  }
0x50: {  	_ =	shalt  }
0x51: {  	_ =	shalt  }
0x52: {  	_ =	shalt  }
0x53: {  	_ =	shalt  }
0x54: {  	_ =	shalt  }
0x55: {  	_ =	shalt  }
0x56: {  	_ =	shalt  }
0x57: {  	_ =	shalt  }
0x58: {  	_ =	shalt  }
0x59: {  	_ =	shalt  }
0x5a: {  	_ =	shalt  }
0x5b: {  	_ =	shalt  }
0x5c: {  	_ =	shalt  }
0x5d: {  	_ =	shalt  }
0x5e: {  	_ =	shalt  }
0x5f: {  	_ =	shalt  }
0x60: {  	_ =	shalt  }
0x61: {  	_ =	shalt  }
0x62: {  	_ =	shalt  }
0x63: {  	_ =	shalt  }
0x64: {  	_ =	shalt  }
0x65: {  	_ =	shalt  }
0x66: {  	_ =	shalt  }
0x67: {  	_ =	shalt  }
0x68: {  	_ =	shalt  }
0x69: {  	_ =	shalt  }
0x6a: {  	_ =	shalt  }
0x6b: {  	_ =	shalt  }
0x6c: {  	_ =	shalt  }
0x6d: {  	_ =	shalt  }
0x6e: {  	_ =	shalt  }
0x6f: {  	_ =	shalt  }
0x70: {  	_ =	shalt  }
0x71: {  	_ =	shalt  }
0x72: {  	_ =	shalt  }
0x73: {  	_ =	shalt  }
0x74: {  	_ =	shalt  }
0x75: {  	_ =	shalt  }
0x76: {  	_ =	shalt  }
0x77: {  	_ =	shalt  }
0x78: {  	_ =	shalt  }
0x79: {  	_ =	shalt  }
0x7a: {  	_ =	shalt  }
0x7b: {  	_ =	shalt  }
0x7c: {  	_ =	shalt  }
0x7d: {  	_ =	shalt  }
0x7e: {  	_ =	shalt  }
0x7f: {  	_ =	shalt  }
0x80: {  	_ =	shalt  }
0x81: {  	_ =	shalt  }
0x82: {  	_ =	shalt  }
0x83: {  	_ =	shalt  }
0x84: {  	_ =	shalt  }
0x85: {  	_ =	shalt  }
0x86: {  	_ =	shalt  }
0x87: {  	_ =	shalt  }
.Lfunc_end0:
.L_simem_size_0:
called_computation.1_lowered:
.L_overlay_start_0:
0x88: {  	s2 =	sld [smem:$0x3FD9]  }
0x89: {  	s3 =	sld [smem:$0x3FFE];
	_ =	sdelay $0x1  }
0x8a: {  	s1 =	srdreg.scid  }
0x8b: {  	s0 =	sand.u32 $0x1, s1  }
0x8c: {  	s17 =	sshll.u32 s0, $0xA;
	s2 =	sadd.s32 s3, s2  }
0x8d: {  	s2 =	sadd.s32 s2, s17  }
0x8e: {  	[smem:$0x3FBD] =	sst s2  }
0x8f: {  	_ = 	snop  }
0x90: {  	s2 =	sld [smem:$0x3FD0];
	(tm) =	ssettm $0x1  }
0x91: {  	s18 =	sld [smem:$0x3FFB];
	_ =	sdelay $0x3  }
0x92: {  	_ =	strace s18  }
0x93: {  	s3 =	sld [smem:$0x3FFC];
	_ =	sdelay $0x3  }
0x94: {  	_ =	strace s3  }
0x95: {  	s3 =	sld [smem:$0x3FFD];
	_ =	sdelay $0x3  }
0x96: {  	_ =	strace s3  }
0x97: {  	_ =	strace $0x8FFFFFFF  }
0x98: {  	s19 =	sld [smem:$0x3FDB];
	_ =	sdelay $0x1  }
0x99: {  	s4 =	simm.s32 $_scs_section_size  }
0x9a: {  	s5 =	simm.s32 $_size__tile_overlayer_lowered;
	s6 =	simm.s32 $_tile_overlayer_lowered  }
0x9b: {  	s22 =	simm.s32 $0x1BFF;
	s21 =	sshll.u32 s6, $0x1;
	s3 =	sadd.s32 s4, s19  }
0x9c: {  	s7 =	simm.s32 $0x0;
	s20 =	sshll.u32 s5, $0x1;
	s5 =	sadd.s32 s21, s3  }
0x9d: {  	[timem:s7], [sflag:s22] =	dma.local [hbm:s5], s20  }
0x9e: {  	_ =	swait.ge [sflag:s22], s20  }
0x9f: {  	s4 =	ssub.s32 $0x0, s20;
	[sflag:s22] =	ssyncset.done $0x0  }
0xa0: {  	[sflag:s22] =	ssyncadd.s32 s4;
	_ =	sdelay $0x1  }
0xa1: {  	s23 =	simm.s32 $0x1B8B  }
0xa2: {  	_ =	swait.ge [sflag:s23], $0x1  }
0xa3: {  	[sflag:s23] =	ssyncset.done $0x0  }
0xa4: {  	s25 =	simm.s32 $0x1B8E;
	s24 =	sld [smem:$0x3FFE];
	[sflag:s23] =	ssyncadd.s32 $0xFFFFFFFF  }
0xa5: {  	s26 =	simm.s32 $execute0_lowered;
	[smem:$0x3FD2] =	sst s25  }
0xa6: {  	s5 =	sshll.u32 s26, $0x1;
	_ =	strace $0x80000049;
	[dreg:$0x1] =	wrdreg $0xFFFFFFFF  }
0xa7: {  	s28 =	simm.s32 $_size_execute0_lowered;
	s3 =	sadd.s32 s3, s5;
	[dreg:$0x0] =	wrdreg $0x0  }
0xa8: {  	s5 =	sshll.u32 s28, $0x1;
	[dreg:$0x2] =	wrdreg s3  }
0xa9: {  	[dreg:$0x3] =	wrdreg s5  }
0xaa: {  	[dreg:$0x4] =	wrdreg $0xC0  }
0xab: {  	_ =	task [dreg:s7], $0x5FFFF  }
0xac: {  	[dreg:$0x1] =	wrdreg $0xFFFFFFFF  }
0xad: {  	[dreg:$0x0] =	wrdreg $0x60  }
0xae: {  	[dreg:$0x2] =	wrdreg s24  }
0xaf: {  	[dreg:$0x3] =	wrdreg s2  }
0xb0: {  	[dreg:$0x4] =	wrdreg $0xA0000  }
0xb1: {  	[dreg:$0x5] =	wrdreg $0xF0000  }
0xb2: {  	[dreg:$0x6] =	wrdreg $0x9  }
0xb3: {  	_ =	task.clear_ibuf [dreg:s7], $0x7FFFF;
	_ =	strace $0x90000049  }
0xb4: {  	s29 =	simm.s32 $0x9;
	_ =	strace $0x8000004B  }
0xb5: {  	_ =	swait.ge [sflag:s29], $0x1  }
0xb6: {  	[sflag:s29] =	ssyncadd.s32 $0xFFFFFFFF  }
0xb7: {  	_ =	strace $0x9000004B  }
0xb8: {  	_ =	sfence  }
0xb9: {  	s30 =	sld [smem:$0x0];
	_ =	sdelay $0x2  }
0xba: {  	s31 =	sshll.u32 s1, $0xD;
	s1 =	sshrl.u32 s1, $0x2  }
0xbb: {  	s3 =	sand.u32 $0x4000, s31;
	s1 =	sadd.s32 s1, s30  }
0xbc: {  	s0 =	sor.u32 s3, s0;
	s1 =	sshll.u32 s1, $0x11  }
0xbd: {  	s0 =	sor.u32 s1, s0  }
0xbe: {  	s0 =	sadd.s32 $0x8F2B, s0  }
0xbf: {  	[sflag:s0] =	ssyncadd.remote.s32 $0x1  }
0xc0: {  	_ =	sfence.sel $0xFFFF  }
0xc1: {  	[dreg:$0x0] =	wrdreg $0xFFFFFFFF;
	(pc) =	sbr.abs _section_cstart, $3  }
0xc2: {  	[dreg:$0x1] =	wrdreg $0xFFFFFFFF  }
0xc3: {  	_ =	task.clear_ibuf [dreg:s7], $0x2FFFF;
	_ =	strace $0x9FFFFFFF  }
0xc4: {  	(tm) =	ssettm $0x7FFFFFFF  }
0xc5: {  	_ =	shalt  }
tec
execute0_lowered:
.L_overlay_start_1:
0x0: {  	(tag) =	ssettag $0x1  }
0x1: {  	s0 =	rddreg [dreg:$0x0]  }
0x2: {  	s1 =	rddreg [dreg:$0x1]  }
0x3: {  	s2 =	rddreg [dreg:$0x2]  }
0x4: {  	s3 =	rddreg [dreg:$0x3]  }
0x5: {  	s4 =	srdreg.scid;
	s10 =	stileid.u32;
	s28 =	simm.s32 $0x0  }
0x6: {  	s17 =	simm.s32 $0x9;
	s19 =	simm.s32 $0x9000;
	s29 =	simm.s32 $0x7000  }
0x7: {  	s31 =	simm.s32 $0x8000;
	s18 =	simm.s32 $0x2;
	s16 =	simm.s32 $0x7  }
0x8: {  	s4 =	sand.u32 $0x1, s4;
	s5 =	sshll.u32 s10, $0x1;
	s7 =	smul.u32 $0x14000, s10  }
0x9: {  	[smem:$0x7FF] =	sst s28;
	s6 =	sadd.s32 $0xCE00, s0;
	s25 =	smul.u32 $0x13880, s10  }
0xa: {  	s5 =	sor.u32 s4, s5;
	_ =	strace $0x8000004A;
	s26 =	smul.u32 $0x140000, s4  }
0xb: {  	[dreg:$0x6] =	wrdreg s6;
	s21 =	ssub.s32 $0x2, s4;
	s5 =	smul.u32 $0x500, s5  }
0xc: {  	s22 =	sshrl.u32 s21, $0x1;
	s23 =	sshrl.u32 s7, $0x2;
	s11 =	smov.u32 s25  }
0xd: {  	s30 =	sshrl.u32 s25, $0x2;
	s25 =	simm.s32 $0x5000;
	s9 =	sadd.s32 s23, s2  }
0xe: {  	s4 =	sadd.s32 s30, s3;
	s15 =	sadd.s32 s7, s26;
	s23 =	simm.s32 $0x10  }
0xf: {  	s26 =	simm.s32 $0x6000;
	s7 =	simm.s32 $0x6;
	s8 =	sadd.s32 s5, s0  }
0x10: {  	s0 =	sadd.s32 $0x34000, s0;
	s1 =	sadd.s32 s1, s5;
	s12 =	sadd.s32 $0x2000, s9  }
0x11: {  	s13 =	sadd.s32 $0x3000, s9;
	s14 =	sadd.s32 $0x4000, s9;
	s20 =	sshrl.u32 s4, $0x3  }
0x12: {  	s4 =	simm.s32 $0x8;
	[dreg:$0x7] =	wrdreg s0;
	s0 =	ssub.s32 s21, s22  }
0x13: {  	[dreg:$0x8] =	wrdreg s1;
	s24 =	sadd.s32 $0x2E00, s8;
	s1 =	sadd.s32 $0x1000, s9  }
0x14: {  	s21 =	simm.s32 $0x1;
	s22 =	simm.s32 $0x4;
	[dreg:$0x9] =	wrdreg s24  }
0x15: {  	s8 =	simm.s32 $0x3;
	[dreg:$0xa] =	wrdreg s1;
	s0 =	smax.u32 s0, $0x1  }
0x16: {  	v0 =	vimm.f32 $0.0e+00;
	s24 =	simm.s32 $0x80;
	[dreg:$0xb] =	wrdreg s0;
	s0 =	simm.s32 $0x5  }
.LBB2_1:
0x17: {  	[dreg:$0x5] =	wrdreg s28;
	s1 =	simm.s32 $0x80;
	s5 =	simm.s32 $0x0  }
.LBB2_2:
0x18: {  	p0 =	sne.s32 s1, $0x3F80;
	[tilespmem:s5+$0x9000] =	vst v0;
	s6 =	smov.u32 s1;
	s1 =	sadd.s32 $0x80, s1  }
.Ltmp0:
0x19: {  	[tilespmem:s5+$0x9010] =	vst v0;
	(pc) =	sbr.rel @p0 .LBB2_2-.Ltmp0, $2  }
0x1a: {  	_ =	sdelay $0x2  }
0x1b: {  	s5 =	sshra.s32 s6, $0x2  }
0x1c: {  	[tilespmem:s5+$0x9000] =	vst v0  }
0x1d: {  	[tilespmem:s5+$0x9010] =	vst v0;
	s6 =	simm.s32 $0x0;
	s1 =	rddreg [dreg:$0x8]  }
0x1e: {  	[tilespmem:s6], [sflag:$0x9] =	stream.linear.gather [hbm4b:s1+s6], $0x2800, $0x38;
	[tilespmem:$0x13E20] =	vst v63  }
0x1f: {  	_ =	swait.ge [sflag:s17], $0x2800  }
0x20: {  	[sflag:s17] =	ssyncset.done $0x0  }
0x21: {  	s28 =	simm.s32 $0x2800;
	s10 =	rddreg [dreg:$0x9];
	[sflag:s17] =	ssyncadd.s32 $0xFFFFD800  }
0x22: {  	[tilespmem:s28], [sflag:$0x9] =	stream.linear.gather [hbm4b:s10+s6], $0x2800, $0x38;
	[tilespmem:$0x13E20] =	vst v63  }
0x23: {  	_ =	swait.ge [sflag:s17], $0x2800  }
0x24: {  	[sflag:s17] =	ssyncset.done $0x0  }
0x25: {  	s30 =	simm.s32 $0x0;
	[sflag:s17] =	ssyncadd.s32 $0xFFFFD800  }
.LBB2_4:
0x26: {  	[spmem:s9] =	stream.linear.scatter [tilespmem:s19], [sflag:$0x9], $0x1000, $0x38;
	[tilespmem:$0x13E20] =	vst v63  }
0x27: {  	_ =	swait.ge [sflag:s17], $0x1000  }
0x28: {  	[sflag:s17] =	ssyncset.done $0x0  }
0x29: {  	s1 =	rddreg [dreg:$0xa];
	[sflag:s17] =	ssyncadd.s32 $0xFFFFF000  }
0x2a: {  	[spmem:s1] =	stream.linear.scatter [tilespmem:s19], [sflag:$0x9], $0x1000, $0x38;
	[tilespmem:$0x13E20] =	vst v63  }
0x2b: {  	_ =	swait.ge [sflag:s17], $0x1000  }
0x2c: {  	[sflag:s17] =	ssyncset.done $0x0  }
0x2d: {  	[sflag:s17] =	ssyncadd.s32 $0xFFFFF000  }
0x2e: {  	[spmem:s12] =	stream.linear.scatter [tilespmem:s19], [sflag:$0x9], $0x1000, $0x38;
	[tilespmem:$0x13E20] =	vst v63  }
0x2f: {  	_ =	swait.ge [sflag:s17], $0x1000  }
0x30: {  	[sflag:s17] =	ssyncset.done $0x0  }
0x31: {  	[sflag:s17] =	ssyncadd.s32 $0xFFFFF000  }
0x32: {  	[spmem:s13] =	stream.linear.scatter [tilespmem:s19], [sflag:$0x9], $0x1000, $0x38;
	[tilespmem:$0x13E20] =	vst v63  }
0x33: {  	_ =	swait.ge [sflag:s17], $0x1000  }
0x34: {  	[sflag:s17] =	ssyncset.done $0x0  }
0x35: {  	s6 =	stileid.u32;
	s1 =	sshll.u32 s30, $0x5;
	[sflag:s17] =	ssyncadd.s32 $0xFFFFF000  }
0x36: {  	[spmem:s14] =	stream.linear.scatter [tilespmem:s19], [sflag:$0x9], $0x1000, $0x38;
	[tilespmem:$0x13E20] =	vst v63  }
0x37: {  	s6 =	sshll.u32 s6, $0x6;
	s5 =	sor.u32 s11, s1;
	_ =	swait.ge [sflag:s17], $0x1000  }
0x38: {  	s5 =	sshrl.u32 s5, $0x3;
	[sflag:s17] =	ssyncset.done $0x0;
	s10 =	rddreg [dreg:$0x6]  }
0x39: {  	s28 =	sor.u32 $0x1C09, s6;
	[sflag:s17] =	ssyncadd.s32 $0xFFFFF000;
	s5 =	sadd.s32 s10, s5  }
0x3a: {  	[spmem:s20@s22], [sflag:s28] =	dma.strided [hbm:s5@s23], $0x9C4, s21, $0x4   }
0x3b: {  	_ =	swait.ge [sflag:s17], $0x9C4  }
0x3c: {  	[sflag:s17] =	ssyncset.done $0x0  }
0x3d: {  	[sflag:s17] =	ssyncadd.s32 $0xFFFFF63C  }
0x3e: {  	s6 =	simm.s32 $0x0;
	[bflag:$0x0] =	sbarrier.arrive $0xFFFF  }
0x3f: {  	[tilespmem:s25], [sflag:$0x1] =	stream.indirect.gather [spmem:s3], $0x20, s6, s24, $0xb8;
	[tilespmem:$0x13E20] =	vst v63  }
0x40: {  	_ = 	snop  }
0x41: {  	[tilespmem:s26], [sflag:$0x2] =	stream.indirect.gather [spmem:s3], $0x20, s24, s24, $0xb8;
	[tilespmem:$0x13E20] =	vst v63  }
0x42: {  	s10 =	simm.s32 $0x100  }
0x43: {  	[tilespmem:s29], [sflag:$0x3] =	stream.indirect.gather [spmem:s3], $0x20, s10, s24, $0xb8;
	[tilespmem:$0x13E20] =	vst v63  }
0x44: {  	s6 =	simm.s32 $0x180  }
0x45: {  	[tilespmem:s31], [sflag:$0x4] =	stream.indirect.gather [spmem:s3], $0x20, s6, s24, $0xb8;
	[tilespmem:$0x13E20] =	vst v63  }
0x46: {  	_ =	swait.ge [sflag:s21], $0x1000  }
0x47: {  	[sflag:s21] =	ssyncset.done $0x0  }
0x48: {  	s10 =	simm.s32 $0x2800;
	[sflag:s21] =	ssyncadd.s32 $0xFFFFF000  }
0x49: {  	[spmem:s2] =	stream.indirect.scatter.add.f32 [tilespmem:s25], [sflag:$0x5], $0x20, s10, s24, $0xb8;
	[tilespmem:$0x13E20] =	vst v63  }
0x4a: {  	_ =	swait.ge [sflag:s0], $0x1000  }
0x4b: {  	[sflag:s0] =	ssyncset.done $0x0  }
0x4c: {  	s6 =	simm.s32 $0x200;
	[sflag:s0] =	ssyncadd.s32 $0xFFFFF000  }
0x4d: {  	[tilespmem:s25], [sflag:$0x1] =	stream.indirect.gather [spmem:s3], $0x20, s6, s24, $0xb8;
	[tilespmem:$0x13E20] =	vst v63  }
0x4e: {  	_ =	swait.ge [sflag:s18], $0x1000  }
0x4f: {  	[sflag:s18] =	ssyncset.done $0x0  }
0x50: {  	s10 =	simm.s32 $0x2880;
	[sflag:s18] =	ssyncadd.s32 $0xFFFFF000  }
0x51: {  	[spmem:s2] =	stream.indirect.scatter.add.f32 [tilespmem:s26], [sflag:$0x6], $0x20, s10, s24, $0xb8;
	[tilespmem:$0x13E20] =	vst v63  }
0x52: {  	_ =	swait.ge [sflag:s7], $0x1000  }
0x53: {  	[sflag:s7] =	ssyncset.done $0x0  }
0x54: {  	s6 =	simm.s32 $0x280;
	[sflag:s7] =	ssyncadd.s32 $0xFFFFF000  }
0x55: {  	[tilespmem:s26], [sflag:$0x2] =	stream.indirect.gather [spmem:s3], $0x20, s6, s24, $0xb8;
	[tilespmem:$0x13E20] =	vst v63  }
0x56: {  	_ =	swait.ge [sflag:s8], $0x1000  }
0x57: {  	[sflag:s8] =	ssyncset.done $0x0  }
0x58: {  	s10 =	simm.s32 $0x2900;
	[sflag:s8] =	ssyncadd.s32 $0xFFFFF000  }
0x59: {  	[spmem:s2] =	stream.indirect.scatter.add.f32 [tilespmem:s29], [sflag:$0x7], $0x20, s10, s24, $0xb8;
	[tilespmem:$0x13E20] =	vst v63  }
0x5a: {  	_ =	swait.ge [sflag:s16], $0x1000  }
0x5b: {  	[sflag:s16] =	ssyncset.done $0x0  }
0x5c: {  	s6 =	simm.s32 $0x300;
	[sflag:s16] =	ssyncadd.s32 $0xFFFFF000  }
0x5d: {  	[tilespmem:s29], [sflag:$0x3] =	stream.indirect.gather [spmem:s3], $0x20, s6, s24, $0xb8;
	[tilespmem:$0x13E20] =	vst v63  }
0x5e: {  	_ =	swait.ge [sflag:s22], $0x1000  }
0x5f: {  	[sflag:s22] =	ssyncset.done $0x0  }
0x60: {  	s10 =	simm.s32 $0x2980;
	[sflag:s22] =	ssyncadd.s32 $0xFFFFF000  }
0x61: {  	[spmem:s2] =	stream.indirect.scatter.add.f32 [tilespmem:s31], [sflag:$0x8], $0x20, s10, s24, $0xb8;
	[tilespmem:$0x13E20] =	vst v63  }
0x62: {  	_ =	swait.ge [sflag:s4], $0x1000  }
0x63: {  	[sflag:s4] =	ssyncset.done $0x0  }
0x64: {  	s5 =	simm.s32 $0x800;
	s6 =	simm.s32 $0x380;
	[sflag:s4] =	ssyncadd.s32 $0xFFFFF000  }
.LBB2_5:
0x65: {  	[tilespmem:s31], [sflag:$0x4] =	stream.indirect.gather [spmem:s3], $0x20, s6, s24, $0xb8;
	[tilespmem:$0x13E20] =	vst v63  }
0x66: {  	s6 =	smov.u32 s5  }
0x67: {  	p0 =	sne.s32 s5, $0x9000;
	s5 =	sadd.s32 $0x800, s5;
	_ =	swait.ge [sflag:s21], $0x1000  }
0x68: {  	s6 =	sshra.s32 s6, $0x2;
	[sflag:s21] =	ssyncset.done $0x0  }
0x69: {  	s10 =	sadd.s32 $0x2800, s6;
	[sflag:s21] =	ssyncadd.s32 $0xFFFFF000  }
0x6a: {  	[spmem:s2] =	stream.indirect.scatter.add.f32 [tilespmem:s25], [sflag:$0x5], $0x20, s10, s24, $0xb8;
	[tilespmem:$0x13E20] =	vst v63  }
0x6b: {  	_ =	swait.ge [sflag:s0], $0x1000  }
0x6c: {  	[sflag:s0] =	ssyncset.done $0x0  }
0x6d: {  	s10 =	sadd.s32 $0x200, s6;
	[sflag:s0] =	ssyncadd.s32 $0xFFFFF000  }
0x6e: {  	[tilespmem:s25], [sflag:$0x1] =	stream.indirect.gather [spmem:s3], $0x20, s10, s24, $0xb8;
	[tilespmem:$0x13E20] =	vst v63  }
0x6f: {  	_ =	swait.ge [sflag:s18], $0x1000  }
0x70: {  	[sflag:s18] =	ssyncset.done $0x0  }
0x71: {  	s10 =	sadd.s32 $0x2880, s6;
	[sflag:s18] =	ssyncadd.s32 $0xFFFFF000  }
0x72: {  	[spmem:s2] =	stream.indirect.scatter.add.f32 [tilespmem:s26], [sflag:$0x6], $0x20, s10, s24, $0xb8;
	[tilespmem:$0x13E20] =	vst v63  }
0x73: {  	_ =	swait.ge [sflag:s7], $0x1000  }
0x74: {  	[sflag:s7] =	ssyncset.done $0x0  }
0x75: {  	s10 =	sadd.s32 $0x280, s6;
	[sflag:s7] =	ssyncadd.s32 $0xFFFFF000  }
0x76: {  	[tilespmem:s26], [sflag:$0x2] =	stream.indirect.gather [spmem:s3], $0x20, s10, s24, $0xb8;
	[tilespmem:$0x13E20] =	vst v63  }
0x77: {  	_ =	swait.ge [sflag:s8], $0x1000  }
0x78: {  	[sflag:s8] =	ssyncset.done $0x0  }
0x79: {  	s10 =	sadd.s32 $0x2900, s6;
	[sflag:s8] =	ssyncadd.s32 $0xFFFFF000  }
0x7a: {  	[spmem:s2] =	stream.indirect.scatter.add.f32 [tilespmem:s29], [sflag:$0x7], $0x20, s10, s24, $0xb8;
	[tilespmem:$0x13E20] =	vst v63  }
0x7b: {  	_ =	swait.ge [sflag:s16], $0x1000  }
0x7c: {  	[sflag:s16] =	ssyncset.done $0x0  }
0x7d: {  	s10 =	sadd.s32 $0x300, s6;
	[sflag:s16] =	ssyncadd.s32 $0xFFFFF000  }
0x7e: {  	[tilespmem:s29], [sflag:$0x3] =	stream.indirect.gather [spmem:s3], $0x20, s10, s24, $0xb8;
	[tilespmem:$0x13E20] =	vst v63  }
0x7f: {  	_ =	swait.ge [sflag:s22], $0x1000  }
0x80: {  	[sflag:s22] =	ssyncset.done $0x0  }
.Ltmp1:
0x81: {  	s10 =	sadd.s32 $0x2980, s6;
	[sflag:s22] =	ssyncadd.s32 $0xFFFFF000;
	(pc) =	sbr.rel @p0 .LBB2_5-.Ltmp1, $4  }
0x82: {  	[spmem:s2] =	stream.indirect.scatter.add.f32 [tilespmem:s31], [sflag:$0x8], $0x20, s10, s24, $0xb8;
	[tilespmem:$0x13E20] =	vst v63  }
0x83: {  	_ =	swait.ge [sflag:s4], $0x1000  }
0x84: {  	[sflag:s4] =	ssyncset.done $0x0  }
0x85: {  	s6 =	sadd.s32 $0x380, s6;
	[sflag:s4] =	ssyncadd.s32 $0xFFFFF000  }
0x86: {  	[tilespmem:s31], [sflag:$0x4] =	stream.indirect.gather [spmem:s3], $0x20, s6, s24, $0xb8;
	[tilespmem:$0x13E20] =	vst v63  }
0x87: {  	_ =	swait.ge [sflag:s21], $0x1000  }
0x88: {  	[sflag:s21] =	ssyncset.done $0x0  }
0x89: {  	s5 =	simm.s32 $0x4E00;
	[sflag:s21] =	ssyncadd.s32 $0xFFFFF000  }
0x8a: {  	[spmem:s2] =	stream.indirect.scatter.add.f32 [tilespmem:s25], [sflag:$0x5], $0x20, s5, s24, $0xb8;
	[tilespmem:$0x13E20] =	vst v63  }
0x8b: {  	_ =	swait.ge [sflag:s18], $0x1000  }
0x8c: {  	[sflag:s18] =	ssyncset.done $0x0  }
0x8d: {  	s10 =	simm.s32 $0x4E80;
	[sflag:s18] =	ssyncadd.s32 $0xFFFFF000  }
0x8e: {  	[spmem:s2] =	stream.indirect.scatter.add.f32 [tilespmem:s26], [sflag:$0x6], $0x20, s10, s24, $0xb8;
	[tilespmem:$0x13E20] =	vst v63  }
0x8f: {  	_ =	swait.ge [sflag:s8], $0x1000  }
0x90: {  	[sflag:s8] =	ssyncset.done $0x0  }
0x91: {  	s6 =	simm.s32 $0x4F00;
	[sflag:s8] =	ssyncadd.s32 $0xFFFFF000  }
0x92: {  	[spmem:s2] =	stream.indirect.scatter.add.f32 [tilespmem:s29], [sflag:$0x7], $0x20, s6, s24, $0xb8;
	[tilespmem:$0x13E20] =	vst v63  }
0x93: {  	_ =	swait.ge [sflag:s22], $0x1000  }
0x94: {  	[sflag:s22] =	ssyncset.done $0x0  }
0x95: {  	s10 =	simm.s32 $0x4F80;
	[sflag:s22] =	ssyncadd.s32 $0xFFFFF000  }
0x96: {  	[spmem:s2] =	stream.indirect.scatter.add.f32 [tilespmem:s31], [sflag:$0x8], $0x20, s10, s24, $0xb8;
	[tilespmem:$0x13E20] =	vst v63  }
0x97: {  	_ =	swait.ge [sflag:s0], $0x1000  }
0x98: {  	[sflag:s0] =	ssyncset.done $0x0  }
0x99: {  	[sflag:s0] =	ssyncadd.s32 $0xFFFFF000  }
0x9a: {  	_ =	swait.ge [sflag:s7], $0x1000  }
0x9b: {  	[sflag:s7] =	ssyncset.done $0x0  }
0x9c: {  	[sflag:s7] =	ssyncadd.s32 $0xFFFFF000  }
0x9d: {  	_ =	swait.ge [sflag:s16], $0x1000  }
0x9e: {  	[sflag:s16] =	ssyncset.done $0x0  }
0x9f: {  	[sflag:s16] =	ssyncadd.s32 $0xFFFFF000  }
0xa0: {  	_ =	swait.ge [sflag:s4], $0x1000  }
0xa1: {  	[sflag:s4] =	ssyncset.done $0x0  }
0xa2: {  	[sflag:s4] =	ssyncadd.s32 $0xFFFFF000  }
0xa3: {  	s1 =	sadd.s32 s15, s1;
	[bflag:$0x0] =	sbarrier.arrive $0xFFFF  }
0xa4: {  	s30 =	sadd.s32 $0x1, s30;
	s1 =	sshrl.u32 s1, $0x3;
	s6 =	rddreg [dreg:$0x7]  }
0xa5: {  	p0 =	sne.s32 s30, $0x4;
	s10 =	sshrl.u32 s9, $0x3;
	s1 =	sadd.s32 s6, s1  }
0xa6: {  	[hbm:s1@s23], [sflag:s28] =	dma.strided [spmem:s10@s22], $0xA00, s21, $0x4   }
.Ltmp2:
0xa7: {  	_ =	swait.ge [sflag:s17], $0xA00;
	(pc) =	sbr.rel @p0 .LBB2_4-.Ltmp2, $3  }
0xa8: {  	[sflag:s17] =	ssyncset.done $0x0  }
0xa9: {  	[sflag:s17] =	ssyncadd.s32 $0xFFFFF600  }
0xaa: {  	[bflag:$0x0] =	sbarrier.arrive $0xFFFF;
	_ =	sdelay $0x1  }
0xab: {  	s28 =	rddreg [dreg:$0x5]  }
0xac: {  	s1 =	rddreg [dreg:$0xb];
	s28 =	sadd.s32 $0x1, s28  }
0xad: {  	p0 =	sne.s32 s28, s1  }
.Ltmp3:
0xae: {  	_ = 	snop;
	(pc) =	sbr.rel @p0 .LBB2_1-.Ltmp3, $1  }
0xaf: {  	_ =	sdelay $0x3  }
0xb0: {  	_ =	sfence.sel $0x180000  }
0xb1: {  	[bflag:$0x0] =	sbarrier.arrive $0xFFFF  }
0xb2: {  	_ =	strace $0x9000004A  }
0xb3: {  	s0 =	stileid.u32;
	[bflag:$0x2] =	sbarrier.arrive $0xFFFF  }
0xb4: {  	p0 =	sne.s32 s0, $0x0;
	s0 =	rddreg [dreg:$0x4]  }
0xb5: {  	s0 =	sadd.s32 @!p0 $0x100000, s0  }
0xb6: {  	[sflag:s0] =	ssyncadd.tile.s32 @!p0 $0x1;
	_ =	shalt  }
.Lfunc_end2:
_tile_overlayer_lowered:
.L_overlay_start_2:
0xb7: {  	(tag) =	ssettag $0x2  }
0xb8: {  	s0 =	rddreg [dreg:$0x0];
	s2 =	stileid.u32  }
0xb9: {  	s1 =	rddreg [dreg:$0x1];
	p0 =	sne.s32 s2, $0x0  }
0xba: {  	s3 =	rddreg [dreg:$0x2];
	[bflag:$0x3] =	sbarrier.arrive $0xFFFF;
	s2 =	simm.s32 @!p0 $0x1C09  }
0xbb: {  	[timem:s3], [sflag:s2] =	dma.local @!p0 [hbm:s0], s1  }
0xbc: {  	s0 =	simm.s32 @!p0 $0x9  }
0xbd: {  	_ =	swait.ge @!p0 [sflag:s0], s1  }
0xbe: {  	s1 =	ssub.s32 @!p0 $0x0, s1;
	[sflag:s0] =	ssyncset.done @!p0 $0x0  }
0xbf: {  	[sflag:s0] =	ssyncadd.s32 @!p0 s1  }
0xc0: {  	[bflag:$0x3] =	sbarrier.arrive $0xFFFF  }
0xc1: {  	_ =	shalt  }

// kernel: kernel.14.cloned.1.call-start
scs
__scs_entry_jumppad:
0x0: {  	(pc) =	sbr.rel $0x88, $3  }
0x1: {  	(tag) =	ssettag $0x0;
	lr =	simm.s32 $0x1  }
0x2: {  	[smem:$0x3F96] =	sst lr;
	_ =	strace $0xD0000000  }
0x3: {  	_ = 	snop  }
0x4: {  	_ = 	snop  }
0x5: {  	_ = 	snop  }
0x6: {  	_ = 	snop  }
0x7: {  	_ = 	snop  }
__scs_overlays_trampoline_lowered:
0x8: {  	[smem:$0x3FA5] =	sst s0  }
0x9: {  	[smem:$0x3FA6] =	sst s1  }
0xa: {  	[smem:$0x3FA7] =	sst s2  }
0xb: {  	[smem:$0x3FA8] =	sst s3  }
0xc: {  	[smem:$0x3FA9] =	sst s4  }
0xd: {  	[smem:$0x3FAA] =	sst s5  }
0xe: {  	[smem:$0x3FAB] =	sst s6  }
0xf: {  	[smem:$0x3FAC] =	sst s7  }
0x10: {  	[smem:$0x3FAD] =	sst s8  }
0x11: {  	[smem:$0x3FAE] =	sst s9;
	s0 =	simm.s32 @!p0 $0x0  }
0x12: {  	s1 =	sld [smem:$0x3F94];
	s0 =	simm.s32 @p0 $0x1  }
0x13: {  	[smem:$0x3FAF] =	sst s0;
	s0 =	simm.s32 @!p1 $0x0  }
0x14: {  	s2 =	sld [smem:$0x3F93];
	s0 =	simm.s32 @p1 $0x1  }
0x15: {  	[smem:$0x3FB0] =	sst s0;
	s0 =	simm.s32 @!p2 $0x0  }
0x16: {  	s3 =	sld [smem:$0x3FDB];
	s0 =	simm.s32 @p2 $0x1  }
0x17: {  	s4 =	simm.s32 $0x1BF5;
	[smem:$0x3FB2] =	sst s0  }
0x18: {  	s0 =	sld [smem:$0x3F95];
	_ =	swait.ge [sflag:s4], $0x0  }
0x19: {  	s7 =	sld [smem:$0x3F96]  }
0x1a: {  	s8 =	sadd.s32 $0xFFFFE003, lr  }
0x1b: {  	s9 =	sadd.s32 $0xFFFFFEF7, lr;
	s5 =	simm.s32 $0xFFFFFFFF;
	p2 =	slt.u32 s8, $0xFFFFF086  }
0x1c: {  	p1 =	slt.u32 s9, $0xF7A;
	s5 =	simm.s32 @!p2 $0x0  }
0x1d: {  	s5 =	simm.s32 @p1 $0x1;
	p0 =	seq.s32 s7, s2  }
0x1e: {  	s7 =	smul.u32 @!p0 $0xF7A, s2;
	p2 =	seq.s32 @!p0 s5, $0x0  }
0x1f: {  	s9 =	smul.u32 $0xF7A, s1;
	s8 =	simm.s32 @!p0 $0x1BF5;
	p2 =	por !p2, p0  }
0x20: {  	[sflag:s8] =	ssyncset.s32 @!p0 $0xFFFFF086;
	s6 =	sadd.s32 @!p0 s3, s7;
	s7 =	simm.s32 @!p0 $0x108  }
0x21: {  	s3 =	sadd.s32 s3, s9;
	s6 =	sadd.s32 @!p0 $0x88, s6;
	s7 =	simm.s32 @p2 $0x1082  }
0x22: {  	[simem:s7], [sflag:s8] =	dma.local @!p0 [hbm:s6], $0xF7A  }
0x23: {  	s9 =	sor.u32 $0xD0000000, s2;
	s6 =	simm.s32 $0x108;
	_ =	swait.ge @!p0 [sflag:s8], $0x0  }
0x24: {  	s3 =	sadd.s32 $0x88, s3;
	s6 =	simm.s32 @!p1 $0x1082;
	[sflag:s4] =	ssyncset.s32 $0xFFFFF086  }
0x25: {  	[simem:s6], [sflag:s4] =	dma.local [hbm:s3], $0xF7A  }
0x26: {  	[smem:$0x3F96] =	sst s1;
	(tag) =	ssettag s2;
	_ =	strace s9  }
0x27: {  	s1 =	sld [smem:$0x3FA6]  }
0x28: {  	s2 =	sld [smem:$0x3FA7]  }
0x29: {  	s4 =	sld [smem:$0x3FA9]  }
0x2a: {  	p0 =	seq.s32 s5, $0x0;
	s5 =	sld [smem:$0x3FAA]  }
0x2b: {  	s6 =	sld [smem:$0x3FAB]  }
0x2c: {  	s7 =	sld [smem:$0x3FAC]  }
0x2d: {  	s3 =	simm.s32 $0x108;
	s8 =	sld [smem:$0x3FAD]  }
0x2e: {  	s3 =	simm.s32 @!p0 $0x1082;
	s9 =	sld [smem:$0x3FAE]  }
0x2f: {  	lr =	sadd.s32 s0, s3;
	s0 =	sld [smem:$0x3FA5]  }
0x30: {  	s3 =	sld [smem:$0x3FA8]  }
0x31: {  	[smem:$0x3FB1] =	sst s10  }
0x32: {  	s10 =	sld [smem:$0x3FAF];
	_ =	sdelay $0x3  }
0x33: {  	p0 =	seq.s32 s10, $0x1;
	s10 =	sld [smem:$0x3FB1];
	_ =	sdelay $0x3  }
0x34: {  	[smem:$0x3FB1] =	sst s10  }
0x35: {  	s10 =	sld [smem:$0x3FB0];
	_ =	sdelay $0x3  }
0x36: {  	p1 =	seq.s32 s10, $0x1;
	s10 =	sld [smem:$0x3FB1];
	_ =	sdelay $0x3  }
0x37: {  	[smem:$0x3FB1] =	sst s10  }
0x38: {  	s10 =	sld [smem:$0x3FB2]  }
0x39: {  	_ = 	snop;
	(pc) =	sbr.ind lr, $3  }
0x3a: {  	_ = 	snop  }
0x3b: {  	_ = 	snop  }
0x3c: {  	p2 =	seq.s32 s10, $0x1;
	s10 =	sld [smem:$0x3FB1]  }
0x3d: {  	_ =	shalt  }
0x3e: {  	_ =	shalt  }
0x3f: {  	_ =	shalt  }
0x40: {  	_ =	shalt  }
0x41: {  	_ =	shalt  }
0x42: {  	_ =	shalt  }
0x43: {  	_ =	shalt  }
0x44: {  	_ =	shalt  }
0x45: {  	_ =	shalt  }
0x46: {  	_ =	shalt  }
0x47: {  	_ =	shalt  }
0x48: {  	_ =	shalt  }
0x49: {  	_ =	shalt  }
0x4a: {  	_ =	shalt  }
0x4b: {  	_ =	shalt  }
0x4c: {  	_ =	shalt  }
0x4d: {  	_ =	shalt  }
0x4e: {  	_ =	shalt  }
0x4f: {  	_ =	shalt  }
0x50: {  	_ =	shalt  }
0x51: {  	_ =	shalt  }
0x52: {  	_ =	shalt  }
0x53: {  	_ =	shalt  }
0x54: {  	_ =	shalt  }
0x55: {  	_ =	shalt  }
0x56: {  	_ =	shalt  }
0x57: {  	_ =	shalt  }
0x58: {  	_ =	shalt  }
0x59: {  	_ =	shalt  }
0x5a: {  	_ =	shalt  }
0x5b: {  	_ =	shalt  }
0x5c: {  	_ =	shalt  }
0x5d: {  	_ =	shalt  }
0x5e: {  	_ =	shalt  }
0x5f: {  	_ =	shalt  }
0x60: {  	_ =	shalt  }
0x61: {  	_ =	shalt  }
0x62: {  	_ =	shalt  }
0x63: {  	_ =	shalt  }
0x64: {  	_ =	shalt  }
0x65: {  	_ =	shalt  }
0x66: {  	_ =	shalt  }
0x67: {  	_ =	shalt  }
0x68: {  	_ =	shalt  }
0x69: {  	_ =	shalt  }
0x6a: {  	_ =	shalt  }
0x6b: {  	_ =	shalt  }
0x6c: {  	_ =	shalt  }
0x6d: {  	_ =	shalt  }
0x6e: {  	_ =	shalt  }
0x6f: {  	_ =	shalt  }
0x70: {  	_ =	shalt  }
0x71: {  	_ =	shalt  }
0x72: {  	_ =	shalt  }
0x73: {  	_ =	shalt  }
0x74: {  	_ =	shalt  }
0x75: {  	_ =	shalt  }
0x76: {  	_ =	shalt  }
0x77: {  	_ =	shalt  }
0x78: {  	_ =	shalt  }
0x79: {  	_ =	shalt  }
0x7a: {  	_ =	shalt  }
0x7b: {  	_ =	shalt  }
0x7c: {  	_ =	shalt  }
0x7d: {  	_ =	shalt  }
0x7e: {  	_ =	shalt  }
0x7f: {  	_ =	shalt  }
0x80: {  	_ =	shalt  }
0x81: {  	_ =	shalt  }
0x82: {  	_ =	shalt  }
0x83: {  	_ =	shalt  }
0x84: {  	_ =	shalt  }
0x85: {  	_ =	shalt  }
0x86: {  	_ =	shalt  }
0x87: {  	_ =	shalt  }
.Lfunc_end0:
.L_simem_size_0:
called_computation.2_lowered:
.L_overlay_start_0:
0x88: {  	s2 =	sld [smem:$0x3FD9]  }
0x89: {  	s3 =	sld [smem:$0x3FFE];
	_ =	sdelay $0x1  }
0x8a: {  	s1 =	srdreg.scid  }
0x8b: {  	s0 =	sand.u32 $0x1, s1  }
0x8c: {  	s17 =	sshll.u32 s0, $0xA;
	s2 =	sadd.s32 s3, s2  }
0x8d: {  	s2 =	sadd.s32 s2, s17  }
0x8e: {  	[smem:$0x3FBD] =	sst s2  }
0x8f: {  	_ = 	snop  }
0x90: {  	s2 =	sld [smem:$0x3FD0];
	(tm) =	ssettm $0x1  }
0x91: {  	s18 =	sld [smem:$0x3FFB];
	_ =	sdelay $0x3  }
0x92: {  	_ =	strace s18  }
0x93: {  	s3 =	sld [smem:$0x3FFC];
	_ =	sdelay $0x3  }
0x94: {  	_ =	strace s3  }
0x95: {  	s3 =	sld [smem:$0x3FFD];
	_ =	sdelay $0x3  }
0x96: {  	_ =	strace s3  }
0x97: {  	_ =	strace $0x8FFFFFFF  }
0x98: {  	s19 =	sld [smem:$0x3FDB];
	_ =	sdelay $0x1  }
0x99: {  	s4 =	simm.s32 $_scs_section_size  }
0x9a: {  	s5 =	simm.s32 $_size__tile_overlayer_lowered;
	s6 =	simm.s32 $_tile_overlayer_lowered  }
0x9b: {  	s22 =	simm.s32 $0x1BFF;
	s21 =	sshll.u32 s6, $0x1;
	s3 =	sadd.s32 s4, s19  }
0x9c: {  	s7 =	simm.s32 $0x0;
	s20 =	sshll.u32 s5, $0x1;
	s5 =	sadd.s32 s21, s3  }
0x9d: {  	[timem:s7], [sflag:s22] =	dma.local [hbm:s5], s20  }
0x9e: {  	_ =	swait.ge [sflag:s22], s20  }
0x9f: {  	s4 =	ssub.s32 $0x0, s20;
	[sflag:s22] =	ssyncset.done $0x0  }
0xa0: {  	[sflag:s22] =	ssyncadd.s32 s4;
	_ =	sdelay $0x1  }
0xa1: {  	s23 =	simm.s32 $0x1B8B  }
0xa2: {  	_ =	swait.ge [sflag:s23], $0x1  }
0xa3: {  	[sflag:s23] =	ssyncset.done $0x0  }
0xa4: {  	s25 =	simm.s32 $0x1B8E;
	s24 =	sld [smem:$0x3FFE];
	[sflag:s23] =	ssyncadd.s32 $0xFFFFFFFF  }
0xa5: {  	s26 =	simm.s32 $execute0_lowered;
	[smem:$0x3FD2] =	sst s25  }
0xa6: {  	s5 =	sshll.u32 s26, $0x1;
	_ =	strace $0x8000004C;
	[dreg:$0x1] =	wrdreg $0xFFFFFFFF  }
0xa7: {  	s28 =	simm.s32 $_size_execute0_lowered;
	s3 =	sadd.s32 s3, s5;
	[dreg:$0x0] =	wrdreg $0x0  }
0xa8: {  	s5 =	sshll.u32 s28, $0x1;
	[dreg:$0x2] =	wrdreg s3  }
0xa9: {  	[dreg:$0x3] =	wrdreg s5  }
0xaa: {  	[dreg:$0x4] =	wrdreg $0xC0  }
0xab: {  	_ =	task [dreg:s7], $0x5FFFF  }
0xac: {  	[dreg:$0x1] =	wrdreg $0xFFFFFFFF  }
0xad: {  	[dreg:$0x0] =	wrdreg $0x60  }
0xae: {  	[dreg:$0x2] =	wrdreg s24  }
0xaf: {  	[dreg:$0x3] =	wrdreg s2  }
0xb0: {  	[dreg:$0x4] =	wrdreg $0xA0000  }
0xb1: {  	[dreg:$0x5] =	wrdreg $0xF0000  }
0xb2: {  	[dreg:$0x6] =	wrdreg $0x9  }
0xb3: {  	_ =	task.clear_ibuf [dreg:s7], $0x7FFFF;
	_ =	strace $0x9000004C  }
0xb4: {  	s29 =	simm.s32 $0x9;
	_ =	strace $0x8000004E  }
0xb5: {  	_ =	swait.ge [sflag:s29], $0x1  }
0xb6: {  	[sflag:s29] =	ssyncadd.s32 $0xFFFFFFFF  }
0xb7: {  	_ =	strace $0x9000004E  }
0xb8: {  	_ =	sfence  }
0xb9: {  	s30 =	sld [smem:$0x0];
	_ =	sdelay $0x2  }
0xba: {  	s31 =	sshll.u32 s1, $0xD;
	s1 =	sshrl.u32 s1, $0x2  }
0xbb: {  	s3 =	sand.u32 $0x4000, s31;
	s1 =	sadd.s32 s1, s30  }
0xbc: {  	s0 =	sor.u32 s3, s0;
	s1 =	sshll.u32 s1, $0x11  }
0xbd: {  	s0 =	sor.u32 s1, s0  }
0xbe: {  	s0 =	sadd.s32 $0x8F2B, s0  }
0xbf: {  	[sflag:s0] =	ssyncadd.remote.s32 $0x1  }
0xc0: {  	_ =	sfence.sel $0xFFFF  }
0xc1: {  	[dreg:$0x0] =	wrdreg $0xFFFFFFFF;
	(pc) =	sbr.abs _section_cstart, $3  }
0xc2: {  	[dreg:$0x1] =	wrdreg $0xFFFFFFFF  }
0xc3: {  	_ =	task.clear_ibuf [dreg:s7], $0x2FFFF;
	_ =	strace $0x9FFFFFFF  }
0xc4: {  	(tm) =	ssettm $0x7FFFFFFF  }
0xc5: {  	_ =	shalt  }
tec
execute0_lowered:
.L_overlay_start_1:
0x0: {  	(tag) =	ssettag $0x1  }
0x1: {  	s0 =	rddreg [dreg:$0x0]  }
0x2: {  	s1 =	rddreg [dreg:$0x1]  }
0x3: {  	s2 =	rddreg [dreg:$0x2]  }
0x4: {  	s3 =	rddreg [dreg:$0x3];
	s4 =	srdreg.scid  }
0x5: {  	s6 =	stileid.u32;
	s28 =	simm.s32 $0x0;
	s17 =	simm.s32 $0x9  }
0x6: {  	s19 =	simm.s32 $0x9000;
	s21 =	simm.s32 $0x1;
	s29 =	simm.s32 $0x7000  }
0x7: {  	s31 =	simm.s32 $0x8000;
	s18 =	simm.s32 $0x2;
	s16 =	simm.s32 $0x7  }
0x8: {  	s4 =	sand.u32 $0x1, s4;
	s5 =	sshll.u32 s6, $0x1;
	s8 =	smul.u32 $0x14000, s6  }
0x9: {  	[smem:$0x7FF] =	sst s28;
	s7 =	sadd.s32 $0xCE00, s0;
	s10 =	smul.u32 $0x13880, s6  }
0xa: {  	s5 =	sor.u32 s4, s5;
	_ =	strace $0x8000004D;
	[dreg:$0x6] =	wrdreg s7  }
0xb: {  	s22 =	ssub.s32 $0x2, s4;
	s26 =	smul.u32 $0x140000, s4;
	s7 =	simm.s32 $0x6  }
0xc: {  	s5 =	smul.u32 $0x500, s5;
	s23 =	sshrl.u32 s22, $0x1;
	s30 =	sshrl.u32 s10, $0x2  }
0xd: {  	s24 =	sshrl.u32 s8, $0x2;
	s4 =	sadd.s32 s30, s3;
	s15 =	sadd.s32 s8, s26  }
0xe: {  	s26 =	simm.s32 $0x6000;
	s8 =	simm.s32 $0x3;
	s9 =	sadd.s32 s5, s0  }
0xf: {  	s0 =	sadd.s32 $0x34000, s0;
	s1 =	sadd.s32 s1, s5;
	s20 =	sshrl.u32 s4, $0x3  }
0x10: {  	s4 =	simm.s32 $0x8;
	[dreg:$0x7] =	wrdreg s0;
	s0 =	ssub.s32 s22, s23  }
0x11: {  	[dreg:$0x8] =	wrdreg s1;
	s25 =	sadd.s32 $0x2E00, s9;
	s9 =	sadd.s32 s24, s2  }
0x12: {  	s22 =	simm.s32 $0x4;
	s23 =	simm.s32 $0x10;
	s24 =	simm.s32 $0x80  }
0x13: {  	[dreg:$0x9] =	wrdreg s25;
	s11 =	sadd.s32 $0x1000, s9;
	s12 =	sadd.s32 $0x2000, s9  }
0x14: {  	s13 =	sadd.s32 $0x3000, s9;
	s14 =	sadd.s32 $0x4000, s9;
	s0 =	smax.u32 s0, $0x1  }
0x15: {  	v0 =	vimm.f32 $0.0e+00;
	s25 =	simm.s32 $0x5000;
	[dreg:$0xa] =	wrdreg s0;
	s0 =	simm.s32 $0x5  }
.LBB2_1:
0x16: {  	[dreg:$0x5] =	wrdreg s28;
	s1 =	simm.s32 $0x80;
	s5 =	simm.s32 $0x0  }
.LBB2_2:
0x17: {  	p0 =	sne.s32 s1, $0x3F80;
	[tilespmem:s5+$0x9000] =	vst v0;
	s28 =	smov.u32 s1;
	s1 =	sadd.s32 $0x80, s1  }
.Ltmp0:
0x18: {  	[tilespmem:s5+$0x9010] =	vst v0;
	(pc) =	sbr.rel @p0 .LBB2_2-.Ltmp0, $2  }
0x19: {  	_ =	sdelay $0x2  }
0x1a: {  	s5 =	sshra.s32 s28, $0x2  }
0x1b: {  	[tilespmem:s5+$0x9000] =	vst v0  }
0x1c: {  	[tilespmem:s5+$0x9010] =	vst v0;
	s6 =	simm.s32 $0x0;
	s1 =	rddreg [dreg:$0x8]  }
0x1d: {  	[tilespmem:s6], [sflag:$0x9] =	stream.linear.gather [hbm4b:s1+s6], $0x2800, $0x38;
	[tilespmem:$0x13E20] =	vst v63  }
0x1e: {  	_ =	swait.ge [sflag:s17], $0x2800  }
0x1f: {  	[sflag:s17] =	ssyncset.done $0x0  }
0x20: {  	s28 =	simm.s32 $0x2800;
	s5 =	rddreg [dreg:$0x9];
	[sflag:s17] =	ssyncadd.s32 $0xFFFFD800  }
0x21: {  	[tilespmem:s28], [sflag:$0x9] =	stream.linear.gather [hbm4b:s5+s6], $0x2800, $0x38;
	[tilespmem:$0x13E20] =	vst v63  }
0x22: {  	_ =	swait.ge [sflag:s17], $0x2800  }
0x23: {  	[sflag:s17] =	ssyncset.done $0x0  }
0x24: {  	p1 =	por $0x1, $0x1;
	s30 =	simm.s32 $0x0;
	[sflag:s17] =	ssyncadd.s32 $0xFFFFD800  }
.LBB2_4:
0x25: {  	[spmem:s9] =	stream.linear.scatter [tilespmem:s19], [sflag:$0x9], $0x1000, $0x38;
	[tilespmem:$0x13E20] =	vst v63  }
0x26: {  	_ =	swait.ge [sflag:s17], $0x1000  }
0x27: {  	[sflag:s17] =	ssyncset.done $0x0  }
0x28: {  	[sflag:s17] =	ssyncadd.s32 $0xFFFFF000  }
0x29: {  	[spmem:s11] =	stream.linear.scatter [tilespmem:s19], [sflag:$0x9], $0x1000, $0x38;
	[tilespmem:$0x13E20] =	vst v63  }
0x2a: {  	_ =	swait.ge [sflag:s17], $0x1000  }
0x2b: {  	[sflag:s17] =	ssyncset.done $0x0  }
0x2c: {  	[sflag:s17] =	ssyncadd.s32 $0xFFFFF000  }
0x2d: {  	[spmem:s12] =	stream.linear.scatter [tilespmem:s19], [sflag:$0x9], $0x1000, $0x38;
	[tilespmem:$0x13E20] =	vst v63  }
0x2e: {  	_ =	swait.ge [sflag:s17], $0x1000  }
0x2f: {  	[sflag:s17] =	ssyncset.done $0x0  }
0x30: {  	[sflag:s17] =	ssyncadd.s32 $0xFFFFF000  }
0x31: {  	[spmem:s13] =	stream.linear.scatter [tilespmem:s19], [sflag:$0x9], $0x1000, $0x38;
	[tilespmem:$0x13E20] =	vst v63  }
0x32: {  	_ =	swait.ge [sflag:s17], $0x1000  }
0x33: {  	[sflag:s17] =	ssyncset.done $0x0  }
0x34: {  	s1 =	sor.u32 s10, s30;
	[sflag:s17] =	ssyncadd.s32 $0xFFFFF000  }
0x35: {  	[spmem:s14] =	stream.linear.scatter [tilespmem:s19], [sflag:$0x9], $0x1000, $0x38;
	[tilespmem:$0x13E20] =	vst v63  }
0x36: {  	s5 =	stileid.u32;
	s1 =	sshrl.u32 s1, $0x3;
	_ =	swait.ge [sflag:s17], $0x1000  }
0x37: {  	s5 =	sshll.u32 s5, $0x6;
	[sflag:s17] =	ssyncset.done $0x0;
	s6 =	rddreg [dreg:$0x6]  }
0x38: {  	[sflag:s17] =	ssyncadd.s32 $0xFFFFF000;
	s28 =	sadd.s32 s6, s1;
	s1 =	sor.u32 $0x1C09, s5  }
0x39: {  	[spmem:s20@s22], [sflag:s1] =	dma.strided [hbm:s28@s23], $0x9C4, s21, $0x4   }
0x3a: {  	_ =	swait.ge [sflag:s17], $0x9C4  }
0x3b: {  	[sflag:s17] =	ssyncset.done $0x0  }
0x3c: {  	[sflag:s17] =	ssyncadd.s32 $0xFFFFF63C  }
0x3d: {  	s6 =	simm.s32 $0x0;
	[bflag:$0x0] =	sbarrier.arrive $0xFFFF  }
0x3e: {  	[tilespmem:s25], [sflag:$0x1] =	stream.indirect.gather [spmem:s3], $0x20, s6, s24, $0xb8;
	[tilespmem:$0x13E20] =	vst v63  }
0x3f: {  	_ = 	snop  }
0x40: {  	[tilespmem:s26], [sflag:$0x2] =	stream.indirect.gather [spmem:s3], $0x20, s24, s24, $0xb8;
	[tilespmem:$0x13E20] =	vst v63  }
0x41: {  	s6 =	simm.s32 $0x100  }
0x42: {  	[tilespmem:s29], [sflag:$0x3] =	stream.indirect.gather [spmem:s3], $0x20, s6, s24, $0xb8;
	[tilespmem:$0x13E20] =	vst v63  }
0x43: {  	s6 =	simm.s32 $0x180  }
0x44: {  	[tilespmem:s31], [sflag:$0x4] =	stream.indirect.gather [spmem:s3], $0x20, s6, s24, $0xb8;
	[tilespmem:$0x13E20] =	vst v63  }
0x45: {  	_ =	swait.ge [sflag:s21], $0x1000  }
0x46: {  	[sflag:s21] =	ssyncset.done $0x0  }
0x47: {  	s6 =	simm.s32 $0x2800;
	[sflag:s21] =	ssyncadd.s32 $0xFFFFF000  }
0x48: {  	[spmem:s2] =	stream.indirect.scatter.add.f32 [tilespmem:s25], [sflag:$0x5], $0x20, s6, s24, $0xb8;
	[tilespmem:$0x13E20] =	vst v63  }
0x49: {  	_ =	swait.ge [sflag:s0], $0x1000  }
0x4a: {  	[sflag:s0] =	ssyncset.done $0x0  }
0x4b: {  	s6 =	simm.s32 $0x200;
	[sflag:s0] =	ssyncadd.s32 $0xFFFFF000  }
0x4c: {  	[tilespmem:s25], [sflag:$0x1] =	stream.indirect.gather [spmem:s3], $0x20, s6, s24, $0xb8;
	[tilespmem:$0x13E20] =	vst v63  }
0x4d: {  	_ =	swait.ge [sflag:s18], $0x1000  }
0x4e: {  	[sflag:s18] =	ssyncset.done $0x0  }
0x4f: {  	s6 =	simm.s32 $0x2880;
	[sflag:s18] =	ssyncadd.s32 $0xFFFFF000  }
0x50: {  	[spmem:s2] =	stream.indirect.scatter.add.f32 [tilespmem:s26], [sflag:$0x6], $0x20, s6, s24, $0xb8;
	[tilespmem:$0x13E20] =	vst v63  }
0x51: {  	_ =	swait.ge [sflag:s7], $0x1000  }
0x52: {  	[sflag:s7] =	ssyncset.done $0x0  }
0x53: {  	s6 =	simm.s32 $0x280;
	[sflag:s7] =	ssyncadd.s32 $0xFFFFF000  }
0x54: {  	[tilespmem:s26], [sflag:$0x2] =	stream.indirect.gather [spmem:s3], $0x20, s6, s24, $0xb8;
	[tilespmem:$0x13E20] =	vst v63  }
0x55: {  	_ =	swait.ge [sflag:s8], $0x1000  }
0x56: {  	[sflag:s8] =	ssyncset.done $0x0  }
0x57: {  	s6 =	simm.s32 $0x2900;
	[sflag:s8] =	ssyncadd.s32 $0xFFFFF000  }
0x58: {  	[spmem:s2] =	stream.indirect.scatter.add.f32 [tilespmem:s29], [sflag:$0x7], $0x20, s6, s24, $0xb8;
	[tilespmem:$0x13E20] =	vst v63  }
0x59: {  	_ =	swait.ge [sflag:s16], $0x1000  }
0x5a: {  	[sflag:s16] =	ssyncset.done $0x0  }
0x5b: {  	s6 =	simm.s32 $0x300;
	[sflag:s16] =	ssyncadd.s32 $0xFFFFF000  }
0x5c: {  	[tilespmem:s29], [sflag:$0x3] =	stream.indirect.gather [spmem:s3], $0x20, s6, s24, $0xb8;
	[tilespmem:$0x13E20] =	vst v63  }
0x5d: {  	_ =	swait.ge [sflag:s22], $0x1000  }
0x5e: {  	[sflag:s22] =	ssyncset.done $0x0  }
0x5f: {  	s6 =	simm.s32 $0x2980;
	[sflag:s22] =	ssyncadd.s32 $0xFFFFF000  }
0x60: {  	[spmem:s2] =	stream.indirect.scatter.add.f32 [tilespmem:s31], [sflag:$0x8], $0x20, s6, s24, $0xb8;
	[tilespmem:$0x13E20] =	vst v63  }
0x61: {  	_ =	swait.ge [sflag:s4], $0x1000  }
0x62: {  	p0 =	por p1, p1;
	[sflag:s4] =	ssyncset.done $0x0  }
0x63: {  	s5 =	simm.s32 $0x380;
	s28 =	simm.s32 $0x800;
	[sflag:s4] =	ssyncadd.s32 $0xFFFFF000  }
.LBB2_5:
0x64: {  	[tilespmem:s31], [sflag:$0x4] =	stream.indirect.gather [spmem:s3], $0x20, s5, s24, $0xb8;
	[tilespmem:$0x13E20] =	vst v63  }
0x65: {  	s5 =	smov.u32 s28  }
0x66: {  	p1 =	sne.s32 s28, $0x9000;
	s28 =	sadd.s32 $0x800, s28;
	_ =	swait.ge [sflag:s21], $0x1000  }
0x67: {  	s5 =	sshra.s32 s5, $0x2;
	[sflag:s21] =	ssyncset.done $0x0  }
0x68: {  	s6 =	sadd.s32 $0x2800, s5;
	[sflag:s21] =	ssyncadd.s32 $0xFFFFF000  }
0x69: {  	[spmem:s2] =	stream.indirect.scatter.add.f32 [tilespmem:s25], [sflag:$0x5], $0x20, s6, s24, $0xb8;
	[tilespmem:$0x13E20] =	vst v63  }
0x6a: {  	_ =	swait.ge [sflag:s0], $0x1000  }
0x6b: {  	[sflag:s0] =	ssyncset.done $0x0  }
0x6c: {  	s6 =	sadd.s32 $0x200, s5;
	[sflag:s0] =	ssyncadd.s32 $0xFFFFF000  }
0x6d: {  	[tilespmem:s25], [sflag:$0x1] =	stream.indirect.gather [spmem:s3], $0x20, s6, s24, $0xb8;
	[tilespmem:$0x13E20] =	vst v63  }
0x6e: {  	_ =	swait.ge [sflag:s18], $0x1000  }
0x6f: {  	[sflag:s18] =	ssyncset.done $0x0  }
0x70: {  	s6 =	sadd.s32 $0x2880, s5;
	[sflag:s18] =	ssyncadd.s32 $0xFFFFF000  }
0x71: {  	[spmem:s2] =	stream.indirect.scatter.add.f32 [tilespmem:s26], [sflag:$0x6], $0x20, s6, s24, $0xb8;
	[tilespmem:$0x13E20] =	vst v63  }
0x72: {  	_ =	swait.ge [sflag:s7], $0x1000  }
0x73: {  	[sflag:s7] =	ssyncset.done $0x0  }
0x74: {  	s6 =	sadd.s32 $0x280, s5;
	[sflag:s7] =	ssyncadd.s32 $0xFFFFF000  }
0x75: {  	[tilespmem:s26], [sflag:$0x2] =	stream.indirect.gather [spmem:s3], $0x20, s6, s24, $0xb8;
	[tilespmem:$0x13E20] =	vst v63  }
0x76: {  	_ =	swait.ge [sflag:s8], $0x1000  }
0x77: {  	[sflag:s8] =	ssyncset.done $0x0  }
0x78: {  	s6 =	sadd.s32 $0x2900, s5;
	[sflag:s8] =	ssyncadd.s32 $0xFFFFF000  }
0x79: {  	[spmem:s2] =	stream.indirect.scatter.add.f32 [tilespmem:s29], [sflag:$0x7], $0x20, s6, s24, $0xb8;
	[tilespmem:$0x13E20] =	vst v63  }
0x7a: {  	_ =	swait.ge [sflag:s16], $0x1000  }
0x7b: {  	[sflag:s16] =	ssyncset.done $0x0  }
0x7c: {  	s6 =	sadd.s32 $0x300, s5;
	[sflag:s16] =	ssyncadd.s32 $0xFFFFF000  }
0x7d: {  	[tilespmem:s29], [sflag:$0x3] =	stream.indirect.gather [spmem:s3], $0x20, s6, s24, $0xb8;
	[tilespmem:$0x13E20] =	vst v63  }
0x7e: {  	_ =	swait.ge [sflag:s22], $0x1000  }
0x7f: {  	[sflag:s22] =	ssyncset.done $0x0  }
.Ltmp1:
0x80: {  	s6 =	sadd.s32 $0x2980, s5;
	[sflag:s22] =	ssyncadd.s32 $0xFFFFF000;
	(pc) =	sbr.rel @p1 .LBB2_5-.Ltmp1, $4  }
0x81: {  	[spmem:s2] =	stream.indirect.scatter.add.f32 [tilespmem:s31], [sflag:$0x8], $0x20, s6, s24, $0xb8;
	[tilespmem:$0x13E20] =	vst v63  }
0x82: {  	_ =	swait.ge [sflag:s4], $0x1000  }
0x83: {  	[sflag:s4] =	ssyncset.done $0x0  }
0x84: {  	s5 =	sadd.s32 $0x380, s5;
	[sflag:s4] =	ssyncadd.s32 $0xFFFFF000  }
0x85: {  	[tilespmem:s31], [sflag:$0x4] =	stream.indirect.gather [spmem:s3], $0x20, s5, s24, $0xb8;
	[tilespmem:$0x13E20] =	vst v63  }
0x86: {  	_ =	swait.ge [sflag:s21], $0x1000  }
0x87: {  	[sflag:s21] =	ssyncset.done $0x0  }
0x88: {  	s6 =	simm.s32 $0x4E00;
	[sflag:s21] =	ssyncadd.s32 $0xFFFFF000  }
0x89: {  	[spmem:s2] =	stream.indirect.scatter.add.f32 [tilespmem:s25], [sflag:$0x5], $0x20, s6, s24, $0xb8;
	[tilespmem:$0x13E20] =	vst v63  }
0x8a: {  	_ =	swait.ge [sflag:s18], $0x1000  }
0x8b: {  	[sflag:s18] =	ssyncset.done $0x0  }
0x8c: {  	s28 =	simm.s32 $0x4E80;
	[sflag:s18] =	ssyncadd.s32 $0xFFFFF000  }
0x8d: {  	[spmem:s2] =	stream.indirect.scatter.add.f32 [tilespmem:s26], [sflag:$0x6], $0x20, s28, s24, $0xb8;
	[tilespmem:$0x13E20] =	vst v63  }
0x8e: {  	_ =	swait.ge [sflag:s8], $0x1000  }
0x8f: {  	[sflag:s8] =	ssyncset.done $0x0  }
0x90: {  	s6 =	simm.s32 $0x4F00;
	[sflag:s8] =	ssyncadd.s32 $0xFFFFF000  }
0x91: {  	[spmem:s2] =	stream.indirect.scatter.add.f32 [tilespmem:s29], [sflag:$0x7], $0x20, s6, s24, $0xb8;
	[tilespmem:$0x13E20] =	vst v63  }
0x92: {  	_ =	swait.ge [sflag:s22], $0x1000  }
0x93: {  	[sflag:s22] =	ssyncset.done $0x0  }
0x94: {  	s28 =	simm.s32 $0x4F80;
	[sflag:s22] =	ssyncadd.s32 $0xFFFFF000  }
0x95: {  	[spmem:s2] =	stream.indirect.scatter.add.f32 [tilespmem:s31], [sflag:$0x8], $0x20, s28, s24, $0xb8;
	[tilespmem:$0x13E20] =	vst v63  }
0x96: {  	_ =	swait.ge [sflag:s0], $0x1000  }
0x97: {  	[sflag:s0] =	ssyncset.done $0x0  }
0x98: {  	[sflag:s0] =	ssyncadd.s32 $0xFFFFF000  }
0x99: {  	_ =	swait.ge [sflag:s7], $0x1000  }
0x9a: {  	[sflag:s7] =	ssyncset.done $0x0  }
0x9b: {  	[sflag:s7] =	ssyncadd.s32 $0xFFFFF000  }
0x9c: {  	_ =	swait.ge [sflag:s16], $0x1000  }
0x9d: {  	[sflag:s16] =	ssyncset.done $0x0  }
0x9e: {  	[sflag:s16] =	ssyncadd.s32 $0xFFFFF000  }
0x9f: {  	_ =	swait.ge [sflag:s4], $0x1000  }
0xa0: {  	[sflag:s4] =	ssyncset.done $0x0  }
0xa1: {  	[sflag:s4] =	ssyncadd.s32 $0xFFFFF000  }
0xa2: {  	s6 =	sor.u32 s15, s30;
	[bflag:$0x0] =	sbarrier.arrive $0xFFFF  }
0xa3: {  	s5 =	sshrl.u32 s6, $0x3;
	s6 =	rddreg [dreg:$0x7]  }
0xa4: {  	s28 =	sshrl.u32 s9, $0x3;
	s5 =	sadd.s32 s6, s5  }
0xa5: {  	[hbm:s5@s23], [sflag:s1] =	dma.strided [spmem:s28@s22], $0xA00, s21, $0x4   }
.Ltmp2:
0xa6: {  	_ =	swait.ge [sflag:s17], $0xA00;
	(pc) =	sbr.rel @p0 .LBB2_4-.Ltmp2, $4  }
0xa7: {  	[sflag:s17] =	ssyncset.done $0x0  }
0xa8: {  	[sflag:s17] =	ssyncadd.s32 $0xFFFFF600  }
0xa9: {  	[bflag:$0x0] =	sbarrier.arrive $0xFFFF  }
0xaa: {  	p1 =	por $0x0, $0x0;
	s30 =	simm.s32 $0x20  }
0xab: {  	s28 =	rddreg [dreg:$0x5]  }
0xac: {  	s1 =	rddreg [dreg:$0xa];
	s28 =	sadd.s32 $0x1, s28  }
0xad: {  	p0 =	sne.s32 s28, s1  }
.Ltmp3:
0xae: {  	_ = 	snop;
	(pc) =	sbr.rel @p0 .LBB2_1-.Ltmp3, $1  }
0xaf: {  	_ =	sdelay $0x3  }
0xb0: {  	_ =	sfence.sel $0x180000  }
0xb1: {  	[bflag:$0x0] =	sbarrier.arrive $0xFFFF  }
0xb2: {  	_ =	strace $0x9000004D  }
0xb3: {  	s0 =	stileid.u32;
	[bflag:$0x2] =	sbarrier.arrive $0xFFFF  }
0xb4: {  	p0 =	sne.s32 s0, $0x0;
	s0 =	rddreg [dreg:$0x4]  }
0xb5: {  	s0 =	sadd.s32 @!p0 $0x100000, s0  }
0xb6: {  	[sflag:s0] =	ssyncadd.tile.s32 @!p0 $0x1;
	_ =	shalt  }
.Lfunc_end2:
_tile_overlayer_lowered:
.L_overlay_start_2:
0xb7: {  	(tag) =	ssettag $0x2  }
0xb8: {  	s0 =	rddreg [dreg:$0x0];
	s2 =	stileid.u32  }
0xb9: {  	s1 =	rddreg [dreg:$0x1];
	p0 =	sne.s32 s2, $0x0  }
0xba: {  	s3 =	rddreg [dreg:$0x2];
	[bflag:$0x3] =	sbarrier.arrive $0xFFFF;
	s2 =	simm.s32 @!p0 $0x1C09  }
0xbb: {  	[timem:s3], [sflag:s2] =	dma.local @!p0 [hbm:s0], s1  }
0xbc: {  	s0 =	simm.s32 @!p0 $0x9  }
0xbd: {  	_ =	swait.ge @!p0 [sflag:s0], s1  }
0xbe: {  	s1 =	ssub.s32 @!p0 $0x0, s1;
	[sflag:s0] =	ssyncset.done @!p0 $0x0  }
0xbf: {  	[sflag:s0] =	ssyncadd.s32 @!p0 s1  }
0xc0: {  	[bflag:$0x3] =	sbarrier.arrive $0xFFFF  }
0xc1: {  	_ =	shalt  }

// kernel: kernel.8.cloned.1.call-start
scs
__scs_entry_jumppad:
0x0: {  	(pc) =	sbr.rel $0x88, $3  }
0x1: {  	(tag) =	ssettag $0x0;
	lr =	simm.s32 $0x1  }
0x2: {  	[smem:$0x3F96] =	sst lr;
	_ =	strace $0xD0000000  }
0x3: {  	_ = 	snop  }
0x4: {  	_ = 	snop  }
0x5: {  	_ = 	snop  }
0x6: {  	_ = 	snop  }
0x7: {  	_ = 	snop  }
__scs_overlays_trampoline_lowered:
0x8: {  	[smem:$0x3FA5] =	sst s0  }
0x9: {  	[smem:$0x3FA6] =	sst s1  }
0xa: {  	[smem:$0x3FA7] =	sst s2  }
0xb: {  	[smem:$0x3FA8] =	sst s3  }
0xc: {  	[smem:$0x3FA9] =	sst s4  }
0xd: {  	[smem:$0x3FAA] =	sst s5  }
0xe: {  	[smem:$0x3FAB] =	sst s6  }
0xf: {  	[smem:$0x3FAC] =	sst s7  }
0x10: {  	[smem:$0x3FAD] =	sst s8  }
0x11: {  	[smem:$0x3FAE] =	sst s9;
	s0 =	simm.s32 @!p0 $0x0  }
0x12: {  	s1 =	sld [smem:$0x3F94];
	s0 =	simm.s32 @p0 $0x1  }
0x13: {  	[smem:$0x3FAF] =	sst s0;
	s0 =	simm.s32 @!p1 $0x0  }
0x14: {  	s2 =	sld [smem:$0x3F93];
	s0 =	simm.s32 @p1 $0x1  }
0x15: {  	[smem:$0x3FB0] =	sst s0;
	s0 =	simm.s32 @!p2 $0x0  }
0x16: {  	s3 =	sld [smem:$0x3FDB];
	s0 =	simm.s32 @p2 $0x1  }
0x17: {  	s4 =	simm.s32 $0x1BF5;
	[smem:$0x3FB2] =	sst s0  }
0x18: {  	s0 =	sld [smem:$0x3F95];
	_ =	swait.ge [sflag:s4], $0x0  }
0x19: {  	s7 =	sld [smem:$0x3F96]  }
0x1a: {  	s8 =	sadd.s32 $0xFFFFE003, lr  }
0x1b: {  	s9 =	sadd.s32 $0xFFFFFEF7, lr;
	s5 =	simm.s32 $0xFFFFFFFF;
	p2 =	slt.u32 s8, $0xFFFFF086  }
0x1c: {  	p1 =	slt.u32 s9, $0xF7A;
	s5 =	simm.s32 @!p2 $0x0  }
0x1d: {  	s5 =	simm.s32 @p1 $0x1;
	p0 =	seq.s32 s7, s2  }
0x1e: {  	s7 =	smul.u32 @!p0 $0xF7A, s2;
	p2 =	seq.s32 @!p0 s5, $0x0  }
0x1f: {  	s9 =	smul.u32 $0xF7A, s1;
	s8 =	simm.s32 @!p0 $0x1BF5;
	p2 =	por !p2, p0  }
0x20: {  	[sflag:s8] =	ssyncset.s32 @!p0 $0xFFFFF086;
	s6 =	sadd.s32 @!p0 s3, s7;
	s7 =	simm.s32 @!p0 $0x108  }
0x21: {  	s3 =	sadd.s32 s3, s9;
	s6 =	sadd.s32 @!p0 $0x88, s6;
	s7 =	simm.s32 @p2 $0x1082  }
0x22: {  	[simem:s7], [sflag:s8] =	dma.local @!p0 [hbm:s6], $0xF7A  }
0x23: {  	s9 =	sor.u32 $0xD0000000, s2;
	s6 =	simm.s32 $0x108;
	_ =	swait.ge @!p0 [sflag:s8], $0x0  }
0x24: {  	s3 =	sadd.s32 $0x88, s3;
	s6 =	simm.s32 @!p1 $0x1082;
	[sflag:s4] =	ssyncset.s32 $0xFFFFF086  }
0x25: {  	[simem:s6], [sflag:s4] =	dma.local [hbm:s3], $0xF7A  }
0x26: {  	[smem:$0x3F96] =	sst s1;
	(tag) =	ssettag s2;
	_ =	strace s9  }
0x27: {  	s1 =	sld [smem:$0x3FA6]  }
0x28: {  	s2 =	sld [smem:$0x3FA7]  }
0x29: {  	s4 =	sld [smem:$0x3FA9]  }
0x2a: {  	p0 =	seq.s32 s5, $0x0;
	s5 =	sld [smem:$0x3FAA]  }
0x2b: {  	s6 =	sld [smem:$0x3FAB]  }
0x2c: {  	s7 =	sld [smem:$0x3FAC]  }
0x2d: {  	s3 =	simm.s32 $0x108;
	s8 =	sld [smem:$0x3FAD]  }
0x2e: {  	s3 =	simm.s32 @!p0 $0x1082;
	s9 =	sld [smem:$0x3FAE]  }
0x2f: {  	lr =	sadd.s32 s0, s3;
	s0 =	sld [smem:$0x3FA5]  }
0x30: {  	s3 =	sld [smem:$0x3FA8]  }
0x31: {  	[smem:$0x3FB1] =	sst s10  }
0x32: {  	s10 =	sld [smem:$0x3FAF];
	_ =	sdelay $0x3  }
0x33: {  	p0 =	seq.s32 s10, $0x1;
	s10 =	sld [smem:$0x3FB1];
	_ =	sdelay $0x3  }
0x34: {  	[smem:$0x3FB1] =	sst s10  }
0x35: {  	s10 =	sld [smem:$0x3FB0];
	_ =	sdelay $0x3  }
0x36: {  	p1 =	seq.s32 s10, $0x1;
	s10 =	sld [smem:$0x3FB1];
	_ =	sdelay $0x3  }
0x37: {  	[smem:$0x3FB1] =	sst s10  }
0x38: {  	s10 =	sld [smem:$0x3FB2]  }
0x39: {  	_ = 	snop;
	(pc) =	sbr.ind lr, $3  }
0x3a: {  	_ = 	snop  }
0x3b: {  	_ = 	snop  }
0x3c: {  	p2 =	seq.s32 s10, $0x1;
	s10 =	sld [smem:$0x3FB1]  }
0x3d: {  	_ =	shalt  }
0x3e: {  	_ =	shalt  }
0x3f: {  	_ =	shalt  }
0x40: {  	_ =	shalt  }
0x41: {  	_ =	shalt  }
0x42: {  	_ =	shalt  }
0x43: {  	_ =	shalt  }
0x44: {  	_ =	shalt  }
0x45: {  	_ =	shalt  }
0x46: {  	_ =	shalt  }
0x47: {  	_ =	shalt  }
0x48: {  	_ =	shalt  }
0x49: {  	_ =	shalt  }
0x4a: {  	_ =	shalt  }
0x4b: {  	_ =	shalt  }
0x4c: {  	_ =	shalt  }
0x4d: {  	_ =	shalt  }
0x4e: {  	_ =	shalt  }
0x4f: {  	_ =	shalt  }
0x50: {  	_ =	shalt  }
0x51: {  	_ =	shalt  }
0x52: {  	_ =	shalt  }
0x53: {  	_ =	shalt  }
0x54: {  	_ =	shalt  }
0x55: {  	_ =	shalt  }
0x56: {  	_ =	shalt  }
0x57: {  	_ =	shalt  }
0x58: {  	_ =	shalt  }
0x59: {  	_ =	shalt  }
0x5a: {  	_ =	shalt  }
0x5b: {  	_ =	shalt  }
0x5c: {  	_ =	shalt  }
0x5d: {  	_ =	shalt  }
0x5e: {  	_ =	shalt  }
0x5f: {  	_ =	shalt  }
0x60: {  	_ =	shalt  }
0x61: {  	_ =	shalt  }
0x62: {  	_ =	shalt  }
0x63: {  	_ =	shalt  }
0x64: {  	_ =	shalt  }
0x65: {  	_ =	shalt  }
0x66: {  	_ =	shalt  }
0x67: {  	_ =	shalt  }
0x68: {  	_ =	shalt  }
0x69: {  	_ =	shalt  }
0x6a: {  	_ =	shalt  }
0x6b: {  	_ =	shalt  }
0x6c: {  	_ =	shalt  }
0x6d: {  	_ =	shalt  }
0x6e: {  	_ =	shalt  }
0x6f: {  	_ =	shalt  }
0x70: {  	_ =	shalt  }
0x71: {  	_ =	shalt  }
0x72: {  	_ =	shalt  }
0x73: {  	_ =	shalt  }
0x74: {  	_ =	shalt  }
0x75: {  	_ =	shalt  }
0x76: {  	_ =	shalt  }
0x77: {  	_ =	shalt  }
0x78: {  	_ =	shalt  }
0x79: {  	_ =	shalt  }
0x7a: {  	_ =	shalt  }
0x7b: {  	_ =	shalt  }
0x7c: {  	_ =	shalt  }
0x7d: {  	_ =	shalt  }
0x7e: {  	_ =	shalt  }
0x7f: {  	_ =	shalt  }
0x80: {  	_ =	shalt  }
0x81: {  	_ =	shalt  }
0x82: {  	_ =	shalt  }
0x83: {  	_ =	shalt  }
0x84: {  	_ =	shalt  }
0x85: {  	_ =	shalt  }
0x86: {  	_ =	shalt  }
0x87: {  	_ =	shalt  }
.Lfunc_end0:
.L_simem_size_0:
called_computation_lowered:
.L_overlay_start_0:
0x88: {  	s2 =	sld [smem:$0x3FD9]  }
0x89: {  	s3 =	sld [smem:$0x3FFE];
	_ =	sdelay $0x1  }
0x8a: {  	s1 =	srdreg.scid  }
0x8b: {  	s0 =	sand.u32 $0x1, s1  }
0x8c: {  	s17 =	sshll.u32 s0, $0xA;
	s2 =	sadd.s32 s3, s2  }
0x8d: {  	s2 =	sadd.s32 s2, s17  }
0x8e: {  	[smem:$0x3FBD] =	sst s2  }
0x8f: {  	_ = 	snop  }
0x90: {  	s2 =	sld [smem:$0x3FC9]  }
0x91: {  	s18 =	sld [smem:$0x3FD0];
	(tm) =	ssettm $0x1  }
0x92: {  	s4 =	sld [smem:$0x3FFB];
	_ =	sdelay $0x3  }
0x93: {  	_ =	strace s4  }
0x94: {  	s4 =	sld [smem:$0x3FFC];
	_ =	sdelay $0x3  }
0x95: {  	_ =	strace s4  }
0x96: {  	s4 =	sld [smem:$0x3FFD];
	_ =	sdelay $0x3  }
0x97: {  	_ =	strace s4  }
0x98: {  	_ =	strace $0x8FFFFFFF  }
0x99: {  	s19 =	sld [smem:$0x3FDB];
	_ =	sdelay $0x1  }
0x9a: {  	s5 =	simm.s32 $_scs_section_size  }
0x9b: {  	s6 =	simm.s32 $_size__tile_overlayer_lowered;
	s7 =	simm.s32 $_tile_overlayer_lowered  }
0x9c: {  	s22 =	simm.s32 $0x1BFF;
	s21 =	sshll.u32 s7, $0x1;
	s4 =	sadd.s32 s5, s19  }
0x9d: {  	s8 =	simm.s32 $0x0;
	s20 =	sshll.u32 s6, $0x1;
	s6 =	sadd.s32 s21, s4  }
0x9e: {  	[timem:s8], [sflag:s22] =	dma.local [hbm:s6], s20  }
0x9f: {  	_ =	swait.ge [sflag:s22], s20  }
0xa0: {  	s5 =	ssub.s32 $0x0, s20;
	[sflag:s22] =	ssyncset.done $0x0  }
0xa1: {  	[sflag:s22] =	ssyncadd.s32 s5;
	_ =	sdelay $0x1  }
0xa2: {  	s23 =	simm.s32 $0x1B8B  }
0xa3: {  	_ =	swait.ge [sflag:s23], $0x1  }
0xa4: {  	[sflag:s23] =	ssyncset.done $0x0  }
0xa5: {  	s25 =	simm.s32 $0x1B8E;
	s24 =	sld [smem:$0x3FFE];
	[sflag:s23] =	ssyncadd.s32 $0xFFFFFFFF  }
0xa6: {  	s26 =	simm.s32 $execute0_lowered;
	[smem:$0x3FD2] =	sst s25  }
0xa7: {  	s6 =	sshll.u32 s26, $0x1;
	_ =	strace $0x80000046;
	[dreg:$0x1] =	wrdreg $0xFFFFFFFF  }
0xa8: {  	s28 =	simm.s32 $_size_execute0_lowered;
	s4 =	sadd.s32 s4, s6;
	[dreg:$0x0] =	wrdreg $0x0  }
0xa9: {  	s6 =	sshll.u32 s28, $0x1;
	[dreg:$0x2] =	wrdreg s4  }
0xaa: {  	[dreg:$0x3] =	wrdreg s6  }
0xab: {  	[dreg:$0x4] =	wrdreg $0xC0  }
0xac: {  	_ =	task [dreg:s8], $0x5FFFF  }
0xad: {  	[dreg:$0x1] =	wrdreg $0xFFFFFFFF  }
0xae: {  	[dreg:$0x0] =	wrdreg $0x60  }
0xaf: {  	[dreg:$0x2] =	wrdreg s2  }
0xb0: {  	[dreg:$0x3] =	wrdreg s18  }
0xb1: {  	[dreg:$0x4] =	wrdreg s24  }
0xb2: {  	[dreg:$0x5] =	wrdreg $0xA0000  }
0xb3: {  	[dreg:$0x6] =	wrdreg $0xF0000  }
0xb4: {  	[dreg:$0x7] =	wrdreg $0x9  }
0xb5: {  	_ =	task.clear_ibuf [dreg:s8], $0x8FFFF;
	_ =	strace $0x90000046  }
0xb6: {  	s29 =	simm.s32 $0x9;
	_ =	strace $0x80000048  }
0xb7: {  	_ =	swait.ge [sflag:s29], $0x1  }
0xb8: {  	[sflag:s29] =	ssyncadd.s32 $0xFFFFFFFF  }
0xb9: {  	_ =	strace $0x90000048  }
0xba: {  	_ =	sfence  }
0xbb: {  	s30 =	sld [smem:$0x0];
	_ =	sdelay $0x2  }
0xbc: {  	s31 =	sshll.u32 s1, $0xD;
	s1 =	sshrl.u32 s1, $0x2  }
0xbd: {  	s3 =	sand.u32 $0x4000, s31;
	s1 =	sadd.s32 s1, s30  }
0xbe: {  	s0 =	sor.u32 s3, s0;
	s1 =	sshll.u32 s1, $0x11  }
0xbf: {  	s0 =	sor.u32 s1, s0  }
0xc0: {  	s0 =	sadd.s32 $0x8F2B, s0  }
0xc1: {  	[sflag:s0] =	ssyncadd.remote.s32 $0x1  }
0xc2: {  	_ =	sfence.sel $0xFFFF  }
0xc3: {  	[dreg:$0x0] =	wrdreg $0xFFFFFFFF;
	(pc) =	sbr.abs _section_cstart, $3  }
0xc4: {  	[dreg:$0x1] =	wrdreg $0xFFFFFFFF  }
0xc5: {  	_ =	task.clear_ibuf [dreg:s8], $0x2FFFF;
	_ =	strace $0x9FFFFFFF  }
0xc6: {  	(tm) =	ssettm $0x7FFFFFFF  }
0xc7: {  	_ =	shalt  }
tec
execute0_lowered:
.L_overlay_start_1:
0x0: {  	(tag) =	ssettag $0x1  }
0x1: {  	s0 =	rddreg [dreg:$0x1]  }
0x2: {  	s1 =	rddreg [dreg:$0x2]  }
0x3: {  	s3 =	rddreg [dreg:$0x3]  }
0x4: {  	s2 =	srdreg.scid;
	s10 =	stileid.u32  }
0x5: {  	s4 =	rddreg [dreg:$0x4];
	s28 =	simm.s32 $0x0;
	s17 =	simm.s32 $0x9  }
0x6: {  	s19 =	simm.s32 $0x9000;
	s29 =	simm.s32 $0x7000;
	s31 =	simm.s32 $0x8000  }
0x7: {  	s18 =	simm.s32 $0x2;
	s16 =	simm.s32 $0x7;
	s7 =	smul.u32 $0x14000, s10  }
0x8: {  	s2 =	sand.u32 $0x1, s2;
	s5 =	sshll.u32 s10, $0x1;
	s24 =	smul.u32 $0x13880, s10  }
0x9: {  	[smem:$0x7FF] =	sst s28;
	s5 =	sor.u32 s2, s5;
	s25 =	smul.u32 $0x140000, s2  }
0xa: {  	_ =	strace $0x80000047;
	s6 =	ssub.s32 $0x2, s2;
	s5 =	smul.u32 $0x500, s5  }
0xb: {  	s21 =	sshrl.u32 s6, $0x1;
	s22 =	sshrl.u32 s7, $0x2;
	s11 =	smov.u32 s24  }
0xc: {  	s26 =	sshrl.u32 s24, $0x2;
	s24 =	simm.s32 $0x80;
	s9 =	sadd.s32 s22, s3  }
0xd: {  	s2 =	sadd.s32 s26, s4;
	s15 =	sadd.s32 s7, s25;
	s22 =	simm.s32 $0x4  }
0xe: {  	s25 =	simm.s32 $0x5000;
	s26 =	simm.s32 $0x6000;
	s7 =	simm.s32 $0x6  }
0xf: {  	s8 =	sadd.s32 s5, s1;
	s1 =	sadd.s32 $0xCE00, s1;
	s0 =	sadd.s32 s0, s5  }
0x10: {  	s12 =	sadd.s32 $0x2000, s9;
	s13 =	sadd.s32 $0x3000, s9;
	s14 =	sadd.s32 $0x4000, s9  }
0x11: {  	s20 =	sshrl.u32 s2, $0x3;
	s2 =	simm.s32 $0x5;
	[dreg:$0x7] =	wrdreg s1  }
0x12: {  	s5 =	simm.s32 $0x8;
	[dreg:$0x8] =	wrdreg s0;
	s23 =	sadd.s32 $0x2E00, s8  }
0x13: {  	s1 =	ssub.s32 s6, s21;
	s0 =	sadd.s32 $0x1000, s9;
	[dreg:$0x9] =	wrdreg s23  }
0x14: {  	s21 =	simm.s32 $0x1;
	[dreg:$0xa] =	wrdreg s0;
	s30 =	smax.u32 s1, $0x1  }
0x15: {  	v0 =	vimm.f32 $0.0e+00;
	s8 =	simm.s32 $0x3;
	s23 =	simm.s32 $0x10;
	[dreg:$0xb] =	wrdreg s30  }
.LBB2_1:
0x16: {  	[dreg:$0x6] =	wrdreg s28;
	s0 =	simm.s32 $0x80;
	s1 =	simm.s32 $0x0  }
.LBB2_2:
0x17: {  	p0 =	sne.s32 s0, $0x3F80;
	[tilespmem:s1+$0x9000] =	vst v0;
	s6 =	smov.u32 s0;
	s0 =	sadd.s32 $0x80, s0  }
.Ltmp0:
0x18: {  	[tilespmem:s1+$0x9010] =	vst v0;
	(pc) =	sbr.rel @p0 .LBB2_2-.Ltmp0, $2  }
0x19: {  	_ =	sdelay $0x2  }
0x1a: {  	s1 =	sshra.s32 s6, $0x2  }
0x1b: {  	[tilespmem:s1+$0x9000] =	vst v0  }
0x1c: {  	[tilespmem:s1+$0x9010] =	vst v0;
	s6 =	simm.s32 $0x0;
	s0 =	rddreg [dreg:$0x8]  }
0x1d: {  	[tilespmem:s6], [sflag:$0x9] =	stream.linear.gather [hbm4b:s0+s6], $0x2800, $0x38;
	[tilespmem:$0x13E20] =	vst v63  }
0x1e: {  	_ =	swait.ge [sflag:s17], $0x2800  }
0x1f: {  	[sflag:s17] =	ssyncset.done $0x0  }
0x20: {  	s30 =	simm.s32 $0x2800;
	s28 =	rddreg [dreg:$0x9];
	[sflag:s17] =	ssyncadd.s32 $0xFFFFD800  }
0x21: {  	[tilespmem:s30], [sflag:$0x9] =	stream.linear.gather [hbm4b:s28+s6], $0x2800, $0x38;
	[tilespmem:$0x13E20] =	vst v63  }
0x22: {  	_ =	swait.ge [sflag:s17], $0x2800  }
0x23: {  	[sflag:s17] =	ssyncset.done $0x0  }
0x24: {  	s1 =	simm.s32 $0x0;
	[sflag:s17] =	ssyncadd.s32 $0xFFFFD800  }
.LBB2_4:
0x25: {  	[spmem:s9] =	stream.linear.scatter [tilespmem:s19], [sflag:$0x9], $0x1000, $0x38;
	[tilespmem:$0x13E20] =	vst v63  }
0x26: {  	_ =	swait.ge [sflag:s17], $0x1000  }
0x27: {  	[sflag:s17] =	ssyncset.done $0x0  }
0x28: {  	s0 =	rddreg [dreg:$0xa];
	[sflag:s17] =	ssyncadd.s32 $0xFFFFF000  }
0x29: {  	[spmem:s0] =	stream.linear.scatter [tilespmem:s19], [sflag:$0x9], $0x1000, $0x38;
	[tilespmem:$0x13E20] =	vst v63  }
0x2a: {  	_ =	swait.ge [sflag:s17], $0x1000  }
0x2b: {  	[sflag:s17] =	ssyncset.done $0x0  }
0x2c: {  	[sflag:s17] =	ssyncadd.s32 $0xFFFFF000  }
0x2d: {  	[spmem:s12] =	stream.linear.scatter [tilespmem:s19], [sflag:$0x9], $0x1000, $0x38;
	[tilespmem:$0x13E20] =	vst v63  }
0x2e: {  	_ =	swait.ge [sflag:s17], $0x1000  }
0x2f: {  	[sflag:s17] =	ssyncset.done $0x0  }
0x30: {  	[sflag:s17] =	ssyncadd.s32 $0xFFFFF000  }
0x31: {  	[spmem:s13] =	stream.linear.scatter [tilespmem:s19], [sflag:$0x9], $0x1000, $0x38;
	[tilespmem:$0x13E20] =	vst v63  }
0x32: {  	_ =	swait.ge [sflag:s17], $0x1000  }
0x33: {  	[sflag:s17] =	ssyncset.done $0x0  }
0x34: {  	[sflag:s17] =	ssyncadd.s32 $0xFFFFF000  }
0x35: {  	[spmem:s14] =	stream.linear.scatter [tilespmem:s19], [sflag:$0x9], $0x1000, $0x38;
	[tilespmem:$0x13E20] =	vst v63  }
0x36: {  	_ =	swait.ge [sflag:s17], $0x1000  }
0x37: {  	s28 =	sshll.u32 s1, $0x5;
	[sflag:s17] =	ssyncset.done $0x0  }
0x38: {  	s6 =	stileid.u32;
	s10 =	sor.u32 s11, s28;
	[sflag:s17] =	ssyncadd.s32 $0xFFFFF000  }
0x39: {  	s6 =	sshll.u32 s6, $0x6;
	s0 =	sshrl.u32 s10, $0x3;
	s10 =	rddreg [dreg:$0x0]  }
0x3a: {  	s30 =	sor.u32 $0x1C09, s6;
	s0 =	sadd.s32 s10, s0  }
0x3b: {  	[spmem:s20@s22], [sflag:s30] =	dma.strided [hbm:s0@s23], $0x9C4, s21, $0x4   }
0x3c: {  	_ =	swait.ge [sflag:s17], $0x9C4  }
0x3d: {  	[sflag:s17] =	ssyncset.done $0x0  }
0x3e: {  	[sflag:s17] =	ssyncadd.s32 $0xFFFFF63C  }
0x3f: {  	s6 =	simm.s32 $0x0;
	[bflag:$0x0] =	sbarrier.arrive $0xFFFF  }
0x40: {  	[tilespmem:s25], [sflag:$0x1] =	stream.indirect.gather [spmem:s4], $0x20, s6, s24, $0xb8;
	[tilespmem:$0x13E20] =	vst v63  }
0x41: {  	_ = 	snop  }
0x42: {  	[tilespmem:s26], [sflag:$0x2] =	stream.indirect.gather [spmem:s4], $0x20, s24, s24, $0xb8;
	[tilespmem:$0x13E20] =	vst v63  }
0x43: {  	s10 =	simm.s32 $0x100  }
0x44: {  	[tilespmem:s29], [sflag:$0x3] =	stream.indirect.gather [spmem:s4], $0x20, s10, s24, $0xb8;
	[tilespmem:$0x13E20] =	vst v63  }
0x45: {  	s6 =	simm.s32 $0x180  }
0x46: {  	[tilespmem:s31], [sflag:$0x4] =	stream.indirect.gather [spmem:s4], $0x20, s6, s24, $0xb8;
	[tilespmem:$0x13E20] =	vst v63  }
0x47: {  	_ =	swait.ge [sflag:s21], $0x1000  }
0x48: {  	[sflag:s21] =	ssyncset.done $0x0  }
0x49: {  	s10 =	simm.s32 $0x2800;
	[sflag:s21] =	ssyncadd.s32 $0xFFFFF000  }
0x4a: {  	[spmem:s3] =	stream.indirect.scatter.add.f32 [tilespmem:s25], [sflag:$0x5], $0x20, s10, s24, $0xb8;
	[tilespmem:$0x13E20] =	vst v63  }
0x4b: {  	_ =	swait.ge [sflag:s2], $0x1000  }
0x4c: {  	[sflag:s2] =	ssyncset.done $0x0  }
0x4d: {  	s6 =	simm.s32 $0x200;
	[sflag:s2] =	ssyncadd.s32 $0xFFFFF000  }
0x4e: {  	[tilespmem:s25], [sflag:$0x1] =	stream.indirect.gather [spmem:s4], $0x20, s6, s24, $0xb8;
	[tilespmem:$0x13E20] =	vst v63  }
0x4f: {  	_ =	swait.ge [sflag:s18], $0x1000  }
0x50: {  	[sflag:s18] =	ssyncset.done $0x0  }
0x51: {  	s10 =	simm.s32 $0x2880;
	[sflag:s18] =	ssyncadd.s32 $0xFFFFF000  }
0x52: {  	[spmem:s3] =	stream.indirect.scatter.add.f32 [tilespmem:s26], [sflag:$0x6], $0x20, s10, s24, $0xb8;
	[tilespmem:$0x13E20] =	vst v63  }
0x53: {  	_ =	swait.ge [sflag:s7], $0x1000  }
0x54: {  	[sflag:s7] =	ssyncset.done $0x0  }
0x55: {  	s6 =	simm.s32 $0x280;
	[sflag:s7] =	ssyncadd.s32 $0xFFFFF000  }
0x56: {  	[tilespmem:s26], [sflag:$0x2] =	stream.indirect.gather [spmem:s4], $0x20, s6, s24, $0xb8;
	[tilespmem:$0x13E20] =	vst v63  }
0x57: {  	_ =	swait.ge [sflag:s8], $0x1000  }
0x58: {  	[sflag:s8] =	ssyncset.done $0x0  }
0x59: {  	s10 =	simm.s32 $0x2900;
	[sflag:s8] =	ssyncadd.s32 $0xFFFFF000  }
0x5a: {  	[spmem:s3] =	stream.indirect.scatter.add.f32 [tilespmem:s29], [sflag:$0x7], $0x20, s10, s24, $0xb8;
	[tilespmem:$0x13E20] =	vst v63  }
0x5b: {  	_ =	swait.ge [sflag:s16], $0x1000  }
0x5c: {  	[sflag:s16] =	ssyncset.done $0x0  }
0x5d: {  	s6 =	simm.s32 $0x300;
	[sflag:s16] =	ssyncadd.s32 $0xFFFFF000  }
0x5e: {  	[tilespmem:s29], [sflag:$0x3] =	stream.indirect.gather [spmem:s4], $0x20, s6, s24, $0xb8;
	[tilespmem:$0x13E20] =	vst v63  }
0x5f: {  	_ =	swait.ge [sflag:s22], $0x1000  }
0x60: {  	[sflag:s22] =	ssyncset.done $0x0  }
0x61: {  	s10 =	simm.s32 $0x2980;
	[sflag:s22] =	ssyncadd.s32 $0xFFFFF000  }
0x62: {  	[spmem:s3] =	stream.indirect.scatter.add.f32 [tilespmem:s31], [sflag:$0x8], $0x20, s10, s24, $0xb8;
	[tilespmem:$0x13E20] =	vst v63  }
0x63: {  	_ =	swait.ge [sflag:s5], $0x1000  }
0x64: {  	[sflag:s5] =	ssyncset.done $0x0  }
0x65: {  	s0 =	simm.s32 $0x800;
	s6 =	simm.s32 $0x380;
	[sflag:s5] =	ssyncadd.s32 $0xFFFFF000  }
.LBB2_5:
0x66: {  	[tilespmem:s31], [sflag:$0x4] =	stream.indirect.gather [spmem:s4], $0x20, s6, s24, $0xb8;
	[tilespmem:$0x13E20] =	vst v63  }
0x67: {  	s6 =	smov.u32 s0  }
0x68: {  	p0 =	sne.s32 s0, $0x9000;
	s0 =	sadd.s32 $0x800, s0;
	_ =	swait.ge [sflag:s21], $0x1000  }
0x69: {  	s6 =	sshra.s32 s6, $0x2;
	[sflag:s21] =	ssyncset.done $0x0  }
0x6a: {  	s10 =	sadd.s32 $0x2800, s6;
	[sflag:s21] =	ssyncadd.s32 $0xFFFFF000  }
0x6b: {  	[spmem:s3] =	stream.indirect.scatter.add.f32 [tilespmem:s25], [sflag:$0x5], $0x20, s10, s24, $0xb8;
	[tilespmem:$0x13E20] =	vst v63  }
0x6c: {  	_ =	swait.ge [sflag:s2], $0x1000  }
0x6d: {  	[sflag:s2] =	ssyncset.done $0x0  }
0x6e: {  	s10 =	sadd.s32 $0x200, s6;
	[sflag:s2] =	ssyncadd.s32 $0xFFFFF000  }
0x6f: {  	[tilespmem:s25], [sflag:$0x1] =	stream.indirect.gather [spmem:s4], $0x20, s10, s24, $0xb8;
	[tilespmem:$0x13E20] =	vst v63  }
0x70: {  	_ =	swait.ge [sflag:s18], $0x1000  }
0x71: {  	[sflag:s18] =	ssyncset.done $0x0  }
0x72: {  	s10 =	sadd.s32 $0x2880, s6;
	[sflag:s18] =	ssyncadd.s32 $0xFFFFF000  }
0x73: {  	[spmem:s3] =	stream.indirect.scatter.add.f32 [tilespmem:s26], [sflag:$0x6], $0x20, s10, s24, $0xb8;
	[tilespmem:$0x13E20] =	vst v63  }
0x74: {  	_ =	swait.ge [sflag:s7], $0x1000  }
0x75: {  	[sflag:s7] =	ssyncset.done $0x0  }
0x76: {  	s10 =	sadd.s32 $0x280, s6;
	[sflag:s7] =	ssyncadd.s32 $0xFFFFF000  }
0x77: {  	[tilespmem:s26], [sflag:$0x2] =	stream.indirect.gather [spmem:s4], $0x20, s10, s24, $0xb8;
	[tilespmem:$0x13E20] =	vst v63  }
0x78: {  	_ =	swait.ge [sflag:s8], $0x1000  }
0x79: {  	[sflag:s8] =	ssyncset.done $0x0  }
0x7a: {  	s10 =	sadd.s32 $0x2900, s6;
	[sflag:s8] =	ssyncadd.s32 $0xFFFFF000  }
0x7b: {  	[spmem:s3] =	stream.indirect.scatter.add.f32 [tilespmem:s29], [sflag:$0x7], $0x20, s10, s24, $0xb8;
	[tilespmem:$0x13E20] =	vst v63  }
0x7c: {  	_ =	swait.ge [sflag:s16], $0x1000  }
0x7d: {  	[sflag:s16] =	ssyncset.done $0x0  }
0x7e: {  	s10 =	sadd.s32 $0x300, s6;
	[sflag:s16] =	ssyncadd.s32 $0xFFFFF000  }
0x7f: {  	[tilespmem:s29], [sflag:$0x3] =	stream.indirect.gather [spmem:s4], $0x20, s10, s24, $0xb8;
	[tilespmem:$0x13E20] =	vst v63  }
0x80: {  	_ =	swait.ge [sflag:s22], $0x1000  }
0x81: {  	[sflag:s22] =	ssyncset.done $0x0  }
.Ltmp1:
0x82: {  	s10 =	sadd.s32 $0x2980, s6;
	[sflag:s22] =	ssyncadd.s32 $0xFFFFF000;
	(pc) =	sbr.rel @p0 .LBB2_5-.Ltmp1, $4  }
0x83: {  	[spmem:s3] =	stream.indirect.scatter.add.f32 [tilespmem:s31], [sflag:$0x8], $0x20, s10, s24, $0xb8;
	[tilespmem:$0x13E20] =	vst v63  }
0x84: {  	_ =	swait.ge [sflag:s5], $0x1000  }
0x85: {  	[sflag:s5] =	ssyncset.done $0x0  }
0x86: {  	s6 =	sadd.s32 $0x380, s6;
	[sflag:s5] =	ssyncadd.s32 $0xFFFFF000  }
0x87: {  	[tilespmem:s31], [sflag:$0x4] =	stream.indirect.gather [spmem:s4], $0x20, s6, s24, $0xb8;
	[tilespmem:$0x13E20] =	vst v63  }
0x88: {  	_ =	swait.ge [sflag:s21], $0x1000  }
0x89: {  	[sflag:s21] =	ssyncset.done $0x0  }
0x8a: {  	s0 =	simm.s32 $0x4E00;
	[sflag:s21] =	ssyncadd.s32 $0xFFFFF000  }
0x8b: {  	[spmem:s3] =	stream.indirect.scatter.add.f32 [tilespmem:s25], [sflag:$0x5], $0x20, s0, s24, $0xb8;
	[tilespmem:$0x13E20] =	vst v63  }
0x8c: {  	_ =	swait.ge [sflag:s18], $0x1000  }
0x8d: {  	[sflag:s18] =	ssyncset.done $0x0  }
0x8e: {  	s10 =	simm.s32 $0x4E80;
	[sflag:s18] =	ssyncadd.s32 $0xFFFFF000  }
0x8f: {  	[spmem:s3] =	stream.indirect.scatter.add.f32 [tilespmem:s26], [sflag:$0x6], $0x20, s10, s24, $0xb8;
	[tilespmem:$0x13E20] =	vst v63  }
0x90: {  	_ =	swait.ge [sflag:s8], $0x1000  }
0x91: {  	[sflag:s8] =	ssyncset.done $0x0  }
0x92: {  	s6 =	simm.s32 $0x4F00;
	[sflag:s8] =	ssyncadd.s32 $0xFFFFF000  }
0x93: {  	[spmem:s3] =	stream.indirect.scatter.add.f32 [tilespmem:s29], [sflag:$0x7], $0x20, s6, s24, $0xb8;
	[tilespmem:$0x13E20] =	vst v63  }
0x94: {  	_ =	swait.ge [sflag:s22], $0x1000  }
0x95: {  	[sflag:s22] =	ssyncset.done $0x0  }
0x96: {  	s10 =	simm.s32 $0x4F80;
	[sflag:s22] =	ssyncadd.s32 $0xFFFFF000  }
0x97: {  	[spmem:s3] =	stream.indirect.scatter.add.f32 [tilespmem:s31], [sflag:$0x8], $0x20, s10, s24, $0xb8;
	[tilespmem:$0x13E20] =	vst v63  }
0x98: {  	_ =	swait.ge [sflag:s2], $0x1000  }
0x99: {  	[sflag:s2] =	ssyncset.done $0x0  }
0x9a: {  	[sflag:s2] =	ssyncadd.s32 $0xFFFFF000  }
0x9b: {  	_ =	swait.ge [sflag:s7], $0x1000  }
0x9c: {  	[sflag:s7] =	ssyncset.done $0x0  }
0x9d: {  	[sflag:s7] =	ssyncadd.s32 $0xFFFFF000  }
0x9e: {  	_ =	swait.ge [sflag:s16], $0x1000  }
0x9f: {  	[sflag:s16] =	ssyncset.done $0x0  }
0xa0: {  	[sflag:s16] =	ssyncadd.s32 $0xFFFFF000  }
0xa1: {  	_ =	swait.ge [sflag:s5], $0x1000  }
0xa2: {  	[sflag:s5] =	ssyncset.done $0x0  }
0xa3: {  	[sflag:s5] =	ssyncadd.s32 $0xFFFFF000  }
0xa4: {  	s6 =	sadd.s32 s15, s28;
	[bflag:$0x0] =	sbarrier.arrive $0xFFFF  }
0xa5: {  	s1 =	sadd.s32 $0x1, s1;
	s0 =	sshrl.u32 s6, $0x3;
	s10 =	rddreg [dreg:$0x7]  }
0xa6: {  	p0 =	sne.s32 s1, $0x4;
	s28 =	sshrl.u32 s9, $0x3;
	s0 =	sadd.s32 s10, s0  }
0xa7: {  	[hbm:s0@s23], [sflag:s30] =	dma.strided [spmem:s28@s22], $0xA00, s21, $0x4   }
.Ltmp2:
0xa8: {  	_ =	swait.ge [sflag:s17], $0xA00;
	(pc) =	sbr.rel @p0 .LBB2_4-.Ltmp2, $3  }
0xa9: {  	[sflag:s17] =	ssyncset.done $0x0  }
0xaa: {  	[sflag:s17] =	ssyncadd.s32 $0xFFFFF600  }
0xab: {  	[bflag:$0x0] =	sbarrier.arrive $0xFFFF;
	_ =	sdelay $0x1  }
0xac: {  	s28 =	rddreg [dreg:$0x6]  }
0xad: {  	s0 =	rddreg [dreg:$0xb];
	s28 =	sadd.s32 $0x1, s28  }
0xae: {  	p0 =	sne.s32 s28, s0  }
.Ltmp3:
0xaf: {  	_ = 	snop;
	(pc) =	sbr.rel @p0 .LBB2_1-.Ltmp3, $1  }
0xb0: {  	_ =	sdelay $0x3  }
0xb1: {  	_ =	sfence.sel $0x180000  }
0xb2: {  	[bflag:$0x0] =	sbarrier.arrive $0xFFFF  }
0xb3: {  	_ =	strace $0x90000047  }
0xb4: {  	s0 =	stileid.u32;
	[bflag:$0x2] =	sbarrier.arrive $0xFFFF  }
0xb5: {  	p0 =	sne.s32 s0, $0x0;
	s0 =	rddreg [dreg:$0x5]  }
0xb6: {  	s0 =	sadd.s32 @!p0 $0x100000, s0  }
0xb7: {  	[sflag:s0] =	ssyncadd.tile.s32 @!p0 $0x1;
	_ =	shalt  }
.Lfunc_end2:
_tile_overlayer_lowered:
.L_overlay_start_2:
0xb8: {  	(tag) =	ssettag $0x2  }
0xb9: {  	s0 =	rddreg [dreg:$0x0];
	s2 =	stileid.u32  }
0xba: {  	s1 =	rddreg [dreg:$0x1];
	p0 =	sne.s32 s2, $0x0  }
0xbb: {  	s3 =	rddreg [dreg:$0x2];
	[bflag:$0x3] =	sbarrier.arrive $0xFFFF;
	s2 =	simm.s32 @!p0 $0x1C09  }
0xbc: {  	[timem:s3], [sflag:s2] =	dma.local @!p0 [hbm:s0], s1  }
0xbd: {  	s0 =	simm.s32 @!p0 $0x9  }
0xbe: {  	_ =	swait.ge @!p0 [sflag:s0], s1  }
0xbf: {  	s1 =	ssub.s32 @!p0 $0x0, s1;
	[sflag:s0] =	ssyncset.done @!p0 $0x0  }
0xc0: {  	[sflag:s0] =	ssyncadd.s32 @!p0 s1  }
0xc1: {  	[bflag:$0x3] =	sbarrier.arrive $0xFFFF  }
0xc2: {  	_ =	shalt  }

</sc_bundles>
